<compile_context>
chip_gen: v7x
topology: tpu7x:2x2x1
jax: 0.10.2.dev20260603
libtpu: 0.0.44.dev20260713+nightly
codegen_flags: <defaults>
</compile_context>

<pallas_src>
import functools
import math

import jax
import jax.numpy as jnp
from jax import lax
from jax.experimental import pallas as pl
from jax.experimental.pallas import tpu as pltpu
from jax.experimental.pallas import tpu_sc as plsc

D_MODEL = 64
SCALE = math.sqrt(D_MODEL)

NC = 2
NS = 16
NW = NC * NS

CHUNK = 128
NBUF = 4


@functools.lru_cache(maxsize=None)
def _build(T, NBLK, D):
    assert NBLK == NW and D == D_MODEL and T % NBUF == 0
    n_groups = T // NBUF
    assert n_groups >= 2
    DT = D // 8

    mesh = plsc.VectorSubcoreMesh(core_axis_name="c", subcore_axis_name="s")

    @functools.partial(
        pl.kernel,
        mesh=mesh,
        out_type=jax.ShapeDtypeStruct((T, DT, NBLK, 8, CHUNK), jnp.float32),
        compiler_params=pltpu.CompilerParams(
            use_tc_tiling_on_sc=False, needs_layout_passes=False),
        scratch_types=(
            [pltpu.VMEM((T, CHUNK), jnp.int32)]
            + [pltpu.VMEM((CHUNK, 2 * D), jnp.float32) for _ in range(NBUF)]
            + [pltpu.VMEM((1, DT, 1, 8, CHUNK + 1), jnp.float32)
               for _ in range(NBUF)]
            + [pltpu.SemaphoreType.DMA for _ in range(2 * NBUF)]
        ),
    )
    def embed(lut_hbm, idxt_hbm, out_hbm,
              idx_v,
              g0, g1, g2, g3, o0, o1, o2, o3,
              gs0, gs1, gs2, gs3, os0, os1, os2, os3):
        gbuf = (g0, g1, g2, g3)
        obuf = (o0, o1, o2, o3)
        gsem = (gs0, gs1, gs2, gs3)
        osem = (os0, os1, os2, os3)

        wid = lax.axis_index("s") * NC + lax.axis_index("c")

        pltpu.sync_copy(idxt_hbm.at[:, pl.ds(wid * CHUNK, CHUNK)], idx_v)

        lane = lax.iota(jnp.int32, 16)
        zero = jnp.zeros((16,), dtype=jnp.int32)
        a_idx = [(lane + 16 * k) // 8 for k in range(D // 16)]
        b_idx = [(lane + 16 * k) % 8 for k in range(D // 16)]

        def start_gather(t, b):
            pltpu.async_copy(lut_hbm.at[idx_v.at[t]], gbuf[b], gsem[b])

        def wait_gather(b):
            pltpu.make_async_copy(lut_hbm.at[idx_v.at[0]], gbuf[b],
                                  gsem[b]).wait()

        def start_out(t, b):
            pltpu.async_copy(
                obuf[b].at[:, :, :, :, pl.ds(0, CHUNK)],
                out_hbm.at[pl.ds(t, 1), :, pl.ds(wid, 1), :, :],
                osem[b])

        def wait_out(b):
            pltpu.make_async_copy(
                obuf[b].at[:, :, :, :, pl.ds(0, CHUNK)],
                out_hbm.at[pl.ds(0, 1), :, pl.ds(0, 1), :, :],
                osem[b]).wait()

        def transpose_scale(b):
            src = gbuf[b]
            dst = obuf[b]

            @plsc.parallel_loop(0, CHUNK, 1, unroll=4)
            def body(j):
                col = jnp.full((16,), j, dtype=jnp.int32)
                for k in range(D // 16):
                    v = src[j, pl.ds(16 * k, 16)]
                    plsc.store_scatter(dst, [zero, a_idx[k], zero,
                                             b_idx[k], col], v * SCALE)

        for b in range(NBUF):
            start_gather(b, b)

        for b in range(NBUF):
            wait_gather(b)
            transpose_scale(b)
            start_out(b, b)
            start_gather(b + NBUF, b)

        def group(g, carry):
            for b in range(NBUF):
                t = g * NBUF + b
                wait_gather(b)
                wait_out(b)
                transpose_scale(b)
                start_out(t, b)
                start_gather(t + NBUF, b)
            return carry

        lax.fori_loop(1, n_groups - 1, group, 0)

        for b in range(NBUF):
            t = (n_groups - 1) * NBUF + b
            wait_gather(b)
            wait_out(b)
            transpose_scale(b)
            start_out(t, b)

        for b in range(NBUF):
            wait_out(b)

    return embed


def kernel(input, lut):
    B, T = input.shape
    D = lut.shape[1]
    idxt = jnp.transpose(input).astype(jnp.int32)
    lut_p = jnp.pad(lut, ((0, 0), (0, D)))
    phys = _build(T, B // CHUNK, D)(lut_p, idxt)
    out = jnp.transpose(phys, (2, 4, 0, 1, 3))
    return out.reshape(B, T, D)

# --- scband reference (transcript-rebuilt; emitter-appended) ---
"""Pipeline reference for scband-embeddings-59407987638494 (READ-ONLY COPY).

The authoritative reference and input builder live on the scoring server;
editing this copy changes nothing except your own understanding.
"""

import jax, jax.numpy as jnp
import numpy as np
import math

D_MODEL = 64
VOCAB = 1000000

def setup_inputs(seed: int = 0) -> dict:
    key = jax.random.key(seed)
    k_idx, k_tab = jax.random.split(key)
    input = jax.random.randint(k_idx, (4096, 200), 0, VOCAB, dtype=jnp.int64 if jax.config.jax_enable_x64 else jnp.int32)
    lut = jax.random.normal(k_tab, (VOCAB, D_MODEL), dtype=jnp.float32)
    return {"input": input, "lut": lut}

def reference(input, lut):
    # Embeddings.forward: lut(input) * sqrt(d_model)
    res = jnp.take(lut, input, axis=0) * math.sqrt(D_MODEL)
    return res

if __name__ == "__main__":
    import jax
    _d = setup_inputs()
    print(jax.jit(kernel)(*tuple(_d.values())))

</pallas_src>

<mosaic_0001>
#map = affine_map<(d0, d1) -> (0, 0)>
#map1 = affine_map<(d0, d1) -> (0, 0, 0, 0, 0)>
module attributes {stable_mosaic.version = 14 : i64} {
  func.func @embed(%arg0: i32, %arg1: i32, %arg2: memref<1000000x128xf32, #tpu.memory_space<hbm>>, %arg3: memref<200x4096xi32, #tpu.memory_space<hbm>>, %arg4: memref<200x8x32x8x128xf32, #tpu.memory_space<hbm>>, %arg5: memref<200x128xi32, #tpu.memory_space<vmem>>, %arg6: memref<128x128xf32, #tpu.memory_space<vmem>>, %arg7: memref<128x128xf32, #tpu.memory_space<vmem>>, %arg8: memref<128x128xf32, #tpu.memory_space<vmem>>, %arg9: memref<128x128xf32, #tpu.memory_space<vmem>>, %arg10: memref<1x8x1x8x129xf32, #tpu.memory_space<vmem>>, %arg11: memref<1x8x1x8x129xf32, #tpu.memory_space<vmem>>, %arg12: memref<1x8x1x8x129xf32, #tpu.memory_space<vmem>>, %arg13: memref<1x8x1x8x129xf32, #tpu.memory_space<vmem>>, %arg14: memref<!tpu.dma_semaphore, #tpu.memory_space<semaphore_mem>>, %arg15: memref<!tpu.dma_semaphore, #tpu.memory_space<semaphore_mem>>, %arg16: memref<!tpu.dma_semaphore, #tpu.memory_space<semaphore_mem>>, %arg17: memref<!tpu.dma_semaphore, #tpu.memory_space<semaphore_mem>>, %arg18: memref<!tpu.dma_semaphore, #tpu.memory_space<semaphore_mem>>, %arg19: memref<!tpu.dma_semaphore, #tpu.memory_space<semaphore_mem>>, %arg20: memref<!tpu.dma_semaphore, #tpu.memory_space<semaphore_mem>>, %arg21: memref<!tpu.dma_semaphore, #tpu.memory_space<semaphore_mem>>) attributes {dimension_semantics = [#tpu.dimension_semantics<core_parallel>, #tpu.dimension_semantics<subcore_parallel>], iteration_bounds = array<i64: 2, 16>, scalar_prefetch = 0 : i64, scratch_operands = 17 : i64, tpu.core_type = #tpu.core_type<sc_vector_subcore>, window_params = [{transform_indices = #map}, {transform_indices = #map}, {transform_indices = #map1}]} {
    %mul3A = arith.constant 2 : i32
    %mul3A_0 = arith.muli %arg1, %mul3A : i32
    %add3A = arith.addi %mul3A_0, %arg0 : i32
    %mul3A_1 = arith.constant 128 : i32
    %mul3A_2 = arith.muli %add3A, %mul3A_1 : i32
    "tpu.region"() ({
      %run_scoped3A = tpu.sem_alloc : memref<!tpu.dma_semaphore, #tpu.memory_space<semaphore_mem>>
      %dma_start3A_736 = arith.constant 0 : i32
      %dma_start3A_737 = tpu.memref_slice %arg3[%dma_start3A_736, %mul3A_2] : memref<200x4096xi32, #tpu.memory_space<hbm>> -> memref<200x128xi32, #tpu.memory_space<hbm>>
      %dma_start3A_738 = arith.constant 0 : i32
      %dma_start3A_739 = tpu.memref_slice %arg3[%dma_start3A_738, %mul3A_2] : memref<200x4096xi32, #tpu.memory_space<hbm>> -> memref<200x128xi32, #tpu.memory_space<hbm>>
      tpu.enqueue_dma source(%dma_start3A_739 : memref<200x128xi32, #tpu.memory_space<hbm>>) target(%arg5 : memref<200x128xi32, #tpu.memory_space<vmem>>) target_semaphore(%run_scoped3A : memref<!tpu.dma_semaphore, #tpu.memory_space<semaphore_mem>>)
      %dma_wait3A_740 = arith.constant 0 : i32
      %dma_wait3A_741 = tpu.memref_slice %arg3[%dma_wait3A_740, %mul3A_2] : memref<200x4096xi32, #tpu.memory_space<hbm>> -> memref<200x128xi32, #tpu.memory_space<hbm>>
      %dma_wait3A_742 = arith.constant 0 : i32
      %dma_wait3A_743 = tpu.memref_slice %arg3[%dma_wait3A_742, %mul3A_2] : memref<200x4096xi32, #tpu.memory_space<hbm>> -> memref<200x128xi32, #tpu.memory_space<hbm>>
      tpu.wait_dma2 semaphore(%run_scoped3A : memref<!tpu.dma_semaphore, #tpu.memory_space<semaphore_mem>>) src(%dma_wait3A_743 : memref<200x128xi32, #tpu.memory_space<hbm>>) dst(%arg5 : memref<200x128xi32, #tpu.memory_space<vmem>>)
      tpu.yield
    }) : () -> ()
    %iota3A = tpu.iota {dimensions = array<i32: 0>} : vector<16xi32>
    %broadcast_in_dim3A = arith.constant 0 : i32
    %broadcast_in_dim3A_3 = vector.broadcast %broadcast_in_dim3A : i32 to vector<16xi32>
    %add3A_4 = arith.constant 0 : i32
    %add3A_5 = vector.broadcast %add3A_4 : i32 to vector<16xi32>
    %add3A_6 = arith.addi %iota3A, %add3A_5 : vector<16xi32>
    %jit3A = arith.constant 8 : i32
    %div3A = vector.broadcast %jit3A : i32 to vector<16xi32>
    %div3A_7 = arith.divsi %add3A_6, %div3A : vector<16xi32>
    %sign3A = arith.constant 0 : i32
    %sign3A_8 = vector.broadcast %sign3A : i32 to vector<16xi32>
    %sign3A_9 = arith.cmpi sgt, %add3A_6, %sign3A_8 : vector<16xi32>
    %sign3A_10 = arith.extui %sign3A_9 : vector<16xi1> to vector<16xi32>
    %sign3A_11 = arith.constant 0 : i32
    %sign3A_12 = vector.broadcast %sign3A_11 : i32 to vector<16xi32>
    %sign3A_13 = arith.cmpi slt, %add3A_6, %sign3A_12 : vector<16xi32>
    %sign3A_14 = arith.extui %sign3A_13 : vector<16xi1> to vector<16xi32>
    %sign3A_15 = arith.subi %sign3A_10, %sign3A_14 : vector<16xi32>
    %sign3A_16 = arith.constant 0 : i32
    %sign3A_17 = arith.cmpi sgt, %jit3A, %sign3A_16 : i32
    %sign3A_18 = arith.extui %sign3A_17 : i1 to i32
    %sign3A_19 = arith.constant 0 : i32
    %sign3A_20 = arith.cmpi slt, %jit3A, %sign3A_19 : i32
    %sign3A_21 = arith.extui %sign3A_20 : i1 to i32
    %sign3A_22 = arith.subi %sign3A_18, %sign3A_21 : i32
    %ne3A = vector.broadcast %sign3A_22 : i32 to vector<16xi32>
    %ne3A_23 = arith.cmpi ne, %sign3A_15, %ne3A : vector<16xi32>
    %rem3A = vector.broadcast %jit3A : i32 to vector<16xi32>
    %rem3A_24 = arith.remsi %add3A_6, %rem3A : vector<16xi32>
    %ne3A_25 = arith.constant 0 : i32
    %ne3A_26 = vector.broadcast %ne3A_25 : i32 to vector<16xi32>
    %ne3A_27 = arith.cmpi ne, %rem3A_24, %ne3A_26 : vector<16xi32>
    %and3A = arith.andi %ne3A_23, %ne3A_27 : vector<16xi1>
    %sub3A = arith.constant 1 : i32
    %sub3A_28 = vector.broadcast %sub3A : i32 to vector<16xi32>
    %sub3A_29 = arith.subi %div3A_7, %sub3A_28 : vector<16xi32>
    %select_n3A = arith.select %and3A, %sub3A_29, %div3A_7 : vector<16xi1>, vector<16xi32>
    %add3A_30 = arith.constant 16 : i32
    %add3A_31 = vector.broadcast %add3A_30 : i32 to vector<16xi32>
    %add3A_32 = arith.addi %iota3A, %add3A_31 : vector<16xi32>
    %jit3A_33 = arith.constant 8 : i32
    %div3A_34 = vector.broadcast %jit3A_33 : i32 to vector<16xi32>
    %div3A_35 = arith.divsi %add3A_32, %div3A_34 : vector<16xi32>
    %sign3A_36 = arith.constant 0 : i32
    %sign3A_37 = vector.broadcast %sign3A_36 : i32 to vector<16xi32>
    %sign3A_38 = arith.cmpi sgt, %add3A_32, %sign3A_37 : vector<16xi32>
    %sign3A_39 = arith.extui %sign3A_38 : vector<16xi1> to vector<16xi32>
    %sign3A_40 = arith.constant 0 : i32
    %sign3A_41 = vector.broadcast %sign3A_40 : i32 to vector<16xi32>
    %sign3A_42 = arith.cmpi slt, %add3A_32, %sign3A_41 : vector<16xi32>
    %sign3A_43 = arith.extui %sign3A_42 : vector<16xi1> to vector<16xi32>
    %sign3A_44 = arith.subi %sign3A_39, %sign3A_43 : vector<16xi32>
    %sign3A_45 = arith.constant 0 : i32
    %sign3A_46 = arith.cmpi sgt, %jit3A_33, %sign3A_45 : i32
    %sign3A_47 = arith.extui %sign3A_46 : i1 to i32
    %sign3A_48 = arith.constant 0 : i32
    %sign3A_49 = arith.cmpi slt, %jit3A_33, %sign3A_48 : i32
    %sign3A_50 = arith.extui %sign3A_49 : i1 to i32
    %sign3A_51 = arith.subi %sign3A_47, %sign3A_50 : i32
    %ne3A_52 = vector.broadcast %sign3A_51 : i32 to vector<16xi32>
    %ne3A_53 = arith.cmpi ne, %sign3A_44, %ne3A_52 : vector<16xi32>
    %rem3A_54 = vector.broadcast %jit3A_33 : i32 to vector<16xi32>
    %rem3A_55 = arith.remsi %add3A_32, %rem3A_54 : vector<16xi32>
    %ne3A_56 = arith.constant 0 : i32
    %ne3A_57 = vector.broadcast %ne3A_56 : i32 to vector<16xi32>
    %ne3A_58 = arith.cmpi ne, %rem3A_55, %ne3A_57 : vector<16xi32>
    %and3A_59 = arith.andi %ne3A_53, %ne3A_58 : vector<16xi1>
    %sub3A_60 = arith.constant 1 : i32
    %sub3A_61 = vector.broadcast %sub3A_60 : i32 to vector<16xi32>
    %sub3A_62 = arith.subi %div3A_35, %sub3A_61 : vector<16xi32>
    %select_n3A_63 = arith.select %and3A_59, %sub3A_62, %div3A_35 : vector<16xi1>, vector<16xi32>
    %add3A_64 = arith.constant 32 : i32
    %add3A_65 = vector.broadcast %add3A_64 : i32 to vector<16xi32>
    %add3A_66 = arith.addi %iota3A, %add3A_65 : vector<16xi32>
    %jit3A_67 = arith.constant 8 : i32
    %div3A_68 = vector.broadcast %jit3A_67 : i32 to vector<16xi32>
    %div3A_69 = arith.divsi %add3A_66, %div3A_68 : vector<16xi32>
    %sign3A_70 = arith.constant 0 : i32
    %sign3A_71 = vector.broadcast %sign3A_70 : i32 to vector<16xi32>
    %sign3A_72 = arith.cmpi sgt, %add3A_66, %sign3A_71 : vector<16xi32>
    %sign3A_73 = arith.extui %sign3A_72 : vector<16xi1> to vector<16xi32>
    %sign3A_74 = arith.constant 0 : i32
    %sign3A_75 = vector.broadcast %sign3A_74 : i32 to vector<16xi32>
    %sign3A_76 = arith.cmpi slt, %add3A_66, %sign3A_75 : vector<16xi32>
    %sign3A_77 = arith.extui %sign3A_76 : vector<16xi1> to vector<16xi32>
    %sign3A_78 = arith.subi %sign3A_73, %sign3A_77 : vector<16xi32>
    %sign3A_79 = arith.constant 0 : i32
    %sign3A_80 = arith.cmpi sgt, %jit3A_67, %sign3A_79 : i32
    %sign3A_81 = arith.extui %sign3A_80 : i1 to i32
    %sign3A_82 = arith.constant 0 : i32
    %sign3A_83 = arith.cmpi slt, %jit3A_67, %sign3A_82 : i32
    %sign3A_84 = arith.extui %sign3A_83 : i1 to i32
    %sign3A_85 = arith.subi %sign3A_81, %sign3A_84 : i32
    %ne3A_86 = vector.broadcast %sign3A_85 : i32 to vector<16xi32>
    %ne3A_87 = arith.cmpi ne, %sign3A_78, %ne3A_86 : vector<16xi32>
    %rem3A_88 = vector.broadcast %jit3A_67 : i32 to vector<16xi32>
    %rem3A_89 = arith.remsi %add3A_66, %rem3A_88 : vector<16xi32>
    %ne3A_90 = arith.constant 0 : i32
    %ne3A_91 = vector.broadcast %ne3A_90 : i32 to vector<16xi32>
    %ne3A_92 = arith.cmpi ne, %rem3A_89, %ne3A_91 : vector<16xi32>
    %and3A_93 = arith.andi %ne3A_87, %ne3A_92 : vector<16xi1>
    %sub3A_94 = arith.constant 1 : i32
    %sub3A_95 = vector.broadcast %sub3A_94 : i32 to vector<16xi32>
    %sub3A_96 = arith.subi %div3A_69, %sub3A_95 : vector<16xi32>
    %select_n3A_97 = arith.select %and3A_93, %sub3A_96, %div3A_69 : vector<16xi1>, vector<16xi32>
    %add3A_98 = arith.constant 48 : i32
    %add3A_99 = vector.broadcast %add3A_98 : i32 to vector<16xi32>
    %add3A_100 = arith.addi %iota3A, %add3A_99 : vector<16xi32>
    %jit3A_101 = arith.constant 8 : i32
    %div3A_102 = vector.broadcast %jit3A_101 : i32 to vector<16xi32>
    %div3A_103 = arith.divsi %add3A_100, %div3A_102 : vector<16xi32>
    %sign3A_104 = arith.constant 0 : i32
    %sign3A_105 = vector.broadcast %sign3A_104 : i32 to vector<16xi32>
    %sign3A_106 = arith.cmpi sgt, %add3A_100, %sign3A_105 : vector<16xi32>
    %sign3A_107 = arith.extui %sign3A_106 : vector<16xi1> to vector<16xi32>
    %sign3A_108 = arith.constant 0 : i32
    %sign3A_109 = vector.broadcast %sign3A_108 : i32 to vector<16xi32>
    %sign3A_110 = arith.cmpi slt, %add3A_100, %sign3A_109 : vector<16xi32>
    %sign3A_111 = arith.extui %sign3A_110 : vector<16xi1> to vector<16xi32>
    %sign3A_112 = arith.subi %sign3A_107, %sign3A_111 : vector<16xi32>
    %sign3A_113 = arith.constant 0 : i32
    %sign3A_114 = arith.cmpi sgt, %jit3A_101, %sign3A_113 : i32
    %sign3A_115 = arith.extui %sign3A_114 : i1 to i32
    %sign3A_116 = arith.constant 0 : i32
    %sign3A_117 = arith.cmpi slt, %jit3A_101, %sign3A_116 : i32
    %sign3A_118 = arith.extui %sign3A_117 : i1 to i32
    %sign3A_119 = arith.subi %sign3A_115, %sign3A_118 : i32
    %ne3A_120 = vector.broadcast %sign3A_119 : i32 to vector<16xi32>
    %ne3A_121 = arith.cmpi ne, %sign3A_112, %ne3A_120 : vector<16xi32>
    %rem3A_122 = vector.broadcast %jit3A_101 : i32 to vector<16xi32>
    %rem3A_123 = arith.remsi %add3A_100, %rem3A_122 : vector<16xi32>
    %ne3A_124 = arith.constant 0 : i32
    %ne3A_125 = vector.broadcast %ne3A_124 : i32 to vector<16xi32>
    %ne3A_126 = arith.cmpi ne, %rem3A_123, %ne3A_125 : vector<16xi32>
    %and3A_127 = arith.andi %ne3A_121, %ne3A_126 : vector<16xi1>
    %sub3A_128 = arith.constant 1 : i32
    %sub3A_129 = vector.broadcast %sub3A_128 : i32 to vector<16xi32>
    %sub3A_130 = arith.subi %div3A_103, %sub3A_129 : vector<16xi32>
    %select_n3A_131 = arith.select %and3A_127, %sub3A_130, %div3A_103 : vector<16xi1>, vector<16xi32>
    %add3A_132 = arith.constant 0 : i32
    %add3A_133 = vector.broadcast %add3A_132 : i32 to vector<16xi32>
    %add3A_134 = arith.addi %iota3A, %add3A_133 : vector<16xi32>
    %jit3A_135 = arith.constant 8 : i32
    %eq3A = arith.constant 0 : i32
    %eq3A_136 = arith.cmpi eq, %jit3A_135, %eq3A : i32
    %jit3A_137 = arith.constant 1 : i32
    %select_n3A_138 = arith.select %eq3A_136, %jit3A_137, %jit3A_135 : i32
    %rem3A_139 = vector.broadcast %select_n3A_138 : i32 to vector<16xi32>
    %rem3A_140 = arith.remsi %add3A_134, %rem3A_139 : vector<16xi32>
    %ne3A_141 = arith.constant 0 : i32
    %ne3A_142 = vector.broadcast %ne3A_141 : i32 to vector<16xi32>
    %ne3A_143 = arith.cmpi ne, %rem3A_140, %ne3A_142 : vector<16xi32>
    %lt3A = arith.constant 0 : i32
    %lt3A_144 = vector.broadcast %lt3A : i32 to vector<16xi32>
    %lt3A_145 = arith.cmpi slt, %rem3A_140, %lt3A_144 : vector<16xi32>
    %lt3A_146 = arith.constant 0 : i32
    %lt3A_147 = arith.cmpi slt, %select_n3A_138, %lt3A_146 : i32
    %ne3A_148 = vector.broadcast %lt3A_147 : i1 to vector<16xi1>
    %ne3A_149 = vector.broadcast %ne3A_148 : vector<16xi1> to vector<16xi1>
    %ne3A_150 = arith.xori %lt3A_145, %ne3A_149 : vector<16xi1>
    %and3A_151 = arith.andi %ne3A_150, %ne3A_143 : vector<16xi1>
    %add3A_152 = vector.broadcast %select_n3A_138 : i32 to vector<16xi32>
    %add3A_153 = arith.addi %rem3A_140, %add3A_152 : vector<16xi32>
    %select_n3A_154 = arith.select %and3A_151, %add3A_153, %rem3A_140 : vector<16xi1>, vector<16xi32>
    %add3A_155 = arith.constant 16 : i32
    %add3A_156 = vector.broadcast %add3A_155 : i32 to vector<16xi32>
    %add3A_157 = arith.addi %iota3A, %add3A_156 : vector<16xi32>
    %jit3A_158 = arith.constant 8 : i32
    %eq3A_159 = arith.constant 0 : i32
    %eq3A_160 = arith.cmpi eq, %jit3A_158, %eq3A_159 : i32
    %jit3A_161 = arith.constant 1 : i32
    %select_n3A_162 = arith.select %eq3A_160, %jit3A_161, %jit3A_158 : i32
    %rem3A_163 = vector.broadcast %select_n3A_162 : i32 to vector<16xi32>
    %rem3A_164 = arith.remsi %add3A_157, %rem3A_163 : vector<16xi32>
    %ne3A_165 = arith.constant 0 : i32
    %ne3A_166 = vector.broadcast %ne3A_165 : i32 to vector<16xi32>
    %ne3A_167 = arith.cmpi ne, %rem3A_164, %ne3A_166 : vector<16xi32>
    %lt3A_168 = arith.constant 0 : i32
    %lt3A_169 = vector.broadcast %lt3A_168 : i32 to vector<16xi32>
    %lt3A_170 = arith.cmpi slt, %rem3A_164, %lt3A_169 : vector<16xi32>
    %lt3A_171 = arith.constant 0 : i32
    %lt3A_172 = arith.cmpi slt, %select_n3A_162, %lt3A_171 : i32
    %ne3A_173 = vector.broadcast %lt3A_172 : i1 to vector<16xi1>
    %ne3A_174 = vector.broadcast %ne3A_173 : vector<16xi1> to vector<16xi1>
    %ne3A_175 = arith.xori %lt3A_170, %ne3A_174 : vector<16xi1>
    %and3A_176 = arith.andi %ne3A_175, %ne3A_167 : vector<16xi1>
    %add3A_177 = vector.broadcast %select_n3A_162 : i32 to vector<16xi32>
    %add3A_178 = arith.addi %rem3A_164, %add3A_177 : vector<16xi32>
    %select_n3A_179 = arith.select %and3A_176, %add3A_178, %rem3A_164 : vector<16xi1>, vector<16xi32>
    %add3A_180 = arith.constant 32 : i32
    %add3A_181 = vector.broadcast %add3A_180 : i32 to vector<16xi32>
    %add3A_182 = arith.addi %iota3A, %add3A_181 : vector<16xi32>
    %jit3A_183 = arith.constant 8 : i32
    %eq3A_184 = arith.constant 0 : i32
    %eq3A_185 = arith.cmpi eq, %jit3A_183, %eq3A_184 : i32
    %jit3A_186 = arith.constant 1 : i32
    %select_n3A_187 = arith.select %eq3A_185, %jit3A_186, %jit3A_183 : i32
    %rem3A_188 = vector.broadcast %select_n3A_187 : i32 to vector<16xi32>
    %rem3A_189 = arith.remsi %add3A_182, %rem3A_188 : vector<16xi32>
    %ne3A_190 = arith.constant 0 : i32
    %ne3A_191 = vector.broadcast %ne3A_190 : i32 to vector<16xi32>
    %ne3A_192 = arith.cmpi ne, %rem3A_189, %ne3A_191 : vector<16xi32>
    %lt3A_193 = arith.constant 0 : i32
    %lt3A_194 = vector.broadcast %lt3A_193 : i32 to vector<16xi32>
    %lt3A_195 = arith.cmpi slt, %rem3A_189, %lt3A_194 : vector<16xi32>
    %lt3A_196 = arith.constant 0 : i32
    %lt3A_197 = arith.cmpi slt, %select_n3A_187, %lt3A_196 : i32
    %ne3A_198 = vector.broadcast %lt3A_197 : i1 to vector<16xi1>
    %ne3A_199 = vector.broadcast %ne3A_198 : vector<16xi1> to vector<16xi1>
    %ne3A_200 = arith.xori %lt3A_195, %ne3A_199 : vector<16xi1>
    %and3A_201 = arith.andi %ne3A_200, %ne3A_192 : vector<16xi1>
    %add3A_202 = vector.broadcast %select_n3A_187 : i32 to vector<16xi32>
    %add3A_203 = arith.addi %rem3A_189, %add3A_202 : vector<16xi32>
    %select_n3A_204 = arith.select %and3A_201, %add3A_203, %rem3A_189 : vector<16xi1>, vector<16xi32>
    %add3A_205 = arith.constant 48 : i32
    %add3A_206 = vector.broadcast %add3A_205 : i32 to vector<16xi32>
    %add3A_207 = arith.addi %iota3A, %add3A_206 : vector<16xi32>
    %jit3A_208 = arith.constant 8 : i32
    %eq3A_209 = arith.constant 0 : i32
    %eq3A_210 = arith.cmpi eq, %jit3A_208, %eq3A_209 : i32
    %jit3A_211 = arith.constant 1 : i32
    %select_n3A_212 = arith.select %eq3A_210, %jit3A_211, %jit3A_208 : i32
    %rem3A_213 = vector.broadcast %select_n3A_212 : i32 to vector<16xi32>
    %rem3A_214 = arith.remsi %add3A_207, %rem3A_213 : vector<16xi32>
    %ne3A_215 = arith.constant 0 : i32
    %ne3A_216 = vector.broadcast %ne3A_215 : i32 to vector<16xi32>
    %ne3A_217 = arith.cmpi ne, %rem3A_214, %ne3A_216 : vector<16xi32>
    %lt3A_218 = arith.constant 0 : i32
    %lt3A_219 = vector.broadcast %lt3A_218 : i32 to vector<16xi32>
    %lt3A_220 = arith.cmpi slt, %rem3A_214, %lt3A_219 : vector<16xi32>
    %lt3A_221 = arith.constant 0 : i32
    %lt3A_222 = arith.cmpi slt, %select_n3A_212, %lt3A_221 : i32
    %ne3A_223 = vector.broadcast %lt3A_222 : i1 to vector<16xi1>
    %ne3A_224 = vector.broadcast %ne3A_223 : vector<16xi1> to vector<16xi1>
    %ne3A_225 = arith.xori %lt3A_220, %ne3A_224 : vector<16xi1>
    %and3A_226 = arith.andi %ne3A_225, %ne3A_217 : vector<16xi1>
    %add3A_227 = vector.broadcast %select_n3A_212 : i32 to vector<16xi32>
    %add3A_228 = arith.addi %rem3A_214, %add3A_227 : vector<16xi32>
    %select_n3A_229 = arith.select %and3A_226, %add3A_228, %rem3A_214 : vector<16xi1>, vector<16xi32>
    %dma_start3A = arith.constant 0 : i32
    %dma_start3A_230 = arith.constant 0 : i32
    %dma_start3A_231 = tpu.memref_slice %arg5[%dma_start3A, %dma_start3A_230] : memref<200x128xi32, #tpu.memory_space<vmem>> -> memref<1x128xi32, #tpu.memory_space<vmem>>
    %dma_start3A_232 = tpu.memref_squeeze %dma_start3A_231 : memref<1x128xi32, #tpu.memory_space<vmem>> -> memref<128xi32, #tpu.memory_space<vmem>>
    %dma_start3A_233 = arith.constant 0 : i32
    %dma_start3A_234 = arith.constant 0 : i32
    %dma_start3A_235 = tpu.memref_slice %arg2[%dma_start3A_233, %dma_start3A_234] : memref<1000000x128xf32, #tpu.memory_space<hbm>> -> memref<1000000x128xf32, #tpu.memory_space<hbm>>
    tpu.enqueue_indirect_dma source(%dma_start3A_235 : memref<1000000x128xf32, #tpu.memory_space<hbm>>) target(%arg6 : memref<128x128xf32, #tpu.memory_space<vmem>>) offsets(%dma_start3A_232 : memref<128xi32, #tpu.memory_space<vmem>>) semaphore(%arg14 : memref<!tpu.dma_semaphore, #tpu.memory_space<semaphore_mem>>)
    %dma_start3A_236 = arith.constant 1 : i32
    %dma_start3A_237 = arith.constant 0 : i32
    %dma_start3A_238 = tpu.memref_slice %arg5[%dma_start3A_236, %dma_start3A_237] : memref<200x128xi32, #tpu.memory_space<vmem>> -> memref<1x128xi32, #tpu.memory_space<vmem>>
    %dma_start3A_239 = tpu.memref_squeeze %dma_start3A_238 : memref<1x128xi32, #tpu.memory_space<vmem>> -> memref<128xi32, #tpu.memory_space<vmem>>
    %dma_start3A_240 = arith.constant 0 : i32
    %dma_start3A_241 = arith.constant 0 : i32
    %dma_start3A_242 = tpu.memref_slice %arg2[%dma_start3A_240, %dma_start3A_241] : memref<1000000x128xf32, #tpu.memory_space<hbm>> -> memref<1000000x128xf32, #tpu.memory_space<hbm>>
    tpu.enqueue_indirect_dma source(%dma_start3A_242 : memref<1000000x128xf32, #tpu.memory_space<hbm>>) target(%arg7 : memref<128x128xf32, #tpu.memory_space<vmem>>) offsets(%dma_start3A_239 : memref<128xi32, #tpu.memory_space<vmem>>) semaphore(%arg15 : memref<!tpu.dma_semaphore, #tpu.memory_space<semaphore_mem>>)
    %dma_start3A_243 = arith.constant 2 : i32
    %dma_start3A_244 = arith.constant 0 : i32
    %dma_start3A_245 = tpu.memref_slice %arg5[%dma_start3A_243, %dma_start3A_244] : memref<200x128xi32, #tpu.memory_space<vmem>> -> memref<1x128xi32, #tpu.memory_space<vmem>>
    %dma_start3A_246 = tpu.memref_squeeze %dma_start3A_245 : memref<1x128xi32, #tpu.memory_space<vmem>> -> memref<128xi32, #tpu.memory_space<vmem>>
    %dma_start3A_247 = arith.constant 0 : i32
    %dma_start3A_248 = arith.constant 0 : i32
    %dma_start3A_249 = tpu.memref_slice %arg2[%dma_start3A_247, %dma_start3A_248] : memref<1000000x128xf32, #tpu.memory_space<hbm>> -> memref<1000000x128xf32, #tpu.memory_space<hbm>>
    tpu.enqueue_indirect_dma source(%dma_start3A_249 : memref<1000000x128xf32, #tpu.memory_space<hbm>>) target(%arg8 : memref<128x128xf32, #tpu.memory_space<vmem>>) offsets(%dma_start3A_246 : memref<128xi32, #tpu.memory_space<vmem>>) semaphore(%arg16 : memref<!tpu.dma_semaphore, #tpu.memory_space<semaphore_mem>>)
    %dma_start3A_250 = arith.constant 3 : i32
    %dma_start3A_251 = arith.constant 0 : i32
    %dma_start3A_252 = tpu.memref_slice %arg5[%dma_start3A_250, %dma_start3A_251] : memref<200x128xi32, #tpu.memory_space<vmem>> -> memref<1x128xi32, #tpu.memory_space<vmem>>
    %dma_start3A_253 = tpu.memref_squeeze %dma_start3A_252 : memref<1x128xi32, #tpu.memory_space<vmem>> -> memref<128xi32, #tpu.memory_space<vmem>>
    %dma_start3A_254 = arith.constant 0 : i32
    %dma_start3A_255 = arith.constant 0 : i32
    %dma_start3A_256 = tpu.memref_slice %arg2[%dma_start3A_254, %dma_start3A_255] : memref<1000000x128xf32, #tpu.memory_space<hbm>> -> memref<1000000x128xf32, #tpu.memory_space<hbm>>
    tpu.enqueue_indirect_dma source(%dma_start3A_256 : memref<1000000x128xf32, #tpu.memory_space<hbm>>) target(%arg9 : memref<128x128xf32, #tpu.memory_space<vmem>>) offsets(%dma_start3A_253 : memref<128xi32, #tpu.memory_space<vmem>>) semaphore(%arg17 : memref<!tpu.dma_semaphore, #tpu.memory_space<semaphore_mem>>)
    %dma_wait3A = arith.constant 0 : i32
    %dma_wait3A_257 = arith.constant 0 : i32
    %dma_wait3A_258 = tpu.memref_slice %arg5[%dma_wait3A, %dma_wait3A_257] : memref<200x128xi32, #tpu.memory_space<vmem>> -> memref<1x128xi32, #tpu.memory_space<vmem>>
    %dma_wait3A_259 = tpu.memref_squeeze %dma_wait3A_258 : memref<1x128xi32, #tpu.memory_space<vmem>> -> memref<128xi32, #tpu.memory_space<vmem>>
    %dma_wait3A_260 = arith.constant 0 : i32
    %dma_wait3A_261 = arith.constant 0 : i32
    %dma_wait3A_262 = tpu.memref_slice %arg2[%dma_wait3A_260, %dma_wait3A_261] : memref<1000000x128xf32, #tpu.memory_space<hbm>> -> memref<1000000x128xf32, #tpu.memory_space<hbm>>
    tpu.wait_indirect_dma semaphore(%arg14 : memref<!tpu.dma_semaphore, #tpu.memory_space<semaphore_mem>>) src(%dma_wait3A_262 : memref<1000000x128xf32, #tpu.memory_space<hbm>>) dst(%arg6 : memref<128x128xf32, #tpu.memory_space<vmem>>)
    %parallel_loop3A = arith.constant 0 : i32
    %parallel_loop3A_263 = arith.constant 128 : i32
    %parallel_loop3A_264 = arith.constant 1 : i32
    scf.for %parallel_loop3A_736 = %parallel_loop3A to %parallel_loop3A_263 step %parallel_loop3A_264  : i32 {
      %parallel_loop3A_737 = vector.broadcast %parallel_loop3A_736 : i32 to vector<16xi32>
      %parallel_loop3A_738 = arith.index_cast %parallel_loop3A_736 : i32 to index
      %parallel_loop3A_739 = arith.constant 0 : index
      %parallel_loop3A_740 = tpu.vector_load %arg6[%parallel_loop3A_738, %parallel_loop3A_739] {strides = array<i32>} : memref<128x128xf32, #tpu.memory_space<vmem>>, vector<16xf32>,
      %parallel_loop3A_741 = arith.constant 8.000000e+00 : f32
      %parallel_loop3A_742 = vector.broadcast %parallel_loop3A_741 : f32 to vector<16xf32>
      %parallel_loop3A_743 = arith.mulf %parallel_loop3A_740, %parallel_loop3A_742 : vector<16xf32>
      tpu.vector_store_idx %arg10[%broadcast_in_dim3A_3, %select_n3A, %broadcast_in_dim3A_3, %select_n3A_154, %parallel_loop3A_737], %parallel_loop3A_743 : memref<1x8x1x8x129xf32, #tpu.memory_space<vmem>>[vector<16xi32>, vector<16xi32>, vector<16xi32>, vector<16xi32>, vector<16xi32>], vector<16xf32>,
      %parallel_loop3A_744 = arith.index_cast %parallel_loop3A_736 : i32 to index
      %parallel_loop3A_745 = arith.constant 16 : index
      %parallel_loop3A_746 = tpu.vector_load %arg6[%parallel_loop3A_744, %parallel_loop3A_745] {strides = array<i32>} : memref<128x128xf32, #tpu.memory_space<vmem>>, vector<16xf32>,
      %parallel_loop3A_747 = arith.constant 8.000000e+00 : f32
      %parallel_loop3A_748 = vector.broadcast %parallel_loop3A_747 : f32 to vector<16xf32>
      %parallel_loop3A_749 = arith.mulf %parallel_loop3A_746, %parallel_loop3A_748 : vector<16xf32>
      tpu.vector_store_idx %arg10[%broadcast_in_dim3A_3, %select_n3A_63, %broadcast_in_dim3A_3, %select_n3A_179, %parallel_loop3A_737], %parallel_loop3A_749 : memref<1x8x1x8x129xf32, #tpu.memory_space<vmem>>[vector<16xi32>, vector<16xi32>, vector<16xi32>, vector<16xi32>, vector<16xi32>], vector<16xf32>,
      %parallel_loop3A_750 = arith.index_cast %parallel_loop3A_736 : i32 to index
      %parallel_loop3A_751 = arith.constant 32 : index
      %parallel_loop3A_752 = tpu.vector_load %arg6[%parallel_loop3A_750, %parallel_loop3A_751] {strides = array<i32>} : memref<128x128xf32, #tpu.memory_space<vmem>>, vector<16xf32>,
      %parallel_loop3A_753 = arith.constant 8.000000e+00 : f32
      %parallel_loop3A_754 = vector.broadcast %parallel_loop3A_753 : f32 to vector<16xf32>
      %parallel_loop3A_755 = arith.mulf %parallel_loop3A_752, %parallel_loop3A_754 : vector<16xf32>
      tpu.vector_store_idx %arg10[%broadcast_in_dim3A_3, %select_n3A_97, %broadcast_in_dim3A_3, %select_n3A_204, %parallel_loop3A_737], %parallel_loop3A_755 : memref<1x8x1x8x129xf32, #tpu.memory_space<vmem>>[vector<16xi32>, vector<16xi32>, vector<16xi32>, vector<16xi32>, vector<16xi32>], vector<16xf32>,
      %parallel_loop3A_756 = arith.index_cast %parallel_loop3A_736 : i32 to index
      %parallel_loop3A_757 = arith.constant 48 : index
      %parallel_loop3A_758 = tpu.vector_load %arg6[%parallel_loop3A_756, %parallel_loop3A_757] {strides = array<i32>} : memref<128x128xf32, #tpu.memory_space<vmem>>, vector<16xf32>,
      %parallel_loop3A_759 = arith.constant 8.000000e+00 : f32
      %parallel_loop3A_760 = vector.broadcast %parallel_loop3A_759 : f32 to vector<16xf32>
      %parallel_loop3A_761 = arith.mulf %parallel_loop3A_758, %parallel_loop3A_760 : vector<16xf32>
      tpu.vector_store_idx %arg10[%broadcast_in_dim3A_3, %select_n3A_131, %broadcast_in_dim3A_3, %select_n3A_229, %parallel_loop3A_737], %parallel_loop3A_761 : memref<1x8x1x8x129xf32, #tpu.memory_space<vmem>>[vector<16xi32>, vector<16xi32>, vector<16xi32>, vector<16xi32>, vector<16xi32>], vector<16xf32>,
    } {sc.loop_unroll_factor = 4 : i64, sc.parallel_access}
    %dma_start3A_265 = arith.constant 0 : i32
    %dma_start3A_266 = arith.constant 0 : i32
    %dma_start3A_267 = arith.constant 0 : i32
    %dma_start3A_268 = arith.constant 0 : i32
    %dma_start3A_269 = arith.constant 0 : i32
    %dma_start3A_270 = tpu.memref_slice %arg10[%dma_start3A_265, %dma_start3A_266, %dma_start3A_267, %dma_start3A_268, %dma_start3A_269] : memref<1x8x1x8x129xf32, #tpu.memory_space<vmem>> -> memref<1x8x1x8x128xf32, #tpu.memory_space<vmem>>
    %dma_start3A_271 = arith.constant 0 : i32
    %dma_start3A_272 = arith.constant 0 : i32
    %dma_start3A_273 = arith.constant 0 : i32
    %dma_start3A_274 = arith.constant 0 : i32
    %dma_start3A_275 = tpu.memref_slice %arg4[%dma_start3A_271, %dma_start3A_272, %add3A, %dma_start3A_273, %dma_start3A_274] : memref<200x8x32x8x128xf32, #tpu.memory_space<hbm>> -> memref<1x8x1x8x128xf32, #tpu.memory_space<hbm>>
    %dma_start3A_276 = arith.constant 0 : i32
    %dma_start3A_277 = arith.constant 0 : i32
    %dma_start3A_278 = arith.constant 0 : i32
    %dma_start3A_279 = arith.constant 0 : i32
    %dma_start3A_280 = tpu.memref_slice %arg4[%dma_start3A_276, %dma_start3A_277, %add3A, %dma_start3A_278, %dma_start3A_279] : memref<200x8x32x8x128xf32, #tpu.memory_space<hbm>> -> memref<1x8x1x8x128xf32, #tpu.memory_space<hbm>>
    %dma_start3A_281 = arith.constant 0 : i32
    %dma_start3A_282 = arith.constant 0 : i32
    %dma_start3A_283 = arith.constant 0 : i32
    %dma_start3A_284 = arith.constant 0 : i32
    %dma_start3A_285 = arith.constant 0 : i32
    %dma_start3A_286 = tpu.memref_slice %arg10[%dma_start3A_281, %dma_start3A_282, %dma_start3A_283, %dma_start3A_284, %dma_start3A_285] : memref<1x8x1x8x129xf32, #tpu.memory_space<vmem>> -> memref<1x8x1x8x128xf32, #tpu.memory_space<vmem>>
    tpu.enqueue_dma source(%dma_start3A_286 : memref<1x8x1x8x128xf32, #tpu.memory_space<vmem>>) target(%dma_start3A_280 : memref<1x8x1x8x128xf32, #tpu.memory_space<hbm>>) target_semaphore(%arg18 : memref<!tpu.dma_semaphore, #tpu.memory_space<semaphore_mem>>)
    %dma_start3A_287 = arith.constant 4 : i32
    %dma_start3A_288 = arith.constant 0 : i32
    %dma_start3A_289 = tpu.memref_slice %arg5[%dma_start3A_287, %dma_start3A_288] : memref<200x128xi32, #tpu.memory_space<vmem>> -> memref<1x128xi32, #tpu.memory_space<vmem>>
    %dma_start3A_290 = tpu.memref_squeeze %dma_start3A_289 : memref<1x128xi32, #tpu.memory_space<vmem>> -> memref<128xi32, #tpu.memory_space<vmem>>
    %dma_start3A_291 = arith.constant 0 : i32
    %dma_start3A_292 = arith.constant 0 : i32
    %dma_start3A_293 = tpu.memref_slice %arg2[%dma_start3A_291, %dma_start3A_292] : memref<1000000x128xf32, #tpu.memory_space<hbm>> -> memref<1000000x128xf32, #tpu.memory_space<hbm>>
    tpu.enqueue_indirect_dma source(%dma_start3A_293 : memref<1000000x128xf32, #tpu.memory_space<hbm>>) target(%arg6 : memref<128x128xf32, #tpu.memory_space<vmem>>) offsets(%dma_start3A_290 : memref<128xi32, #tpu.memory_space<vmem>>) semaphore(%arg14 : memref<!tpu.dma_semaphore, #tpu.memory_space<semaphore_mem>>)
    %dma_wait3A_294 = arith.constant 0 : i32
    %dma_wait3A_295 = arith.constant 0 : i32
    %dma_wait3A_296 = tpu.memref_slice %arg5[%dma_wait3A_294, %dma_wait3A_295] : memref<200x128xi32, #tpu.memory_space<vmem>> -> memref<1x128xi32, #tpu.memory_space<vmem>>
    %dma_wait3A_297 = tpu.memref_squeeze %dma_wait3A_296 : memref<1x128xi32, #tpu.memory_space<vmem>> -> memref<128xi32, #tpu.memory_space<vmem>>
    %dma_wait3A_298 = arith.constant 0 : i32
    %dma_wait3A_299 = arith.constant 0 : i32
    %dma_wait3A_300 = tpu.memref_slice %arg2[%dma_wait3A_298, %dma_wait3A_299] : memref<1000000x128xf32, #tpu.memory_space<hbm>> -> memref<1000000x128xf32, #tpu.memory_space<hbm>>
    tpu.wait_indirect_dma semaphore(%arg15 : memref<!tpu.dma_semaphore, #tpu.memory_space<semaphore_mem>>) src(%dma_wait3A_300 : memref<1000000x128xf32, #tpu.memory_space<hbm>>) dst(%arg7 : memref<128x128xf32, #tpu.memory_space<vmem>>)
    %parallel_loop3A_301 = arith.constant 0 : i32
    %parallel_loop3A_302 = arith.constant 128 : i32
    %parallel_loop3A_303 = arith.constant 1 : i32
    scf.for %parallel_loop3A_736 = %parallel_loop3A_301 to %parallel_loop3A_302 step %parallel_loop3A_303  : i32 {
      %parallel_loop3A_737 = vector.broadcast %parallel_loop3A_736 : i32 to vector<16xi32>
      %parallel_loop3A_738 = arith.index_cast %parallel_loop3A_736 : i32 to index
      %parallel_loop3A_739 = arith.constant 0 : index
      %parallel_loop3A_740 = tpu.vector_load %arg7[%parallel_loop3A_738, %parallel_loop3A_739] {strides = array<i32>} : memref<128x128xf32, #tpu.memory_space<vmem>>, vector<16xf32>,
      %parallel_loop3A_741 = arith.constant 8.000000e+00 : f32
      %parallel_loop3A_742 = vector.broadcast %parallel_loop3A_741 : f32 to vector<16xf32>
      %parallel_loop3A_743 = arith.mulf %parallel_loop3A_740, %parallel_loop3A_742 : vector<16xf32>
      tpu.vector_store_idx %arg11[%broadcast_in_dim3A_3, %select_n3A, %broadcast_in_dim3A_3, %select_n3A_154, %parallel_loop3A_737], %parallel_loop3A_743 : memref<1x8x1x8x129xf32, #tpu.memory_space<vmem>>[vector<16xi32>, vector<16xi32>, vector<16xi32>, vector<16xi32>, vector<16xi32>], vector<16xf32>,
      %parallel_loop3A_744 = arith.index_cast %parallel_loop3A_736 : i32 to index
      %parallel_loop3A_745 = arith.constant 16 : index
      %parallel_loop3A_746 = tpu.vector_load %arg7[%parallel_loop3A_744, %parallel_loop3A_745] {strides = array<i32>} : memref<128x128xf32, #tpu.memory_space<vmem>>, vector<16xf32>,
      %parallel_loop3A_747 = arith.constant 8.000000e+00 : f32
      %parallel_loop3A_748 = vector.broadcast %parallel_loop3A_747 : f32 to vector<16xf32>
      %parallel_loop3A_749 = arith.mulf %parallel_loop3A_746, %parallel_loop3A_748 : vector<16xf32>
      tpu.vector_store_idx %arg11[%broadcast_in_dim3A_3, %select_n3A_63, %broadcast_in_dim3A_3, %select_n3A_179, %parallel_loop3A_737], %parallel_loop3A_749 : memref<1x8x1x8x129xf32, #tpu.memory_space<vmem>>[vector<16xi32>, vector<16xi32>, vector<16xi32>, vector<16xi32>, vector<16xi32>], vector<16xf32>,
      %parallel_loop3A_750 = arith.index_cast %parallel_loop3A_736 : i32 to index
      %parallel_loop3A_751 = arith.constant 32 : index
      %parallel_loop3A_752 = tpu.vector_load %arg7[%parallel_loop3A_750, %parallel_loop3A_751] {strides = array<i32>} : memref<128x128xf32, #tpu.memory_space<vmem>>, vector<16xf32>,
      %parallel_loop3A_753 = arith.constant 8.000000e+00 : f32
      %parallel_loop3A_754 = vector.broadcast %parallel_loop3A_753 : f32 to vector<16xf32>
      %parallel_loop3A_755 = arith.mulf %parallel_loop3A_752, %parallel_loop3A_754 : vector<16xf32>
      tpu.vector_store_idx %arg11[%broadcast_in_dim3A_3, %select_n3A_97, %broadcast_in_dim3A_3, %select_n3A_204, %parallel_loop3A_737], %parallel_loop3A_755 : memref<1x8x1x8x129xf32, #tpu.memory_space<vmem>>[vector<16xi32>, vector<16xi32>, vector<16xi32>, vector<16xi32>, vector<16xi32>], vector<16xf32>,
      %parallel_loop3A_756 = arith.index_cast %parallel_loop3A_736 : i32 to index
      %parallel_loop3A_757 = arith.constant 48 : index
      %parallel_loop3A_758 = tpu.vector_load %arg7[%parallel_loop3A_756, %parallel_loop3A_757] {strides = array<i32>} : memref<128x128xf32, #tpu.memory_space<vmem>>, vector<16xf32>,
      %parallel_loop3A_759 = arith.constant 8.000000e+00 : f32
      %parallel_loop3A_760 = vector.broadcast %parallel_loop3A_759 : f32 to vector<16xf32>
      %parallel_loop3A_761 = arith.mulf %parallel_loop3A_758, %parallel_loop3A_760 : vector<16xf32>
      tpu.vector_store_idx %arg11[%broadcast_in_dim3A_3, %select_n3A_131, %broadcast_in_dim3A_3, %select_n3A_229, %parallel_loop3A_737], %parallel_loop3A_761 : memref<1x8x1x8x129xf32, #tpu.memory_space<vmem>>[vector<16xi32>, vector<16xi32>, vector<16xi32>, vector<16xi32>, vector<16xi32>], vector<16xf32>,
    } {sc.loop_unroll_factor = 4 : i64, sc.parallel_access}
    %dma_start3A_304 = arith.constant 0 : i32
    %dma_start3A_305 = arith.constant 0 : i32
    %dma_start3A_306 = arith.constant 0 : i32
    %dma_start3A_307 = arith.constant 0 : i32
    %dma_start3A_308 = arith.constant 0 : i32
    %dma_start3A_309 = tpu.memref_slice %arg11[%dma_start3A_304, %dma_start3A_305, %dma_start3A_306, %dma_start3A_307, %dma_start3A_308] : memref<1x8x1x8x129xf32, #tpu.memory_space<vmem>> -> memref<1x8x1x8x128xf32, #tpu.memory_space<vmem>>
    %dma_start3A_310 = arith.constant 1 : i32
    %dma_start3A_311 = arith.constant 0 : i32
    %dma_start3A_312 = arith.constant 0 : i32
    %dma_start3A_313 = arith.constant 0 : i32
    %dma_start3A_314 = tpu.memref_slice %arg4[%dma_start3A_310, %dma_start3A_311, %add3A, %dma_start3A_312, %dma_start3A_313] : memref<200x8x32x8x128xf32, #tpu.memory_space<hbm>> -> memref<1x8x1x8x128xf32, #tpu.memory_space<hbm>>
    %dma_start3A_315 = arith.constant 1 : i32
    %dma_start3A_316 = arith.constant 0 : i32
    %dma_start3A_317 = arith.constant 0 : i32
    %dma_start3A_318 = arith.constant 0 : i32
    %dma_start3A_319 = tpu.memref_slice %arg4[%dma_start3A_315, %dma_start3A_316, %add3A, %dma_start3A_317, %dma_start3A_318] : memref<200x8x32x8x128xf32, #tpu.memory_space<hbm>> -> memref<1x8x1x8x128xf32, #tpu.memory_space<hbm>>
    %dma_start3A_320 = arith.constant 0 : i32
    %dma_start3A_321 = arith.constant 0 : i32
    %dma_start3A_322 = arith.constant 0 : i32
    %dma_start3A_323 = arith.constant 0 : i32
    %dma_start3A_324 = arith.constant 0 : i32
    %dma_start3A_325 = tpu.memref_slice %arg11[%dma_start3A_320, %dma_start3A_321, %dma_start3A_322, %dma_start3A_323, %dma_start3A_324] : memref<1x8x1x8x129xf32, #tpu.memory_space<vmem>> -> memref<1x8x1x8x128xf32, #tpu.memory_space<vmem>>
    tpu.enqueue_dma source(%dma_start3A_325 : memref<1x8x1x8x128xf32, #tpu.memory_space<vmem>>) target(%dma_start3A_319 : memref<1x8x1x8x128xf32, #tpu.memory_space<hbm>>) target_semaphore(%arg19 : memref<!tpu.dma_semaphore, #tpu.memory_space<semaphore_mem>>)
    %dma_start3A_326 = arith.constant 5 : i32
    %dma_start3A_327 = arith.constant 0 : i32
    %dma_start3A_328 = tpu.memref_slice %arg5[%dma_start3A_326, %dma_start3A_327] : memref<200x128xi32, #tpu.memory_space<vmem>> -> memref<1x128xi32, #tpu.memory_space<vmem>>
    %dma_start3A_329 = tpu.memref_squeeze %dma_start3A_328 : memref<1x128xi32, #tpu.memory_space<vmem>> -> memref<128xi32, #tpu.memory_space<vmem>>
    %dma_start3A_330 = arith.constant 0 : i32
    %dma_start3A_331 = arith.constant 0 : i32
    %dma_start3A_332 = tpu.memref_slice %arg2[%dma_start3A_330, %dma_start3A_331] : memref<1000000x128xf32, #tpu.memory_space<hbm>> -> memref<1000000x128xf32, #tpu.memory_space<hbm>>
    tpu.enqueue_indirect_dma source(%dma_start3A_332 : memref<1000000x128xf32, #tpu.memory_space<hbm>>) target(%arg7 : memref<128x128xf32, #tpu.memory_space<vmem>>) offsets(%dma_start3A_329 : memref<128xi32, #tpu.memory_space<vmem>>) semaphore(%arg15 : memref<!tpu.dma_semaphore, #tpu.memory_space<semaphore_mem>>)
    %dma_wait3A_333 = arith.constant 0 : i32
    %dma_wait3A_334 = arith.constant 0 : i32
    %dma_wait3A_335 = tpu.memref_slice %arg5[%dma_wait3A_333, %dma_wait3A_334] : memref<200x128xi32, #tpu.memory_space<vmem>> -> memref<1x128xi32, #tpu.memory_space<vmem>>
    %dma_wait3A_336 = tpu.memref_squeeze %dma_wait3A_335 : memref<1x128xi32, #tpu.memory_space<vmem>> -> memref<128xi32, #tpu.memory_space<vmem>>
    %dma_wait3A_337 = arith.constant 0 : i32
    %dma_wait3A_338 = arith.constant 0 : i32
    %dma_wait3A_339 = tpu.memref_slice %arg2[%dma_wait3A_337, %dma_wait3A_338] : memref<1000000x128xf32, #tpu.memory_space<hbm>> -> memref<1000000x128xf32, #tpu.memory_space<hbm>>
    tpu.wait_indirect_dma semaphore(%arg16 : memref<!tpu.dma_semaphore, #tpu.memory_space<semaphore_mem>>) src(%dma_wait3A_339 : memref<1000000x128xf32, #tpu.memory_space<hbm>>) dst(%arg8 : memref<128x128xf32, #tpu.memory_space<vmem>>)
    %parallel_loop3A_340 = arith.constant 0 : i32
    %parallel_loop3A_341 = arith.constant 128 : i32
    %parallel_loop3A_342 = arith.constant 1 : i32
    scf.for %parallel_loop3A_736 = %parallel_loop3A_340 to %parallel_loop3A_341 step %parallel_loop3A_342  : i32 {
      %parallel_loop3A_737 = vector.broadcast %parallel_loop3A_736 : i32 to vector<16xi32>
      %parallel_loop3A_738 = arith.index_cast %parallel_loop3A_736 : i32 to index
      %parallel_loop3A_739 = arith.constant 0 : index
      %parallel_loop3A_740 = tpu.vector_load %arg8[%parallel_loop3A_738, %parallel_loop3A_739] {strides = array<i32>} : memref<128x128xf32, #tpu.memory_space<vmem>>, vector<16xf32>,
      %parallel_loop3A_741 = arith.constant 8.000000e+00 : f32
      %parallel_loop3A_742 = vector.broadcast %parallel_loop3A_741 : f32 to vector<16xf32>
      %parallel_loop3A_743 = arith.mulf %parallel_loop3A_740, %parallel_loop3A_742 : vector<16xf32>
      tpu.vector_store_idx %arg12[%broadcast_in_dim3A_3, %select_n3A, %broadcast_in_dim3A_3, %select_n3A_154, %parallel_loop3A_737], %parallel_loop3A_743 : memref<1x8x1x8x129xf32, #tpu.memory_space<vmem>>[vector<16xi32>, vector<16xi32>, vector<16xi32>, vector<16xi32>, vector<16xi32>], vector<16xf32>,
      %parallel_loop3A_744 = arith.index_cast %parallel_loop3A_736 : i32 to index
      %parallel_loop3A_745 = arith.constant 16 : index
      %parallel_loop3A_746 = tpu.vector_load %arg8[%parallel_loop3A_744, %parallel_loop3A_745] {strides = array<i32>} : memref<128x128xf32, #tpu.memory_space<vmem>>, vector<16xf32>,
      %parallel_loop3A_747 = arith.constant 8.000000e+00 : f32
      %parallel_loop3A_748 = vector.broadcast %parallel_loop3A_747 : f32 to vector<16xf32>
      %parallel_loop3A_749 = arith.mulf %parallel_loop3A_746, %parallel_loop3A_748 : vector<16xf32>
      tpu.vector_store_idx %arg12[%broadcast_in_dim3A_3, %select_n3A_63, %broadcast_in_dim3A_3, %select_n3A_179, %parallel_loop3A_737], %parallel_loop3A_749 : memref<1x8x1x8x129xf32, #tpu.memory_space<vmem>>[vector<16xi32>, vector<16xi32>, vector<16xi32>, vector<16xi32>, vector<16xi32>], vector<16xf32>,
      %parallel_loop3A_750 = arith.index_cast %parallel_loop3A_736 : i32 to index
      %parallel_loop3A_751 = arith.constant 32 : index
      %parallel_loop3A_752 = tpu.vector_load %arg8[%parallel_loop3A_750, %parallel_loop3A_751] {strides = array<i32>} : memref<128x128xf32, #tpu.memory_space<vmem>>, vector<16xf32>,
      %parallel_loop3A_753 = arith.constant 8.000000e+00 : f32
      %parallel_loop3A_754 = vector.broadcast %parallel_loop3A_753 : f32 to vector<16xf32>
      %parallel_loop3A_755 = arith.mulf %parallel_loop3A_752, %parallel_loop3A_754 : vector<16xf32>
      tpu.vector_store_idx %arg12[%broadcast_in_dim3A_3, %select_n3A_97, %broadcast_in_dim3A_3, %select_n3A_204, %parallel_loop3A_737], %parallel_loop3A_755 : memref<1x8x1x8x129xf32, #tpu.memory_space<vmem>>[vector<16xi32>, vector<16xi32>, vector<16xi32>, vector<16xi32>, vector<16xi32>], vector<16xf32>,
      %parallel_loop3A_756 = arith.index_cast %parallel_loop3A_736 : i32 to index
      %parallel_loop3A_757 = arith.constant 48 : index
      %parallel_loop3A_758 = tpu.vector_load %arg8[%parallel_loop3A_756, %parallel_loop3A_757] {strides = array<i32>} : memref<128x128xf32, #tpu.memory_space<vmem>>, vector<16xf32>,
      %parallel_loop3A_759 = arith.constant 8.000000e+00 : f32
      %parallel_loop3A_760 = vector.broadcast %parallel_loop3A_759 : f32 to vector<16xf32>
      %parallel_loop3A_761 = arith.mulf %parallel_loop3A_758, %parallel_loop3A_760 : vector<16xf32>
      tpu.vector_store_idx %arg12[%broadcast_in_dim3A_3, %select_n3A_131, %broadcast_in_dim3A_3, %select_n3A_229, %parallel_loop3A_737], %parallel_loop3A_761 : memref<1x8x1x8x129xf32, #tpu.memory_space<vmem>>[vector<16xi32>, vector<16xi32>, vector<16xi32>, vector<16xi32>, vector<16xi32>], vector<16xf32>,
    } {sc.loop_unroll_factor = 4 : i64, sc.parallel_access}
    %dma_start3A_343 = arith.constant 0 : i32
    %dma_start3A_344 = arith.constant 0 : i32
    %dma_start3A_345 = arith.constant 0 : i32
    %dma_start3A_346 = arith.constant 0 : i32
    %dma_start3A_347 = arith.constant 0 : i32
    %dma_start3A_348 = tpu.memref_slice %arg12[%dma_start3A_343, %dma_start3A_344, %dma_start3A_345, %dma_start3A_346, %dma_start3A_347] : memref<1x8x1x8x129xf32, #tpu.memory_space<vmem>> -> memref<1x8x1x8x128xf32, #tpu.memory_space<vmem>>
    %dma_start3A_349 = arith.constant 2 : i32
    %dma_start3A_350 = arith.constant 0 : i32
    %dma_start3A_351 = arith.constant 0 : i32
    %dma_start3A_352 = arith.constant 0 : i32
    %dma_start3A_353 = tpu.memref_slice %arg4[%dma_start3A_349, %dma_start3A_350, %add3A, %dma_start3A_351, %dma_start3A_352] : memref<200x8x32x8x128xf32, #tpu.memory_space<hbm>> -> memref<1x8x1x8x128xf32, #tpu.memory_space<hbm>>
    %dma_start3A_354 = arith.constant 2 : i32
    %dma_start3A_355 = arith.constant 0 : i32
    %dma_start3A_356 = arith.constant 0 : i32
    %dma_start3A_357 = arith.constant 0 : i32
    %dma_start3A_358 = tpu.memref_slice %arg4[%dma_start3A_354, %dma_start3A_355, %add3A, %dma_start3A_356, %dma_start3A_357] : memref<200x8x32x8x128xf32, #tpu.memory_space<hbm>> -> memref<1x8x1x8x128xf32, #tpu.memory_space<hbm>>
    %dma_start3A_359 = arith.constant 0 : i32
    %dma_start3A_360 = arith.constant 0 : i32
    %dma_start3A_361 = arith.constant 0 : i32
    %dma_start3A_362 = arith.constant 0 : i32
    %dma_start3A_363 = arith.constant 0 : i32
    %dma_start3A_364 = tpu.memref_slice %arg12[%dma_start3A_359, %dma_start3A_360, %dma_start3A_361, %dma_start3A_362, %dma_start3A_363] : memref<1x8x1x8x129xf32, #tpu.memory_space<vmem>> -> memref<1x8x1x8x128xf32, #tpu.memory_space<vmem>>
    tpu.enqueue_dma source(%dma_start3A_364 : memref<1x8x1x8x128xf32, #tpu.memory_space<vmem>>) target(%dma_start3A_358 : memref<1x8x1x8x128xf32, #tpu.memory_space<hbm>>) target_semaphore(%arg20 : memref<!tpu.dma_semaphore, #tpu.memory_space<semaphore_mem>>)
    %dma_start3A_365 = arith.constant 6 : i32
    %dma_start3A_366 = arith.constant 0 : i32
    %dma_start3A_367 = tpu.memref_slice %arg5[%dma_start3A_365, %dma_start3A_366] : memref<200x128xi32, #tpu.memory_space<vmem>> -> memref<1x128xi32, #tpu.memory_space<vmem>>
    %dma_start3A_368 = tpu.memref_squeeze %dma_start3A_367 : memref<1x128xi32, #tpu.memory_space<vmem>> -> memref<128xi32, #tpu.memory_space<vmem>>
    %dma_start3A_369 = arith.constant 0 : i32
    %dma_start3A_370 = arith.constant 0 : i32
    %dma_start3A_371 = tpu.memref_slice %arg2[%dma_start3A_369, %dma_start3A_370] : memref<1000000x128xf32, #tpu.memory_space<hbm>> -> memref<1000000x128xf32, #tpu.memory_space<hbm>>
    tpu.enqueue_indirect_dma source(%dma_start3A_371 : memref<1000000x128xf32, #tpu.memory_space<hbm>>) target(%arg8 : memref<128x128xf32, #tpu.memory_space<vmem>>) offsets(%dma_start3A_368 : memref<128xi32, #tpu.memory_space<vmem>>) semaphore(%arg16 : memref<!tpu.dma_semaphore, #tpu.memory_space<semaphore_mem>>)
    %dma_wait3A_372 = arith.constant 0 : i32
    %dma_wait3A_373 = arith.constant 0 : i32
    %dma_wait3A_374 = tpu.memref_slice %arg5[%dma_wait3A_372, %dma_wait3A_373] : memref<200x128xi32, #tpu.memory_space<vmem>> -> memref<1x128xi32, #tpu.memory_space<vmem>>
    %dma_wait3A_375 = tpu.memref_squeeze %dma_wait3A_374 : memref<1x128xi32, #tpu.memory_space<vmem>> -> memref<128xi32, #tpu.memory_space<vmem>>
    %dma_wait3A_376 = arith.constant 0 : i32
    %dma_wait3A_377 = arith.constant 0 : i32
    %dma_wait3A_378 = tpu.memref_slice %arg2[%dma_wait3A_376, %dma_wait3A_377] : memref<1000000x128xf32, #tpu.memory_space<hbm>> -> memref<1000000x128xf32, #tpu.memory_space<hbm>>
    tpu.wait_indirect_dma semaphore(%arg17 : memref<!tpu.dma_semaphore, #tpu.memory_space<semaphore_mem>>) src(%dma_wait3A_378 : memref<1000000x128xf32, #tpu.memory_space<hbm>>) dst(%arg9 : memref<128x128xf32, #tpu.memory_space<vmem>>)
    %parallel_loop3A_379 = arith.constant 0 : i32
    %parallel_loop3A_380 = arith.constant 128 : i32
    %parallel_loop3A_381 = arith.constant 1 : i32
    scf.for %parallel_loop3A_736 = %parallel_loop3A_379 to %parallel_loop3A_380 step %parallel_loop3A_381  : i32 {
      %parallel_loop3A_737 = vector.broadcast %parallel_loop3A_736 : i32 to vector<16xi32>
      %parallel_loop3A_738 = arith.index_cast %parallel_loop3A_736 : i32 to index
      %parallel_loop3A_739 = arith.constant 0 : index
      %parallel_loop3A_740 = tpu.vector_load %arg9[%parallel_loop3A_738, %parallel_loop3A_739] {strides = array<i32>} : memref<128x128xf32, #tpu.memory_space<vmem>>, vector<16xf32>,
      %parallel_loop3A_741 = arith.constant 8.000000e+00 : f32
      %parallel_loop3A_742 = vector.broadcast %parallel_loop3A_741 : f32 to vector<16xf32>
      %parallel_loop3A_743 = arith.mulf %parallel_loop3A_740, %parallel_loop3A_742 : vector<16xf32>
      tpu.vector_store_idx %arg13[%broadcast_in_dim3A_3, %select_n3A, %broadcast_in_dim3A_3, %select_n3A_154, %parallel_loop3A_737], %parallel_loop3A_743 : memref<1x8x1x8x129xf32, #tpu.memory_space<vmem>>[vector<16xi32>, vector<16xi32>, vector<16xi32>, vector<16xi32>, vector<16xi32>], vector<16xf32>,
      %parallel_loop3A_744 = arith.index_cast %parallel_loop3A_736 : i32 to index
      %parallel_loop3A_745 = arith.constant 16 : index
      %parallel_loop3A_746 = tpu.vector_load %arg9[%parallel_loop3A_744, %parallel_loop3A_745] {strides = array<i32>} : memref<128x128xf32, #tpu.memory_space<vmem>>, vector<16xf32>,
      %parallel_loop3A_747 = arith.constant 8.000000e+00 : f32
      %parallel_loop3A_748 = vector.broadcast %parallel_loop3A_747 : f32 to vector<16xf32>
      %parallel_loop3A_749 = arith.mulf %parallel_loop3A_746, %parallel_loop3A_748 : vector<16xf32>
      tpu.vector_store_idx %arg13[%broadcast_in_dim3A_3, %select_n3A_63, %broadcast_in_dim3A_3, %select_n3A_179, %parallel_loop3A_737], %parallel_loop3A_749 : memref<1x8x1x8x129xf32, #tpu.memory_space<vmem>>[vector<16xi32>, vector<16xi32>, vector<16xi32>, vector<16xi32>, vector<16xi32>], vector<16xf32>,
      %parallel_loop3A_750 = arith.index_cast %parallel_loop3A_736 : i32 to index
      %parallel_loop3A_751 = arith.constant 32 : index
      %parallel_loop3A_752 = tpu.vector_load %arg9[%parallel_loop3A_750, %parallel_loop3A_751] {strides = array<i32>} : memref<128x128xf32, #tpu.memory_space<vmem>>, vector<16xf32>,
      %parallel_loop3A_753 = arith.constant 8.000000e+00 : f32
      %parallel_loop3A_754 = vector.broadcast %parallel_loop3A_753 : f32 to vector<16xf32>
      %parallel_loop3A_755 = arith.mulf %parallel_loop3A_752, %parallel_loop3A_754 : vector<16xf32>
      tpu.vector_store_idx %arg13[%broadcast_in_dim3A_3, %select_n3A_97, %broadcast_in_dim3A_3, %select_n3A_204, %parallel_loop3A_737], %parallel_loop3A_755 : memref<1x8x1x8x129xf32, #tpu.memory_space<vmem>>[vector<16xi32>, vector<16xi32>, vector<16xi32>, vector<16xi32>, vector<16xi32>], vector<16xf32>,
      %parallel_loop3A_756 = arith.index_cast %parallel_loop3A_736 : i32 to index
      %parallel_loop3A_757 = arith.constant 48 : index
      %parallel_loop3A_758 = tpu.vector_load %arg9[%parallel_loop3A_756, %parallel_loop3A_757] {strides = array<i32>} : memref<128x128xf32, #tpu.memory_space<vmem>>, vector<16xf32>,
      %parallel_loop3A_759 = arith.constant 8.000000e+00 : f32
      %parallel_loop3A_760 = vector.broadcast %parallel_loop3A_759 : f32 to vector<16xf32>
      %parallel_loop3A_761 = arith.mulf %parallel_loop3A_758, %parallel_loop3A_760 : vector<16xf32>
      tpu.vector_store_idx %arg13[%broadcast_in_dim3A_3, %select_n3A_131, %broadcast_in_dim3A_3, %select_n3A_229, %parallel_loop3A_737], %parallel_loop3A_761 : memref<1x8x1x8x129xf32, #tpu.memory_space<vmem>>[vector<16xi32>, vector<16xi32>, vector<16xi32>, vector<16xi32>, vector<16xi32>], vector<16xf32>,
    } {sc.loop_unroll_factor = 4 : i64, sc.parallel_access}
    %dma_start3A_382 = arith.constant 0 : i32
    %dma_start3A_383 = arith.constant 0 : i32
    %dma_start3A_384 = arith.constant 0 : i32
    %dma_start3A_385 = arith.constant 0 : i32
    %dma_start3A_386 = arith.constant 0 : i32
    %dma_start3A_387 = tpu.memref_slice %arg13[%dma_start3A_382, %dma_start3A_383, %dma_start3A_384, %dma_start3A_385, %dma_start3A_386] : memref<1x8x1x8x129xf32, #tpu.memory_space<vmem>> -> memref<1x8x1x8x128xf32, #tpu.memory_space<vmem>>
    %dma_start3A_388 = arith.constant 3 : i32
    %dma_start3A_389 = arith.constant 0 : i32
    %dma_start3A_390 = arith.constant 0 : i32
    %dma_start3A_391 = arith.constant 0 : i32
    %dma_start3A_392 = tpu.memref_slice %arg4[%dma_start3A_388, %dma_start3A_389, %add3A, %dma_start3A_390, %dma_start3A_391] : memref<200x8x32x8x128xf32, #tpu.memory_space<hbm>> -> memref<1x8x1x8x128xf32, #tpu.memory_space<hbm>>
    %dma_start3A_393 = arith.constant 3 : i32
    %dma_start3A_394 = arith.constant 0 : i32
    %dma_start3A_395 = arith.constant 0 : i32
    %dma_start3A_396 = arith.constant 0 : i32
    %dma_start3A_397 = tpu.memref_slice %arg4[%dma_start3A_393, %dma_start3A_394, %add3A, %dma_start3A_395, %dma_start3A_396] : memref<200x8x32x8x128xf32, #tpu.memory_space<hbm>> -> memref<1x8x1x8x128xf32, #tpu.memory_space<hbm>>
    %dma_start3A_398 = arith.constant 0 : i32
    %dma_start3A_399 = arith.constant 0 : i32
    %dma_start3A_400 = arith.constant 0 : i32
    %dma_start3A_401 = arith.constant 0 : i32
    %dma_start3A_402 = arith.constant 0 : i32
    %dma_start3A_403 = tpu.memref_slice %arg13[%dma_start3A_398, %dma_start3A_399, %dma_start3A_400, %dma_start3A_401, %dma_start3A_402] : memref<1x8x1x8x129xf32, #tpu.memory_space<vmem>> -> memref<1x8x1x8x128xf32, #tpu.memory_space<vmem>>
    tpu.enqueue_dma source(%dma_start3A_403 : memref<1x8x1x8x128xf32, #tpu.memory_space<vmem>>) target(%dma_start3A_397 : memref<1x8x1x8x128xf32, #tpu.memory_space<hbm>>) target_semaphore(%arg21 : memref<!tpu.dma_semaphore, #tpu.memory_space<semaphore_mem>>)
    %dma_start3A_404 = arith.constant 7 : i32
    %dma_start3A_405 = arith.constant 0 : i32
    %dma_start3A_406 = tpu.memref_slice %arg5[%dma_start3A_404, %dma_start3A_405] : memref<200x128xi32, #tpu.memory_space<vmem>> -> memref<1x128xi32, #tpu.memory_space<vmem>>
    %dma_start3A_407 = tpu.memref_squeeze %dma_start3A_406 : memref<1x128xi32, #tpu.memory_space<vmem>> -> memref<128xi32, #tpu.memory_space<vmem>>
    %dma_start3A_408 = arith.constant 0 : i32
    %dma_start3A_409 = arith.constant 0 : i32
    %dma_start3A_410 = tpu.memref_slice %arg2[%dma_start3A_408, %dma_start3A_409] : memref<1000000x128xf32, #tpu.memory_space<hbm>> -> memref<1000000x128xf32, #tpu.memory_space<hbm>>
    tpu.enqueue_indirect_dma source(%dma_start3A_410 : memref<1000000x128xf32, #tpu.memory_space<hbm>>) target(%arg9 : memref<128x128xf32, #tpu.memory_space<vmem>>) offsets(%dma_start3A_407 : memref<128xi32, #tpu.memory_space<vmem>>) semaphore(%arg17 : memref<!tpu.dma_semaphore, #tpu.memory_space<semaphore_mem>>)
    %scan3A = arith.constant 0 : i32
    %scan3A_411 = arith.constant 1 : i32
    %scan3A_412 = arith.constant 48 : i32
    %scan3A_413 = arith.addi %scan3A_411, %scan3A_412 : i32
    %scan3A_414 = arith.constant 1 : i32
    scf.for %scan3A_736 = %scan3A_411 to %scan3A_413 step %scan3A_414  : i32 {
      %mul3A_737 = arith.constant 4 : i32
      %mul3A_738 = arith.muli %scan3A_736, %mul3A_737 : i32
      %add3A_739 = arith.constant 0 : i32
      %add3A_740 = arith.addi %mul3A_738, %add3A_739 : i32
      %dma_wait3A_741 = arith.constant 0 : i32
      %dma_wait3A_742 = arith.constant 0 : i32
      %dma_wait3A_743 = tpu.memref_slice %arg5[%dma_wait3A_741, %dma_wait3A_742] : memref<200x128xi32, #tpu.memory_space<vmem>> -> memref<1x128xi32, #tpu.memory_space<vmem>>
      %dma_wait3A_744 = tpu.memref_squeeze %dma_wait3A_743 : memref<1x128xi32, #tpu.memory_space<vmem>> -> memref<128xi32, #tpu.memory_space<vmem>>
      %dma_wait3A_745 = arith.constant 0 : i32
      %dma_wait3A_746 = arith.constant 0 : i32
      %dma_wait3A_747 = tpu.memref_slice %arg2[%dma_wait3A_745, %dma_wait3A_746] : memref<1000000x128xf32, #tpu.memory_space<hbm>> -> memref<1000000x128xf32, #tpu.memory_space<hbm>>
      tpu.wait_indirect_dma semaphore(%arg14 : memref<!tpu.dma_semaphore, #tpu.memory_space<semaphore_mem>>) src(%dma_wait3A_747 : memref<1000000x128xf32, #tpu.memory_space<hbm>>) dst(%arg6 : memref<128x128xf32, #tpu.memory_space<vmem>>)
      %dma_wait3A_748 = arith.constant 0 : i32
      %dma_wait3A_749 = arith.constant 0 : i32
      %dma_wait3A_750 = arith.constant 0 : i32
      %dma_wait3A_751 = arith.constant 0 : i32
      %dma_wait3A_752 = arith.constant 0 : i32
      %dma_wait3A_753 = tpu.memref_slice %arg10[%dma_wait3A_748, %dma_wait3A_749, %dma_wait3A_750, %dma_wait3A_751, %dma_wait3A_752] : memref<1x8x1x8x129xf32, #tpu.memory_space<vmem>> -> memref<1x8x1x8x128xf32, #tpu.memory_space<vmem>>
      %dma_wait3A_754 = arith.constant 0 : i32
      %dma_wait3A_755 = arith.constant 0 : i32
      %dma_wait3A_756 = arith.constant 0 : i32
      %dma_wait3A_757 = arith.constant 0 : i32
      %dma_wait3A_758 = arith.constant 0 : i32
      %dma_wait3A_759 = tpu.memref_slice %arg4[%dma_wait3A_754, %dma_wait3A_755, %dma_wait3A_756, %dma_wait3A_757, %dma_wait3A_758] : memref<200x8x32x8x128xf32, #tpu.memory_space<hbm>> -> memref<1x8x1x8x128xf32, #tpu.memory_space<hbm>>
      %dma_wait3A_760 = arith.constant 0 : i32
      %dma_wait3A_761 = arith.constant 0 : i32
      %dma_wait3A_762 = arith.constant 0 : i32
      %dma_wait3A_763 = arith.constant 0 : i32
      %dma_wait3A_764 = arith.constant 0 : i32
      %dma_wait3A_765 = tpu.memref_slice %arg4[%dma_wait3A_760, %dma_wait3A_761, %dma_wait3A_762, %dma_wait3A_763, %dma_wait3A_764] : memref<200x8x32x8x128xf32, #tpu.memory_space<hbm>> -> memref<1x8x1x8x128xf32, #tpu.memory_space<hbm>>
      %dma_wait3A_766 = arith.constant 0 : i32
      %dma_wait3A_767 = arith.constant 0 : i32
      %dma_wait3A_768 = arith.constant 0 : i32
      %dma_wait3A_769 = arith.constant 0 : i32
      %dma_wait3A_770 = arith.constant 0 : i32
      %dma_wait3A_771 = tpu.memref_slice %arg10[%dma_wait3A_766, %dma_wait3A_767, %dma_wait3A_768, %dma_wait3A_769, %dma_wait3A_770] : memref<1x8x1x8x129xf32, #tpu.memory_space<vmem>> -> memref<1x8x1x8x128xf32, #tpu.memory_space<vmem>>
      tpu.wait_dma2 semaphore(%arg18 : memref<!tpu.dma_semaphore, #tpu.memory_space<semaphore_mem>>) src(%dma_wait3A_771 : memref<1x8x1x8x128xf32, #tpu.memory_space<vmem>>) dst(%dma_wait3A_765 : memref<1x8x1x8x128xf32, #tpu.memory_space<hbm>>)
      %parallel_loop3A_772 = arith.constant 0 : i32
      %parallel_loop3A_773 = arith.constant 128 : i32
      %parallel_loop3A_774 = arith.constant 1 : i32
      scf.for %parallel_loop3A_1001 = %parallel_loop3A_772 to %parallel_loop3A_773 step %parallel_loop3A_774  : i32 {
        %parallel_loop3A_1002 = vector.broadcast %parallel_loop3A_1001 : i32 to vector<16xi32>
        %parallel_loop3A_1003 = arith.index_cast %parallel_loop3A_1001 : i32 to index
        %parallel_loop3A_1004 = arith.constant 0 : index
        %parallel_loop3A_1005 = tpu.vector_load %arg6[%parallel_loop3A_1003, %parallel_loop3A_1004] {strides = array<i32>} : memref<128x128xf32, #tpu.memory_space<vmem>>, vector<16xf32>,
        %parallel_loop3A_1006 = arith.constant 8.000000e+00 : f32
        %parallel_loop3A_1007 = vector.broadcast %parallel_loop3A_1006 : f32 to vector<16xf32>
        %parallel_loop3A_1008 = arith.mulf %parallel_loop3A_1005, %parallel_loop3A_1007 : vector<16xf32>
        tpu.vector_store_idx %arg10[%broadcast_in_dim3A_3, %select_n3A, %broadcast_in_dim3A_3, %select_n3A_154, %parallel_loop3A_1002], %parallel_loop3A_1008 : memref<1x8x1x8x129xf32, #tpu.memory_space<vmem>>[vector<16xi32>, vector<16xi32>, vector<16xi32>, vector<16xi32>, vector<16xi32>], vector<16xf32>,
        %parallel_loop3A_1009 = arith.index_cast %parallel_loop3A_1001 : i32 to index
        %parallel_loop3A_1010 = arith.constant 16 : index
        %parallel_loop3A_1011 = tpu.vector_load %arg6[%parallel_loop3A_1009, %parallel_loop3A_1010] {strides = array<i32>} : memref<128x128xf32, #tpu.memory_space<vmem>>, vector<16xf32>,
        %parallel_loop3A_1012 = arith.constant 8.000000e+00 : f32
        %parallel_loop3A_1013 = vector.broadcast %parallel_loop3A_1012 : f32 to vector<16xf32>
        %parallel_loop3A_1014 = arith.mulf %parallel_loop3A_1011, %parallel_loop3A_1013 : vector<16xf32>
        tpu.vector_store_idx %arg10[%broadcast_in_dim3A_3, %select_n3A_63, %broadcast_in_dim3A_3, %select_n3A_179, %parallel_loop3A_1002], %parallel_loop3A_1014 : memref<1x8x1x8x129xf32, #tpu.memory_space<vmem>>[vector<16xi32>, vector<16xi32>, vector<16xi32>, vector<16xi32>, vector<16xi32>], vector<16xf32>,
        %parallel_loop3A_1015 = arith.index_cast %parallel_loop3A_1001 : i32 to index
        %parallel_loop3A_1016 = arith.constant 32 : index
        %parallel_loop3A_1017 = tpu.vector_load %arg6[%parallel_loop3A_1015, %parallel_loop3A_1016] {strides = array<i32>} : memref<128x128xf32, #tpu.memory_space<vmem>>, vector<16xf32>,
        %parallel_loop3A_1018 = arith.constant 8.000000e+00 : f32
        %parallel_loop3A_1019 = vector.broadcast %parallel_loop3A_1018 : f32 to vector<16xf32>
        %parallel_loop3A_1020 = arith.mulf %parallel_loop3A_1017, %parallel_loop3A_1019 : vector<16xf32>
        tpu.vector_store_idx %arg10[%broadcast_in_dim3A_3, %select_n3A_97, %broadcast_in_dim3A_3, %select_n3A_204, %parallel_loop3A_1002], %parallel_loop3A_1020 : memref<1x8x1x8x129xf32, #tpu.memory_space<vmem>>[vector<16xi32>, vector<16xi32>, vector<16xi32>, vector<16xi32>, vector<16xi32>], vector<16xf32>,
        %parallel_loop3A_1021 = arith.index_cast %parallel_loop3A_1001 : i32 to index
        %parallel_loop3A_1022 = arith.constant 48 : index
        %parallel_loop3A_1023 = tpu.vector_load %arg6[%parallel_loop3A_1021, %parallel_loop3A_1022] {strides = array<i32>} : memref<128x128xf32, #tpu.memory_space<vmem>>, vector<16xf32>,
        %parallel_loop3A_1024 = arith.constant 8.000000e+00 : f32
        %parallel_loop3A_1025 = vector.broadcast %parallel_loop3A_1024 : f32 to vector<16xf32>
        %parallel_loop3A_1026 = arith.mulf %parallel_loop3A_1023, %parallel_loop3A_1025 : vector<16xf32>
        tpu.vector_store_idx %arg10[%broadcast_in_dim3A_3, %select_n3A_131, %broadcast_in_dim3A_3, %select_n3A_229, %parallel_loop3A_1002], %parallel_loop3A_1026 : memref<1x8x1x8x129xf32, #tpu.memory_space<vmem>>[vector<16xi32>, vector<16xi32>, vector<16xi32>, vector<16xi32>, vector<16xi32>], vector<16xf32>,
      } {sc.loop_unroll_factor = 4 : i64, sc.parallel_access}
      %dma_start3A_775 = arith.constant 0 : i32
      %dma_start3A_776 = arith.constant 0 : i32
      %dma_start3A_777 = arith.constant 0 : i32
      %dma_start3A_778 = arith.constant 0 : i32
      %dma_start3A_779 = arith.constant 0 : i32
      %dma_start3A_780 = tpu.memref_slice %arg10[%dma_start3A_775, %dma_start3A_776, %dma_start3A_777, %dma_start3A_778, %dma_start3A_779] : memref<1x8x1x8x129xf32, #tpu.memory_space<vmem>> -> memref<1x8x1x8x128xf32, #tpu.memory_space<vmem>>
      %dma_start3A_781 = arith.constant 0 : i32
      %dma_start3A_782 = arith.constant 0 : i32
      %dma_start3A_783 = arith.constant 0 : i32
      %dma_start3A_784 = tpu.memref_slice %arg4[%add3A_740, %dma_start3A_781, %add3A, %dma_start3A_782, %dma_start3A_783] : memref<200x8x32x8x128xf32, #tpu.memory_space<hbm>> -> memref<1x8x1x8x128xf32, #tpu.memory_space<hbm>>
      %dma_start3A_785 = arith.constant 0 : i32
      %dma_start3A_786 = arith.constant 0 : i32
      %dma_start3A_787 = arith.constant 0 : i32
      %dma_start3A_788 = tpu.memref_slice %arg4[%add3A_740, %dma_start3A_785, %add3A, %dma_start3A_786, %dma_start3A_787] : memref<200x8x32x8x128xf32, #tpu.memory_space<hbm>> -> memref<1x8x1x8x128xf32, #tpu.memory_space<hbm>>
      %dma_start3A_789 = arith.constant 0 : i32
      %dma_start3A_790 = arith.constant 0 : i32
      %dma_start3A_791 = arith.constant 0 : i32
      %dma_start3A_792 = arith.constant 0 : i32
      %dma_start3A_793 = arith.constant 0 : i32
      %dma_start3A_794 = tpu.memref_slice %arg10[%dma_start3A_789, %dma_start3A_790, %dma_start3A_791, %dma_start3A_792, %dma_start3A_793] : memref<1x8x1x8x129xf32, #tpu.memory_space<vmem>> -> memref<1x8x1x8x128xf32, #tpu.memory_space<vmem>>
      tpu.enqueue_dma source(%dma_start3A_794 : memref<1x8x1x8x128xf32, #tpu.memory_space<vmem>>) target(%dma_start3A_788 : memref<1x8x1x8x128xf32, #tpu.memory_space<hbm>>) target_semaphore(%arg18 : memref<!tpu.dma_semaphore, #tpu.memory_space<semaphore_mem>>)
      %add3A_795 = arith.constant 4 : i32
      %add3A_796 = arith.addi %add3A_740, %add3A_795 : i32
      %dma_start3A_797 = arith.constant 0 : i32
      %dma_start3A_798 = tpu.memref_slice %arg5[%add3A_796, %dma_start3A_797] : memref<200x128xi32, #tpu.memory_space<vmem>> -> memref<1x128xi32, #tpu.memory_space<vmem>>
      %dma_start3A_799 = tpu.memref_squeeze %dma_start3A_798 : memref<1x128xi32, #tpu.memory_space<vmem>> -> memref<128xi32, #tpu.memory_space<vmem>>
      %dma_start3A_800 = arith.constant 0 : i32
      %dma_start3A_801 = arith.constant 0 : i32
      %dma_start3A_802 = tpu.memref_slice %arg2[%dma_start3A_800, %dma_start3A_801] : memref<1000000x128xf32, #tpu.memory_space<hbm>> -> memref<1000000x128xf32, #tpu.memory_space<hbm>>
      tpu.enqueue_indirect_dma source(%dma_start3A_802 : memref<1000000x128xf32, #tpu.memory_space<hbm>>) target(%arg6 : memref<128x128xf32, #tpu.memory_space<vmem>>) offsets(%dma_start3A_799 : memref<128xi32, #tpu.memory_space<vmem>>) semaphore(%arg14 : memref<!tpu.dma_semaphore, #tpu.memory_space<semaphore_mem>>)
      %mul3A_803 = arith.constant 4 : i32
      %mul3A_804 = arith.muli %scan3A_736, %mul3A_803 : i32
      %add3A_805 = arith.constant 1 : i32
      %add3A_806 = arith.addi %mul3A_804, %add3A_805 : i32
      %dma_wait3A_807 = arith.constant 0 : i32
      %dma_wait3A_808 = arith.constant 0 : i32
      %dma_wait3A_809 = tpu.memref_slice %arg5[%dma_wait3A_807, %dma_wait3A_808] : memref<200x128xi32, #tpu.memory_space<vmem>> -> memref<1x128xi32, #tpu.memory_space<vmem>>
      %dma_wait3A_810 = tpu.memref_squeeze %dma_wait3A_809 : memref<1x128xi32, #tpu.memory_space<vmem>> -> memref<128xi32, #tpu.memory_space<vmem>>
      %dma_wait3A_811 = arith.constant 0 : i32
      %dma_wait3A_812 = arith.constant 0 : i32
      %dma_wait3A_813 = tpu.memref_slice %arg2[%dma_wait3A_811, %dma_wait3A_812] : memref<1000000x128xf32, #tpu.memory_space<hbm>> -> memref<1000000x128xf32, #tpu.memory_space<hbm>>
      tpu.wait_indirect_dma semaphore(%arg15 : memref<!tpu.dma_semaphore, #tpu.memory_space<semaphore_mem>>) src(%dma_wait3A_813 : memref<1000000x128xf32, #tpu.memory_space<hbm>>) dst(%arg7 : memref<128x128xf32, #tpu.memory_space<vmem>>)
      %dma_wait3A_814 = arith.constant 0 : i32
      %dma_wait3A_815 = arith.constant 0 : i32
      %dma_wait3A_816 = arith.constant 0 : i32
      %dma_wait3A_817 = arith.constant 0 : i32
      %dma_wait3A_818 = arith.constant 0 : i32
      %dma_wait3A_819 = tpu.memref_slice %arg11[%dma_wait3A_814, %dma_wait3A_815, %dma_wait3A_816, %dma_wait3A_817, %dma_wait3A_818] : memref<1x8x1x8x129xf32, #tpu.memory_space<vmem>> -> memref<1x8x1x8x128xf32, #tpu.memory_space<vmem>>
      %dma_wait3A_820 = arith.constant 0 : i32
      %dma_wait3A_821 = arith.constant 0 : i32
      %dma_wait3A_822 = arith.constant 0 : i32
      %dma_wait3A_823 = arith.constant 0 : i32
      %dma_wait3A_824 = arith.constant 0 : i32
      %dma_wait3A_825 = tpu.memref_slice %arg4[%dma_wait3A_820, %dma_wait3A_821, %dma_wait3A_822, %dma_wait3A_823, %dma_wait3A_824] : memref<200x8x32x8x128xf32, #tpu.memory_space<hbm>> -> memref<1x8x1x8x128xf32, #tpu.memory_space<hbm>>
      %dma_wait3A_826 = arith.constant 0 : i32
      %dma_wait3A_827 = arith.constant 0 : i32
      %dma_wait3A_828 = arith.constant 0 : i32
      %dma_wait3A_829 = arith.constant 0 : i32
      %dma_wait3A_830 = arith.constant 0 : i32
      %dma_wait3A_831 = tpu.memref_slice %arg4[%dma_wait3A_826, %dma_wait3A_827, %dma_wait3A_828, %dma_wait3A_829, %dma_wait3A_830] : memref<200x8x32x8x128xf32, #tpu.memory_space<hbm>> -> memref<1x8x1x8x128xf32, #tpu.memory_space<hbm>>
      %dma_wait3A_832 = arith.constant 0 : i32
      %dma_wait3A_833 = arith.constant 0 : i32
      %dma_wait3A_834 = arith.constant 0 : i32
      %dma_wait3A_835 = arith.constant 0 : i32
      %dma_wait3A_836 = arith.constant 0 : i32
      %dma_wait3A_837 = tpu.memref_slice %arg11[%dma_wait3A_832, %dma_wait3A_833, %dma_wait3A_834, %dma_wait3A_835, %dma_wait3A_836] : memref<1x8x1x8x129xf32, #tpu.memory_space<vmem>> -> memref<1x8x1x8x128xf32, #tpu.memory_space<vmem>>
      tpu.wait_dma2 semaphore(%arg19 : memref<!tpu.dma_semaphore, #tpu.memory_space<semaphore_mem>>) src(%dma_wait3A_837 : memref<1x8x1x8x128xf32, #tpu.memory_space<vmem>>) dst(%dma_wait3A_831 : memref<1x8x1x8x128xf32, #tpu.memory_space<hbm>>)
      %parallel_loop3A_838 = arith.constant 0 : i32
      %parallel_loop3A_839 = arith.constant 128 : i32
      %parallel_loop3A_840 = arith.constant 1 : i32
      scf.for %parallel_loop3A_1001 = %parallel_loop3A_838 to %parallel_loop3A_839 step %parallel_loop3A_840  : i32 {
        %parallel_loop3A_1002 = vector.broadcast %parallel_loop3A_1001 : i32 to vector<16xi32>
        %parallel_loop3A_1003 = arith.index_cast %parallel_loop3A_1001 : i32 to index
        %parallel_loop3A_1004 = arith.constant 0 : index
        %parallel_loop3A_1005 = tpu.vector_load %arg7[%parallel_loop3A_1003, %parallel_loop3A_1004] {strides = array<i32>} : memref<128x128xf32, #tpu.memory_space<vmem>>, vector<16xf32>,
        %parallel_loop3A_1006 = arith.constant 8.000000e+00 : f32
        %parallel_loop3A_1007 = vector.broadcast %parallel_loop3A_1006 : f32 to vector<16xf32>
        %parallel_loop3A_1008 = arith.mulf %parallel_loop3A_1005, %parallel_loop3A_1007 : vector<16xf32>
        tpu.vector_store_idx %arg11[%broadcast_in_dim3A_3, %select_n3A, %broadcast_in_dim3A_3, %select_n3A_154, %parallel_loop3A_1002], %parallel_loop3A_1008 : memref<1x8x1x8x129xf32, #tpu.memory_space<vmem>>[vector<16xi32>, vector<16xi32>, vector<16xi32>, vector<16xi32>, vector<16xi32>], vector<16xf32>,
        %parallel_loop3A_1009 = arith.index_cast %parallel_loop3A_1001 : i32 to index
        %parallel_loop3A_1010 = arith.constant 16 : index
        %parallel_loop3A_1011 = tpu.vector_load %arg7[%parallel_loop3A_1009, %parallel_loop3A_1010] {strides = array<i32>} : memref<128x128xf32, #tpu.memory_space<vmem>>, vector<16xf32>,
        %parallel_loop3A_1012 = arith.constant 8.000000e+00 : f32
        %parallel_loop3A_1013 = vector.broadcast %parallel_loop3A_1012 : f32 to vector<16xf32>
        %parallel_loop3A_1014 = arith.mulf %parallel_loop3A_1011, %parallel_loop3A_1013 : vector<16xf32>
        tpu.vector_store_idx %arg11[%broadcast_in_dim3A_3, %select_n3A_63, %broadcast_in_dim3A_3, %select_n3A_179, %parallel_loop3A_1002], %parallel_loop3A_1014 : memref<1x8x1x8x129xf32, #tpu.memory_space<vmem>>[vector<16xi32>, vector<16xi32>, vector<16xi32>, vector<16xi32>, vector<16xi32>], vector<16xf32>,
        %parallel_loop3A_1015 = arith.index_cast %parallel_loop3A_1001 : i32 to index
        %parallel_loop3A_1016 = arith.constant 32 : index
        %parallel_loop3A_1017 = tpu.vector_load %arg7[%parallel_loop3A_1015, %parallel_loop3A_1016] {strides = array<i32>} : memref<128x128xf32, #tpu.memory_space<vmem>>, vector<16xf32>,
        %parallel_loop3A_1018 = arith.constant 8.000000e+00 : f32
        %parallel_loop3A_1019 = vector.broadcast %parallel_loop3A_1018 : f32 to vector<16xf32>
        %parallel_loop3A_1020 = arith.mulf %parallel_loop3A_1017, %parallel_loop3A_1019 : vector<16xf32>
        tpu.vector_store_idx %arg11[%broadcast_in_dim3A_3, %select_n3A_97, %broadcast_in_dim3A_3, %select_n3A_204, %parallel_loop3A_1002], %parallel_loop3A_1020 : memref<1x8x1x8x129xf32, #tpu.memory_space<vmem>>[vector<16xi32>, vector<16xi32>, vector<16xi32>, vector<16xi32>, vector<16xi32>], vector<16xf32>,
        %parallel_loop3A_1021 = arith.index_cast %parallel_loop3A_1001 : i32 to index
        %parallel_loop3A_1022 = arith.constant 48 : index
        %parallel_loop3A_1023 = tpu.vector_load %arg7[%parallel_loop3A_1021, %parallel_loop3A_1022] {strides = array<i32>} : memref<128x128xf32, #tpu.memory_space<vmem>>, vector<16xf32>,
        %parallel_loop3A_1024 = arith.constant 8.000000e+00 : f32
        %parallel_loop3A_1025 = vector.broadcast %parallel_loop3A_1024 : f32 to vector<16xf32>
        %parallel_loop3A_1026 = arith.mulf %parallel_loop3A_1023, %parallel_loop3A_1025 : vector<16xf32>
        tpu.vector_store_idx %arg11[%broadcast_in_dim3A_3, %select_n3A_131, %broadcast_in_dim3A_3, %select_n3A_229, %parallel_loop3A_1002], %parallel_loop3A_1026 : memref<1x8x1x8x129xf32, #tpu.memory_space<vmem>>[vector<16xi32>, vector<16xi32>, vector<16xi32>, vector<16xi32>, vector<16xi32>], vector<16xf32>,
      } {sc.loop_unroll_factor = 4 : i64, sc.parallel_access}
      %dma_start3A_841 = arith.constant 0 : i32
      %dma_start3A_842 = arith.constant 0 : i32
      %dma_start3A_843 = arith.constant 0 : i32
      %dma_start3A_844 = arith.constant 0 : i32
      %dma_start3A_845 = arith.constant 0 : i32
      %dma_start3A_846 = tpu.memref_slice %arg11[%dma_start3A_841, %dma_start3A_842, %dma_start3A_843, %dma_start3A_844, %dma_start3A_845] : memref<1x8x1x8x129xf32, #tpu.memory_space<vmem>> -> memref<1x8x1x8x128xf32, #tpu.memory_space<vmem>>
      %dma_start3A_847 = arith.constant 0 : i32
      %dma_start3A_848 = arith.constant 0 : i32
      %dma_start3A_849 = arith.constant 0 : i32
      %dma_start3A_850 = tpu.memref_slice %arg4[%add3A_806, %dma_start3A_847, %add3A, %dma_start3A_848, %dma_start3A_849] : memref<200x8x32x8x128xf32, #tpu.memory_space<hbm>> -> memref<1x8x1x8x128xf32, #tpu.memory_space<hbm>>
      %dma_start3A_851 = arith.constant 0 : i32
      %dma_start3A_852 = arith.constant 0 : i32
      %dma_start3A_853 = arith.constant 0 : i32
      %dma_start3A_854 = tpu.memref_slice %arg4[%add3A_806, %dma_start3A_851, %add3A, %dma_start3A_852, %dma_start3A_853] : memref<200x8x32x8x128xf32, #tpu.memory_space<hbm>> -> memref<1x8x1x8x128xf32, #tpu.memory_space<hbm>>
      %dma_start3A_855 = arith.constant 0 : i32
      %dma_start3A_856 = arith.constant 0 : i32
      %dma_start3A_857 = arith.constant 0 : i32
      %dma_start3A_858 = arith.constant 0 : i32
      %dma_start3A_859 = arith.constant 0 : i32
      %dma_start3A_860 = tpu.memref_slice %arg11[%dma_start3A_855, %dma_start3A_856, %dma_start3A_857, %dma_start3A_858, %dma_start3A_859] : memref<1x8x1x8x129xf32, #tpu.memory_space<vmem>> -> memref<1x8x1x8x128xf32, #tpu.memory_space<vmem>>
      tpu.enqueue_dma source(%dma_start3A_860 : memref<1x8x1x8x128xf32, #tpu.memory_space<vmem>>) target(%dma_start3A_854 : memref<1x8x1x8x128xf32, #tpu.memory_space<hbm>>) target_semaphore(%arg19 : memref<!tpu.dma_semaphore, #tpu.memory_space<semaphore_mem>>)
      %add3A_861 = arith.constant 4 : i32
      %add3A_862 = arith.addi %add3A_806, %add3A_861 : i32
      %dma_start3A_863 = arith.constant 0 : i32
      %dma_start3A_864 = tpu.memref_slice %arg5[%add3A_862, %dma_start3A_863] : memref<200x128xi32, #tpu.memory_space<vmem>> -> memref<1x128xi32, #tpu.memory_space<vmem>>
      %dma_start3A_865 = tpu.memref_squeeze %dma_start3A_864 : memref<1x128xi32, #tpu.memory_space<vmem>> -> memref<128xi32, #tpu.memory_space<vmem>>
      %dma_start3A_866 = arith.constant 0 : i32
      %dma_start3A_867 = arith.constant 0 : i32
      %dma_start3A_868 = tpu.memref_slice %arg2[%dma_start3A_866, %dma_start3A_867] : memref<1000000x128xf32, #tpu.memory_space<hbm>> -> memref<1000000x128xf32, #tpu.memory_space<hbm>>
      tpu.enqueue_indirect_dma source(%dma_start3A_868 : memref<1000000x128xf32, #tpu.memory_space<hbm>>) target(%arg7 : memref<128x128xf32, #tpu.memory_space<vmem>>) offsets(%dma_start3A_865 : memref<128xi32, #tpu.memory_space<vmem>>) semaphore(%arg15 : memref<!tpu.dma_semaphore, #tpu.memory_space<semaphore_mem>>)
      %mul3A_869 = arith.constant 4 : i32
      %mul3A_870 = arith.muli %scan3A_736, %mul3A_869 : i32
      %add3A_871 = arith.constant 2 : i32
      %add3A_872 = arith.addi %mul3A_870, %add3A_871 : i32
      %dma_wait3A_873 = arith.constant 0 : i32
      %dma_wait3A_874 = arith.constant 0 : i32
      %dma_wait3A_875 = tpu.memref_slice %arg5[%dma_wait3A_873, %dma_wait3A_874] : memref<200x128xi32, #tpu.memory_space<vmem>> -> memref<1x128xi32, #tpu.memory_space<vmem>>
      %dma_wait3A_876 = tpu.memref_squeeze %dma_wait3A_875 : memref<1x128xi32, #tpu.memory_space<vmem>> -> memref<128xi32, #tpu.memory_space<vmem>>
      %dma_wait3A_877 = arith.constant 0 : i32
      %dma_wait3A_878 = arith.constant 0 : i32
      %dma_wait3A_879 = tpu.memref_slice %arg2[%dma_wait3A_877, %dma_wait3A_878] : memref<1000000x128xf32, #tpu.memory_space<hbm>> -> memref<1000000x128xf32, #tpu.memory_space<hbm>>
      tpu.wait_indirect_dma semaphore(%arg16 : memref<!tpu.dma_semaphore, #tpu.memory_space<semaphore_mem>>) src(%dma_wait3A_879 : memref<1000000x128xf32, #tpu.memory_space<hbm>>) dst(%arg8 : memref<128x128xf32, #tpu.memory_space<vmem>>)
      %dma_wait3A_880 = arith.constant 0 : i32
      %dma_wait3A_881 = arith.constant 0 : i32
      %dma_wait3A_882 = arith.constant 0 : i32
      %dma_wait3A_883 = arith.constant 0 : i32
      %dma_wait3A_884 = arith.constant 0 : i32
      %dma_wait3A_885 = tpu.memref_slice %arg12[%dma_wait3A_880, %dma_wait3A_881, %dma_wait3A_882, %dma_wait3A_883, %dma_wait3A_884] : memref<1x8x1x8x129xf32, #tpu.memory_space<vmem>> -> memref<1x8x1x8x128xf32, #tpu.memory_space<vmem>>
      %dma_wait3A_886 = arith.constant 0 : i32
      %dma_wait3A_887 = arith.constant 0 : i32
      %dma_wait3A_888 = arith.constant 0 : i32
      %dma_wait3A_889 = arith.constant 0 : i32
      %dma_wait3A_890 = arith.constant 0 : i32
      %dma_wait3A_891 = tpu.memref_slice %arg4[%dma_wait3A_886, %dma_wait3A_887, %dma_wait3A_888, %dma_wait3A_889, %dma_wait3A_890] : memref<200x8x32x8x128xf32, #tpu.memory_space<hbm>> -> memref<1x8x1x8x128xf32, #tpu.memory_space<hbm>>
      %dma_wait3A_892 = arith.constant 0 : i32
      %dma_wait3A_893 = arith.constant 0 : i32
      %dma_wait3A_894 = arith.constant 0 : i32
      %dma_wait3A_895 = arith.constant 0 : i32
      %dma_wait3A_896 = arith.constant 0 : i32
      %dma_wait3A_897 = tpu.memref_slice %arg4[%dma_wait3A_892, %dma_wait3A_893, %dma_wait3A_894, %dma_wait3A_895, %dma_wait3A_896] : memref<200x8x32x8x128xf32, #tpu.memory_space<hbm>> -> memref<1x8x1x8x128xf32, #tpu.memory_space<hbm>>
      %dma_wait3A_898 = arith.constant 0 : i32
      %dma_wait3A_899 = arith.constant 0 : i32
      %dma_wait3A_900 = arith.constant 0 : i32
      %dma_wait3A_901 = arith.constant 0 : i32
      %dma_wait3A_902 = arith.constant 0 : i32
      %dma_wait3A_903 = tpu.memref_slice %arg12[%dma_wait3A_898, %dma_wait3A_899, %dma_wait3A_900, %dma_wait3A_901, %dma_wait3A_902] : memref<1x8x1x8x129xf32, #tpu.memory_space<vmem>> -> memref<1x8x1x8x128xf32, #tpu.memory_space<vmem>>
      tpu.wait_dma2 semaphore(%arg20 : memref<!tpu.dma_semaphore, #tpu.memory_space<semaphore_mem>>) src(%dma_wait3A_903 : memref<1x8x1x8x128xf32, #tpu.memory_space<vmem>>) dst(%dma_wait3A_897 : memref<1x8x1x8x128xf32, #tpu.memory_space<hbm>>)
      %parallel_loop3A_904 = arith.constant 0 : i32
      %parallel_loop3A_905 = arith.constant 128 : i32
      %parallel_loop3A_906 = arith.constant 1 : i32
      scf.for %parallel_loop3A_1001 = %parallel_loop3A_904 to %parallel_loop3A_905 step %parallel_loop3A_906  : i32 {
        %parallel_loop3A_1002 = vector.broadcast %parallel_loop3A_1001 : i32 to vector<16xi32>
        %parallel_loop3A_1003 = arith.index_cast %parallel_loop3A_1001 : i32 to index
        %parallel_loop3A_1004 = arith.constant 0 : index
        %parallel_loop3A_1005 = tpu.vector_load %arg8[%parallel_loop3A_1003, %parallel_loop3A_1004] {strides = array<i32>} : memref<128x128xf32, #tpu.memory_space<vmem>>, vector<16xf32>,
        %parallel_loop3A_1006 = arith.constant 8.000000e+00 : f32
        %parallel_loop3A_1007 = vector.broadcast %parallel_loop3A_1006 : f32 to vector<16xf32>
        %parallel_loop3A_1008 = arith.mulf %parallel_loop3A_1005, %parallel_loop3A_1007 : vector<16xf32>
        tpu.vector_store_idx %arg12[%broadcast_in_dim3A_3, %select_n3A, %broadcast_in_dim3A_3, %select_n3A_154, %parallel_loop3A_1002], %parallel_loop3A_1008 : memref<1x8x1x8x129xf32, #tpu.memory_space<vmem>>[vector<16xi32>, vector<16xi32>, vector<16xi32>, vector<16xi32>, vector<16xi32>], vector<16xf32>,
        %parallel_loop3A_1009 = arith.index_cast %parallel_loop3A_1001 : i32 to index
        %parallel_loop3A_1010 = arith.constant 16 : index
        %parallel_loop3A_1011 = tpu.vector_load %arg8[%parallel_loop3A_1009, %parallel_loop3A_1010] {strides = array<i32>} : memref<128x128xf32, #tpu.memory_space<vmem>>, vector<16xf32>,
        %parallel_loop3A_1012 = arith.constant 8.000000e+00 : f32
        %parallel_loop3A_1013 = vector.broadcast %parallel_loop3A_1012 : f32 to vector<16xf32>
        %parallel_loop3A_1014 = arith.mulf %parallel_loop3A_1011, %parallel_loop3A_1013 : vector<16xf32>
        tpu.vector_store_idx %arg12[%broadcast_in_dim3A_3, %select_n3A_63, %broadcast_in_dim3A_3, %select_n3A_179, %parallel_loop3A_1002], %parallel_loop3A_1014 : memref<1x8x1x8x129xf32, #tpu.memory_space<vmem>>[vector<16xi32>, vector<16xi32>, vector<16xi32>, vector<16xi32>, vector<16xi32>], vector<16xf32>,
        %parallel_loop3A_1015 = arith.index_cast %parallel_loop3A_1001 : i32 to index
        %parallel_loop3A_1016 = arith.constant 32 : index
        %parallel_loop3A_1017 = tpu.vector_load %arg8[%parallel_loop3A_1015, %parallel_loop3A_1016] {strides = array<i32>} : memref<128x128xf32, #tpu.memory_space<vmem>>, vector<16xf32>,
        %parallel_loop3A_1018 = arith.constant 8.000000e+00 : f32
        %parallel_loop3A_1019 = vector.broadcast %parallel_loop3A_1018 : f32 to vector<16xf32>
        %parallel_loop3A_1020 = arith.mulf %parallel_loop3A_1017, %parallel_loop3A_1019 : vector<16xf32>
        tpu.vector_store_idx %arg12[%broadcast_in_dim3A_3, %select_n3A_97, %broadcast_in_dim3A_3, %select_n3A_204, %parallel_loop3A_1002], %parallel_loop3A_1020 : memref<1x8x1x8x129xf32, #tpu.memory_space<vmem>>[vector<16xi32>, vector<16xi32>, vector<16xi32>, vector<16xi32>, vector<16xi32>], vector<16xf32>,
        %parallel_loop3A_1021 = arith.index_cast %parallel_loop3A_1001 : i32 to index
        %parallel_loop3A_1022 = arith.constant 48 : index
        %parallel_loop3A_1023 = tpu.vector_load %arg8[%parallel_loop3A_1021, %parallel_loop3A_1022] {strides = array<i32>} : memref<128x128xf32, #tpu.memory_space<vmem>>, vector<16xf32>,
        %parallel_loop3A_1024 = arith.constant 8.000000e+00 : f32
        %parallel_loop3A_1025 = vector.broadcast %parallel_loop3A_1024 : f32 to vector<16xf32>
        %parallel_loop3A_1026 = arith.mulf %parallel_loop3A_1023, %parallel_loop3A_1025 : vector<16xf32>
        tpu.vector_store_idx %arg12[%broadcast_in_dim3A_3, %select_n3A_131, %broadcast_in_dim3A_3, %select_n3A_229, %parallel_loop3A_1002], %parallel_loop3A_1026 : memref<1x8x1x8x129xf32, #tpu.memory_space<vmem>>[vector<16xi32>, vector<16xi32>, vector<16xi32>, vector<16xi32>, vector<16xi32>], vector<16xf32>,
      } {sc.loop_unroll_factor = 4 : i64, sc.parallel_access}
      %dma_start3A_907 = arith.constant 0 : i32
      %dma_start3A_908 = arith.constant 0 : i32
      %dma_start3A_909 = arith.constant 0 : i32
      %dma_start3A_910 = arith.constant 0 : i32
      %dma_start3A_911 = arith.constant 0 : i32
      %dma_start3A_912 = tpu.memref_slice %arg12[%dma_start3A_907, %dma_start3A_908, %dma_start3A_909, %dma_start3A_910, %dma_start3A_911] : memref<1x8x1x8x129xf32, #tpu.memory_space<vmem>> -> memref<1x8x1x8x128xf32, #tpu.memory_space<vmem>>
      %dma_start3A_913 = arith.constant 0 : i32
      %dma_start3A_914 = arith.constant 0 : i32
      %dma_start3A_915 = arith.constant 0 : i32
      %dma_start3A_916 = tpu.memref_slice %arg4[%add3A_872, %dma_start3A_913, %add3A, %dma_start3A_914, %dma_start3A_915] : memref<200x8x32x8x128xf32, #tpu.memory_space<hbm>> -> memref<1x8x1x8x128xf32, #tpu.memory_space<hbm>>
      %dma_start3A_917 = arith.constant 0 : i32
      %dma_start3A_918 = arith.constant 0 : i32
      %dma_start3A_919 = arith.constant 0 : i32
      %dma_start3A_920 = tpu.memref_slice %arg4[%add3A_872, %dma_start3A_917, %add3A, %dma_start3A_918, %dma_start3A_919] : memref<200x8x32x8x128xf32, #tpu.memory_space<hbm>> -> memref<1x8x1x8x128xf32, #tpu.memory_space<hbm>>
      %dma_start3A_921 = arith.constant 0 : i32
      %dma_start3A_922 = arith.constant 0 : i32
      %dma_start3A_923 = arith.constant 0 : i32
      %dma_start3A_924 = arith.constant 0 : i32
      %dma_start3A_925 = arith.constant 0 : i32
      %dma_start3A_926 = tpu.memref_slice %arg12[%dma_start3A_921, %dma_start3A_922, %dma_start3A_923, %dma_start3A_924, %dma_start3A_925] : memref<1x8x1x8x129xf32, #tpu.memory_space<vmem>> -> memref<1x8x1x8x128xf32, #tpu.memory_space<vmem>>
      tpu.enqueue_dma source(%dma_start3A_926 : memref<1x8x1x8x128xf32, #tpu.memory_space<vmem>>) target(%dma_start3A_920 : memref<1x8x1x8x128xf32, #tpu.memory_space<hbm>>) target_semaphore(%arg20 : memref<!tpu.dma_semaphore, #tpu.memory_space<semaphore_mem>>)
      %add3A_927 = arith.constant 4 : i32
      %add3A_928 = arith.addi %add3A_872, %add3A_927 : i32
      %dma_start3A_929 = arith.constant 0 : i32
      %dma_start3A_930 = tpu.memref_slice %arg5[%add3A_928, %dma_start3A_929] : memref<200x128xi32, #tpu.memory_space<vmem>> -> memref<1x128xi32, #tpu.memory_space<vmem>>
      %dma_start3A_931 = tpu.memref_squeeze %dma_start3A_930 : memref<1x128xi32, #tpu.memory_space<vmem>> -> memref<128xi32, #tpu.memory_space<vmem>>
      %dma_start3A_932 = arith.constant 0 : i32
      %dma_start3A_933 = arith.constant 0 : i32
      %dma_start3A_934 = tpu.memref_slice %arg2[%dma_start3A_932, %dma_start3A_933] : memref<1000000x128xf32, #tpu.memory_space<hbm>> -> memref<1000000x128xf32, #tpu.memory_space<hbm>>
      tpu.enqueue_indirect_dma source(%dma_start3A_934 : memref<1000000x128xf32, #tpu.memory_space<hbm>>) target(%arg8 : memref<128x128xf32, #tpu.memory_space<vmem>>) offsets(%dma_start3A_931 : memref<128xi32, #tpu.memory_space<vmem>>) semaphore(%arg16 : memref<!tpu.dma_semaphore, #tpu.memory_space<semaphore_mem>>)
      %mul3A_935 = arith.constant 4 : i32
      %mul3A_936 = arith.muli %scan3A_736, %mul3A_935 : i32
      %add3A_937 = arith.constant 3 : i32
      %add3A_938 = arith.addi %mul3A_936, %add3A_937 : i32
      %dma_wait3A_939 = arith.constant 0 : i32
      %dma_wait3A_940 = arith.constant 0 : i32
      %dma_wait3A_941 = tpu.memref_slice %arg5[%dma_wait3A_939, %dma_wait3A_940] : memref<200x128xi32, #tpu.memory_space<vmem>> -> memref<1x128xi32, #tpu.memory_space<vmem>>
      %dma_wait3A_942 = tpu.memref_squeeze %dma_wait3A_941 : memref<1x128xi32, #tpu.memory_space<vmem>> -> memref<128xi32, #tpu.memory_space<vmem>>
      %dma_wait3A_943 = arith.constant 0 : i32
      %dma_wait3A_944 = arith.constant 0 : i32
      %dma_wait3A_945 = tpu.memref_slice %arg2[%dma_wait3A_943, %dma_wait3A_944] : memref<1000000x128xf32, #tpu.memory_space<hbm>> -> memref<1000000x128xf32, #tpu.memory_space<hbm>>
      tpu.wait_indirect_dma semaphore(%arg17 : memref<!tpu.dma_semaphore, #tpu.memory_space<semaphore_mem>>) src(%dma_wait3A_945 : memref<1000000x128xf32, #tpu.memory_space<hbm>>) dst(%arg9 : memref<128x128xf32, #tpu.memory_space<vmem>>)
      %dma_wait3A_946 = arith.constant 0 : i32
      %dma_wait3A_947 = arith.constant 0 : i32
      %dma_wait3A_948 = arith.constant 0 : i32
      %dma_wait3A_949 = arith.constant 0 : i32
      %dma_wait3A_950 = arith.constant 0 : i32
      %dma_wait3A_951 = tpu.memref_slice %arg13[%dma_wait3A_946, %dma_wait3A_947, %dma_wait3A_948, %dma_wait3A_949, %dma_wait3A_950] : memref<1x8x1x8x129xf32, #tpu.memory_space<vmem>> -> memref<1x8x1x8x128xf32, #tpu.memory_space<vmem>>
      %dma_wait3A_952 = arith.constant 0 : i32
      %dma_wait3A_953 = arith.constant 0 : i32
      %dma_wait3A_954 = arith.constant 0 : i32
      %dma_wait3A_955 = arith.constant 0 : i32
      %dma_wait3A_956 = arith.constant 0 : i32
      %dma_wait3A_957 = tpu.memref_slice %arg4[%dma_wait3A_952, %dma_wait3A_953, %dma_wait3A_954, %dma_wait3A_955, %dma_wait3A_956] : memref<200x8x32x8x128xf32, #tpu.memory_space<hbm>> -> memref<1x8x1x8x128xf32, #tpu.memory_space<hbm>>
      %dma_wait3A_958 = arith.constant 0 : i32
      %dma_wait3A_959 = arith.constant 0 : i32
      %dma_wait3A_960 = arith.constant 0 : i32
      %dma_wait3A_961 = arith.constant 0 : i32
      %dma_wait3A_962 = arith.constant 0 : i32
      %dma_wait3A_963 = tpu.memref_slice %arg4[%dma_wait3A_958, %dma_wait3A_959, %dma_wait3A_960, %dma_wait3A_961, %dma_wait3A_962] : memref<200x8x32x8x128xf32, #tpu.memory_space<hbm>> -> memref<1x8x1x8x128xf32, #tpu.memory_space<hbm>>
      %dma_wait3A_964 = arith.constant 0 : i32
      %dma_wait3A_965 = arith.constant 0 : i32
      %dma_wait3A_966 = arith.constant 0 : i32
      %dma_wait3A_967 = arith.constant 0 : i32
      %dma_wait3A_968 = arith.constant 0 : i32
      %dma_wait3A_969 = tpu.memref_slice %arg13[%dma_wait3A_964, %dma_wait3A_965, %dma_wait3A_966, %dma_wait3A_967, %dma_wait3A_968] : memref<1x8x1x8x129xf32, #tpu.memory_space<vmem>> -> memref<1x8x1x8x128xf32, #tpu.memory_space<vmem>>
      tpu.wait_dma2 semaphore(%arg21 : memref<!tpu.dma_semaphore, #tpu.memory_space<semaphore_mem>>) src(%dma_wait3A_969 : memref<1x8x1x8x128xf32, #tpu.memory_space<vmem>>) dst(%dma_wait3A_963 : memref<1x8x1x8x128xf32, #tpu.memory_space<hbm>>)
      %parallel_loop3A_970 = arith.constant 0 : i32
      %parallel_loop3A_971 = arith.constant 128 : i32
      %parallel_loop3A_972 = arith.constant 1 : i32
      scf.for %parallel_loop3A_1001 = %parallel_loop3A_970 to %parallel_loop3A_971 step %parallel_loop3A_972  : i32 {
        %parallel_loop3A_1002 = vector.broadcast %parallel_loop3A_1001 : i32 to vector<16xi32>
        %parallel_loop3A_1003 = arith.index_cast %parallel_loop3A_1001 : i32 to index
        %parallel_loop3A_1004 = arith.constant 0 : index
        %parallel_loop3A_1005 = tpu.vector_load %arg9[%parallel_loop3A_1003, %parallel_loop3A_1004] {strides = array<i32>} : memref<128x128xf32, #tpu.memory_space<vmem>>, vector<16xf32>,
        %parallel_loop3A_1006 = arith.constant 8.000000e+00 : f32
        %parallel_loop3A_1007 = vector.broadcast %parallel_loop3A_1006 : f32 to vector<16xf32>
        %parallel_loop3A_1008 = arith.mulf %parallel_loop3A_1005, %parallel_loop3A_1007 : vector<16xf32>
        tpu.vector_store_idx %arg13[%broadcast_in_dim3A_3, %select_n3A, %broadcast_in_dim3A_3, %select_n3A_154, %parallel_loop3A_1002], %parallel_loop3A_1008 : memref<1x8x1x8x129xf32, #tpu.memory_space<vmem>>[vector<16xi32>, vector<16xi32>, vector<16xi32>, vector<16xi32>, vector<16xi32>], vector<16xf32>,
        %parallel_loop3A_1009 = arith.index_cast %parallel_loop3A_1001 : i32 to index
        %parallel_loop3A_1010 = arith.constant 16 : index
        %parallel_loop3A_1011 = tpu.vector_load %arg9[%parallel_loop3A_1009, %parallel_loop3A_1010] {strides = array<i32>} : memref<128x128xf32, #tpu.memory_space<vmem>>, vector<16xf32>,
        %parallel_loop3A_1012 = arith.constant 8.000000e+00 : f32
        %parallel_loop3A_1013 = vector.broadcast %parallel_loop3A_1012 : f32 to vector<16xf32>
        %parallel_loop3A_1014 = arith.mulf %parallel_loop3A_1011, %parallel_loop3A_1013 : vector<16xf32>
        tpu.vector_store_idx %arg13[%broadcast_in_dim3A_3, %select_n3A_63, %broadcast_in_dim3A_3, %select_n3A_179, %parallel_loop3A_1002], %parallel_loop3A_1014 : memref<1x8x1x8x129xf32, #tpu.memory_space<vmem>>[vector<16xi32>, vector<16xi32>, vector<16xi32>, vector<16xi32>, vector<16xi32>], vector<16xf32>,
        %parallel_loop3A_1015 = arith.index_cast %parallel_loop3A_1001 : i32 to index
        %parallel_loop3A_1016 = arith.constant 32 : index
        %parallel_loop3A_1017 = tpu.vector_load %arg9[%parallel_loop3A_1015, %parallel_loop3A_1016] {strides = array<i32>} : memref<128x128xf32, #tpu.memory_space<vmem>>, vector<16xf32>,
        %parallel_loop3A_1018 = arith.constant 8.000000e+00 : f32
        %parallel_loop3A_1019 = vector.broadcast %parallel_loop3A_1018 : f32 to vector<16xf32>
        %parallel_loop3A_1020 = arith.mulf %parallel_loop3A_1017, %parallel_loop3A_1019 : vector<16xf32>
        tpu.vector_store_idx %arg13[%broadcast_in_dim3A_3, %select_n3A_97, %broadcast_in_dim3A_3, %select_n3A_204, %parallel_loop3A_1002], %parallel_loop3A_1020 : memref<1x8x1x8x129xf32, #tpu.memory_space<vmem>>[vector<16xi32>, vector<16xi32>, vector<16xi32>, vector<16xi32>, vector<16xi32>], vector<16xf32>,
        %parallel_loop3A_1021 = arith.index_cast %parallel_loop3A_1001 : i32 to index
        %parallel_loop3A_1022 = arith.constant 48 : index
        %parallel_loop3A_1023 = tpu.vector_load %arg9[%parallel_loop3A_1021, %parallel_loop3A_1022] {strides = array<i32>} : memref<128x128xf32, #tpu.memory_space<vmem>>, vector<16xf32>,
        %parallel_loop3A_1024 = arith.constant 8.000000e+00 : f32
        %parallel_loop3A_1025 = vector.broadcast %parallel_loop3A_1024 : f32 to vector<16xf32>
        %parallel_loop3A_1026 = arith.mulf %parallel_loop3A_1023, %parallel_loop3A_1025 : vector<16xf32>
        tpu.vector_store_idx %arg13[%broadcast_in_dim3A_3, %select_n3A_131, %broadcast_in_dim3A_3, %select_n3A_229, %parallel_loop3A_1002], %parallel_loop3A_1026 : memref<1x8x1x8x129xf32, #tpu.memory_space<vmem>>[vector<16xi32>, vector<16xi32>, vector<16xi32>, vector<16xi32>, vector<16xi32>], vector<16xf32>,
      } {sc.loop_unroll_factor = 4 : i64, sc.parallel_access}
      %dma_start3A_973 = arith.constant 0 : i32
      %dma_start3A_974 = arith.constant 0 : i32
      %dma_start3A_975 = arith.constant 0 : i32
      %dma_start3A_976 = arith.constant 0 : i32
      %dma_start3A_977 = arith.constant 0 : i32
      %dma_start3A_978 = tpu.memref_slice %arg13[%dma_start3A_973, %dma_start3A_974, %dma_start3A_975, %dma_start3A_976, %dma_start3A_977] : memref<1x8x1x8x129xf32, #tpu.memory_space<vmem>> -> memref<1x8x1x8x128xf32, #tpu.memory_space<vmem>>
      %dma_start3A_979 = arith.constant 0 : i32
      %dma_start3A_980 = arith.constant 0 : i32
      %dma_start3A_981 = arith.constant 0 : i32
      %dma_start3A_982 = tpu.memref_slice %arg4[%add3A_938, %dma_start3A_979, %add3A, %dma_start3A_980, %dma_start3A_981] : memref<200x8x32x8x128xf32, #tpu.memory_space<hbm>> -> memref<1x8x1x8x128xf32, #tpu.memory_space<hbm>>
      %dma_start3A_983 = arith.constant 0 : i32
      %dma_start3A_984 = arith.constant 0 : i32
      %dma_start3A_985 = arith.constant 0 : i32
      %dma_start3A_986 = tpu.memref_slice %arg4[%add3A_938, %dma_start3A_983, %add3A, %dma_start3A_984, %dma_start3A_985] : memref<200x8x32x8x128xf32, #tpu.memory_space<hbm>> -> memref<1x8x1x8x128xf32, #tpu.memory_space<hbm>>
      %dma_start3A_987 = arith.constant 0 : i32
      %dma_start3A_988 = arith.constant 0 : i32
      %dma_start3A_989 = arith.constant 0 : i32
      %dma_start3A_990 = arith.constant 0 : i32
      %dma_start3A_991 = arith.constant 0 : i32
      %dma_start3A_992 = tpu.memref_slice %arg13[%dma_start3A_987, %dma_start3A_988, %dma_start3A_989, %dma_start3A_990, %dma_start3A_991] : memref<1x8x1x8x129xf32, #tpu.memory_space<vmem>> -> memref<1x8x1x8x128xf32, #tpu.memory_space<vmem>>
      tpu.enqueue_dma source(%dma_start3A_992 : memref<1x8x1x8x128xf32, #tpu.memory_space<vmem>>) target(%dma_start3A_986 : memref<1x8x1x8x128xf32, #tpu.memory_space<hbm>>) target_semaphore(%arg21 : memref<!tpu.dma_semaphore, #tpu.memory_space<semaphore_mem>>)
      %add3A_993 = arith.constant 4 : i32
      %add3A_994 = arith.addi %add3A_938, %add3A_993 : i32
      %dma_start3A_995 = arith.constant 0 : i32
      %dma_start3A_996 = tpu.memref_slice %arg5[%add3A_994, %dma_start3A_995] : memref<200x128xi32, #tpu.memory_space<vmem>> -> memref<1x128xi32, #tpu.memory_space<vmem>>
      %dma_start3A_997 = tpu.memref_squeeze %dma_start3A_996 : memref<1x128xi32, #tpu.memory_space<vmem>> -> memref<128xi32, #tpu.memory_space<vmem>>
      %dma_start3A_998 = arith.constant 0 : i32
      %dma_start3A_999 = arith.constant 0 : i32
      %dma_start3A_1000 = tpu.memref_slice %arg2[%dma_start3A_998, %dma_start3A_999] : memref<1000000x128xf32, #tpu.memory_space<hbm>> -> memref<1000000x128xf32, #tpu.memory_space<hbm>>
      tpu.enqueue_indirect_dma source(%dma_start3A_1000 : memref<1000000x128xf32, #tpu.memory_space<hbm>>) target(%arg9 : memref<128x128xf32, #tpu.memory_space<vmem>>) offsets(%dma_start3A_997 : memref<128xi32, #tpu.memory_space<vmem>>) semaphore(%arg17 : memref<!tpu.dma_semaphore, #tpu.memory_space<semaphore_mem>>)
    }
    %scan3A_415 = arith.constant 48 : i32
    %dma_wait3A_416 = arith.constant 0 : i32
    %dma_wait3A_417 = arith.constant 0 : i32
    %dma_wait3A_418 = tpu.memref_slice %arg5[%dma_wait3A_416, %dma_wait3A_417] : memref<200x128xi32, #tpu.memory_space<vmem>> -> memref<1x128xi32, #tpu.memory_space<vmem>>
    %dma_wait3A_419 = tpu.memref_squeeze %dma_wait3A_418 : memref<1x128xi32, #tpu.memory_space<vmem>> -> memref<128xi32, #tpu.memory_space<vmem>>
    %dma_wait3A_420 = arith.constant 0 : i32
    %dma_wait3A_421 = arith.constant 0 : i32
    %dma_wait3A_422 = tpu.memref_slice %arg2[%dma_wait3A_420, %dma_wait3A_421] : memref<1000000x128xf32, #tpu.memory_space<hbm>> -> memref<1000000x128xf32, #tpu.memory_space<hbm>>
    tpu.wait_indirect_dma semaphore(%arg14 : memref<!tpu.dma_semaphore, #tpu.memory_space<semaphore_mem>>) src(%dma_wait3A_422 : memref<1000000x128xf32, #tpu.memory_space<hbm>>) dst(%arg6 : memref<128x128xf32, #tpu.memory_space<vmem>>)
    %dma_wait3A_423 = arith.constant 0 : i32
    %dma_wait3A_424 = arith.constant 0 : i32
    %dma_wait3A_425 = arith.constant 0 : i32
    %dma_wait3A_426 = arith.constant 0 : i32
    %dma_wait3A_427 = arith.constant 0 : i32
    %dma_wait3A_428 = tpu.memref_slice %arg10[%dma_wait3A_423, %dma_wait3A_424, %dma_wait3A_425, %dma_wait3A_426, %dma_wait3A_427] : memref<1x8x1x8x129xf32, #tpu.memory_space<vmem>> -> memref<1x8x1x8x128xf32, #tpu.memory_space<vmem>>
    %dma_wait3A_429 = arith.constant 0 : i32
    %dma_wait3A_430 = arith.constant 0 : i32
    %dma_wait3A_431 = arith.constant 0 : i32
    %dma_wait3A_432 = arith.constant 0 : i32
    %dma_wait3A_433 = arith.constant 0 : i32
    %dma_wait3A_434 = tpu.memref_slice %arg4[%dma_wait3A_429, %dma_wait3A_430, %dma_wait3A_431, %dma_wait3A_432, %dma_wait3A_433] : memref<200x8x32x8x128xf32, #tpu.memory_space<hbm>> -> memref<1x8x1x8x128xf32, #tpu.memory_space<hbm>>
    %dma_wait3A_435 = arith.constant 0 : i32
    %dma_wait3A_436 = arith.constant 0 : i32
    %dma_wait3A_437 = arith.constant 0 : i32
    %dma_wait3A_438 = arith.constant 0 : i32
    %dma_wait3A_439 = arith.constant 0 : i32
    %dma_wait3A_440 = tpu.memref_slice %arg4[%dma_wait3A_435, %dma_wait3A_436, %dma_wait3A_437, %dma_wait3A_438, %dma_wait3A_439] : memref<200x8x32x8x128xf32, #tpu.memory_space<hbm>> -> memref<1x8x1x8x128xf32, #tpu.memory_space<hbm>>
    %dma_wait3A_441 = arith.constant 0 : i32
    %dma_wait3A_442 = arith.constant 0 : i32
    %dma_wait3A_443 = arith.constant 0 : i32
    %dma_wait3A_444 = arith.constant 0 : i32
    %dma_wait3A_445 = arith.constant 0 : i32
    %dma_wait3A_446 = tpu.memref_slice %arg10[%dma_wait3A_441, %dma_wait3A_442, %dma_wait3A_443, %dma_wait3A_444, %dma_wait3A_445] : memref<1x8x1x8x129xf32, #tpu.memory_space<vmem>> -> memref<1x8x1x8x128xf32, #tpu.memory_space<vmem>>
    tpu.wait_dma2 semaphore(%arg18 : memref<!tpu.dma_semaphore, #tpu.memory_space<semaphore_mem>>) src(%dma_wait3A_446 : memref<1x8x1x8x128xf32, #tpu.memory_space<vmem>>) dst(%dma_wait3A_440 : memref<1x8x1x8x128xf32, #tpu.memory_space<hbm>>)
    %parallel_loop3A_447 = arith.constant 0 : i32
    %parallel_loop3A_448 = arith.constant 128 : i32
    %parallel_loop3A_449 = arith.constant 1 : i32
    scf.for %parallel_loop3A_736 = %parallel_loop3A_447 to %parallel_loop3A_448 step %parallel_loop3A_449  : i32 {
      %parallel_loop3A_737 = vector.broadcast %parallel_loop3A_736 : i32 to vector<16xi32>
      %parallel_loop3A_738 = arith.index_cast %parallel_loop3A_736 : i32 to index
      %parallel_loop3A_739 = arith.constant 0 : index
      %parallel_loop3A_740 = tpu.vector_load %arg6[%parallel_loop3A_738, %parallel_loop3A_739] {strides = array<i32>} : memref<128x128xf32, #tpu.memory_space<vmem>>, vector<16xf32>,
      %parallel_loop3A_741 = arith.constant 8.000000e+00 : f32
      %parallel_loop3A_742 = vector.broadcast %parallel_loop3A_741 : f32 to vector<16xf32>
      %parallel_loop3A_743 = arith.mulf %parallel_loop3A_740, %parallel_loop3A_742 : vector<16xf32>
      tpu.vector_store_idx %arg10[%broadcast_in_dim3A_3, %select_n3A, %broadcast_in_dim3A_3, %select_n3A_154, %parallel_loop3A_737], %parallel_loop3A_743 : memref<1x8x1x8x129xf32, #tpu.memory_space<vmem>>[vector<16xi32>, vector<16xi32>, vector<16xi32>, vector<16xi32>, vector<16xi32>], vector<16xf32>,
      %parallel_loop3A_744 = arith.index_cast %parallel_loop3A_736 : i32 to index
      %parallel_loop3A_745 = arith.constant 16 : index
      %parallel_loop3A_746 = tpu.vector_load %arg6[%parallel_loop3A_744, %parallel_loop3A_745] {strides = array<i32>} : memref<128x128xf32, #tpu.memory_space<vmem>>, vector<16xf32>,
      %parallel_loop3A_747 = arith.constant 8.000000e+00 : f32
      %parallel_loop3A_748 = vector.broadcast %parallel_loop3A_747 : f32 to vector<16xf32>
      %parallel_loop3A_749 = arith.mulf %parallel_loop3A_746, %parallel_loop3A_748 : vector<16xf32>
      tpu.vector_store_idx %arg10[%broadcast_in_dim3A_3, %select_n3A_63, %broadcast_in_dim3A_3, %select_n3A_179, %parallel_loop3A_737], %parallel_loop3A_749 : memref<1x8x1x8x129xf32, #tpu.memory_space<vmem>>[vector<16xi32>, vector<16xi32>, vector<16xi32>, vector<16xi32>, vector<16xi32>], vector<16xf32>,
      %parallel_loop3A_750 = arith.index_cast %parallel_loop3A_736 : i32 to index
      %parallel_loop3A_751 = arith.constant 32 : index
      %parallel_loop3A_752 = tpu.vector_load %arg6[%parallel_loop3A_750, %parallel_loop3A_751] {strides = array<i32>} : memref<128x128xf32, #tpu.memory_space<vmem>>, vector<16xf32>,
      %parallel_loop3A_753 = arith.constant 8.000000e+00 : f32
      %parallel_loop3A_754 = vector.broadcast %parallel_loop3A_753 : f32 to vector<16xf32>
      %parallel_loop3A_755 = arith.mulf %parallel_loop3A_752, %parallel_loop3A_754 : vector<16xf32>
      tpu.vector_store_idx %arg10[%broadcast_in_dim3A_3, %select_n3A_97, %broadcast_in_dim3A_3, %select_n3A_204, %parallel_loop3A_737], %parallel_loop3A_755 : memref<1x8x1x8x129xf32, #tpu.memory_space<vmem>>[vector<16xi32>, vector<16xi32>, vector<16xi32>, vector<16xi32>, vector<16xi32>], vector<16xf32>,
      %parallel_loop3A_756 = arith.index_cast %parallel_loop3A_736 : i32 to index
      %parallel_loop3A_757 = arith.constant 48 : index
      %parallel_loop3A_758 = tpu.vector_load %arg6[%parallel_loop3A_756, %parallel_loop3A_757] {strides = array<i32>} : memref<128x128xf32, #tpu.memory_space<vmem>>, vector<16xf32>,
      %parallel_loop3A_759 = arith.constant 8.000000e+00 : f32
      %parallel_loop3A_760 = vector.broadcast %parallel_loop3A_759 : f32 to vector<16xf32>
      %parallel_loop3A_761 = arith.mulf %parallel_loop3A_758, %parallel_loop3A_760 : vector<16xf32>
      tpu.vector_store_idx %arg10[%broadcast_in_dim3A_3, %select_n3A_131, %broadcast_in_dim3A_3, %select_n3A_229, %parallel_loop3A_737], %parallel_loop3A_761 : memref<1x8x1x8x129xf32, #tpu.memory_space<vmem>>[vector<16xi32>, vector<16xi32>, vector<16xi32>, vector<16xi32>, vector<16xi32>], vector<16xf32>,
    } {sc.loop_unroll_factor = 4 : i64, sc.parallel_access}
    %dma_start3A_450 = arith.constant 0 : i32
    %dma_start3A_451 = arith.constant 0 : i32
    %dma_start3A_452 = arith.constant 0 : i32
    %dma_start3A_453 = arith.constant 0 : i32
    %dma_start3A_454 = arith.constant 0 : i32
    %dma_start3A_455 = tpu.memref_slice %arg10[%dma_start3A_450, %dma_start3A_451, %dma_start3A_452, %dma_start3A_453, %dma_start3A_454] : memref<1x8x1x8x129xf32, #tpu.memory_space<vmem>> -> memref<1x8x1x8x128xf32, #tpu.memory_space<vmem>>
    %dma_start3A_456 = arith.constant 196 : i32
    %dma_start3A_457 = arith.constant 0 : i32
    %dma_start3A_458 = arith.constant 0 : i32
    %dma_start3A_459 = arith.constant 0 : i32
    %dma_start3A_460 = tpu.memref_slice %arg4[%dma_start3A_456, %dma_start3A_457, %add3A, %dma_start3A_458, %dma_start3A_459] : memref<200x8x32x8x128xf32, #tpu.memory_space<hbm>> -> memref<1x8x1x8x128xf32, #tpu.memory_space<hbm>>
    %dma_start3A_461 = arith.constant 196 : i32
    %dma_start3A_462 = arith.constant 0 : i32
    %dma_start3A_463 = arith.constant 0 : i32
    %dma_start3A_464 = arith.constant 0 : i32
    %dma_start3A_465 = tpu.memref_slice %arg4[%dma_start3A_461, %dma_start3A_462, %add3A, %dma_start3A_463, %dma_start3A_464] : memref<200x8x32x8x128xf32, #tpu.memory_space<hbm>> -> memref<1x8x1x8x128xf32, #tpu.memory_space<hbm>>
    %dma_start3A_466 = arith.constant 0 : i32
    %dma_start3A_467 = arith.constant 0 : i32
    %dma_start3A_468 = arith.constant 0 : i32
    %dma_start3A_469 = arith.constant 0 : i32
    %dma_start3A_470 = arith.constant 0 : i32
    %dma_start3A_471 = tpu.memref_slice %arg10[%dma_start3A_466, %dma_start3A_467, %dma_start3A_468, %dma_start3A_469, %dma_start3A_470] : memref<1x8x1x8x129xf32, #tpu.memory_space<vmem>> -> memref<1x8x1x8x128xf32, #tpu.memory_space<vmem>>
    tpu.enqueue_dma source(%dma_start3A_471 : memref<1x8x1x8x128xf32, #tpu.memory_space<vmem>>) target(%dma_start3A_465 : memref<1x8x1x8x128xf32, #tpu.memory_space<hbm>>) target_semaphore(%arg18 : memref<!tpu.dma_semaphore, #tpu.memory_space<semaphore_mem>>)
    %dma_wait3A_472 = arith.constant 0 : i32
    %dma_wait3A_473 = arith.constant 0 : i32
    %dma_wait3A_474 = tpu.memref_slice %arg5[%dma_wait3A_472, %dma_wait3A_473] : memref<200x128xi32, #tpu.memory_space<vmem>> -> memref<1x128xi32, #tpu.memory_space<vmem>>
    %dma_wait3A_475 = tpu.memref_squeeze %dma_wait3A_474 : memref<1x128xi32, #tpu.memory_space<vmem>> -> memref<128xi32, #tpu.memory_space<vmem>>
    %dma_wait3A_476 = arith.constant 0 : i32
    %dma_wait3A_477 = arith.constant 0 : i32
    %dma_wait3A_478 = tpu.memref_slice %arg2[%dma_wait3A_476, %dma_wait3A_477] : memref<1000000x128xf32, #tpu.memory_space<hbm>> -> memref<1000000x128xf32, #tpu.memory_space<hbm>>
    tpu.wait_indirect_dma semaphore(%arg15 : memref<!tpu.dma_semaphore, #tpu.memory_space<semaphore_mem>>) src(%dma_wait3A_478 : memref<1000000x128xf32, #tpu.memory_space<hbm>>) dst(%arg7 : memref<128x128xf32, #tpu.memory_space<vmem>>)
    %dma_wait3A_479 = arith.constant 0 : i32
    %dma_wait3A_480 = arith.constant 0 : i32
    %dma_wait3A_481 = arith.constant 0 : i32
    %dma_wait3A_482 = arith.constant 0 : i32
    %dma_wait3A_483 = arith.constant 0 : i32
    %dma_wait3A_484 = tpu.memref_slice %arg11[%dma_wait3A_479, %dma_wait3A_480, %dma_wait3A_481, %dma_wait3A_482, %dma_wait3A_483] : memref<1x8x1x8x129xf32, #tpu.memory_space<vmem>> -> memref<1x8x1x8x128xf32, #tpu.memory_space<vmem>>
    %dma_wait3A_485 = arith.constant 0 : i32
    %dma_wait3A_486 = arith.constant 0 : i32
    %dma_wait3A_487 = arith.constant 0 : i32
    %dma_wait3A_488 = arith.constant 0 : i32
    %dma_wait3A_489 = arith.constant 0 : i32
    %dma_wait3A_490 = tpu.memref_slice %arg4[%dma_wait3A_485, %dma_wait3A_486, %dma_wait3A_487, %dma_wait3A_488, %dma_wait3A_489] : memref<200x8x32x8x128xf32, #tpu.memory_space<hbm>> -> memref<1x8x1x8x128xf32, #tpu.memory_space<hbm>>
    %dma_wait3A_491 = arith.constant 0 : i32
    %dma_wait3A_492 = arith.constant 0 : i32
    %dma_wait3A_493 = arith.constant 0 : i32
    %dma_wait3A_494 = arith.constant 0 : i32
    %dma_wait3A_495 = arith.constant 0 : i32
    %dma_wait3A_496 = tpu.memref_slice %arg4[%dma_wait3A_491, %dma_wait3A_492, %dma_wait3A_493, %dma_wait3A_494, %dma_wait3A_495] : memref<200x8x32x8x128xf32, #tpu.memory_space<hbm>> -> memref<1x8x1x8x128xf32, #tpu.memory_space<hbm>>
    %dma_wait3A_497 = arith.constant 0 : i32
    %dma_wait3A_498 = arith.constant 0 : i32
    %dma_wait3A_499 = arith.constant 0 : i32
    %dma_wait3A_500 = arith.constant 0 : i32
    %dma_wait3A_501 = arith.constant 0 : i32
    %dma_wait3A_502 = tpu.memref_slice %arg11[%dma_wait3A_497, %dma_wait3A_498, %dma_wait3A_499, %dma_wait3A_500, %dma_wait3A_501] : memref<1x8x1x8x129xf32, #tpu.memory_space<vmem>> -> memref<1x8x1x8x128xf32, #tpu.memory_space<vmem>>
    tpu.wait_dma2 semaphore(%arg19 : memref<!tpu.dma_semaphore, #tpu.memory_space<semaphore_mem>>) src(%dma_wait3A_502 : memref<1x8x1x8x128xf32, #tpu.memory_space<vmem>>) dst(%dma_wait3A_496 : memref<1x8x1x8x128xf32, #tpu.memory_space<hbm>>)
    %parallel_loop3A_503 = arith.constant 0 : i32
    %parallel_loop3A_504 = arith.constant 128 : i32
    %parallel_loop3A_505 = arith.constant 1 : i32
    scf.for %parallel_loop3A_736 = %parallel_loop3A_503 to %parallel_loop3A_504 step %parallel_loop3A_505  : i32 {
      %parallel_loop3A_737 = vector.broadcast %parallel_loop3A_736 : i32 to vector<16xi32>
      %parallel_loop3A_738 = arith.index_cast %parallel_loop3A_736 : i32 to index
      %parallel_loop3A_739 = arith.constant 0 : index
      %parallel_loop3A_740 = tpu.vector_load %arg7[%parallel_loop3A_738, %parallel_loop3A_739] {strides = array<i32>} : memref<128x128xf32, #tpu.memory_space<vmem>>, vector<16xf32>,
      %parallel_loop3A_741 = arith.constant 8.000000e+00 : f32
      %parallel_loop3A_742 = vector.broadcast %parallel_loop3A_741 : f32 to vector<16xf32>
      %parallel_loop3A_743 = arith.mulf %parallel_loop3A_740, %parallel_loop3A_742 : vector<16xf32>
      tpu.vector_store_idx %arg11[%broadcast_in_dim3A_3, %select_n3A, %broadcast_in_dim3A_3, %select_n3A_154, %parallel_loop3A_737], %parallel_loop3A_743 : memref<1x8x1x8x129xf32, #tpu.memory_space<vmem>>[vector<16xi32>, vector<16xi32>, vector<16xi32>, vector<16xi32>, vector<16xi32>], vector<16xf32>,
      %parallel_loop3A_744 = arith.index_cast %parallel_loop3A_736 : i32 to index
      %parallel_loop3A_745 = arith.constant 16 : index
      %parallel_loop3A_746 = tpu.vector_load %arg7[%parallel_loop3A_744, %parallel_loop3A_745] {strides = array<i32>} : memref<128x128xf32, #tpu.memory_space<vmem>>, vector<16xf32>,
      %parallel_loop3A_747 = arith.constant 8.000000e+00 : f32
      %parallel_loop3A_748 = vector.broadcast %parallel_loop3A_747 : f32 to vector<16xf32>
      %parallel_loop3A_749 = arith.mulf %parallel_loop3A_746, %parallel_loop3A_748 : vector<16xf32>
      tpu.vector_store_idx %arg11[%broadcast_in_dim3A_3, %select_n3A_63, %broadcast_in_dim3A_3, %select_n3A_179, %parallel_loop3A_737], %parallel_loop3A_749 : memref<1x8x1x8x129xf32, #tpu.memory_space<vmem>>[vector<16xi32>, vector<16xi32>, vector<16xi32>, vector<16xi32>, vector<16xi32>], vector<16xf32>,
      %parallel_loop3A_750 = arith.index_cast %parallel_loop3A_736 : i32 to index
      %parallel_loop3A_751 = arith.constant 32 : index
      %parallel_loop3A_752 = tpu.vector_load %arg7[%parallel_loop3A_750, %parallel_loop3A_751] {strides = array<i32>} : memref<128x128xf32, #tpu.memory_space<vmem>>, vector<16xf32>,
      %parallel_loop3A_753 = arith.constant 8.000000e+00 : f32
      %parallel_loop3A_754 = vector.broadcast %parallel_loop3A_753 : f32 to vector<16xf32>
      %parallel_loop3A_755 = arith.mulf %parallel_loop3A_752, %parallel_loop3A_754 : vector<16xf32>
      tpu.vector_store_idx %arg11[%broadcast_in_dim3A_3, %select_n3A_97, %broadcast_in_dim3A_3, %select_n3A_204, %parallel_loop3A_737], %parallel_loop3A_755 : memref<1x8x1x8x129xf32, #tpu.memory_space<vmem>>[vector<16xi32>, vector<16xi32>, vector<16xi32>, vector<16xi32>, vector<16xi32>], vector<16xf32>,
      %parallel_loop3A_756 = arith.index_cast %parallel_loop3A_736 : i32 to index
      %parallel_loop3A_757 = arith.constant 48 : index
      %parallel_loop3A_758 = tpu.vector_load %arg7[%parallel_loop3A_756, %parallel_loop3A_757] {strides = array<i32>} : memref<128x128xf32, #tpu.memory_space<vmem>>, vector<16xf32>,
      %parallel_loop3A_759 = arith.constant 8.000000e+00 : f32
      %parallel_loop3A_760 = vector.broadcast %parallel_loop3A_759 : f32 to vector<16xf32>
      %parallel_loop3A_761 = arith.mulf %parallel_loop3A_758, %parallel_loop3A_760 : vector<16xf32>
      tpu.vector_store_idx %arg11[%broadcast_in_dim3A_3, %select_n3A_131, %broadcast_in_dim3A_3, %select_n3A_229, %parallel_loop3A_737], %parallel_loop3A_761 : memref<1x8x1x8x129xf32, #tpu.memory_space<vmem>>[vector<16xi32>, vector<16xi32>, vector<16xi32>, vector<16xi32>, vector<16xi32>], vector<16xf32>,
    } {sc.loop_unroll_factor = 4 : i64, sc.parallel_access}
    %dma_start3A_506 = arith.constant 0 : i32
    %dma_start3A_507 = arith.constant 0 : i32
    %dma_start3A_508 = arith.constant 0 : i32
    %dma_start3A_509 = arith.constant 0 : i32
    %dma_start3A_510 = arith.constant 0 : i32
    %dma_start3A_511 = tpu.memref_slice %arg11[%dma_start3A_506, %dma_start3A_507, %dma_start3A_508, %dma_start3A_509, %dma_start3A_510] : memref<1x8x1x8x129xf32, #tpu.memory_space<vmem>> -> memref<1x8x1x8x128xf32, #tpu.memory_space<vmem>>
    %dma_start3A_512 = arith.constant 197 : i32
    %dma_start3A_513 = arith.constant 0 : i32
    %dma_start3A_514 = arith.constant 0 : i32
    %dma_start3A_515 = arith.constant 0 : i32
    %dma_start3A_516 = tpu.memref_slice %arg4[%dma_start3A_512, %dma_start3A_513, %add3A, %dma_start3A_514, %dma_start3A_515] : memref<200x8x32x8x128xf32, #tpu.memory_space<hbm>> -> memref<1x8x1x8x128xf32, #tpu.memory_space<hbm>>
    %dma_start3A_517 = arith.constant 197 : i32
    %dma_start3A_518 = arith.constant 0 : i32
    %dma_start3A_519 = arith.constant 0 : i32
    %dma_start3A_520 = arith.constant 0 : i32
    %dma_start3A_521 = tpu.memref_slice %arg4[%dma_start3A_517, %dma_start3A_518, %add3A, %dma_start3A_519, %dma_start3A_520] : memref<200x8x32x8x128xf32, #tpu.memory_space<hbm>> -> memref<1x8x1x8x128xf32, #tpu.memory_space<hbm>>
    %dma_start3A_522 = arith.constant 0 : i32
    %dma_start3A_523 = arith.constant 0 : i32
    %dma_start3A_524 = arith.constant 0 : i32
    %dma_start3A_525 = arith.constant 0 : i32
    %dma_start3A_526 = arith.constant 0 : i32
    %dma_start3A_527 = tpu.memref_slice %arg11[%dma_start3A_522, %dma_start3A_523, %dma_start3A_524, %dma_start3A_525, %dma_start3A_526] : memref<1x8x1x8x129xf32, #tpu.memory_space<vmem>> -> memref<1x8x1x8x128xf32, #tpu.memory_space<vmem>>
    tpu.enqueue_dma source(%dma_start3A_527 : memref<1x8x1x8x128xf32, #tpu.memory_space<vmem>>) target(%dma_start3A_521 : memref<1x8x1x8x128xf32, #tpu.memory_space<hbm>>) target_semaphore(%arg19 : memref<!tpu.dma_semaphore, #tpu.memory_space<semaphore_mem>>)
    %dma_wait3A_528 = arith.constant 0 : i32
    %dma_wait3A_529 = arith.constant 0 : i32
    %dma_wait3A_530 = tpu.memref_slice %arg5[%dma_wait3A_528, %dma_wait3A_529] : memref<200x128xi32, #tpu.memory_space<vmem>> -> memref<1x128xi32, #tpu.memory_space<vmem>>
    %dma_wait3A_531 = tpu.memref_squeeze %dma_wait3A_530 : memref<1x128xi32, #tpu.memory_space<vmem>> -> memref<128xi32, #tpu.memory_space<vmem>>
    %dma_wait3A_532 = arith.constant 0 : i32
    %dma_wait3A_533 = arith.constant 0 : i32
    %dma_wait3A_534 = tpu.memref_slice %arg2[%dma_wait3A_532, %dma_wait3A_533] : memref<1000000x128xf32, #tpu.memory_space<hbm>> -> memref<1000000x128xf32, #tpu.memory_space<hbm>>
    tpu.wait_indirect_dma semaphore(%arg16 : memref<!tpu.dma_semaphore, #tpu.memory_space<semaphore_mem>>) src(%dma_wait3A_534 : memref<1000000x128xf32, #tpu.memory_space<hbm>>) dst(%arg8 : memref<128x128xf32, #tpu.memory_space<vmem>>)
    %dma_wait3A_535 = arith.constant 0 : i32
    %dma_wait3A_536 = arith.constant 0 : i32
    %dma_wait3A_537 = arith.constant 0 : i32
    %dma_wait3A_538 = arith.constant 0 : i32
    %dma_wait3A_539 = arith.constant 0 : i32
    %dma_wait3A_540 = tpu.memref_slice %arg12[%dma_wait3A_535, %dma_wait3A_536, %dma_wait3A_537, %dma_wait3A_538, %dma_wait3A_539] : memref<1x8x1x8x129xf32, #tpu.memory_space<vmem>> -> memref<1x8x1x8x128xf32, #tpu.memory_space<vmem>>
    %dma_wait3A_541 = arith.constant 0 : i32
    %dma_wait3A_542 = arith.constant 0 : i32
    %dma_wait3A_543 = arith.constant 0 : i32
    %dma_wait3A_544 = arith.constant 0 : i32
    %dma_wait3A_545 = arith.constant 0 : i32
    %dma_wait3A_546 = tpu.memref_slice %arg4[%dma_wait3A_541, %dma_wait3A_542, %dma_wait3A_543, %dma_wait3A_544, %dma_wait3A_545] : memref<200x8x32x8x128xf32, #tpu.memory_space<hbm>> -> memref<1x8x1x8x128xf32, #tpu.memory_space<hbm>>
    %dma_wait3A_547 = arith.constant 0 : i32
    %dma_wait3A_548 = arith.constant 0 : i32
    %dma_wait3A_549 = arith.constant 0 : i32
    %dma_wait3A_550 = arith.constant 0 : i32
    %dma_wait3A_551 = arith.constant 0 : i32
    %dma_wait3A_552 = tpu.memref_slice %arg4[%dma_wait3A_547, %dma_wait3A_548, %dma_wait3A_549, %dma_wait3A_550, %dma_wait3A_551] : memref<200x8x32x8x128xf32, #tpu.memory_space<hbm>> -> memref<1x8x1x8x128xf32, #tpu.memory_space<hbm>>
    %dma_wait3A_553 = arith.constant 0 : i32
    %dma_wait3A_554 = arith.constant 0 : i32
    %dma_wait3A_555 = arith.constant 0 : i32
    %dma_wait3A_556 = arith.constant 0 : i32
    %dma_wait3A_557 = arith.constant 0 : i32
    %dma_wait3A_558 = tpu.memref_slice %arg12[%dma_wait3A_553, %dma_wait3A_554, %dma_wait3A_555, %dma_wait3A_556, %dma_wait3A_557] : memref<1x8x1x8x129xf32, #tpu.memory_space<vmem>> -> memref<1x8x1x8x128xf32, #tpu.memory_space<vmem>>
    tpu.wait_dma2 semaphore(%arg20 : memref<!tpu.dma_semaphore, #tpu.memory_space<semaphore_mem>>) src(%dma_wait3A_558 : memref<1x8x1x8x128xf32, #tpu.memory_space<vmem>>) dst(%dma_wait3A_552 : memref<1x8x1x8x128xf32, #tpu.memory_space<hbm>>)
    %parallel_loop3A_559 = arith.constant 0 : i32
    %parallel_loop3A_560 = arith.constant 128 : i32
    %parallel_loop3A_561 = arith.constant 1 : i32
    scf.for %parallel_loop3A_736 = %parallel_loop3A_559 to %parallel_loop3A_560 step %parallel_loop3A_561  : i32 {
      %parallel_loop3A_737 = vector.broadcast %parallel_loop3A_736 : i32 to vector<16xi32>
      %parallel_loop3A_738 = arith.index_cast %parallel_loop3A_736 : i32 to index
      %parallel_loop3A_739 = arith.constant 0 : index
      %parallel_loop3A_740 = tpu.vector_load %arg8[%parallel_loop3A_738, %parallel_loop3A_739] {strides = array<i32>} : memref<128x128xf32, #tpu.memory_space<vmem>>, vector<16xf32>,
      %parallel_loop3A_741 = arith.constant 8.000000e+00 : f32
      %parallel_loop3A_742 = vector.broadcast %parallel_loop3A_741 : f32 to vector<16xf32>
      %parallel_loop3A_743 = arith.mulf %parallel_loop3A_740, %parallel_loop3A_742 : vector<16xf32>
      tpu.vector_store_idx %arg12[%broadcast_in_dim3A_3, %select_n3A, %broadcast_in_dim3A_3, %select_n3A_154, %parallel_loop3A_737], %parallel_loop3A_743 : memref<1x8x1x8x129xf32, #tpu.memory_space<vmem>>[vector<16xi32>, vector<16xi32>, vector<16xi32>, vector<16xi32>, vector<16xi32>], vector<16xf32>,
      %parallel_loop3A_744 = arith.index_cast %parallel_loop3A_736 : i32 to index
      %parallel_loop3A_745 = arith.constant 16 : index
      %parallel_loop3A_746 = tpu.vector_load %arg8[%parallel_loop3A_744, %parallel_loop3A_745] {strides = array<i32>} : memref<128x128xf32, #tpu.memory_space<vmem>>, vector<16xf32>,
      %parallel_loop3A_747 = arith.constant 8.000000e+00 : f32
      %parallel_loop3A_748 = vector.broadcast %parallel_loop3A_747 : f32 to vector<16xf32>
      %parallel_loop3A_749 = arith.mulf %parallel_loop3A_746, %parallel_loop3A_748 : vector<16xf32>
      tpu.vector_store_idx %arg12[%broadcast_in_dim3A_3, %select_n3A_63, %broadcast_in_dim3A_3, %select_n3A_179, %parallel_loop3A_737], %parallel_loop3A_749 : memref<1x8x1x8x129xf32, #tpu.memory_space<vmem>>[vector<16xi32>, vector<16xi32>, vector<16xi32>, vector<16xi32>, vector<16xi32>], vector<16xf32>,
      %parallel_loop3A_750 = arith.index_cast %parallel_loop3A_736 : i32 to index
      %parallel_loop3A_751 = arith.constant 32 : index
      %parallel_loop3A_752 = tpu.vector_load %arg8[%parallel_loop3A_750, %parallel_loop3A_751] {strides = array<i32>} : memref<128x128xf32, #tpu.memory_space<vmem>>, vector<16xf32>,
      %parallel_loop3A_753 = arith.constant 8.000000e+00 : f32
      %parallel_loop3A_754 = vector.broadcast %parallel_loop3A_753 : f32 to vector<16xf32>
      %parallel_loop3A_755 = arith.mulf %parallel_loop3A_752, %parallel_loop3A_754 : vector<16xf32>
      tpu.vector_store_idx %arg12[%broadcast_in_dim3A_3, %select_n3A_97, %broadcast_in_dim3A_3, %select_n3A_204, %parallel_loop3A_737], %parallel_loop3A_755 : memref<1x8x1x8x129xf32, #tpu.memory_space<vmem>>[vector<16xi32>, vector<16xi32>, vector<16xi32>, vector<16xi32>, vector<16xi32>], vector<16xf32>,
      %parallel_loop3A_756 = arith.index_cast %parallel_loop3A_736 : i32 to index
      %parallel_loop3A_757 = arith.constant 48 : index
      %parallel_loop3A_758 = tpu.vector_load %arg8[%parallel_loop3A_756, %parallel_loop3A_757] {strides = array<i32>} : memref<128x128xf32, #tpu.memory_space<vmem>>, vector<16xf32>,
      %parallel_loop3A_759 = arith.constant 8.000000e+00 : f32
      %parallel_loop3A_760 = vector.broadcast %parallel_loop3A_759 : f32 to vector<16xf32>
      %parallel_loop3A_761 = arith.mulf %parallel_loop3A_758, %parallel_loop3A_760 : vector<16xf32>
      tpu.vector_store_idx %arg12[%broadcast_in_dim3A_3, %select_n3A_131, %broadcast_in_dim3A_3, %select_n3A_229, %parallel_loop3A_737], %parallel_loop3A_761 : memref<1x8x1x8x129xf32, #tpu.memory_space<vmem>>[vector<16xi32>, vector<16xi32>, vector<16xi32>, vector<16xi32>, vector<16xi32>], vector<16xf32>,
    } {sc.loop_unroll_factor = 4 : i64, sc.parallel_access}
    %dma_start3A_562 = arith.constant 0 : i32
    %dma_start3A_563 = arith.constant 0 : i32
    %dma_start3A_564 = arith.constant 0 : i32
    %dma_start3A_565 = arith.constant 0 : i32
    %dma_start3A_566 = arith.constant 0 : i32
    %dma_start3A_567 = tpu.memref_slice %arg12[%dma_start3A_562, %dma_start3A_563, %dma_start3A_564, %dma_start3A_565, %dma_start3A_566] : memref<1x8x1x8x129xf32, #tpu.memory_space<vmem>> -> memref<1x8x1x8x128xf32, #tpu.memory_space<vmem>>
    %dma_start3A_568 = arith.constant 198 : i32
    %dma_start3A_569 = arith.constant 0 : i32
    %dma_start3A_570 = arith.constant 0 : i32
    %dma_start3A_571 = arith.constant 0 : i32
    %dma_start3A_572 = tpu.memref_slice %arg4[%dma_start3A_568, %dma_start3A_569, %add3A, %dma_start3A_570, %dma_start3A_571] : memref<200x8x32x8x128xf32, #tpu.memory_space<hbm>> -> memref<1x8x1x8x128xf32, #tpu.memory_space<hbm>>
    %dma_start3A_573 = arith.constant 198 : i32
    %dma_start3A_574 = arith.constant 0 : i32
    %dma_start3A_575 = arith.constant 0 : i32
    %dma_start3A_576 = arith.constant 0 : i32
    %dma_start3A_577 = tpu.memref_slice %arg4[%dma_start3A_573, %dma_start3A_574, %add3A, %dma_start3A_575, %dma_start3A_576] : memref<200x8x32x8x128xf32, #tpu.memory_space<hbm>> -> memref<1x8x1x8x128xf32, #tpu.memory_space<hbm>>
    %dma_start3A_578 = arith.constant 0 : i32
    %dma_start3A_579 = arith.constant 0 : i32
    %dma_start3A_580 = arith.constant 0 : i32
    %dma_start3A_581 = arith.constant 0 : i32
    %dma_start3A_582 = arith.constant 0 : i32
    %dma_start3A_583 = tpu.memref_slice %arg12[%dma_start3A_578, %dma_start3A_579, %dma_start3A_580, %dma_start3A_581, %dma_start3A_582] : memref<1x8x1x8x129xf32, #tpu.memory_space<vmem>> -> memref<1x8x1x8x128xf32, #tpu.memory_space<vmem>>
    tpu.enqueue_dma source(%dma_start3A_583 : memref<1x8x1x8x128xf32, #tpu.memory_space<vmem>>) target(%dma_start3A_577 : memref<1x8x1x8x128xf32, #tpu.memory_space<hbm>>) target_semaphore(%arg20 : memref<!tpu.dma_semaphore, #tpu.memory_space<semaphore_mem>>)
    %dma_wait3A_584 = arith.constant 0 : i32
    %dma_wait3A_585 = arith.constant 0 : i32
    %dma_wait3A_586 = tpu.memref_slice %arg5[%dma_wait3A_584, %dma_wait3A_585] : memref<200x128xi32, #tpu.memory_space<vmem>> -> memref<1x128xi32, #tpu.memory_space<vmem>>
    %dma_wait3A_587 = tpu.memref_squeeze %dma_wait3A_586 : memref<1x128xi32, #tpu.memory_space<vmem>> -> memref<128xi32, #tpu.memory_space<vmem>>
    %dma_wait3A_588 = arith.constant 0 : i32
    %dma_wait3A_589 = arith.constant 0 : i32
    %dma_wait3A_590 = tpu.memref_slice %arg2[%dma_wait3A_588, %dma_wait3A_589] : memref<1000000x128xf32, #tpu.memory_space<hbm>> -> memref<1000000x128xf32, #tpu.memory_space<hbm>>
    tpu.wait_indirect_dma semaphore(%arg17 : memref<!tpu.dma_semaphore, #tpu.memory_space<semaphore_mem>>) src(%dma_wait3A_590 : memref<1000000x128xf32, #tpu.memory_space<hbm>>) dst(%arg9 : memref<128x128xf32, #tpu.memory_space<vmem>>)
    %dma_wait3A_591 = arith.constant 0 : i32
    %dma_wait3A_592 = arith.constant 0 : i32
    %dma_wait3A_593 = arith.constant 0 : i32
    %dma_wait3A_594 = arith.constant 0 : i32
    %dma_wait3A_595 = arith.constant 0 : i32
    %dma_wait3A_596 = tpu.memref_slice %arg13[%dma_wait3A_591, %dma_wait3A_592, %dma_wait3A_593, %dma_wait3A_594, %dma_wait3A_595] : memref<1x8x1x8x129xf32, #tpu.memory_space<vmem>> -> memref<1x8x1x8x128xf32, #tpu.memory_space<vmem>>
    %dma_wait3A_597 = arith.constant 0 : i32
    %dma_wait3A_598 = arith.constant 0 : i32
    %dma_wait3A_599 = arith.constant 0 : i32
    %dma_wait3A_600 = arith.constant 0 : i32
    %dma_wait3A_601 = arith.constant 0 : i32
    %dma_wait3A_602 = tpu.memref_slice %arg4[%dma_wait3A_597, %dma_wait3A_598, %dma_wait3A_599, %dma_wait3A_600, %dma_wait3A_601] : memref<200x8x32x8x128xf32, #tpu.memory_space<hbm>> -> memref<1x8x1x8x128xf32, #tpu.memory_space<hbm>>
    %dma_wait3A_603 = arith.constant 0 : i32
    %dma_wait3A_604 = arith.constant 0 : i32
    %dma_wait3A_605 = arith.constant 0 : i32
    %dma_wait3A_606 = arith.constant 0 : i32
    %dma_wait3A_607 = arith.constant 0 : i32
    %dma_wait3A_608 = tpu.memref_slice %arg4[%dma_wait3A_603, %dma_wait3A_604, %dma_wait3A_605, %dma_wait3A_606, %dma_wait3A_607] : memref<200x8x32x8x128xf32, #tpu.memory_space<hbm>> -> memref<1x8x1x8x128xf32, #tpu.memory_space<hbm>>
    %dma_wait3A_609 = arith.constant 0 : i32
    %dma_wait3A_610 = arith.constant 0 : i32
    %dma_wait3A_611 = arith.constant 0 : i32
    %dma_wait3A_612 = arith.constant 0 : i32
    %dma_wait3A_613 = arith.constant 0 : i32
    %dma_wait3A_614 = tpu.memref_slice %arg13[%dma_wait3A_609, %dma_wait3A_610, %dma_wait3A_611, %dma_wait3A_612, %dma_wait3A_613] : memref<1x8x1x8x129xf32, #tpu.memory_space<vmem>> -> memref<1x8x1x8x128xf32, #tpu.memory_space<vmem>>
    tpu.wait_dma2 semaphore(%arg21 : memref<!tpu.dma_semaphore, #tpu.memory_space<semaphore_mem>>) src(%dma_wait3A_614 : memref<1x8x1x8x128xf32, #tpu.memory_space<vmem>>) dst(%dma_wait3A_608 : memref<1x8x1x8x128xf32, #tpu.memory_space<hbm>>)
    %parallel_loop3A_615 = arith.constant 0 : i32
    %parallel_loop3A_616 = arith.constant 128 : i32
    %parallel_loop3A_617 = arith.constant 1 : i32
    scf.for %parallel_loop3A_736 = %parallel_loop3A_615 to %parallel_loop3A_616 step %parallel_loop3A_617  : i32 {
      %parallel_loop3A_737 = vector.broadcast %parallel_loop3A_736 : i32 to vector<16xi32>
      %parallel_loop3A_738 = arith.index_cast %parallel_loop3A_736 : i32 to index
      %parallel_loop3A_739 = arith.constant 0 : index
      %parallel_loop3A_740 = tpu.vector_load %arg9[%parallel_loop3A_738, %parallel_loop3A_739] {strides = array<i32>} : memref<128x128xf32, #tpu.memory_space<vmem>>, vector<16xf32>,
      %parallel_loop3A_741 = arith.constant 8.000000e+00 : f32
      %parallel_loop3A_742 = vector.broadcast %parallel_loop3A_741 : f32 to vector<16xf32>
      %parallel_loop3A_743 = arith.mulf %parallel_loop3A_740, %parallel_loop3A_742 : vector<16xf32>
      tpu.vector_store_idx %arg13[%broadcast_in_dim3A_3, %select_n3A, %broadcast_in_dim3A_3, %select_n3A_154, %parallel_loop3A_737], %parallel_loop3A_743 : memref<1x8x1x8x129xf32, #tpu.memory_space<vmem>>[vector<16xi32>, vector<16xi32>, vector<16xi32>, vector<16xi32>, vector<16xi32>], vector<16xf32>,
      %parallel_loop3A_744 = arith.index_cast %parallel_loop3A_736 : i32 to index
      %parallel_loop3A_745 = arith.constant 16 : index
      %parallel_loop3A_746 = tpu.vector_load %arg9[%parallel_loop3A_744, %parallel_loop3A_745] {strides = array<i32>} : memref<128x128xf32, #tpu.memory_space<vmem>>, vector<16xf32>,
      %parallel_loop3A_747 = arith.constant 8.000000e+00 : f32
      %parallel_loop3A_748 = vector.broadcast %parallel_loop3A_747 : f32 to vector<16xf32>
      %parallel_loop3A_749 = arith.mulf %parallel_loop3A_746, %parallel_loop3A_748 : vector<16xf32>
      tpu.vector_store_idx %arg13[%broadcast_in_dim3A_3, %select_n3A_63, %broadcast_in_dim3A_3, %select_n3A_179, %parallel_loop3A_737], %parallel_loop3A_749 : memref<1x8x1x8x129xf32, #tpu.memory_space<vmem>>[vector<16xi32>, vector<16xi32>, vector<16xi32>, vector<16xi32>, vector<16xi32>], vector<16xf32>,
      %parallel_loop3A_750 = arith.index_cast %parallel_loop3A_736 : i32 to index
      %parallel_loop3A_751 = arith.constant 32 : index
      %parallel_loop3A_752 = tpu.vector_load %arg9[%parallel_loop3A_750, %parallel_loop3A_751] {strides = array<i32>} : memref<128x128xf32, #tpu.memory_space<vmem>>, vector<16xf32>,
      %parallel_loop3A_753 = arith.constant 8.000000e+00 : f32
      %parallel_loop3A_754 = vector.broadcast %parallel_loop3A_753 : f32 to vector<16xf32>
      %parallel_loop3A_755 = arith.mulf %parallel_loop3A_752, %parallel_loop3A_754 : vector<16xf32>
      tpu.vector_store_idx %arg13[%broadcast_in_dim3A_3, %select_n3A_97, %broadcast_in_dim3A_3, %select_n3A_204, %parallel_loop3A_737], %parallel_loop3A_755 : memref<1x8x1x8x129xf32, #tpu.memory_space<vmem>>[vector<16xi32>, vector<16xi32>, vector<16xi32>, vector<16xi32>, vector<16xi32>], vector<16xf32>,
      %parallel_loop3A_756 = arith.index_cast %parallel_loop3A_736 : i32 to index
      %parallel_loop3A_757 = arith.constant 48 : index
      %parallel_loop3A_758 = tpu.vector_load %arg9[%parallel_loop3A_756, %parallel_loop3A_757] {strides = array<i32>} : memref<128x128xf32, #tpu.memory_space<vmem>>, vector<16xf32>,
      %parallel_loop3A_759 = arith.constant 8.000000e+00 : f32
      %parallel_loop3A_760 = vector.broadcast %parallel_loop3A_759 : f32 to vector<16xf32>
      %parallel_loop3A_761 = arith.mulf %parallel_loop3A_758, %parallel_loop3A_760 : vector<16xf32>
      tpu.vector_store_idx %arg13[%broadcast_in_dim3A_3, %select_n3A_131, %broadcast_in_dim3A_3, %select_n3A_229, %parallel_loop3A_737], %parallel_loop3A_761 : memref<1x8x1x8x129xf32, #tpu.memory_space<vmem>>[vector<16xi32>, vector<16xi32>, vector<16xi32>, vector<16xi32>, vector<16xi32>], vector<16xf32>,
    } {sc.loop_unroll_factor = 4 : i64, sc.parallel_access}
    %dma_start3A_618 = arith.constant 0 : i32
    %dma_start3A_619 = arith.constant 0 : i32
    %dma_start3A_620 = arith.constant 0 : i32
    %dma_start3A_621 = arith.constant 0 : i32
    %dma_start3A_622 = arith.constant 0 : i32
    %dma_start3A_623 = tpu.memref_slice %arg13[%dma_start3A_618, %dma_start3A_619, %dma_start3A_620, %dma_start3A_621, %dma_start3A_622] : memref<1x8x1x8x129xf32, #tpu.memory_space<vmem>> -> memref<1x8x1x8x128xf32, #tpu.memory_space<vmem>>
    %dma_start3A_624 = arith.constant 199 : i32
    %dma_start3A_625 = arith.constant 0 : i32
    %dma_start3A_626 = arith.constant 0 : i32
    %dma_start3A_627 = arith.constant 0 : i32
    %dma_start3A_628 = tpu.memref_slice %arg4[%dma_start3A_624, %dma_start3A_625, %add3A, %dma_start3A_626, %dma_start3A_627] : memref<200x8x32x8x128xf32, #tpu.memory_space<hbm>> -> memref<1x8x1x8x128xf32, #tpu.memory_space<hbm>>
    %dma_start3A_629 = arith.constant 199 : i32
    %dma_start3A_630 = arith.constant 0 : i32
    %dma_start3A_631 = arith.constant 0 : i32
    %dma_start3A_632 = arith.constant 0 : i32
    %dma_start3A_633 = tpu.memref_slice %arg4[%dma_start3A_629, %dma_start3A_630, %add3A, %dma_start3A_631, %dma_start3A_632] : memref<200x8x32x8x128xf32, #tpu.memory_space<hbm>> -> memref<1x8x1x8x128xf32, #tpu.memory_space<hbm>>
    %dma_start3A_634 = arith.constant 0 : i32
    %dma_start3A_635 = arith.constant 0 : i32
    %dma_start3A_636 = arith.constant 0 : i32
    %dma_start3A_637 = arith.constant 0 : i32
    %dma_start3A_638 = arith.constant 0 : i32
    %dma_start3A_639 = tpu.memref_slice %arg13[%dma_start3A_634, %dma_start3A_635, %dma_start3A_636, %dma_start3A_637, %dma_start3A_638] : memref<1x8x1x8x129xf32, #tpu.memory_space<vmem>> -> memref<1x8x1x8x128xf32, #tpu.memory_space<vmem>>
    tpu.enqueue_dma source(%dma_start3A_639 : memref<1x8x1x8x128xf32, #tpu.memory_space<vmem>>) target(%dma_start3A_633 : memref<1x8x1x8x128xf32, #tpu.memory_space<hbm>>) target_semaphore(%arg21 : memref<!tpu.dma_semaphore, #tpu.memory_space<semaphore_mem>>)
    %dma_wait3A_640 = arith.constant 0 : i32
    %dma_wait3A_641 = arith.constant 0 : i32
    %dma_wait3A_642 = arith.constant 0 : i32
    %dma_wait3A_643 = arith.constant 0 : i32
    %dma_wait3A_644 = arith.constant 0 : i32
    %dma_wait3A_645 = tpu.memref_slice %arg10[%dma_wait3A_640, %dma_wait3A_641, %dma_wait3A_642, %dma_wait3A_643, %dma_wait3A_644] : memref<1x8x1x8x129xf32, #tpu.memory_space<vmem>> -> memref<1x8x1x8x128xf32, #tpu.memory_space<vmem>>
    %dma_wait3A_646 = arith.constant 0 : i32
    %dma_wait3A_647 = arith.constant 0 : i32
    %dma_wait3A_648 = arith.constant 0 : i32
    %dma_wait3A_649 = arith.constant 0 : i32
    %dma_wait3A_650 = arith.constant 0 : i32
    %dma_wait3A_651 = tpu.memref_slice %arg4[%dma_wait3A_646, %dma_wait3A_647, %dma_wait3A_648, %dma_wait3A_649, %dma_wait3A_650] : memref<200x8x32x8x128xf32, #tpu.memory_space<hbm>> -> memref<1x8x1x8x128xf32, #tpu.memory_space<hbm>>
    %dma_wait3A_652 = arith.constant 0 : i32
    %dma_wait3A_653 = arith.constant 0 : i32
    %dma_wait3A_654 = arith.constant 0 : i32
    %dma_wait3A_655 = arith.constant 0 : i32
    %dma_wait3A_656 = arith.constant 0 : i32
    %dma_wait3A_657 = tpu.memref_slice %arg4[%dma_wait3A_652, %dma_wait3A_653, %dma_wait3A_654, %dma_wait3A_655, %dma_wait3A_656] : memref<200x8x32x8x128xf32, #tpu.memory_space<hbm>> -> memref<1x8x1x8x128xf32, #tpu.memory_space<hbm>>
    %dma_wait3A_658 = arith.constant 0 : i32
    %dma_wait3A_659 = arith.constant 0 : i32
    %dma_wait3A_660 = arith.constant 0 : i32
    %dma_wait3A_661 = arith.constant 0 : i32
    %dma_wait3A_662 = arith.constant 0 : i32
    %dma_wait3A_663 = tpu.memref_slice %arg10[%dma_wait3A_658, %dma_wait3A_659, %dma_wait3A_660, %dma_wait3A_661, %dma_wait3A_662] : memref<1x8x1x8x129xf32, #tpu.memory_space<vmem>> -> memref<1x8x1x8x128xf32, #tpu.memory_space<vmem>>
    tpu.wait_dma2 semaphore(%arg18 : memref<!tpu.dma_semaphore, #tpu.memory_space<semaphore_mem>>) src(%dma_wait3A_663 : memref<1x8x1x8x128xf32, #tpu.memory_space<vmem>>) dst(%dma_wait3A_657 : memref<1x8x1x8x128xf32, #tpu.memory_space<hbm>>)
    %dma_wait3A_664 = arith.constant 0 : i32
    %dma_wait3A_665 = arith.constant 0 : i32
    %dma_wait3A_666 = arith.constant 0 : i32
    %dma_wait3A_667 = arith.constant 0 : i32
    %dma_wait3A_668 = arith.constant 0 : i32
    %dma_wait3A_669 = tpu.memref_slice %arg11[%dma_wait3A_664, %dma_wait3A_665, %dma_wait3A_666, %dma_wait3A_667, %dma_wait3A_668] : memref<1x8x1x8x129xf32, #tpu.memory_space<vmem>> -> memref<1x8x1x8x128xf32, #tpu.memory_space<vmem>>
    %dma_wait3A_670 = arith.constant 0 : i32
    %dma_wait3A_671 = arith.constant 0 : i32
    %dma_wait3A_672 = arith.constant 0 : i32
    %dma_wait3A_673 = arith.constant 0 : i32
    %dma_wait3A_674 = arith.constant 0 : i32
    %dma_wait3A_675 = tpu.memref_slice %arg4[%dma_wait3A_670, %dma_wait3A_671, %dma_wait3A_672, %dma_wait3A_673, %dma_wait3A_674] : memref<200x8x32x8x128xf32, #tpu.memory_space<hbm>> -> memref<1x8x1x8x128xf32, #tpu.memory_space<hbm>>
    %dma_wait3A_676 = arith.constant 0 : i32
    %dma_wait3A_677 = arith.constant 0 : i32
    %dma_wait3A_678 = arith.constant 0 : i32
    %dma_wait3A_679 = arith.constant 0 : i32
    %dma_wait3A_680 = arith.constant 0 : i32
    %dma_wait3A_681 = tpu.memref_slice %arg4[%dma_wait3A_676, %dma_wait3A_677, %dma_wait3A_678, %dma_wait3A_679, %dma_wait3A_680] : memref<200x8x32x8x128xf32, #tpu.memory_space<hbm>> -> memref<1x8x1x8x128xf32, #tpu.memory_space<hbm>>
    %dma_wait3A_682 = arith.constant 0 : i32
    %dma_wait3A_683 = arith.constant 0 : i32
    %dma_wait3A_684 = arith.constant 0 : i32
    %dma_wait3A_685 = arith.constant 0 : i32
    %dma_wait3A_686 = arith.constant 0 : i32
    %dma_wait3A_687 = tpu.memref_slice %arg11[%dma_wait3A_682, %dma_wait3A_683, %dma_wait3A_684, %dma_wait3A_685, %dma_wait3A_686] : memref<1x8x1x8x129xf32, #tpu.memory_space<vmem>> -> memref<1x8x1x8x128xf32, #tpu.memory_space<vmem>>
    tpu.wait_dma2 semaphore(%arg19 : memref<!tpu.dma_semaphore, #tpu.memory_space<semaphore_mem>>) src(%dma_wait3A_687 : memref<1x8x1x8x128xf32, #tpu.memory_space<vmem>>) dst(%dma_wait3A_681 : memref<1x8x1x8x128xf32, #tpu.memory_space<hbm>>)
    %dma_wait3A_688 = arith.constant 0 : i32
    %dma_wait3A_689 = arith.constant 0 : i32
    %dma_wait3A_690 = arith.constant 0 : i32
    %dma_wait3A_691 = arith.constant 0 : i32
    %dma_wait3A_692 = arith.constant 0 : i32
    %dma_wait3A_693 = tpu.memref_slice %arg12[%dma_wait3A_688, %dma_wait3A_689, %dma_wait3A_690, %dma_wait3A_691, %dma_wait3A_692] : memref<1x8x1x8x129xf32, #tpu.memory_space<vmem>> -> memref<1x8x1x8x128xf32, #tpu.memory_space<vmem>>
    %dma_wait3A_694 = arith.constant 0 : i32
    %dma_wait3A_695 = arith.constant 0 : i32
    %dma_wait3A_696 = arith.constant 0 : i32
    %dma_wait3A_697 = arith.constant 0 : i32
    %dma_wait3A_698 = arith.constant 0 : i32
    %dma_wait3A_699 = tpu.memref_slice %arg4[%dma_wait3A_694, %dma_wait3A_695, %dma_wait3A_696, %dma_wait3A_697, %dma_wait3A_698] : memref<200x8x32x8x128xf32, #tpu.memory_space<hbm>> -> memref<1x8x1x8x128xf32, #tpu.memory_space<hbm>>
    %dma_wait3A_700 = arith.constant 0 : i32
    %dma_wait3A_701 = arith.constant 0 : i32
    %dma_wait3A_702 = arith.constant 0 : i32
    %dma_wait3A_703 = arith.constant 0 : i32
    %dma_wait3A_704 = arith.constant 0 : i32
    %dma_wait3A_705 = tpu.memref_slice %arg4[%dma_wait3A_700, %dma_wait3A_701, %dma_wait3A_702, %dma_wait3A_703, %dma_wait3A_704] : memref<200x8x32x8x128xf32, #tpu.memory_space<hbm>> -> memref<1x8x1x8x128xf32, #tpu.memory_space<hbm>>
    %dma_wait3A_706 = arith.constant 0 : i32
    %dma_wait3A_707 = arith.constant 0 : i32
    %dma_wait3A_708 = arith.constant 0 : i32
    %dma_wait3A_709 = arith.constant 0 : i32
    %dma_wait3A_710 = arith.constant 0 : i32
    %dma_wait3A_711 = tpu.memref_slice %arg12[%dma_wait3A_706, %dma_wait3A_707, %dma_wait3A_708, %dma_wait3A_709, %dma_wait3A_710] : memref<1x8x1x8x129xf32, #tpu.memory_space<vmem>> -> memref<1x8x1x8x128xf32, #tpu.memory_space<vmem>>
    tpu.wait_dma2 semaphore(%arg20 : memref<!tpu.dma_semaphore, #tpu.memory_space<semaphore_mem>>) src(%dma_wait3A_711 : memref<1x8x1x8x128xf32, #tpu.memory_space<vmem>>) dst(%dma_wait3A_705 : memref<1x8x1x8x128xf32, #tpu.memory_space<hbm>>)
    %dma_wait3A_712 = arith.constant 0 : i32
    %dma_wait3A_713 = arith.constant 0 : i32
    %dma_wait3A_714 = arith.constant 0 : i32
    %dma_wait3A_715 = arith.constant 0 : i32
    %dma_wait3A_716 = arith.constant 0 : i32
    %dma_wait3A_717 = tpu.memref_slice %arg13[%dma_wait3A_712, %dma_wait3A_713, %dma_wait3A_714, %dma_wait3A_715, %dma_wait3A_716] : memref<1x8x1x8x129xf32, #tpu.memory_space<vmem>> -> memref<1x8x1x8x128xf32, #tpu.memory_space<vmem>>
    %dma_wait3A_718 = arith.constant 0 : i32
    %dma_wait3A_719 = arith.constant 0 : i32
    %dma_wait3A_720 = arith.constant 0 : i32
    %dma_wait3A_721 = arith.constant 0 : i32
    %dma_wait3A_722 = arith.constant 0 : i32
    %dma_wait3A_723 = tpu.memref_slice %arg4[%dma_wait3A_718, %dma_wait3A_719, %dma_wait3A_720, %dma_wait3A_721, %dma_wait3A_722] : memref<200x8x32x8x128xf32, #tpu.memory_space<hbm>> -> memref<1x8x1x8x128xf32, #tpu.memory_space<hbm>>
    %dma_wait3A_724 = arith.constant 0 : i32
    %dma_wait3A_725 = arith.constant 0 : i32
    %dma_wait3A_726 = arith.constant 0 : i32
    %dma_wait3A_727 = arith.constant 0 : i32
    %dma_wait3A_728 = arith.constant 0 : i32
    %dma_wait3A_729 = tpu.memref_slice %arg4[%dma_wait3A_724, %dma_wait3A_725, %dma_wait3A_726, %dma_wait3A_727, %dma_wait3A_728] : memref<200x8x32x8x128xf32, #tpu.memory_space<hbm>> -> memref<1x8x1x8x128xf32, #tpu.memory_space<hbm>>
    %dma_wait3A_730 = arith.constant 0 : i32
    %dma_wait3A_731 = arith.constant 0 : i32
    %dma_wait3A_732 = arith.constant 0 : i32
    %dma_wait3A_733 = arith.constant 0 : i32
    %dma_wait3A_734 = arith.constant 0 : i32
    %dma_wait3A_735 = tpu.memref_slice %arg13[%dma_wait3A_730, %dma_wait3A_731, %dma_wait3A_732, %dma_wait3A_733, %dma_wait3A_734] : memref<1x8x1x8x129xf32, #tpu.memory_space<vmem>> -> memref<1x8x1x8x128xf32, #tpu.memory_space<vmem>>
    tpu.wait_dma2 semaphore(%arg21 : memref<!tpu.dma_semaphore, #tpu.memory_space<semaphore_mem>>) src(%dma_wait3A_735 : memref<1x8x1x8x128xf32, #tpu.memory_space<vmem>>) dst(%dma_wait3A_729 : memref<1x8x1x8x128xf32, #tpu.memory_space<hbm>>)
    return
  }
}

</mosaic_0001>

<sc_bundles>
// kernel: kernel.3.cloned.1.call-start
scs
__scs_entry_jumppad:
0x0: {  	(pc) =	sbr.rel $0x88, $3  }
0x1: {  	(tag) =	ssettag $0x0;
	lr =	simm.s32 $0x1  }
0x2: {  	[smem:$0x3F9F] =	sst lr;
	_ =	strace $0xD0000000  }
0x3: {  	_ = 	snop  }
0x4: {  	_ = 	snop  }
0x5: {  	_ = 	snop  }
0x6: {  	_ = 	snop  }
0x7: {  	_ = 	snop  }
__scs_overlays_trampoline_lowered:
0x8: {  	[smem:$0x3FAE] =	sst s0  }
0x9: {  	[smem:$0x3FAF] =	sst s1  }
0xa: {  	[smem:$0x3FB0] =	sst s2  }
0xb: {  	[smem:$0x3FB1] =	sst s3  }
0xc: {  	[smem:$0x3FB2] =	sst s4  }
0xd: {  	[smem:$0x3FB3] =	sst s5  }
0xe: {  	[smem:$0x3FB4] =	sst s6  }
0xf: {  	[smem:$0x3FB5] =	sst s7  }
0x10: {  	[smem:$0x3FB6] =	sst s8  }
0x11: {  	[smem:$0x3FB7] =	sst s9;
	s0 =	simm.s32 @!p0 $0x0  }
0x12: {  	s1 =	sld [smem:$0x3F9D];
	s0 =	simm.s32 @p0 $0x1  }
0x13: {  	[smem:$0x3FB8] =	sst s0;
	s0 =	simm.s32 @!p1 $0x0  }
0x14: {  	s2 =	sld [smem:$0x3F9C];
	s0 =	simm.s32 @p1 $0x1  }
0x15: {  	[smem:$0x3FB9] =	sst s0;
	s0 =	simm.s32 @!p2 $0x0  }
0x16: {  	s3 =	sld [smem:$0x3FDB];
	s0 =	simm.s32 @p2 $0x1  }
0x17: {  	s4 =	simm.s32 $0x1BF5;
	[smem:$0x3FBB] =	sst s0  }
0x18: {  	s0 =	sld [smem:$0x3F9E];
	_ =	swait.ge [sflag:s4], $0x0  }
0x19: {  	s7 =	sld [smem:$0x3F9F]  }
0x1a: {  	s8 =	sadd.s32 $0xFFFFE003, lr  }
0x1b: {  	s9 =	sadd.s32 $0xFFFFFEF7, lr;
	s5 =	simm.s32 $0xFFFFFFFF;
	p2 =	slt.u32 s8, $0xFFFFF086  }
0x1c: {  	p1 =	slt.u32 s9, $0xF7A;
	s5 =	simm.s32 @!p2 $0x0  }
0x1d: {  	s5 =	simm.s32 @p1 $0x1;
	p0 =	seq.s32 s7, s2  }
0x1e: {  	s7 =	smul.u32 @!p0 $0xF7A, s2;
	p2 =	seq.s32 @!p0 s5, $0x0  }
0x1f: {  	s9 =	smul.u32 $0xF7A, s1;
	s8 =	simm.s32 @!p0 $0x1BF5;
	p2 =	por !p2, p0  }
0x20: {  	[sflag:s8] =	ssyncset.s32 @!p0 $0xFFFFF086;
	s6 =	sadd.s32 @!p0 s3, s7;
	s7 =	simm.s32 @!p0 $0x108  }
0x21: {  	s3 =	sadd.s32 s3, s9;
	s6 =	sadd.s32 @!p0 $0x88, s6;
	s7 =	simm.s32 @p2 $0x1082  }
0x22: {  	[simem:s7], [sflag:s8] =	dma.local @!p0 [hbm:s6], $0xF7A  }
0x23: {  	s9 =	sor.u32 $0xD0000000, s2;
	s6 =	simm.s32 $0x108;
	_ =	swait.ge @!p0 [sflag:s8], $0x0  }
0x24: {  	s3 =	sadd.s32 $0x88, s3;
	s6 =	simm.s32 @!p1 $0x1082;
	[sflag:s4] =	ssyncset.s32 $0xFFFFF086  }
0x25: {  	[simem:s6], [sflag:s4] =	dma.local [hbm:s3], $0xF7A  }
0x26: {  	[smem:$0x3F9F] =	sst s1;
	(tag) =	ssettag s2;
	_ =	strace s9  }
0x27: {  	s1 =	sld [smem:$0x3FAF]  }
0x28: {  	s2 =	sld [smem:$0x3FB0]  }
0x29: {  	s4 =	sld [smem:$0x3FB2]  }
0x2a: {  	p0 =	seq.s32 s5, $0x0;
	s5 =	sld [smem:$0x3FB3]  }
0x2b: {  	s6 =	sld [smem:$0x3FB4]  }
0x2c: {  	s7 =	sld [smem:$0x3FB5]  }
0x2d: {  	s3 =	simm.s32 $0x108;
	s8 =	sld [smem:$0x3FB6]  }
0x2e: {  	s3 =	simm.s32 @!p0 $0x1082;
	s9 =	sld [smem:$0x3FB7]  }
0x2f: {  	lr =	sadd.s32 s0, s3;
	s0 =	sld [smem:$0x3FAE]  }
0x30: {  	s3 =	sld [smem:$0x3FB1]  }
0x31: {  	[smem:$0x3FBA] =	sst s10  }
0x32: {  	s10 =	sld [smem:$0x3FB8];
	_ =	sdelay $0x3  }
0x33: {  	p0 =	seq.s32 s10, $0x1;
	s10 =	sld [smem:$0x3FBA];
	_ =	sdelay $0x3  }
0x34: {  	[smem:$0x3FBA] =	sst s10  }
0x35: {  	s10 =	sld [smem:$0x3FB9];
	_ =	sdelay $0x3  }
0x36: {  	p1 =	seq.s32 s10, $0x1;
	s10 =	sld [smem:$0x3FBA];
	_ =	sdelay $0x3  }
0x37: {  	[smem:$0x3FBA] =	sst s10  }
0x38: {  	s10 =	sld [smem:$0x3FBB]  }
0x39: {  	_ = 	snop;
	(pc) =	sbr.ind lr, $3  }
0x3a: {  	_ = 	snop  }
0x3b: {  	_ = 	snop  }
0x3c: {  	p2 =	seq.s32 s10, $0x1;
	s10 =	sld [smem:$0x3FBA]  }
0x3d: {  	_ =	shalt  }
0x3e: {  	_ =	shalt  }
0x3f: {  	_ =	shalt  }
0x40: {  	_ =	shalt  }
0x41: {  	_ =	shalt  }
0x42: {  	_ =	shalt  }
0x43: {  	_ =	shalt  }
0x44: {  	_ =	shalt  }
0x45: {  	_ =	shalt  }
0x46: {  	_ =	shalt  }
0x47: {  	_ =	shalt  }
0x48: {  	_ =	shalt  }
0x49: {  	_ =	shalt  }
0x4a: {  	_ =	shalt  }
0x4b: {  	_ =	shalt  }
0x4c: {  	_ =	shalt  }
0x4d: {  	_ =	shalt  }
0x4e: {  	_ =	shalt  }
0x4f: {  	_ =	shalt  }
0x50: {  	_ =	shalt  }
0x51: {  	_ =	shalt  }
0x52: {  	_ =	shalt  }
0x53: {  	_ =	shalt  }
0x54: {  	_ =	shalt  }
0x55: {  	_ =	shalt  }
0x56: {  	_ =	shalt  }
0x57: {  	_ =	shalt  }
0x58: {  	_ =	shalt  }
0x59: {  	_ =	shalt  }
0x5a: {  	_ =	shalt  }
0x5b: {  	_ =	shalt  }
0x5c: {  	_ =	shalt  }
0x5d: {  	_ =	shalt  }
0x5e: {  	_ =	shalt  }
0x5f: {  	_ =	shalt  }
0x60: {  	_ =	shalt  }
0x61: {  	_ =	shalt  }
0x62: {  	_ =	shalt  }
0x63: {  	_ =	shalt  }
0x64: {  	_ =	shalt  }
0x65: {  	_ =	shalt  }
0x66: {  	_ =	shalt  }
0x67: {  	_ =	shalt  }
0x68: {  	_ =	shalt  }
0x69: {  	_ =	shalt  }
0x6a: {  	_ =	shalt  }
0x6b: {  	_ =	shalt  }
0x6c: {  	_ =	shalt  }
0x6d: {  	_ =	shalt  }
0x6e: {  	_ =	shalt  }
0x6f: {  	_ =	shalt  }
0x70: {  	_ =	shalt  }
0x71: {  	_ =	shalt  }
0x72: {  	_ =	shalt  }
0x73: {  	_ =	shalt  }
0x74: {  	_ =	shalt  }
0x75: {  	_ =	shalt  }
0x76: {  	_ =	shalt  }
0x77: {  	_ =	shalt  }
0x78: {  	_ =	shalt  }
0x79: {  	_ =	shalt  }
0x7a: {  	_ =	shalt  }
0x7b: {  	_ =	shalt  }
0x7c: {  	_ =	shalt  }
0x7d: {  	_ =	shalt  }
0x7e: {  	_ =	shalt  }
0x7f: {  	_ =	shalt  }
0x80: {  	_ =	shalt  }
0x81: {  	_ =	shalt  }
0x82: {  	_ =	shalt  }
0x83: {  	_ =	shalt  }
0x84: {  	_ =	shalt  }
0x85: {  	_ =	shalt  }
0x86: {  	_ =	shalt  }
0x87: {  	_ =	shalt  }
.Lfunc_end0:
.L_simem_size_0:
called_computation_lowered:
.L_overlay_start_0:
0x88: {  	s2 =	sld [smem:$0x3FD9]  }
0x89: {  	s3 =	sld [smem:$0x3FFE];
	_ =	sdelay $0x1  }
0x8a: {  	s1 =	srdreg.scid  }
0x8b: {  	s0 =	sand.u32 $0x1, s1  }
0x8c: {  	s17 =	sshll.u32 s0, $0xA;
	s2 =	sadd.s32 s3, s2  }
0x8d: {  	s2 =	sadd.s32 s2, s17  }
0x8e: {  	[smem:$0x3FC6] =	sst s2  }
0x8f: {  	_ = 	snop  }
0x90: {  	s2 =	sld [smem:$0x3FD0];
	(tm) =	ssettm $0x1  }
0x91: {  	s18 =	sld [smem:$0x3FFB];
	_ =	sdelay $0x3  }
0x92: {  	_ =	strace s18  }
0x93: {  	s3 =	sld [smem:$0x3FFC];
	_ =	sdelay $0x3  }
0x94: {  	_ =	strace s3  }
0x95: {  	s3 =	sld [smem:$0x3FFD];
	_ =	sdelay $0x3  }
0x96: {  	_ =	strace s3  }
0x97: {  	_ =	strace $0x8FFFFFFF  }
0x98: {  	s19 =	sld [smem:$0x3FDB];
	_ =	sdelay $0x1  }
0x99: {  	s4 =	simm.s32 $_scs_section_size  }
0x9a: {  	s5 =	simm.s32 $_size__tile_overlayer_lowered;
	s6 =	simm.s32 $_tile_overlayer_lowered  }
0x9b: {  	s22 =	simm.s32 $0x1BFF;
	s21 =	sshll.u32 s6, $0x1;
	s3 =	sadd.s32 s4, s19  }
0x9c: {  	s7 =	simm.s32 $0x0;
	s20 =	sshll.u32 s5, $0x1;
	s5 =	sadd.s32 s21, s3  }
0x9d: {  	[timem:s7], [sflag:s22] =	dma.local [hbm:s5], s20  }
0x9e: {  	_ =	swait.ge [sflag:s22], s20  }
0x9f: {  	s4 =	ssub.s32 $0x0, s20;
	[sflag:s22] =	ssyncset.done $0x0  }
0xa0: {  	[sflag:s22] =	ssyncadd.s32 s4;
	_ =	sdelay $0x1  }
0xa1: {  	s23 =	simm.s32 $0x1B8B  }
0xa2: {  	_ =	swait.ge [sflag:s23], $0x1  }
0xa3: {  	[sflag:s23] =	ssyncset.done $0x0  }
0xa4: {  	s25 =	simm.s32 $0x1B8E;
	s24 =	sld [smem:$0x3FFE];
	[sflag:s23] =	ssyncadd.s32 $0xFFFFFFFF  }
0xa5: {  	s26 =	simm.s32 $execute0_lowered;
	[smem:$0x3FD2] =	sst s25  }
0xa6: {  	s5 =	sshll.u32 s26, $0x1;
	_ =	strace $0x80000046;
	[dreg:$0x1] =	wrdreg $0xFFFFFFFF  }
0xa7: {  	s28 =	simm.s32 $_size_execute0_lowered;
	s3 =	sadd.s32 s3, s5;
	[dreg:$0x0] =	wrdreg $0x0  }
0xa8: {  	s5 =	sshll.u32 s28, $0x1;
	[dreg:$0x2] =	wrdreg s3  }
0xa9: {  	[dreg:$0x3] =	wrdreg s5  }
0xaa: {  	[dreg:$0x4] =	wrdreg $0xC0  }
0xab: {  	_ =	task [dreg:s7], $0x5FFFF  }
0xac: {  	[dreg:$0x1] =	wrdreg $0xFFFFFFFF  }
0xad: {  	[dreg:$0x0] =	wrdreg $0x60  }
0xae: {  	[dreg:$0x2] =	wrdreg s24  }
0xaf: {  	[dreg:$0x3] =	wrdreg s2  }
0xb0: {  	[dreg:$0x4] =	wrdreg $0x9  }
0xb1: {  	_ =	task.clear_ibuf [dreg:s7], $0x5FFFF;
	_ =	strace $0x90000046  }
0xb2: {  	s29 =	simm.s32 $0x9;
	_ =	strace $0x80000048  }
0xb3: {  	_ =	swait.ge [sflag:s29], $0x1  }
0xb4: {  	[sflag:s29] =	ssyncadd.s32 $0xFFFFFFFF  }
0xb5: {  	_ =	strace $0x90000048  }
0xb6: {  	_ =	sfence  }
0xb7: {  	s30 =	sld [smem:$0x0];
	_ =	sdelay $0x2  }
0xb8: {  	s31 =	sshll.u32 s1, $0xD;
	s1 =	sshrl.u32 s1, $0x2  }
0xb9: {  	s3 =	sand.u32 $0x4000, s31;
	s1 =	sadd.s32 s1, s30  }
0xba: {  	s0 =	sor.u32 s3, s0;
	s1 =	sshll.u32 s1, $0x11  }
0xbb: {  	s0 =	sor.u32 s1, s0  }
0xbc: {  	s0 =	sadd.s32 $0x8F2B, s0  }
0xbd: {  	[sflag:s0] =	ssyncadd.remote.s32 $0x1  }
0xbe: {  	_ =	sfence.sel $0xFFFF  }
0xbf: {  	[dreg:$0x0] =	wrdreg $0xFFFFFFFF;
	(pc) =	sbr.abs _section_cstart, $3  }
0xc0: {  	[dreg:$0x1] =	wrdreg $0xFFFFFFFF  }
0xc1: {  	_ =	task.clear_ibuf [dreg:s7], $0x2FFFF;
	_ =	strace $0x9FFFFFFF  }
0xc2: {  	(tm) =	ssettm $0x7FFFFFFF  }
0xc3: {  	_ =	shalt  }
tec
execute0_lowered:
.L_overlay_start_1:
0x0: {  	(tag) =	ssettag $0x1  }
0x1: {  	s0 =	rddreg [dreg:$0x0]  }
0x2: {  	s7 =	rddreg [dreg:$0x1];
	s3 =	simm.s32 $0x0  }
0x3: {  	s1 =	srdreg.scid;
	s2 =	stileid.u32;
	s19 =	simm.s32 $0x80  }
0x4: {  	s28 =	simm.s32 $0x12400;
	s29 =	simm.s32 $0x1;
	s30 =	simm.s32 $0x16400  }
0x5: {  	s31 =	simm.s32 $0x1CA00;
	s1 =	sand.u32 $0x1, s1;
	s2 =	sshll.u32 s2, $0x1  }
0x6: {  	s18 =	simm.s32 $0x6;
	s9 =	simm.s32 $0x8;
	s2 =	sor.u32 s1, s2  }
0x7: {  	[smem:$0x7FF] =	sst s3;
	s4 =	sadd.s32 $0xF5BA00, s0;
	s5 =	sshll.u32 s2, $0x4  }
0x8: {  	s8 =	sadd.s32 $0x8000, s7;
	s10 =	sadd.s32 $0x10000, s7;
	s0 =	sadd.s32 s5, s0  }
0x9: {  	s11 =	sadd.s32 $0x18000, s7;
	s5 =	sshll.u32 s2, $0x7;
	s0 =	sadd.s32 $0xF42A00, s0  }
0xa: {  	_ =	strace $0x80000047;
	s2 =	sadd.s32 s5, s8;
	[dreg:$0x3] =	wrdreg s0  }
0xb: {  	s1 =	ssub.s32 $0x2, s1;
	s21 =	sadd.s32 s5, s10;
	[dreg:$0x5] =	wrdreg s2  }
0xc: {  	s6 =	sshrl.u32 s1, $0x1;
	s22 =	sadd.s32 s5, s11;
	[dreg:$0x6] =	wrdreg s21  }
0xd: {  	s1 =	ssub.s32 s1, s6;
	s20 =	sadd.s32 s7, s5;
	[dreg:$0x7] =	wrdreg s22  }
0xe: {  	s6 =	simm.s32 $0x5;
	s26 =	smax.u32 s1, $0x1;
	[dreg:$0x4] =	wrdreg s20  }
0xf: {  	s1 =	simm.s32 $0x18600;
	s23 =	sadd.s32 $0x620000, s20;
	[dreg:$0xc] =	wrdreg s26  }
0x10: {  	s7 =	simm.s32 $0x0;
	s24 =	sadd.s32 $0x628000, s20;
	[dreg:$0x8] =	wrdreg s23  }
0x11: {  	v0 =	vlaneseq.u32;
	s25 =	sadd.s32 $0x630000, s20;
	s0 =	sadd.s32 $0x638000, s20;
	[dreg:$0x9] =	wrdreg s24  }
0x12: {  	v0 =	vmul.u32 $0x88, v0;
	s26 =	simm.s32 $0x1A800;
	s20 =	simm.s32 $0x4;
	[dreg:$0xa] =	wrdreg s25  }
0x13: {  	s21 =	simm.s32 $0x7;
	[dreg:$0xb] =	wrdreg s0;
	s23 =	simm.s32 $0xA400  }
0x14: {  	v1 =	vadd.s32 $0x880, v0;
	v2 =	vadd.s32 $0x1100, v0;
	v3 =	vadd.s32 $0x1980, v0;
	s25 =	simm.s32 $0xE400;
	s0 =	simm.s32 $0x2;
	s24 =	simm.s32 $0x3  }
.LBB2_1:
0x15: {  	[dreg:$0xd] =	wrdreg s7  }
0x16: {  	s2 =	rddreg [dreg:$0x3];
	s16 =	simm.s32 $0x1000;
	s17 =	simm.s32 $0x9  }
0x17: {  	[tilespmem:s3], [sflag:$0x9] =	stream.strided.gather [hbm4b:s2+s19], $0x6400, s16, s19, $0x38;
	[tilespmem:$0x1EC00] =	vst v63  }
0x18: {  	_ =	swait.ge [sflag:s17], $0x6400  }
0x19: {  	[sflag:s17] =	ssyncset.done $0x0  }
0x1a: {  	s22 =	simm.s32 $0x6400;
	[sflag:s17] =	ssyncadd.s32 $0xFFFF9C00  }
0x1b: {  	[tilespmem:s22], [sflag:$0x1] =	stream.indirect.gather [hbm4b:s4+s19], $0x80, s3, s19, $0xb8;
	[tilespmem:$0x1EC00] =	vst v63  }
0x1c: {  	_ = 	snop  }
0x1d: {  	[tilespmem:s23], [sflag:$0x2] =	stream.indirect.gather [hbm4b:s4+s19], $0x80, s19, s19, $0xb8;
	[tilespmem:$0x1EC00] =	vst v63  }
0x1e: {  	s7 =	simm.s32 $0x100  }
0x1f: {  	[tilespmem:s25], [sflag:$0x3] =	stream.indirect.gather [hbm4b:s4+s19], $0x80, s7, s19, $0xb8;
	[tilespmem:$0x1EC00] =	vst v63  }
0x20: {  	s12 =	simm.s32 $0x180  }
0x21: {  	[tilespmem:s28], [sflag:$0x4] =	stream.indirect.gather [hbm4b:s4+s19], $0x80, s12, s19, $0xb8;
	[tilespmem:$0x1EC00] =	vst v63  }
0x22: {  	_ =	swait.ge [sflag:s29], $0x4000  }
0x23: {  	[sflag:s29] =	ssyncset.done $0x0  }
0x24: {  	s13 =	simm.s32 $0x3;
	s7 =	simm.s32 $0x6500;
	[sflag:s29] =	ssyncadd.s32 $0xFFFFC000  }
0x25: {  	v4 =	vmov s13;
	v5 =	vld [tilespmem:s7+$0x80]  }
0x26: {  	v9 =	vand.u32 $0x7F, v4  }
0x27: {  	v6 =	vmov s3;
	v4 =	vadd.s32 v0, v9  }
0x28: {  	s14 =	simm.s32 $0x1;
	v8 =	vand.u32 $0x7C, v6;
	v7 =	vld [tilespmem:s7+$0xFFFFFF00]  }
0x29: {  	v6 =	vmov s14;
	v12 =	vadd.s32 v0, v8;
	s12 =	simm.s32 $0x2;
	v10 =	vld [tilespmem:s7+$0xFFFFFF80]  }
0x2a: {  	v15 =	vand.u32 $0x7D, v6;
	v11 =	vmov s12;
	v6 =	vld [tilespmem:s7+$0x0];
	v5 =	vmul.f32 $8.000000000e+00, v5  }
0x2b: {  	v13 =	vadd.s32 v0, v15;
	v17 =	vand.u32 $0x7E, v11  }
0x2c: {  	v11 =	vadd.s32 v0, v17;
	[tilespmem:v4+s30+$0x0] =	vst.idx.msk $0xffff, v5  }
0x2d: {  	v4 =	vmul.f32 $8.000000000e+00, v7;
	v5 =	vld [tilespmem:s7+$0x90]  }
0x2e: {  	v7 =	vmul.f32 $8.000000000e+00, v10  }
0x2f: {  	[tilespmem:v12+s30+$0x0] =	vst.idx.msk $0xffff, v4;
	v4 =	vmul.f32 $8.000000000e+00, v6;
	v6 =	vadd.s32 v1, v9  }
0x30: {  	[tilespmem:v13+s30+$0x0] =	vst.idx.msk $0xffff, v7;
	v10 =	vld [tilespmem:s7+$0xFFFFFF10]  }
0x31: {  	v7 =	vld [tilespmem:s7+$0xFFFFFF90];
	[tilespmem:v11+s30+$0x0] =	vst.idx.msk $0xffff, v4  }
0x32: {  	v11 =	vld [tilespmem:s7+$0x10];
	v4 =	vmul.f32 $8.000000000e+00, v5  }
0x33: {  	s15 =	simm.s32 $0x4;
	s13 =	simm.s32 $0x7;
	s12 =	simm.s32 $0x6700;
	v12 =	vadd.s32 v1, v15  }
0x34: {  	v14 =	vld [tilespmem:s12+$0x80];
	v13 =	vadd.s32 v1, v17;
	v5 =	vmov s15;
	[tilespmem:v6+s30+$0x0] =	vst.idx.msk $0xffff, v4;
	v6 =	vmov s13  }
0x35: {  	v16 =	vadd.s32 v1, v8;
	v4 =	vand.u32 $0x7C, v5;
	v5 =	vand.u32 $0x7F, v6;
	v18 =	vld [tilespmem:s7+$0xA0]  }
0x36: {  	s16 =	simm.s32 $0x5;
	v22 =	vadd.s32 v2, v9;
	v19 =	vld [tilespmem:s12+$0xFFFFFF00];
	v6 =	vmul.f32 $8.000000000e+00, v7;
	v20 =	vadd.s32 v0, v5  }
0x37: {  	s17 =	simm.s32 $0x6;
	v21 =	vld [tilespmem:s12+$0xFFFFFF80];
	v10 =	vmul.f32 $8.000000000e+00, v10;
	v7 =	vmul.f32 $8.000000000e+00, v11;
	v11 =	vmov s16  }
0x38: {  	v23 =	vadd.s32 v0, v4;
	[tilespmem:v12+s30+$0x0] =	vst.idx.msk $0xffff, v6;
	v12 =	vmov s17;
	v6 =	vand.u32 $0x7D, v11;
	v11 =	vld [tilespmem:s12+$0x0]  }
0x39: {  	[tilespmem:v13+s30+$0x0] =	vst.idx.msk $0xffff, v7;
	v13 =	vadd.s32 v0, v6;
	v7 =	vand.u32 $0x7E, v12;
	v12 =	vmul.f32 $8.000000000e+00, v14;
	v14 =	vld [tilespmem:s7+$0xFFFFFFA0]  }
0x3a: {  	[tilespmem:v16+s30+$0x0] =	vst.idx.msk $0xffff, v10;
	v10 =	vadd.s32 v0, v7;
	v16 =	vld [tilespmem:s7+$0x20];
	v18 =	vmul.f32 $8.000000000e+00, v18  }
0x3b: {  	v19 =	vmul.f32 $8.000000000e+00, v19;
	[tilespmem:v20+s30+$0x0] =	vst.idx.msk $0xffff, v12;
	v12 =	vld [tilespmem:s7+$0xFFFFFF20];
	v20 =	vadd.s32 v2, v15  }
0x3c: {  	v25 =	vadd.s32 v2, v17;
	v21 =	vmul.f32 $8.000000000e+00, v21;
	v24 =	vld [tilespmem:s12+$0x90];
	[tilespmem:v22+s30+$0x0] =	vst.idx.msk $0xffff, v18  }
0x3d: {  	[tilespmem:v23+s30+$0x0] =	vst.idx.msk $0xffff, v19;
	v19 =	vadd.s32 v2, v8;
	v11 =	vmul.f32 $8.000000000e+00, v11;
	v22 =	vld [tilespmem:s7+$0xB0]  }
0x3e: {  	v23 =	vld [tilespmem:s12+$0xFFFFFF10];
	[tilespmem:v13+s30+$0x0] =	vst.idx.msk $0xffff, v21;
	v21 =	vadd.s32 v1, v5;
	v14 =	vmul.f32 $8.000000000e+00, v14  }
0x3f: {  	v27 =	vadd.s32 v3, v9;
	v26 =	vld [tilespmem:s12+$0xFFFFFF90];
	[tilespmem:v10+s30+$0x0] =	vst.idx.msk $0xffff, v11;
	v10 =	vmul.f32 $8.000000000e+00, v16  }
0x40: {  	v18 =	vadd.s32 v1, v4;
	v13 =	vld [tilespmem:s12+$0x10];
	v9 =	vmul.f32 $8.000000000e+00, v12;
	[tilespmem:v20+s30+$0x0] =	vst.idx.msk $0xffff, v14  }
0x41: {  	s14 =	simm.s32 $0x8;
	v16 =	vadd.s32 v1, v6;
	[tilespmem:v25+s30+$0x0] =	vst.idx.msk $0xffff, v10;
	v14 =	vmul.f32 $8.000000000e+00, v24;
	v12 =	vld [tilespmem:s7+$0xFFFFFFB0]  }
0x42: {  	v20 =	vmov s14;
	v10 =	vadd.s32 v1, v7;
	v11 =	vld [tilespmem:s7+$0x30];
	[tilespmem:v19+s30+$0x0] =	vst.idx.msk $0xffff, v9;
	v63 =	vmul.f32 $8.000000000e+00, v22  }
0x43: {  	s22 =	simm.s32 $0xB;
	s13 =	simm.s32 $0x6900;
	v15 =	vadd.s32 v3, v15;
	v9 =	vand.u32 $0x7C, v20;
	v20 =	vmul.f32 $8.000000000e+00, v23;
	[tilespmem:v21+s30+$0x0] =	vst.idx.msk $0xffff, v14;
	v14 =	vld [tilespmem:s7+$0xFFFFFF30]  }
0x44: {  	v17 =	vadd.s32 v3, v17;
	v22 =	vmov s22;
	v19 =	vld [tilespmem:s13+$0x80];
	s7 =	simm.s32 $0xC;
	v21 =	vmul.f32 $8.000000000e+00, v26;
	[tilespmem:v27+s30+$0x0] =	vst.idx.msk $0xffff, v63  }
.LBB2_2:
0x45: {  	p0 =	slt.u32 s7, $0x7C;
	s2 =	sadd.s32 $0x1, s14;
	v22 =	vand.u32 $0x7F, v22;
	[tilespmem:v18+s30+$0x0] =	vst.idx.msk $0xffff, v20;
	v13 =	vmul.f32 $8.000000000e+00, v13;
	v18 =	vld [tilespmem:s12+$0xA0];
	v20 =	vadd.s32 v3, v8;
	v8 =	vmovc v4  }
0x46: {  	v4 =	vmovc v9;
	v23 =	vld [tilespmem:s13+$0xFFFFFF00];
	v24 =	vmov s2;
	s2 =	sadd.s32 $0x2, s14;
	v25 =	vadd.s32 v0, v22;
	[tilespmem:v16+s30+$0x0] =	vst.idx.msk $0xffff, v21;
	v12 =	vmul.f32 $8.000000000e+00, v12;
	s14 =	smov.u32 s7  }
0x47: {  	v9 =	vld [tilespmem:s13+$0xFFFFFF80];
	v16 =	vmov s2;
	[tilespmem:v10+s30+$0x0] =	vst.idx.msk $0xffff, v13;
	v10 =	vadd.s32 v2, v5;
	v11 =	vmul.f32 $8.000000000e+00, v11  }
0x48: {  	v13 =	vadd.s32 v0, v4;
	v21 =	vand.u32 $0x7D, v24;
	v24 =	vld [tilespmem:s13+$0x0];
	v14 =	vmul.f32 $8.000000000e+00, v14;
	[tilespmem:v15+s30+$0x0] =	vst.idx.msk $0xffff, v12  }
0x49: {  	v12 =	vadd.s32 v0, v21;
	v26 =	vand.u32 $0x7E, v16;
	v15 =	vmul.f32 $8.000000000e+00, v19;
	v16 =	vld [tilespmem:s12+$0xFFFFFFA0];
	[tilespmem:v17+s30+$0x0] =	vst.idx.msk $0xffff, v11  }
0x4a: {  	v11 =	vadd.s32 v0, v26;
	v17 =	vld [tilespmem:s12+$0x20];
	v18 =	vmul.f32 $8.000000000e+00, v18;
	[tilespmem:v20+s30+$0x0] =	vst.idx.msk $0xffff, v14  }
0x4b: {  	v19 =	vadd.s32 v2, v6;
	v14 =	vmul.f32 $8.000000000e+00, v23;
	[tilespmem:v25+s30+$0x0] =	vst.idx.msk $0xffff, v15;
	v15 =	vld [tilespmem:s12+$0xFFFFFF20]  }
0x4c: {  	v23 =	vadd.s32 v2, v7;
	v9 =	vmul.f32 $8.000000000e+00, v9;
	v20 =	vld [tilespmem:s13+$0x90];
	[tilespmem:v10+s30+$0x0] =	vst.idx.msk $0xffff, v18  }
0x4d: {  	[tilespmem:v13+s30+$0x0] =	vst.idx.msk $0xffff, v14;
	v10 =	vmul.f32 $8.000000000e+00, v24;
	v14 =	vadd.s32 v2, v8;
	v24 =	vld [tilespmem:s12+$0xB0]  }
0x4e: {  	v27 =	vadd.s32 v1, v22;
	v25 =	vld [tilespmem:s13+$0xFFFFFF10];
	[tilespmem:v12+s30+$0x0] =	vst.idx.msk $0xffff, v9;
	v9 =	vmul.f32 $8.000000000e+00, v16  }
0x4f: {  	v29 =	vadd.s32 v3, v5;
	v5 =	vmov v22;
	v28 =	vld [tilespmem:s13+$0xFFFFFF90];
	[tilespmem:v11+s30+$0x0] =	vst.idx.msk $0xffff, v10;
	v10 =	vmul.f32 $8.000000000e+00, v17  }
.Ltmp0:
0x50: {  	v18 =	vadd.s32 v1, v4;
	v13 =	vld [tilespmem:s13+$0x10];
	v11 =	vmul.f32 $8.000000000e+00, v15;
	[tilespmem:v19+s30+$0x0] =	vst.idx.msk $0xffff, v9;
	(pc) =	sbr.rel @p0 .LBB2_2-.Ltmp0, $4  }
0x51: {  	v16 =	vadd.s32 v1, v21;
	v15 =	vmul.f32 $8.000000000e+00, v20;
	v12 =	vld [tilespmem:s12+$0xFFFFFFB0];
	[tilespmem:v23+s30+$0x0] =	vst.idx.msk $0xffff, v10  }
0x52: {  	v9 =	vmov s7;
	v10 =	vadd.s32 v1, v26;
	[tilespmem:v14+s30+$0x0] =	vst.idx.msk $0xffff, v11;
	v11 =	vld [tilespmem:s12+$0x30];
	v23 =	vmul.f32 $8.000000000e+00, v24  }
0x53: {  	s2 =	sadd.s32 $0x3, s7;
	v9 =	vand.u32 $0x7C, v9;
	v20 =	vmul.f32 $8.000000000e+00, v25;
	[tilespmem:v27+s30+$0x0] =	vst.idx.msk $0xffff, v15;
	v14 =	vld [tilespmem:s12+$0xFFFFFF30];
	v15 =	vadd.s32 v3, v6;
	v6 =	vmovc v21;
	s12 =	smov.u32 s13;
	s13 =	sadd.s32 $0x200, s13  }
0x54: {  	v22 =	vmov s2;
	v17 =	vadd.s32 v3, v7;
	v7 =	vmovc v26;
	s7 =	sadd.s32 $0x4, s7;
	v19 =	vld [tilespmem:s13+$0x80];
	v21 =	vmul.f32 $8.000000000e+00, v28;
	[tilespmem:v29+s30+$0x0] =	vst.idx.msk $0xffff, v23  }
0x55: {  	s2 =	sadd.s32 $0x1, s14;
	v22 =	vand.u32 $0x7F, v22;
	v28 =	vld [tilespmem:s13+$0xFFFFFF00]  }
0x56: {  	s7 =	sadd.s32 $0x2, s14;
	v24 =	vld [tilespmem:s13+$0xFFFFFF80];
	v23 =	vmov s2;
	v25 =	vadd.s32 v0, v22  }
0x57: {  	v27 =	vld [tilespmem:s13+$0x0];
	v51 =	vadd.s32 v0, v9;
	v26 =	vmov s7;
	v23 =	vand.u32 $0x7D, v23  }
0x58: {  	v26 =	vand.u32 $0x7E, v26;
	v29 =	vadd.s32 v0, v23  }
0x59: {  	[tilespmem:v18+s30+$0x0] =	vst.idx.msk $0xffff, v20;
	v30 =	vadd.s32 v0, v26;
	v19 =	vmul.f32 $8.000000000e+00, v19  }
0x5a: {  	[tilespmem:v16+s30+$0x0] =	vst.idx.msk $0xffff, v21;
	v54 =	vmul.f32 $8.000000000e+00, v28  }
0x5b: {  	v52 =	vmul.f32 $8.000000000e+00, v24;
	[tilespmem:v25+s30+$0x0] =	vst.idx.msk $0xffff, v19  }
0x5c: {  	v53 =	vmul.f32 $8.000000000e+00, v27;
	v55 =	vld [tilespmem:s13+$0x90];
	[tilespmem:v51+s30+$0x0] =	vst.idx.msk $0xffff, v54  }
0x5d: {  	v13 =	vmul.f32 $8.000000000e+00, v13;
	v8 =	vadd.s32 v3, v8;
	[tilespmem:v29+s30+$0x0] =	vst.idx.msk $0xffff, v52;
	v59 =	vld [tilespmem:s13+$0xFFFFFF10]  }
0x5e: {  	v12 =	vmul.f32 $8.000000000e+00, v12;
	v57 =	vadd.s32 v1, v22;
	[tilespmem:v30+s30+$0x0] =	vst.idx.msk $0xffff, v53;
	v56 =	vld [tilespmem:s13+$0xFFFFFF90]  }
0x5f: {  	[tilespmem:v10+s30+$0x0] =	vst.idx.msk $0xffff, v13;
	v58 =	vmul.f32 $8.000000000e+00, v11;
	v28 =	vadd.s32 v1, v9;
	v19 =	vld [tilespmem:s13+$0x10]  }
0x60: {  	v61 =	vld [tilespmem:s12+$0xA0];
	v60 =	vadd.s32 v1, v23;
	v14 =	vmul.f32 $8.000000000e+00, v14;
	[tilespmem:v15+s30+$0x0] =	vst.idx.msk $0xffff, v12  }
0x61: {  	v32 =	vld [tilespmem:s12+$0xFFFFFF20];
	v62 =	vadd.s32 v1, v26;
	[tilespmem:v17+s30+$0x0] =	vst.idx.msk $0xffff, v58;
	v16 =	vmul.f32 $8.000000000e+00, v55  }
0x62: {  	[tilespmem:v8+s30+$0x0] =	vst.idx.msk $0xffff, v14;
	v29 =	vadd.s32 v2, v5;
	v30 =	vld [tilespmem:s12+$0x20];
	v11 =	vmul.f32 $8.000000000e+00, v59  }
0x63: {  	v38 =	vadd.s32 v2, v4;
	v63 =	vld [tilespmem:s12+$0xFFFFFFA0];
	v31 =	vmul.f32 $8.000000000e+00, v56;
	[tilespmem:v57+s30+$0x0] =	vst.idx.msk $0xffff, v16  }
0x64: {  	v35 =	vadd.s32 v2, v7;
	v34 =	vmul.f32 $8.000000000e+00, v19;
	v36 =	vld [tilespmem:s13+$0xA0];
	[tilespmem:v28+s30+$0x0] =	vst.idx.msk $0xffff, v11  }
0x65: {  	v33 =	vadd.s32 v2, v6;
	v37 =	vmul.f32 $8.000000000e+00, v61;
	[tilespmem:v60+s30+$0x0] =	vst.idx.msk $0xffff, v31;
	v43 =	vld [tilespmem:s13+$0xFFFFFF20]  }
0x66: {  	v40 =	vadd.s32 v2, v22;
	v14 =	vmul.f32 $8.000000000e+00, v32;
	[tilespmem:v62+s30+$0x0] =	vst.idx.msk $0xffff, v34;
	v39 =	vld [tilespmem:s13+$0xFFFFFFA0]  }
0x67: {  	v48 =	vadd.s32 v2, v9;
	[tilespmem:v29+s30+$0x0] =	vst.idx.msk $0xffff, v37;
	v42 =	vmul.f32 $8.000000000e+00, v30;
	v41 =	vld [tilespmem:s13+$0x20]  }
0x68: {  	v44 =	vadd.s32 v2, v23;
	v15 =	vmul.f32 $8.000000000e+00, v63;
	[tilespmem:v38+s30+$0x0] =	vst.idx.msk $0xffff, v14;
	v45 =	vld [tilespmem:s12+$0xB0]  }
0x69: {  	v46 =	vadd.s32 v2, v26;
	v14 =	vld [tilespmem:s12+$0xFFFFFF30];
	[tilespmem:v35+s30+$0x0] =	vst.idx.msk $0xffff, v42;
	v47 =	vmul.f32 $8.000000000e+00, v36  }
0x6a: {  	v5 =	vadd.s32 v3, v5;
	[tilespmem:v33+s30+$0x0] =	vst.idx.msk $0xffff, v15;
	v49 =	vld [tilespmem:s12+$0x30];
	v53 =	vmul.f32 $8.000000000e+00, v43  }
0x6b: {  	v4 =	vadd.s32 v3, v4;
	v21 =	vld [tilespmem:s12+$0xFFFFFFB0];
	v12 =	vmul.f32 $8.000000000e+00, v39;
	[tilespmem:v40+s30+$0x0] =	vst.idx.msk $0xffff, v47  }
0x6c: {  	v52 =	vadd.s32 v3, v7;
	v51 =	vmul.f32 $8.000000000e+00, v41;
	v10 =	vld [tilespmem:s13+$0xB0];
	[tilespmem:v48+s30+$0x0] =	vst.idx.msk $0xffff, v53  }
0x6d: {  	v50 =	vadd.s32 v3, v6;
	v54 =	vmul.f32 $8.000000000e+00, v45;
	[tilespmem:v44+s30+$0x0] =	vst.idx.msk $0xffff, v12;
	v59 =	vld [tilespmem:s13+$0xFFFFFF30]  }
0x6e: {  	v57 =	vadd.s32 v3, v22;
	v14 =	vmul.f32 $8.000000000e+00, v14;
	[tilespmem:v46+s30+$0x0] =	vst.idx.msk $0xffff, v51;
	v55 =	vld [tilespmem:s13+$0xFFFFFFB0]  }
0x6f: {  	v62 =	vadd.s32 v3, v9;
	[tilespmem:v5+s30+$0x0] =	vst.idx.msk $0xffff, v54;
	v5 =	vmul.f32 $8.000000000e+00, v49;
	v58 =	vld [tilespmem:s13+$0x30]  }
0x70: {  	v56 =	vmul.f32 $8.000000000e+00, v21;
	v60 =	vadd.s32 v3, v23;
	[tilespmem:v4+s30+$0x0] =	vst.idx.msk $0xffff, v14  }
0x71: {  	v61 =	vadd.s32 v3, v26;
	[tilespmem:v52+s30+$0x0] =	vst.idx.msk $0xffff, v5;
	v5 =	vmul.f32 $8.000000000e+00, v10  }
0x72: {  	[tilespmem:v50+s30+$0x0] =	vst.idx.msk $0xffff, v56;
	v63 =	vmul.f32 $8.000000000e+00, v59  }
0x73: {  	v4 =	vmul.f32 $8.000000000e+00, v55;
	[tilespmem:v57+s30+$0x0] =	vst.idx.msk $0xffff, v5  }
0x74: {  	v5 =	vmul.f32 $8.000000000e+00, v58;
	[tilespmem:v62+s30+$0x0] =	vst.idx.msk $0xffff, v63  }
0x75: {  	[tilespmem:v60+s30+$0x0] =	vst.idx.msk $0xffff, v4  }
0x76: {  	[tilespmem:v61+s30+$0x0] =	vst.idx.msk $0xffff, v5  }
0x77: {  	s13 =	simm.s32 $0x16400;
	s12 =	rddreg [dreg:$0x4]  }
0x78: {  	[hbm4b:s12+s3] =	stream.linear.scatter [tilespmem:s13], [sflag:$0x5], $0x80, $0x38;
	[tilespmem:$0x1EC00] =	vst v63  }
0x79: {  	s14 =	simm.s32 $0x16488;
	s7 =	sadd.s32 $0x10, s12  }
0x7a: {  	[hbm4b:s7+s3] =	stream.linear.scatter [tilespmem:s14], [sflag:$0x5], $0x80, $0x38;
	[tilespmem:$0x1EC00] =	vst v63  }
0x7b: {  	s15 =	simm.s32 $0x16510;
	s17 =	simm.s32 $0x16598;
	s16 =	sadd.s32 $0x20, s12  }
0x7c: {  	[hbm4b:s16+s3] =	stream.linear.scatter [tilespmem:s15], [sflag:$0x5], $0x80, $0x38;
	[tilespmem:$0x1EC00] =	vst v63  }
0x7d: {  	s22 =	sadd.s32 $0x30, s12;
	s13 =	simm.s32 $0x16620;
	s14 =	sadd.s32 $0x40, s12  }
0x7e: {  	[hbm4b:s22+s3] =	stream.linear.scatter [tilespmem:s17], [sflag:$0x5], $0x80, $0x38;
	[tilespmem:$0x1EC00] =	vst v63  }
0x7f: {  	s7 =	simm.s32 $0x440;
	s15 =	simm.s32 $0x166A8;
	s16 =	sadd.s32 $0x50, s12  }
0x80: {  	[hbm4b:s14+s3] =	stream.linear.scatter [tilespmem:s13], [sflag:$0x5], $0x80, $0x38;
	[tilespmem:$0x1EC00] =	vst v63  }
0x81: {  	s17 =	simm.s32 $0x16730;
	s22 =	sadd.s32 $0x60, s12;
	s13 =	simm.s32 $0x2200  }
0x82: {  	[hbm4b:s16+s3] =	stream.linear.scatter [tilespmem:s15], [sflag:$0x5], $0x80, $0x38;
	[tilespmem:$0x1EC00] =	vst v63  }
0x83: {  	s14 =	simm.s32 $0x167B8;
	s15 =	sadd.s32 $0x70, s12;
	s12 =	sadd.s32 $0x1000, s12  }
0x84: {  	[hbm4b:s22+s3] =	stream.linear.scatter [tilespmem:s17], [sflag:$0x5], $0x80, $0x38;
	[tilespmem:$0x1EC00] =	vst v63  }
.LBB2_4:
0x85: {  	[hbm4b:s15+s3] =	stream.linear.scatter [tilespmem:s14], [sflag:$0x5], $0x80, $0x38;
	[tilespmem:$0x1EC00] =	vst v63  }
0x86: {  	s2 =	smov.u32 s7;
	s7 =	smov.u32 s13  }
0x87: {  	s16 =	sadd.s32 $0x1100, s13;
	s7 =	sshra.s32 s7, $0x2;
	s14 =	sadd.s32 $0x16400, s2  }
0x88: {  	[hbm4b:s12+s3] =	stream.linear.scatter [tilespmem:s14], [sflag:$0x5], $0x80, $0x38;
	[tilespmem:$0x1EC00] =	vst v63  }
0x89: {  	p0 =	sne.s32 s13, $0x7700;
	s13 =	sadd.s32 $0x16488, s2;
	s14 =	sadd.s32 $0x10, s12  }
0x8a: {  	[hbm4b:s14+s3] =	stream.linear.scatter [tilespmem:s13], [sflag:$0x5], $0x80, $0x38;
	[tilespmem:$0x1EC00] =	vst v63  }
0x8b: {  	s13 =	sadd.s32 $0x16510, s2;
	s14 =	sadd.s32 $0x20, s12  }
0x8c: {  	[hbm4b:s14+s3] =	stream.linear.scatter [tilespmem:s13], [sflag:$0x5], $0x80, $0x38;
	[tilespmem:$0x1EC00] =	vst v63  }
0x8d: {  	s13 =	sadd.s32 $0x16598, s2;
	s14 =	sadd.s32 $0x30, s12  }
0x8e: {  	[hbm4b:s14+s3] =	stream.linear.scatter [tilespmem:s13], [sflag:$0x5], $0x80, $0x38;
	[tilespmem:$0x1EC00] =	vst v63  }
0x8f: {  	s13 =	sadd.s32 $0x16620, s2;
	s14 =	sadd.s32 $0x40, s12  }
0x90: {  	[hbm4b:s14+s3] =	stream.linear.scatter [tilespmem:s13], [sflag:$0x5], $0x80, $0x38;
	[tilespmem:$0x1EC00] =	vst v63  }
.Ltmp1:
0x91: {  	s13 =	sadd.s32 $0x166A8, s2;
	s14 =	sadd.s32 $0x50, s12;
	(pc) =	sbr.rel @p0 .LBB2_4-.Ltmp1, $4  }
0x92: {  	[hbm4b:s14+s3] =	stream.linear.scatter [tilespmem:s13], [sflag:$0x5], $0x80, $0x38;
	[tilespmem:$0x1EC00] =	vst v63  }
0x93: {  	s15 =	sadd.s32 $0x70, s12;
	s13 =	sadd.s32 $0x16730, s2;
	s14 =	sadd.s32 $0x60, s12  }
0x94: {  	[hbm4b:s14+s3] =	stream.linear.scatter [tilespmem:s13], [sflag:$0x5], $0x80, $0x38;
	[tilespmem:$0x1EC00] =	vst v63  }
0x95: {  	s12 =	sadd.s32 $0x1000, s12;
	s14 =	sadd.s32 $0x167B8, s2;
	s13 =	smov.u32 s16  }
0x96: {  	[hbm4b:s15+s3] =	stream.linear.scatter [tilespmem:s14], [sflag:$0x5], $0x80, $0x38;
	[tilespmem:$0x1EC00] =	vst v63  }
0x97: {  	s2 =	sadd.s32 $0x16400, s7  }
0x98: {  	[hbm4b:s12+s3] =	stream.linear.scatter [tilespmem:s2], [sflag:$0x5], $0x80, $0x38;
	[tilespmem:$0x1EC00] =	vst v63  }
0x99: {  	s14 =	sadd.s32 $0x16488, s7;
	s13 =	sadd.s32 $0x10, s12  }
0x9a: {  	[hbm4b:s13+s3] =	stream.linear.scatter [tilespmem:s14], [sflag:$0x5], $0x80, $0x38;
	[tilespmem:$0x1EC00] =	vst v63  }
0x9b: {  	s15 =	sadd.s32 $0x16510, s7;
	s16 =	sadd.s32 $0x20, s12  }
0x9c: {  	[hbm4b:s16+s3] =	stream.linear.scatter [tilespmem:s15], [sflag:$0x5], $0x80, $0x38;
	[tilespmem:$0x1EC00] =	vst v63  }
0x9d: {  	s17 =	sadd.s32 $0x16598, s7;
	s22 =	sadd.s32 $0x30, s12  }
0x9e: {  	[hbm4b:s22+s3] =	stream.linear.scatter [tilespmem:s17], [sflag:$0x5], $0x80, $0x38;
	[tilespmem:$0x1EC00] =	vst v63  }
0x9f: {  	s13 =	sadd.s32 $0x16620, s7;
	s14 =	sadd.s32 $0x40, s12  }
0xa0: {  	[hbm4b:s14+s3] =	stream.linear.scatter [tilespmem:s13], [sflag:$0x5], $0x80, $0x38;
	[tilespmem:$0x1EC00] =	vst v63  }
0xa1: {  	s15 =	sadd.s32 $0x166A8, s7;
	s16 =	sadd.s32 $0x50, s12  }
0xa2: {  	[hbm4b:s16+s3] =	stream.linear.scatter [tilespmem:s15], [sflag:$0x5], $0x80, $0x38;
	[tilespmem:$0x1EC00] =	vst v63  }
0xa3: {  	s17 =	sadd.s32 $0x16730, s7;
	s22 =	sadd.s32 $0x60, s12  }
0xa4: {  	[hbm4b:s22+s3] =	stream.linear.scatter [tilespmem:s17], [sflag:$0x5], $0x80, $0x38;
	[tilespmem:$0x1EC00] =	vst v63  }
0xa5: {  	s13 =	sadd.s32 $0x167B8, s7;
	s14 =	sadd.s32 $0x70, s12  }
0xa6: {  	[hbm4b:s14+s3] =	stream.linear.scatter [tilespmem:s13], [sflag:$0x5], $0x80, $0x38;
	[tilespmem:$0x1EC00] =	vst v63  }
0xa7: {  	s15 =	simm.s32 $0x6400;
	s16 =	simm.s32 $0x200  }
0xa8: {  	[tilespmem:s15], [sflag:$0x1] =	stream.indirect.gather [hbm4b:s4+s19], $0x80, s16, s19, $0xb8;
	[tilespmem:$0x1EC00] =	vst v63  }
0xa9: {  	_ =	swait.ge [sflag:s0], $0x4000  }
0xaa: {  	[sflag:s0] =	ssyncset.done $0x0  }
0xab: {  	s17 =	simm.s32 $0x3;
	s15 =	simm.s32 $0xA500;
	[sflag:s0] =	ssyncadd.s32 $0xFFFFC000  }
0xac: {  	v4 =	vmov s17;
	v5 =	vld [tilespmem:s15+$0x80]  }
0xad: {  	v9 =	vand.u32 $0x7F, v4  }
0xae: {  	s22 =	simm.s32 $0x0;
	v4 =	vadd.s32 v0, v9  }
0xaf: {  	s7 =	simm.s32 $0x1;
	s12 =	simm.s32 $0x2;
	v6 =	vmov s22;
	v7 =	vld [tilespmem:s15+$0xFFFFFF00]  }
0xb0: {  	v11 =	vmov s12;
	v8 =	vand.u32 $0x7C, v6;
	v6 =	vmov s7;
	v10 =	vld [tilespmem:s15+$0xFFFFFF80]  }
0xb1: {  	v12 =	vadd.s32 v0, v8;
	v15 =	vand.u32 $0x7D, v6;
	v6 =	vld [tilespmem:s15+$0x0];
	v5 =	vmul.f32 $8.000000000e+00, v5  }
0xb2: {  	v17 =	vand.u32 $0x7E, v11;
	v13 =	vadd.s32 v0, v15  }
0xb3: {  	v11 =	vadd.s32 v0, v17;
	[tilespmem:v4+s1+$0x0] =	vst.idx.msk $0xffff, v5  }
0xb4: {  	v4 =	vmul.f32 $8.000000000e+00, v7;
	v5 =	vld [tilespmem:s15+$0x90]  }
0xb5: {  	v7 =	vmul.f32 $8.000000000e+00, v10  }
0xb6: {  	[tilespmem:v12+s1+$0x0] =	vst.idx.msk $0xffff, v4;
	v4 =	vmul.f32 $8.000000000e+00, v6;
	v6 =	vadd.s32 v1, v9  }
0xb7: {  	[tilespmem:v13+s1+$0x0] =	vst.idx.msk $0xffff, v7;
	v10 =	vld [tilespmem:s15+$0xFFFFFF10]  }
0xb8: {  	v7 =	vld [tilespmem:s15+$0xFFFFFF90];
	[tilespmem:v11+s1+$0x0] =	vst.idx.msk $0xffff, v4  }
0xb9: {  	v11 =	vld [tilespmem:s15+$0x10];
	v4 =	vmul.f32 $8.000000000e+00, v5  }
0xba: {  	s12 =	simm.s32 $0xA700;
	s13 =	simm.s32 $0x4;
	s14 =	simm.s32 $0x7;
	v12 =	vadd.s32 v1, v15  }
0xbb: {  	v14 =	vld [tilespmem:s12+$0x80];
	v13 =	vadd.s32 v1, v17;
	v5 =	vmov s13;
	[tilespmem:v6+s1+$0x0] =	vst.idx.msk $0xffff, v4;
	v6 =	vmov s14  }
0xbc: {  	v16 =	vadd.s32 v1, v8;
	v4 =	vand.u32 $0x7C, v5;
	v5 =	vand.u32 $0x7F, v6;
	v18 =	vld [tilespmem:s15+$0xA0]  }
0xbd: {  	v22 =	vadd.s32 v2, v9;
	s16 =	simm.s32 $0x5;
	v19 =	vld [tilespmem:s12+$0xFFFFFF00];
	v6 =	vmul.f32 $8.000000000e+00, v7;
	v20 =	vadd.s32 v0, v5  }
0xbe: {  	s17 =	simm.s32 $0x6;
	v21 =	vld [tilespmem:s12+$0xFFFFFF80];
	v10 =	vmul.f32 $8.000000000e+00, v10;
	v7 =	vmul.f32 $8.000000000e+00, v11;
	v11 =	vmov s16  }
0xbf: {  	v23 =	vadd.s32 v0, v4;
	[tilespmem:v12+s1+$0x0] =	vst.idx.msk $0xffff, v6;
	v12 =	vmov s17;
	v6 =	vand.u32 $0x7D, v11;
	v11 =	vld [tilespmem:s12+$0x0]  }
0xc0: {  	[tilespmem:v13+s1+$0x0] =	vst.idx.msk $0xffff, v7;
	v13 =	vadd.s32 v0, v6;
	v7 =	vand.u32 $0x7E, v12;
	v12 =	vmul.f32 $8.000000000e+00, v14;
	v14 =	vld [tilespmem:s15+$0xFFFFFFA0]  }
0xc1: {  	[tilespmem:v16+s1+$0x0] =	vst.idx.msk $0xffff, v10;
	v10 =	vadd.s32 v0, v7;
	v16 =	vld [tilespmem:s15+$0x20];
	v18 =	vmul.f32 $8.000000000e+00, v18  }
0xc2: {  	v19 =	vmul.f32 $8.000000000e+00, v19;
	[tilespmem:v20+s1+$0x0] =	vst.idx.msk $0xffff, v12;
	v12 =	vld [tilespmem:s15+$0xFFFFFF20];
	v20 =	vadd.s32 v2, v15  }
0xc3: {  	v25 =	vadd.s32 v2, v17;
	v21 =	vmul.f32 $8.000000000e+00, v21;
	v24 =	vld [tilespmem:s12+$0x90];
	[tilespmem:v22+s1+$0x0] =	vst.idx.msk $0xffff, v18  }
0xc4: {  	[tilespmem:v23+s1+$0x0] =	vst.idx.msk $0xffff, v19;
	v19 =	vadd.s32 v2, v8;
	v11 =	vmul.f32 $8.000000000e+00, v11;
	v22 =	vld [tilespmem:s15+$0xB0]  }
0xc5: {  	v23 =	vld [tilespmem:s12+$0xFFFFFF10];
	[tilespmem:v13+s1+$0x0] =	vst.idx.msk $0xffff, v21;
	v21 =	vadd.s32 v1, v5;
	v14 =	vmul.f32 $8.000000000e+00, v14  }
0xc6: {  	v27 =	vadd.s32 v3, v9;
	v26 =	vld [tilespmem:s12+$0xFFFFFF90];
	[tilespmem:v10+s1+$0x0] =	vst.idx.msk $0xffff, v11;
	v10 =	vmul.f32 $8.000000000e+00, v16  }
0xc7: {  	v18 =	vadd.s32 v1, v4;
	v13 =	vld [tilespmem:s12+$0x10];
	v9 =	vmul.f32 $8.000000000e+00, v12;
	[tilespmem:v20+s1+$0x0] =	vst.idx.msk $0xffff, v14  }
0xc8: {  	s14 =	simm.s32 $0x8;
	v16 =	vadd.s32 v1, v6;
	[tilespmem:v25+s1+$0x0] =	vst.idx.msk $0xffff, v10;
	v14 =	vmul.f32 $8.000000000e+00, v24;
	v12 =	vld [tilespmem:s15+$0xFFFFFFB0]  }
0xc9: {  	v20 =	vmov s14;
	v10 =	vadd.s32 v1, v7;
	v11 =	vld [tilespmem:s15+$0x30];
	[tilespmem:v19+s1+$0x0] =	vst.idx.msk $0xffff, v9;
	v63 =	vmul.f32 $8.000000000e+00, v22  }
0xca: {  	s22 =	simm.s32 $0xB;
	s13 =	simm.s32 $0xA900;
	v15 =	vadd.s32 v3, v15;
	v9 =	vand.u32 $0x7C, v20;
	v20 =	vmul.f32 $8.000000000e+00, v23;
	[tilespmem:v21+s1+$0x0] =	vst.idx.msk $0xffff, v14;
	v14 =	vld [tilespmem:s15+$0xFFFFFF30]  }
0xcb: {  	s7 =	simm.s32 $0xC;
	v17 =	vadd.s32 v3, v17;
	v22 =	vmov s22;
	v19 =	vld [tilespmem:s13+$0x80];
	v21 =	vmul.f32 $8.000000000e+00, v26;
	[tilespmem:v27+s1+$0x0] =	vst.idx.msk $0xffff, v63  }
.LBB2_6:
0xcc: {  	p0 =	slt.u32 s7, $0x7C;
	s2 =	sadd.s32 $0x1, s14;
	v22 =	vand.u32 $0x7F, v22;
	[tilespmem:v18+s1+$0x0] =	vst.idx.msk $0xffff, v20;
	v13 =	vmul.f32 $8.000000000e+00, v13;
	v18 =	vld [tilespmem:s12+$0xA0];
	v20 =	vadd.s32 v3, v8;
	v8 =	vmovc v4  }
0xcd: {  	v4 =	vmovc v9;
	v23 =	vld [tilespmem:s13+$0xFFFFFF00];
	v24 =	vmov s2;
	s2 =	sadd.s32 $0x2, s14;
	v25 =	vadd.s32 v0, v22;
	[tilespmem:v16+s1+$0x0] =	vst.idx.msk $0xffff, v21;
	v12 =	vmul.f32 $8.000000000e+00, v12;
	s14 =	smov.u32 s7  }
0xce: {  	v9 =	vld [tilespmem:s13+$0xFFFFFF80];
	v16 =	vmov s2;
	[tilespmem:v10+s1+$0x0] =	vst.idx.msk $0xffff, v13;
	v10 =	vadd.s32 v2, v5;
	v11 =	vmul.f32 $8.000000000e+00, v11  }
0xcf: {  	v13 =	vadd.s32 v0, v4;
	v21 =	vand.u32 $0x7D, v24;
	v24 =	vld [tilespmem:s13+$0x0];
	v14 =	vmul.f32 $8.000000000e+00, v14;
	[tilespmem:v15+s1+$0x0] =	vst.idx.msk $0xffff, v12  }
0xd0: {  	v12 =	vadd.s32 v0, v21;
	v26 =	vand.u32 $0x7E, v16;
	v15 =	vmul.f32 $8.000000000e+00, v19;
	v16 =	vld [tilespmem:s12+$0xFFFFFFA0];
	[tilespmem:v17+s1+$0x0] =	vst.idx.msk $0xffff, v11  }
0xd1: {  	v11 =	vadd.s32 v0, v26;
	v17 =	vld [tilespmem:s12+$0x20];
	v18 =	vmul.f32 $8.000000000e+00, v18;
	[tilespmem:v20+s1+$0x0] =	vst.idx.msk $0xffff, v14  }
0xd2: {  	v19 =	vadd.s32 v2, v6;
	v14 =	vmul.f32 $8.000000000e+00, v23;
	[tilespmem:v25+s1+$0x0] =	vst.idx.msk $0xffff, v15;
	v15 =	vld [tilespmem:s12+$0xFFFFFF20]  }
0xd3: {  	v23 =	vadd.s32 v2, v7;
	v9 =	vmul.f32 $8.000000000e+00, v9;
	v20 =	vld [tilespmem:s13+$0x90];
	[tilespmem:v10+s1+$0x0] =	vst.idx.msk $0xffff, v18  }
0xd4: {  	[tilespmem:v13+s1+$0x0] =	vst.idx.msk $0xffff, v14;
	v10 =	vmul.f32 $8.000000000e+00, v24;
	v14 =	vadd.s32 v2, v8;
	v24 =	vld [tilespmem:s12+$0xB0]  }
0xd5: {  	v27 =	vadd.s32 v1, v22;
	v25 =	vld [tilespmem:s13+$0xFFFFFF10];
	[tilespmem:v12+s1+$0x0] =	vst.idx.msk $0xffff, v9;
	v9 =	vmul.f32 $8.000000000e+00, v16  }
0xd6: {  	v29 =	vadd.s32 v3, v5;
	v5 =	vmov v22;
	v28 =	vld [tilespmem:s13+$0xFFFFFF90];
	[tilespmem:v11+s1+$0x0] =	vst.idx.msk $0xffff, v10;
	v10 =	vmul.f32 $8.000000000e+00, v17  }
.Ltmp2:
0xd7: {  	v18 =	vadd.s32 v1, v4;
	v13 =	vld [tilespmem:s13+$0x10];
	v11 =	vmul.f32 $8.000000000e+00, v15;
	[tilespmem:v19+s1+$0x0] =	vst.idx.msk $0xffff, v9;
	(pc) =	sbr.rel @p0 .LBB2_6-.Ltmp2, $4  }
0xd8: {  	v16 =	vadd.s32 v1, v21;
	v15 =	vmul.f32 $8.000000000e+00, v20;
	v12 =	vld [tilespmem:s12+$0xFFFFFFB0];
	[tilespmem:v23+s1+$0x0] =	vst.idx.msk $0xffff, v10  }
0xd9: {  	v9 =	vmov s7;
	v10 =	vadd.s32 v1, v26;
	[tilespmem:v14+s1+$0x0] =	vst.idx.msk $0xffff, v11;
	v11 =	vld [tilespmem:s12+$0x30];
	v23 =	vmul.f32 $8.000000000e+00, v24  }
0xda: {  	s2 =	sadd.s32 $0x3, s7;
	v9 =	vand.u32 $0x7C, v9;
	v20 =	vmul.f32 $8.000000000e+00, v25;
	[tilespmem:v27+s1+$0x0] =	vst.idx.msk $0xffff, v15;
	v14 =	vld [tilespmem:s12+$0xFFFFFF30];
	v15 =	vadd.s32 v3, v6;
	v6 =	vmovc v21;
	s12 =	smov.u32 s13;
	s13 =	sadd.s32 $0x200, s13  }
0xdb: {  	v22 =	vmov s2;
	v17 =	vadd.s32 v3, v7;
	v7 =	vmovc v26;
	s7 =	sadd.s32 $0x4, s7;
	v19 =	vld [tilespmem:s13+$0x80];
	v21 =	vmul.f32 $8.000000000e+00, v28;
	[tilespmem:v29+s1+$0x0] =	vst.idx.msk $0xffff, v23  }
0xdc: {  	s2 =	sadd.s32 $0x1, s14;
	v22 =	vand.u32 $0x7F, v22;
	v28 =	vld [tilespmem:s13+$0xFFFFFF00]  }
0xdd: {  	s7 =	sadd.s32 $0x2, s14;
	v24 =	vld [tilespmem:s13+$0xFFFFFF80];
	v23 =	vmov s2;
	v25 =	vadd.s32 v0, v22  }
0xde: {  	v27 =	vld [tilespmem:s13+$0x0];
	v51 =	vadd.s32 v0, v9;
	v26 =	vmov s7;
	v23 =	vand.u32 $0x7D, v23  }
0xdf: {  	v26 =	vand.u32 $0x7E, v26;
	v29 =	vadd.s32 v0, v23  }
0xe0: {  	[tilespmem:v18+s1+$0x0] =	vst.idx.msk $0xffff, v20;
	v30 =	vadd.s32 v0, v26;
	v19 =	vmul.f32 $8.000000000e+00, v19  }
0xe1: {  	[tilespmem:v16+s1+$0x0] =	vst.idx.msk $0xffff, v21;
	v54 =	vmul.f32 $8.000000000e+00, v28  }
0xe2: {  	v52 =	vmul.f32 $8.000000000e+00, v24;
	[tilespmem:v25+s1+$0x0] =	vst.idx.msk $0xffff, v19  }
0xe3: {  	v53 =	vmul.f32 $8.000000000e+00, v27;
	v55 =	vld [tilespmem:s13+$0x90];
	[tilespmem:v51+s1+$0x0] =	vst.idx.msk $0xffff, v54  }
0xe4: {  	v13 =	vmul.f32 $8.000000000e+00, v13;
	v8 =	vadd.s32 v3, v8;
	[tilespmem:v29+s1+$0x0] =	vst.idx.msk $0xffff, v52;
	v59 =	vld [tilespmem:s13+$0xFFFFFF10]  }
0xe5: {  	v12 =	vmul.f32 $8.000000000e+00, v12;
	v57 =	vadd.s32 v1, v22;
	[tilespmem:v30+s1+$0x0] =	vst.idx.msk $0xffff, v53;
	v56 =	vld [tilespmem:s13+$0xFFFFFF90]  }
0xe6: {  	[tilespmem:v10+s1+$0x0] =	vst.idx.msk $0xffff, v13;
	v58 =	vmul.f32 $8.000000000e+00, v11;
	v28 =	vadd.s32 v1, v9;
	v19 =	vld [tilespmem:s13+$0x10]  }
0xe7: {  	v61 =	vld [tilespmem:s12+$0xA0];
	v60 =	vadd.s32 v1, v23;
	v14 =	vmul.f32 $8.000000000e+00, v14;
	[tilespmem:v15+s1+$0x0] =	vst.idx.msk $0xffff, v12  }
0xe8: {  	v32 =	vld [tilespmem:s12+$0xFFFFFF20];
	v62 =	vadd.s32 v1, v26;
	[tilespmem:v17+s1+$0x0] =	vst.idx.msk $0xffff, v58;
	v16 =	vmul.f32 $8.000000000e+00, v55  }
0xe9: {  	[tilespmem:v8+s1+$0x0] =	vst.idx.msk $0xffff, v14;
	v29 =	vadd.s32 v2, v5;
	v30 =	vld [tilespmem:s12+$0x20];
	v11 =	vmul.f32 $8.000000000e+00, v59  }
0xea: {  	v38 =	vadd.s32 v2, v4;
	v63 =	vld [tilespmem:s12+$0xFFFFFFA0];
	v31 =	vmul.f32 $8.000000000e+00, v56;
	[tilespmem:v57+s1+$0x0] =	vst.idx.msk $0xffff, v16  }
0xeb: {  	v35 =	vadd.s32 v2, v7;
	v34 =	vmul.f32 $8.000000000e+00, v19;
	v36 =	vld [tilespmem:s13+$0xA0];
	[tilespmem:v28+s1+$0x0] =	vst.idx.msk $0xffff, v11  }
0xec: {  	v33 =	vadd.s32 v2, v6;
	v37 =	vmul.f32 $8.000000000e+00, v61;
	[tilespmem:v60+s1+$0x0] =	vst.idx.msk $0xffff, v31;
	v43 =	vld [tilespmem:s13+$0xFFFFFF20]  }
0xed: {  	v40 =	vadd.s32 v2, v22;
	v14 =	vmul.f32 $8.000000000e+00, v32;
	[tilespmem:v62+s1+$0x0] =	vst.idx.msk $0xffff, v34;
	v39 =	vld [tilespmem:s13+$0xFFFFFFA0]  }
0xee: {  	v48 =	vadd.s32 v2, v9;
	[tilespmem:v29+s1+$0x0] =	vst.idx.msk $0xffff, v37;
	v42 =	vmul.f32 $8.000000000e+00, v30;
	v41 =	vld [tilespmem:s13+$0x20]  }
0xef: {  	v44 =	vadd.s32 v2, v23;
	v15 =	vmul.f32 $8.000000000e+00, v63;
	[tilespmem:v38+s1+$0x0] =	vst.idx.msk $0xffff, v14;
	v45 =	vld [tilespmem:s12+$0xB0]  }
0xf0: {  	v46 =	vadd.s32 v2, v26;
	v14 =	vld [tilespmem:s12+$0xFFFFFF30];
	[tilespmem:v35+s1+$0x0] =	vst.idx.msk $0xffff, v42;
	v47 =	vmul.f32 $8.000000000e+00, v36  }
0xf1: {  	v5 =	vadd.s32 v3, v5;
	[tilespmem:v33+s1+$0x0] =	vst.idx.msk $0xffff, v15;
	v49 =	vld [tilespmem:s12+$0x30];
	v53 =	vmul.f32 $8.000000000e+00, v43  }
0xf2: {  	v4 =	vadd.s32 v3, v4;
	v21 =	vld [tilespmem:s12+$0xFFFFFFB0];
	v12 =	vmul.f32 $8.000000000e+00, v39;
	[tilespmem:v40+s1+$0x0] =	vst.idx.msk $0xffff, v47  }
0xf3: {  	v52 =	vadd.s32 v3, v7;
	v51 =	vmul.f32 $8.000000000e+00, v41;
	v10 =	vld [tilespmem:s13+$0xB0];
	[tilespmem:v48+s1+$0x0] =	vst.idx.msk $0xffff, v53  }
0xf4: {  	v50 =	vadd.s32 v3, v6;
	v54 =	vmul.f32 $8.000000000e+00, v45;
	[tilespmem:v44+s1+$0x0] =	vst.idx.msk $0xffff, v12;
	v59 =	vld [tilespmem:s13+$0xFFFFFF30]  }
0xf5: {  	v57 =	vadd.s32 v3, v22;
	v14 =	vmul.f32 $8.000000000e+00, v14;
	[tilespmem:v46+s1+$0x0] =	vst.idx.msk $0xffff, v51;
	v55 =	vld [tilespmem:s13+$0xFFFFFFB0]  }
0xf6: {  	v62 =	vadd.s32 v3, v9;
	[tilespmem:v5+s1+$0x0] =	vst.idx.msk $0xffff, v54;
	v5 =	vmul.f32 $8.000000000e+00, v49;
	v58 =	vld [tilespmem:s13+$0x30]  }
0xf7: {  	v56 =	vmul.f32 $8.000000000e+00, v21;
	v60 =	vadd.s32 v3, v23;
	[tilespmem:v4+s1+$0x0] =	vst.idx.msk $0xffff, v14  }
0xf8: {  	v61 =	vadd.s32 v3, v26;
	[tilespmem:v52+s1+$0x0] =	vst.idx.msk $0xffff, v5;
	v5 =	vmul.f32 $8.000000000e+00, v10  }
0xf9: {  	[tilespmem:v50+s1+$0x0] =	vst.idx.msk $0xffff, v56;
	v63 =	vmul.f32 $8.000000000e+00, v59  }
0xfa: {  	v4 =	vmul.f32 $8.000000000e+00, v55;
	[tilespmem:v57+s1+$0x0] =	vst.idx.msk $0xffff, v5  }
0xfb: {  	v5 =	vmul.f32 $8.000000000e+00, v58;
	[tilespmem:v62+s1+$0x0] =	vst.idx.msk $0xffff, v63  }
0xfc: {  	[tilespmem:v60+s1+$0x0] =	vst.idx.msk $0xffff, v4  }
0xfd: {  	[tilespmem:v61+s1+$0x0] =	vst.idx.msk $0xffff, v5  }
0xfe: {  	s13 =	simm.s32 $0x18600;
	s12 =	rddreg [dreg:$0x5]  }
0xff: {  	[hbm4b:s12+s3] =	stream.linear.scatter [tilespmem:s13], [sflag:$0x6], $0x80, $0x38;
	[tilespmem:$0x1EC00] =	vst v63  }
0x100: {  	s14 =	simm.s32 $0x18688;
	s7 =	sadd.s32 $0x10, s12  }
0x101: {  	[hbm4b:s7+s3] =	stream.linear.scatter [tilespmem:s14], [sflag:$0x6], $0x80, $0x38;
	[tilespmem:$0x1EC00] =	vst v63  }
0x102: {  	s15 =	simm.s32 $0x18710;
	s17 =	simm.s32 $0x18798;
	s16 =	sadd.s32 $0x20, s12  }
0x103: {  	[hbm4b:s16+s3] =	stream.linear.scatter [tilespmem:s15], [sflag:$0x6], $0x80, $0x38;
	[tilespmem:$0x1EC00] =	vst v63  }
0x104: {  	s22 =	sadd.s32 $0x30, s12;
	s13 =	simm.s32 $0x18820;
	s14 =	sadd.s32 $0x40, s12  }
0x105: {  	[hbm4b:s22+s3] =	stream.linear.scatter [tilespmem:s17], [sflag:$0x6], $0x80, $0x38;
	[tilespmem:$0x1EC00] =	vst v63  }
0x106: {  	s7 =	simm.s32 $0x440;
	s15 =	simm.s32 $0x188A8;
	s16 =	sadd.s32 $0x50, s12  }
0x107: {  	[hbm4b:s14+s3] =	stream.linear.scatter [tilespmem:s13], [sflag:$0x6], $0x80, $0x38;
	[tilespmem:$0x1EC00] =	vst v63  }
0x108: {  	s17 =	simm.s32 $0x18930;
	s22 =	sadd.s32 $0x60, s12;
	s13 =	simm.s32 $0x2200  }
0x109: {  	[hbm4b:s16+s3] =	stream.linear.scatter [tilespmem:s15], [sflag:$0x6], $0x80, $0x38;
	[tilespmem:$0x1EC00] =	vst v63  }
0x10a: {  	s14 =	simm.s32 $0x189B8;
	s15 =	sadd.s32 $0x70, s12;
	s12 =	sadd.s32 $0x1000, s12  }
0x10b: {  	[hbm4b:s22+s3] =	stream.linear.scatter [tilespmem:s17], [sflag:$0x6], $0x80, $0x38;
	[tilespmem:$0x1EC00] =	vst v63  }
.LBB2_8:
0x10c: {  	[hbm4b:s15+s3] =	stream.linear.scatter [tilespmem:s14], [sflag:$0x6], $0x80, $0x38;
	[tilespmem:$0x1EC00] =	vst v63  }
0x10d: {  	s2 =	smov.u32 s7;
	s7 =	smov.u32 s13  }
0x10e: {  	s16 =	sadd.s32 $0x1100, s13;
	s7 =	sshra.s32 s7, $0x2;
	s14 =	sadd.s32 $0x18600, s2  }
0x10f: {  	[hbm4b:s12+s3] =	stream.linear.scatter [tilespmem:s14], [sflag:$0x6], $0x80, $0x38;
	[tilespmem:$0x1EC00] =	vst v63  }
0x110: {  	p0 =	sne.s32 s13, $0x7700;
	s13 =	sadd.s32 $0x18688, s2;
	s14 =	sadd.s32 $0x10, s12  }
0x111: {  	[hbm4b:s14+s3] =	stream.linear.scatter [tilespmem:s13], [sflag:$0x6], $0x80, $0x38;
	[tilespmem:$0x1EC00] =	vst v63  }
0x112: {  	s13 =	sadd.s32 $0x18710, s2;
	s14 =	sadd.s32 $0x20, s12  }
0x113: {  	[hbm4b:s14+s3] =	stream.linear.scatter [tilespmem:s13], [sflag:$0x6], $0x80, $0x38;
	[tilespmem:$0x1EC00] =	vst v63  }
0x114: {  	s13 =	sadd.s32 $0x18798, s2;
	s14 =	sadd.s32 $0x30, s12  }
0x115: {  	[hbm4b:s14+s3] =	stream.linear.scatter [tilespmem:s13], [sflag:$0x6], $0x80, $0x38;
	[tilespmem:$0x1EC00] =	vst v63  }
0x116: {  	s13 =	sadd.s32 $0x18820, s2;
	s14 =	sadd.s32 $0x40, s12  }
0x117: {  	[hbm4b:s14+s3] =	stream.linear.scatter [tilespmem:s13], [sflag:$0x6], $0x80, $0x38;
	[tilespmem:$0x1EC00] =	vst v63  }
.Ltmp3:
0x118: {  	s13 =	sadd.s32 $0x188A8, s2;
	s14 =	sadd.s32 $0x50, s12;
	(pc) =	sbr.rel @p0 .LBB2_8-.Ltmp3, $4  }
0x119: {  	[hbm4b:s14+s3] =	stream.linear.scatter [tilespmem:s13], [sflag:$0x6], $0x80, $0x38;
	[tilespmem:$0x1EC00] =	vst v63  }
0x11a: {  	s15 =	sadd.s32 $0x70, s12;
	s13 =	sadd.s32 $0x18930, s2;
	s14 =	sadd.s32 $0x60, s12  }
0x11b: {  	[hbm4b:s14+s3] =	stream.linear.scatter [tilespmem:s13], [sflag:$0x6], $0x80, $0x38;
	[tilespmem:$0x1EC00] =	vst v63  }
0x11c: {  	s12 =	sadd.s32 $0x1000, s12;
	s14 =	sadd.s32 $0x189B8, s2;
	s13 =	smov.u32 s16  }
0x11d: {  	[hbm4b:s15+s3] =	stream.linear.scatter [tilespmem:s14], [sflag:$0x6], $0x80, $0x38;
	[tilespmem:$0x1EC00] =	vst v63  }
0x11e: {  	s2 =	sadd.s32 $0x18600, s7  }
0x11f: {  	[hbm4b:s12+s3] =	stream.linear.scatter [tilespmem:s2], [sflag:$0x6], $0x80, $0x38;
	[tilespmem:$0x1EC00] =	vst v63  }
0x120: {  	s14 =	sadd.s32 $0x18688, s7;
	s13 =	sadd.s32 $0x10, s12  }
0x121: {  	[hbm4b:s13+s3] =	stream.linear.scatter [tilespmem:s14], [sflag:$0x6], $0x80, $0x38;
	[tilespmem:$0x1EC00] =	vst v63  }
0x122: {  	s15 =	sadd.s32 $0x18710, s7;
	s16 =	sadd.s32 $0x20, s12  }
0x123: {  	[hbm4b:s16+s3] =	stream.linear.scatter [tilespmem:s15], [sflag:$0x6], $0x80, $0x38;
	[tilespmem:$0x1EC00] =	vst v63  }
0x124: {  	s17 =	sadd.s32 $0x18798, s7;
	s22 =	sadd.s32 $0x30, s12  }
0x125: {  	[hbm4b:s22+s3] =	stream.linear.scatter [tilespmem:s17], [sflag:$0x6], $0x80, $0x38;
	[tilespmem:$0x1EC00] =	vst v63  }
0x126: {  	s13 =	sadd.s32 $0x18820, s7;
	s14 =	sadd.s32 $0x40, s12  }
0x127: {  	[hbm4b:s14+s3] =	stream.linear.scatter [tilespmem:s13], [sflag:$0x6], $0x80, $0x38;
	[tilespmem:$0x1EC00] =	vst v63  }
0x128: {  	s15 =	sadd.s32 $0x188A8, s7;
	s16 =	sadd.s32 $0x50, s12  }
0x129: {  	[hbm4b:s16+s3] =	stream.linear.scatter [tilespmem:s15], [sflag:$0x6], $0x80, $0x38;
	[tilespmem:$0x1EC00] =	vst v63  }
0x12a: {  	s17 =	sadd.s32 $0x18930, s7;
	s22 =	sadd.s32 $0x60, s12  }
0x12b: {  	[hbm4b:s22+s3] =	stream.linear.scatter [tilespmem:s17], [sflag:$0x6], $0x80, $0x38;
	[tilespmem:$0x1EC00] =	vst v63  }
0x12c: {  	s14 =	sadd.s32 $0x189B8, s7;
	s15 =	sadd.s32 $0x70, s12  }
0x12d: {  	[hbm4b:s15+s3] =	stream.linear.scatter [tilespmem:s14], [sflag:$0x6], $0x80, $0x38;
	[tilespmem:$0x1EC00] =	vst v63  }
0x12e: {  	s16 =	simm.s32 $0x280  }
0x12f: {  	[tilespmem:s23], [sflag:$0x2] =	stream.indirect.gather [hbm4b:s4+s19], $0x80, s16, s19, $0xb8;
	[tilespmem:$0x1EC00] =	vst v63  }
0x130: {  	_ =	swait.ge [sflag:s24], $0x4000  }
0x131: {  	[sflag:s24] =	ssyncset.done $0x0  }
0x132: {  	s17 =	simm.s32 $0x3;
	s15 =	simm.s32 $0xE500;
	[sflag:s24] =	ssyncadd.s32 $0xFFFFC000  }
0x133: {  	v4 =	vmov s17;
	v5 =	vld [tilespmem:s15+$0x80]  }
0x134: {  	v9 =	vand.u32 $0x7F, v4  }
0x135: {  	s22 =	simm.s32 $0x0;
	v4 =	vadd.s32 v0, v9  }
0x136: {  	s7 =	simm.s32 $0x1;
	s12 =	simm.s32 $0x2;
	v6 =	vmov s22;
	v7 =	vld [tilespmem:s15+$0xFFFFFF00]  }
0x137: {  	v11 =	vmov s12;
	v8 =	vand.u32 $0x7C, v6;
	v6 =	vmov s7;
	v10 =	vld [tilespmem:s15+$0xFFFFFF80]  }
0x138: {  	v12 =	vadd.s32 v0, v8;
	v15 =	vand.u32 $0x7D, v6;
	v6 =	vld [tilespmem:s15+$0x0];
	v5 =	vmul.f32 $8.000000000e+00, v5  }
0x139: {  	v17 =	vand.u32 $0x7E, v11;
	v13 =	vadd.s32 v0, v15  }
0x13a: {  	v11 =	vadd.s32 v0, v17;
	[tilespmem:v4+s26+$0x0] =	vst.idx.msk $0xffff, v5  }
0x13b: {  	v4 =	vmul.f32 $8.000000000e+00, v7;
	v5 =	vld [tilespmem:s15+$0x90]  }
0x13c: {  	v7 =	vmul.f32 $8.000000000e+00, v10  }
0x13d: {  	[tilespmem:v12+s26+$0x0] =	vst.idx.msk $0xffff, v4;
	v4 =	vmul.f32 $8.000000000e+00, v6;
	v6 =	vadd.s32 v1, v9  }
0x13e: {  	[tilespmem:v13+s26+$0x0] =	vst.idx.msk $0xffff, v7;
	v10 =	vld [tilespmem:s15+$0xFFFFFF10]  }
0x13f: {  	v7 =	vld [tilespmem:s15+$0xFFFFFF90];
	[tilespmem:v11+s26+$0x0] =	vst.idx.msk $0xffff, v4  }
0x140: {  	v11 =	vld [tilespmem:s15+$0x10];
	v4 =	vmul.f32 $8.000000000e+00, v5  }
0x141: {  	s13 =	simm.s32 $0x4;
	s12 =	simm.s32 $0xE700;
	s14 =	simm.s32 $0x7;
	v12 =	vadd.s32 v1, v15  }
0x142: {  	v14 =	vld [tilespmem:s12+$0x80];
	v13 =	vadd.s32 v1, v17;
	v5 =	vmov s13;
	[tilespmem:v6+s26+$0x0] =	vst.idx.msk $0xffff, v4;
	v6 =	vmov s14  }
0x143: {  	v16 =	vadd.s32 v1, v8;
	v4 =	vand.u32 $0x7C, v5;
	v5 =	vand.u32 $0x7F, v6;
	v18 =	vld [tilespmem:s15+$0xA0]  }
0x144: {  	v22 =	vadd.s32 v2, v9;
	s16 =	simm.s32 $0x5;
	v19 =	vld [tilespmem:s12+$0xFFFFFF00];
	v6 =	vmul.f32 $8.000000000e+00, v7;
	v20 =	vadd.s32 v0, v5  }
0x145: {  	s17 =	simm.s32 $0x6;
	v21 =	vld [tilespmem:s12+$0xFFFFFF80];
	v10 =	vmul.f32 $8.000000000e+00, v10;
	v7 =	vmul.f32 $8.000000000e+00, v11;
	v11 =	vmov s16  }
0x146: {  	v23 =	vadd.s32 v0, v4;
	[tilespmem:v12+s26+$0x0] =	vst.idx.msk $0xffff, v6;
	v12 =	vmov s17;
	v6 =	vand.u32 $0x7D, v11;
	v11 =	vld [tilespmem:s12+$0x0]  }
0x147: {  	[tilespmem:v13+s26+$0x0] =	vst.idx.msk $0xffff, v7;
	v13 =	vadd.s32 v0, v6;
	v7 =	vand.u32 $0x7E, v12;
	v12 =	vmul.f32 $8.000000000e+00, v14;
	v14 =	vld [tilespmem:s15+$0xFFFFFFA0]  }
0x148: {  	[tilespmem:v16+s26+$0x0] =	vst.idx.msk $0xffff, v10;
	v10 =	vadd.s32 v0, v7;
	v16 =	vld [tilespmem:s15+$0x20];
	v18 =	vmul.f32 $8.000000000e+00, v18  }
0x149: {  	v19 =	vmul.f32 $8.000000000e+00, v19;
	[tilespmem:v20+s26+$0x0] =	vst.idx.msk $0xffff, v12;
	v12 =	vld [tilespmem:s15+$0xFFFFFF20];
	v20 =	vadd.s32 v2, v15  }
0x14a: {  	v25 =	vadd.s32 v2, v17;
	v21 =	vmul.f32 $8.000000000e+00, v21;
	v24 =	vld [tilespmem:s12+$0x90];
	[tilespmem:v22+s26+$0x0] =	vst.idx.msk $0xffff, v18  }
0x14b: {  	[tilespmem:v23+s26+$0x0] =	vst.idx.msk $0xffff, v19;
	v19 =	vadd.s32 v2, v8;
	v11 =	vmul.f32 $8.000000000e+00, v11;
	v22 =	vld [tilespmem:s15+$0xB0]  }
0x14c: {  	v23 =	vld [tilespmem:s12+$0xFFFFFF10];
	[tilespmem:v13+s26+$0x0] =	vst.idx.msk $0xffff, v21;
	v21 =	vadd.s32 v1, v5;
	v14 =	vmul.f32 $8.000000000e+00, v14  }
0x14d: {  	v27 =	vadd.s32 v3, v9;
	v26 =	vld [tilespmem:s12+$0xFFFFFF90];
	[tilespmem:v10+s26+$0x0] =	vst.idx.msk $0xffff, v11;
	v10 =	vmul.f32 $8.000000000e+00, v16  }
0x14e: {  	v18 =	vadd.s32 v1, v4;
	v13 =	vld [tilespmem:s12+$0x10];
	v9 =	vmul.f32 $8.000000000e+00, v12;
	[tilespmem:v20+s26+$0x0] =	vst.idx.msk $0xffff, v14  }
0x14f: {  	s14 =	simm.s32 $0x8;
	v16 =	vadd.s32 v1, v6;
	[tilespmem:v25+s26+$0x0] =	vst.idx.msk $0xffff, v10;
	v14 =	vmul.f32 $8.000000000e+00, v24;
	v12 =	vld [tilespmem:s15+$0xFFFFFFB0]  }
0x150: {  	v20 =	vmov s14;
	v10 =	vadd.s32 v1, v7;
	v11 =	vld [tilespmem:s15+$0x30];
	[tilespmem:v19+s26+$0x0] =	vst.idx.msk $0xffff, v9;
	v63 =	vmul.f32 $8.000000000e+00, v22  }
0x151: {  	s22 =	simm.s32 $0xB;
	s13 =	simm.s32 $0xE900;
	v15 =	vadd.s32 v3, v15;
	v9 =	vand.u32 $0x7C, v20;
	v20 =	vmul.f32 $8.000000000e+00, v23;
	[tilespmem:v21+s26+$0x0] =	vst.idx.msk $0xffff, v14;
	v14 =	vld [tilespmem:s15+$0xFFFFFF30]  }
0x152: {  	s7 =	simm.s32 $0xC;
	v17 =	vadd.s32 v3, v17;
	v22 =	vmov s22;
	v19 =	vld [tilespmem:s13+$0x80];
	v21 =	vmul.f32 $8.000000000e+00, v26;
	[tilespmem:v27+s26+$0x0] =	vst.idx.msk $0xffff, v63  }
.LBB2_10:
0x153: {  	p0 =	slt.u32 s7, $0x7C;
	s2 =	sadd.s32 $0x1, s14;
	v22 =	vand.u32 $0x7F, v22;
	[tilespmem:v18+s26+$0x0] =	vst.idx.msk $0xffff, v20;
	v13 =	vmul.f32 $8.000000000e+00, v13;
	v18 =	vld [tilespmem:s12+$0xA0];
	v20 =	vadd.s32 v3, v8;
	v8 =	vmovc v4  }
0x154: {  	v4 =	vmovc v9;
	v23 =	vld [tilespmem:s13+$0xFFFFFF00];
	v24 =	vmov s2;
	s2 =	sadd.s32 $0x2, s14;
	v25 =	vadd.s32 v0, v22;
	[tilespmem:v16+s26+$0x0] =	vst.idx.msk $0xffff, v21;
	v12 =	vmul.f32 $8.000000000e+00, v12;
	s14 =	smov.u32 s7  }
0x155: {  	v9 =	vld [tilespmem:s13+$0xFFFFFF80];
	v16 =	vmov s2;
	[tilespmem:v10+s26+$0x0] =	vst.idx.msk $0xffff, v13;
	v10 =	vadd.s32 v2, v5;
	v11 =	vmul.f32 $8.000000000e+00, v11  }
0x156: {  	v13 =	vadd.s32 v0, v4;
	v21 =	vand.u32 $0x7D, v24;
	v24 =	vld [tilespmem:s13+$0x0];
	v14 =	vmul.f32 $8.000000000e+00, v14;
	[tilespmem:v15+s26+$0x0] =	vst.idx.msk $0xffff, v12  }
0x157: {  	v12 =	vadd.s32 v0, v21;
	v26 =	vand.u32 $0x7E, v16;
	v15 =	vmul.f32 $8.000000000e+00, v19;
	v16 =	vld [tilespmem:s12+$0xFFFFFFA0];
	[tilespmem:v17+s26+$0x0] =	vst.idx.msk $0xffff, v11  }
0x158: {  	v11 =	vadd.s32 v0, v26;
	v17 =	vld [tilespmem:s12+$0x20];
	v18 =	vmul.f32 $8.000000000e+00, v18;
	[tilespmem:v20+s26+$0x0] =	vst.idx.msk $0xffff, v14  }
0x159: {  	v19 =	vadd.s32 v2, v6;
	v14 =	vmul.f32 $8.000000000e+00, v23;
	[tilespmem:v25+s26+$0x0] =	vst.idx.msk $0xffff, v15;
	v15 =	vld [tilespmem:s12+$0xFFFFFF20]  }
0x15a: {  	v23 =	vadd.s32 v2, v7;
	v9 =	vmul.f32 $8.000000000e+00, v9;
	v20 =	vld [tilespmem:s13+$0x90];
	[tilespmem:v10+s26+$0x0] =	vst.idx.msk $0xffff, v18  }
0x15b: {  	[tilespmem:v13+s26+$0x0] =	vst.idx.msk $0xffff, v14;
	v10 =	vmul.f32 $8.000000000e+00, v24;
	v14 =	vadd.s32 v2, v8;
	v24 =	vld [tilespmem:s12+$0xB0]  }
0x15c: {  	v27 =	vadd.s32 v1, v22;
	v25 =	vld [tilespmem:s13+$0xFFFFFF10];
	[tilespmem:v12+s26+$0x0] =	vst.idx.msk $0xffff, v9;
	v9 =	vmul.f32 $8.000000000e+00, v16  }
0x15d: {  	v29 =	vadd.s32 v3, v5;
	v5 =	vmov v22;
	v28 =	vld [tilespmem:s13+$0xFFFFFF90];
	[tilespmem:v11+s26+$0x0] =	vst.idx.msk $0xffff, v10;
	v10 =	vmul.f32 $8.000000000e+00, v17  }
.Ltmp4:
0x15e: {  	v18 =	vadd.s32 v1, v4;
	v13 =	vld [tilespmem:s13+$0x10];
	v11 =	vmul.f32 $8.000000000e+00, v15;
	[tilespmem:v19+s26+$0x0] =	vst.idx.msk $0xffff, v9;
	(pc) =	sbr.rel @p0 .LBB2_10-.Ltmp4, $4  }
0x15f: {  	v16 =	vadd.s32 v1, v21;
	v15 =	vmul.f32 $8.000000000e+00, v20;
	v12 =	vld [tilespmem:s12+$0xFFFFFFB0];
	[tilespmem:v23+s26+$0x0] =	vst.idx.msk $0xffff, v10  }
0x160: {  	v9 =	vmov s7;
	v10 =	vadd.s32 v1, v26;
	[tilespmem:v14+s26+$0x0] =	vst.idx.msk $0xffff, v11;
	v11 =	vld [tilespmem:s12+$0x30];
	v23 =	vmul.f32 $8.000000000e+00, v24  }
0x161: {  	s2 =	sadd.s32 $0x3, s7;
	v9 =	vand.u32 $0x7C, v9;
	v20 =	vmul.f32 $8.000000000e+00, v25;
	[tilespmem:v27+s26+$0x0] =	vst.idx.msk $0xffff, v15;
	v14 =	vld [tilespmem:s12+$0xFFFFFF30];
	v15 =	vadd.s32 v3, v6;
	v6 =	vmovc v21;
	s12 =	smov.u32 s13;
	s13 =	sadd.s32 $0x200, s13  }
0x162: {  	v22 =	vmov s2;
	v17 =	vadd.s32 v3, v7;
	v7 =	vmovc v26;
	s7 =	sadd.s32 $0x4, s7;
	v19 =	vld [tilespmem:s13+$0x80];
	v21 =	vmul.f32 $8.000000000e+00, v28;
	[tilespmem:v29+s26+$0x0] =	vst.idx.msk $0xffff, v23  }
0x163: {  	s2 =	sadd.s32 $0x1, s14;
	v22 =	vand.u32 $0x7F, v22;
	v28 =	vld [tilespmem:s13+$0xFFFFFF00]  }
0x164: {  	s7 =	sadd.s32 $0x2, s14;
	v24 =	vld [tilespmem:s13+$0xFFFFFF80];
	v23 =	vmov s2;
	v25 =	vadd.s32 v0, v22  }
0x165: {  	v27 =	vld [tilespmem:s13+$0x0];
	v51 =	vadd.s32 v0, v9;
	v26 =	vmov s7;
	v23 =	vand.u32 $0x7D, v23  }
0x166: {  	v26 =	vand.u32 $0x7E, v26;
	v29 =	vadd.s32 v0, v23  }
0x167: {  	[tilespmem:v18+s26+$0x0] =	vst.idx.msk $0xffff, v20;
	v30 =	vadd.s32 v0, v26;
	v19 =	vmul.f32 $8.000000000e+00, v19  }
0x168: {  	[tilespmem:v16+s26+$0x0] =	vst.idx.msk $0xffff, v21;
	v54 =	vmul.f32 $8.000000000e+00, v28  }
0x169: {  	v52 =	vmul.f32 $8.000000000e+00, v24;
	[tilespmem:v25+s26+$0x0] =	vst.idx.msk $0xffff, v19  }
0x16a: {  	v53 =	vmul.f32 $8.000000000e+00, v27;
	v55 =	vld [tilespmem:s13+$0x90];
	[tilespmem:v51+s26+$0x0] =	vst.idx.msk $0xffff, v54  }
0x16b: {  	v13 =	vmul.f32 $8.000000000e+00, v13;
	v8 =	vadd.s32 v3, v8;
	[tilespmem:v29+s26+$0x0] =	vst.idx.msk $0xffff, v52;
	v59 =	vld [tilespmem:s13+$0xFFFFFF10]  }
0x16c: {  	v12 =	vmul.f32 $8.000000000e+00, v12;
	v57 =	vadd.s32 v1, v22;
	[tilespmem:v30+s26+$0x0] =	vst.idx.msk $0xffff, v53;
	v56 =	vld [tilespmem:s13+$0xFFFFFF90]  }
0x16d: {  	[tilespmem:v10+s26+$0x0] =	vst.idx.msk $0xffff, v13;
	v58 =	vmul.f32 $8.000000000e+00, v11;
	v28 =	vadd.s32 v1, v9;
	v19 =	vld [tilespmem:s13+$0x10]  }
0x16e: {  	v61 =	vld [tilespmem:s12+$0xA0];
	v60 =	vadd.s32 v1, v23;
	v14 =	vmul.f32 $8.000000000e+00, v14;
	[tilespmem:v15+s26+$0x0] =	vst.idx.msk $0xffff, v12  }
0x16f: {  	v32 =	vld [tilespmem:s12+$0xFFFFFF20];
	v62 =	vadd.s32 v1, v26;
	[tilespmem:v17+s26+$0x0] =	vst.idx.msk $0xffff, v58;
	v16 =	vmul.f32 $8.000000000e+00, v55  }
0x170: {  	[tilespmem:v8+s26+$0x0] =	vst.idx.msk $0xffff, v14;
	v29 =	vadd.s32 v2, v5;
	v30 =	vld [tilespmem:s12+$0x20];
	v11 =	vmul.f32 $8.000000000e+00, v59  }
0x171: {  	v38 =	vadd.s32 v2, v4;
	v63 =	vld [tilespmem:s12+$0xFFFFFFA0];
	v31 =	vmul.f32 $8.000000000e+00, v56;
	[tilespmem:v57+s26+$0x0] =	vst.idx.msk $0xffff, v16  }
0x172: {  	v35 =	vadd.s32 v2, v7;
	v34 =	vmul.f32 $8.000000000e+00, v19;
	v36 =	vld [tilespmem:s13+$0xA0];
	[tilespmem:v28+s26+$0x0] =	vst.idx.msk $0xffff, v11  }
0x173: {  	v33 =	vadd.s32 v2, v6;
	v37 =	vmul.f32 $8.000000000e+00, v61;
	[tilespmem:v60+s26+$0x0] =	vst.idx.msk $0xffff, v31;
	v43 =	vld [tilespmem:s13+$0xFFFFFF20]  }
0x174: {  	v40 =	vadd.s32 v2, v22;
	v14 =	vmul.f32 $8.000000000e+00, v32;
	[tilespmem:v62+s26+$0x0] =	vst.idx.msk $0xffff, v34;
	v39 =	vld [tilespmem:s13+$0xFFFFFFA0]  }
0x175: {  	v48 =	vadd.s32 v2, v9;
	[tilespmem:v29+s26+$0x0] =	vst.idx.msk $0xffff, v37;
	v42 =	vmul.f32 $8.000000000e+00, v30;
	v41 =	vld [tilespmem:s13+$0x20]  }
0x176: {  	v44 =	vadd.s32 v2, v23;
	v15 =	vmul.f32 $8.000000000e+00, v63;
	[tilespmem:v38+s26+$0x0] =	vst.idx.msk $0xffff, v14;
	v45 =	vld [tilespmem:s12+$0xB0]  }
0x177: {  	v46 =	vadd.s32 v2, v26;
	v14 =	vld [tilespmem:s12+$0xFFFFFF30];
	[tilespmem:v35+s26+$0x0] =	vst.idx.msk $0xffff, v42;
	v47 =	vmul.f32 $8.000000000e+00, v36  }
0x178: {  	v5 =	vadd.s32 v3, v5;
	[tilespmem:v33+s26+$0x0] =	vst.idx.msk $0xffff, v15;
	v49 =	vld [tilespmem:s12+$0x30];
	v53 =	vmul.f32 $8.000000000e+00, v43  }
0x179: {  	v4 =	vadd.s32 v3, v4;
	v21 =	vld [tilespmem:s12+$0xFFFFFFB0];
	v12 =	vmul.f32 $8.000000000e+00, v39;
	[tilespmem:v40+s26+$0x0] =	vst.idx.msk $0xffff, v47  }
0x17a: {  	v52 =	vadd.s32 v3, v7;
	v51 =	vmul.f32 $8.000000000e+00, v41;
	v10 =	vld [tilespmem:s13+$0xB0];
	[tilespmem:v48+s26+$0x0] =	vst.idx.msk $0xffff, v53  }
0x17b: {  	v50 =	vadd.s32 v3, v6;
	v54 =	vmul.f32 $8.000000000e+00, v45;
	[tilespmem:v44+s26+$0x0] =	vst.idx.msk $0xffff, v12;
	v59 =	vld [tilespmem:s13+$0xFFFFFF30]  }
0x17c: {  	v57 =	vadd.s32 v3, v22;
	v14 =	vmul.f32 $8.000000000e+00, v14;
	[tilespmem:v46+s26+$0x0] =	vst.idx.msk $0xffff, v51;
	v55 =	vld [tilespmem:s13+$0xFFFFFFB0]  }
0x17d: {  	v62 =	vadd.s32 v3, v9;
	[tilespmem:v5+s26+$0x0] =	vst.idx.msk $0xffff, v54;
	v5 =	vmul.f32 $8.000000000e+00, v49;
	v58 =	vld [tilespmem:s13+$0x30]  }
0x17e: {  	v56 =	vmul.f32 $8.000000000e+00, v21;
	v60 =	vadd.s32 v3, v23;
	[tilespmem:v4+s26+$0x0] =	vst.idx.msk $0xffff, v14  }
0x17f: {  	v61 =	vadd.s32 v3, v26;
	[tilespmem:v52+s26+$0x0] =	vst.idx.msk $0xffff, v5;
	v5 =	vmul.f32 $8.000000000e+00, v10  }
0x180: {  	[tilespmem:v50+s26+$0x0] =	vst.idx.msk $0xffff, v56;
	v63 =	vmul.f32 $8.000000000e+00, v59  }
0x181: {  	v4 =	vmul.f32 $8.000000000e+00, v55;
	[tilespmem:v57+s26+$0x0] =	vst.idx.msk $0xffff, v5  }
0x182: {  	v5 =	vmul.f32 $8.000000000e+00, v58;
	[tilespmem:v62+s26+$0x0] =	vst.idx.msk $0xffff, v63  }
0x183: {  	[tilespmem:v60+s26+$0x0] =	vst.idx.msk $0xffff, v4  }
0x184: {  	[tilespmem:v61+s26+$0x0] =	vst.idx.msk $0xffff, v5  }
0x185: {  	s13 =	simm.s32 $0x1A800;
	s12 =	rddreg [dreg:$0x6]  }
0x186: {  	[hbm4b:s12+s3] =	stream.linear.scatter [tilespmem:s13], [sflag:$0x7], $0x80, $0x38;
	[tilespmem:$0x1EC00] =	vst v63  }
0x187: {  	s14 =	simm.s32 $0x1A888;
	s7 =	sadd.s32 $0x10, s12  }
0x188: {  	[hbm4b:s7+s3] =	stream.linear.scatter [tilespmem:s14], [sflag:$0x7], $0x80, $0x38;
	[tilespmem:$0x1EC00] =	vst v63  }
0x189: {  	s15 =	simm.s32 $0x1A910;
	s17 =	simm.s32 $0x1A998;
	s16 =	sadd.s32 $0x20, s12  }
0x18a: {  	[hbm4b:s16+s3] =	stream.linear.scatter [tilespmem:s15], [sflag:$0x7], $0x80, $0x38;
	[tilespmem:$0x1EC00] =	vst v63  }
0x18b: {  	s22 =	sadd.s32 $0x30, s12;
	s13 =	simm.s32 $0x1AA20;
	s14 =	sadd.s32 $0x40, s12  }
0x18c: {  	[hbm4b:s22+s3] =	stream.linear.scatter [tilespmem:s17], [sflag:$0x7], $0x80, $0x38;
	[tilespmem:$0x1EC00] =	vst v63  }
0x18d: {  	s7 =	simm.s32 $0x440;
	s15 =	simm.s32 $0x1AAA8;
	s16 =	sadd.s32 $0x50, s12  }
0x18e: {  	[hbm4b:s14+s3] =	stream.linear.scatter [tilespmem:s13], [sflag:$0x7], $0x80, $0x38;
	[tilespmem:$0x1EC00] =	vst v63  }
0x18f: {  	s17 =	simm.s32 $0x1AB30;
	s22 =	sadd.s32 $0x60, s12;
	s13 =	simm.s32 $0x2200  }
0x190: {  	[hbm4b:s16+s3] =	stream.linear.scatter [tilespmem:s15], [sflag:$0x7], $0x80, $0x38;
	[tilespmem:$0x1EC00] =	vst v63  }
0x191: {  	s14 =	simm.s32 $0x1ABB8;
	s15 =	sadd.s32 $0x70, s12;
	s12 =	sadd.s32 $0x1000, s12  }
0x192: {  	[hbm4b:s22+s3] =	stream.linear.scatter [tilespmem:s17], [sflag:$0x7], $0x80, $0x38;
	[tilespmem:$0x1EC00] =	vst v63  }
.LBB2_12:
0x193: {  	[hbm4b:s15+s3] =	stream.linear.scatter [tilespmem:s14], [sflag:$0x7], $0x80, $0x38;
	[tilespmem:$0x1EC00] =	vst v63  }
0x194: {  	s2 =	smov.u32 s7;
	s7 =	smov.u32 s13  }
0x195: {  	s16 =	sadd.s32 $0x1100, s13;
	s7 =	sshra.s32 s7, $0x2;
	s14 =	sadd.s32 $0x1A800, s2  }
0x196: {  	[hbm4b:s12+s3] =	stream.linear.scatter [tilespmem:s14], [sflag:$0x7], $0x80, $0x38;
	[tilespmem:$0x1EC00] =	vst v63  }
0x197: {  	p0 =	sne.s32 s13, $0x7700;
	s13 =	sadd.s32 $0x1A888, s2;
	s14 =	sadd.s32 $0x10, s12  }
0x198: {  	[hbm4b:s14+s3] =	stream.linear.scatter [tilespmem:s13], [sflag:$0x7], $0x80, $0x38;
	[tilespmem:$0x1EC00] =	vst v63  }
0x199: {  	s13 =	sadd.s32 $0x1A910, s2;
	s14 =	sadd.s32 $0x20, s12  }
0x19a: {  	[hbm4b:s14+s3] =	stream.linear.scatter [tilespmem:s13], [sflag:$0x7], $0x80, $0x38;
	[tilespmem:$0x1EC00] =	vst v63  }
0x19b: {  	s13 =	sadd.s32 $0x1A998, s2;
	s14 =	sadd.s32 $0x30, s12  }
0x19c: {  	[hbm4b:s14+s3] =	stream.linear.scatter [tilespmem:s13], [sflag:$0x7], $0x80, $0x38;
	[tilespmem:$0x1EC00] =	vst v63  }
0x19d: {  	s13 =	sadd.s32 $0x1AA20, s2;
	s14 =	sadd.s32 $0x40, s12  }
0x19e: {  	[hbm4b:s14+s3] =	stream.linear.scatter [tilespmem:s13], [sflag:$0x7], $0x80, $0x38;
	[tilespmem:$0x1EC00] =	vst v63  }
.Ltmp5:
0x19f: {  	s13 =	sadd.s32 $0x1AAA8, s2;
	s14 =	sadd.s32 $0x50, s12;
	(pc) =	sbr.rel @p0 .LBB2_12-.Ltmp5, $4  }
0x1a0: {  	[hbm4b:s14+s3] =	stream.linear.scatter [tilespmem:s13], [sflag:$0x7], $0x80, $0x38;
	[tilespmem:$0x1EC00] =	vst v63  }
0x1a1: {  	s15 =	sadd.s32 $0x70, s12;
	s13 =	sadd.s32 $0x1AB30, s2;
	s14 =	sadd.s32 $0x60, s12  }
0x1a2: {  	[hbm4b:s14+s3] =	stream.linear.scatter [tilespmem:s13], [sflag:$0x7], $0x80, $0x38;
	[tilespmem:$0x1EC00] =	vst v63  }
0x1a3: {  	s12 =	sadd.s32 $0x1000, s12;
	s14 =	sadd.s32 $0x1ABB8, s2;
	s13 =	smov.u32 s16  }
0x1a4: {  	[hbm4b:s15+s3] =	stream.linear.scatter [tilespmem:s14], [sflag:$0x7], $0x80, $0x38;
	[tilespmem:$0x1EC00] =	vst v63  }
0x1a5: {  	s2 =	sadd.s32 $0x1A800, s7  }
0x1a6: {  	[hbm4b:s12+s3] =	stream.linear.scatter [tilespmem:s2], [sflag:$0x7], $0x80, $0x38;
	[tilespmem:$0x1EC00] =	vst v63  }
0x1a7: {  	s14 =	sadd.s32 $0x1A888, s7;
	s13 =	sadd.s32 $0x10, s12  }
0x1a8: {  	[hbm4b:s13+s3] =	stream.linear.scatter [tilespmem:s14], [sflag:$0x7], $0x80, $0x38;
	[tilespmem:$0x1EC00] =	vst v63  }
0x1a9: {  	s15 =	sadd.s32 $0x1A910, s7;
	s16 =	sadd.s32 $0x20, s12  }
0x1aa: {  	[hbm4b:s16+s3] =	stream.linear.scatter [tilespmem:s15], [sflag:$0x7], $0x80, $0x38;
	[tilespmem:$0x1EC00] =	vst v63  }
0x1ab: {  	s17 =	sadd.s32 $0x1A998, s7;
	s22 =	sadd.s32 $0x30, s12  }
0x1ac: {  	[hbm4b:s22+s3] =	stream.linear.scatter [tilespmem:s17], [sflag:$0x7], $0x80, $0x38;
	[tilespmem:$0x1EC00] =	vst v63  }
0x1ad: {  	s13 =	sadd.s32 $0x1AA20, s7;
	s14 =	sadd.s32 $0x40, s12  }
0x1ae: {  	[hbm4b:s14+s3] =	stream.linear.scatter [tilespmem:s13], [sflag:$0x7], $0x80, $0x38;
	[tilespmem:$0x1EC00] =	vst v63  }
0x1af: {  	s15 =	sadd.s32 $0x1AAA8, s7;
	s16 =	sadd.s32 $0x50, s12  }
0x1b0: {  	[hbm4b:s16+s3] =	stream.linear.scatter [tilespmem:s15], [sflag:$0x7], $0x80, $0x38;
	[tilespmem:$0x1EC00] =	vst v63  }
0x1b1: {  	s17 =	sadd.s32 $0x1AB30, s7;
	s22 =	sadd.s32 $0x60, s12  }
0x1b2: {  	[hbm4b:s22+s3] =	stream.linear.scatter [tilespmem:s17], [sflag:$0x7], $0x80, $0x38;
	[tilespmem:$0x1EC00] =	vst v63  }
0x1b3: {  	s14 =	sadd.s32 $0x1ABB8, s7;
	s15 =	sadd.s32 $0x70, s12  }
0x1b4: {  	[hbm4b:s15+s3] =	stream.linear.scatter [tilespmem:s14], [sflag:$0x7], $0x80, $0x38;
	[tilespmem:$0x1EC00] =	vst v63  }
0x1b5: {  	s16 =	simm.s32 $0x300  }
0x1b6: {  	[tilespmem:s25], [sflag:$0x3] =	stream.indirect.gather [hbm4b:s4+s19], $0x80, s16, s19, $0xb8;
	[tilespmem:$0x1EC00] =	vst v63  }
0x1b7: {  	_ =	swait.ge [sflag:s20], $0x4000  }
0x1b8: {  	[sflag:s20] =	ssyncset.done $0x0  }
0x1b9: {  	s17 =	simm.s32 $0x3;
	s15 =	simm.s32 $0x12500;
	[sflag:s20] =	ssyncadd.s32 $0xFFFFC000  }
0x1ba: {  	v4 =	vmov s17;
	v5 =	vld [tilespmem:s15+$0x80]  }
0x1bb: {  	v9 =	vand.u32 $0x7F, v4  }
0x1bc: {  	s22 =	simm.s32 $0x0;
	v4 =	vadd.s32 v0, v9  }
0x1bd: {  	s7 =	simm.s32 $0x1;
	s12 =	simm.s32 $0x2;
	v6 =	vmov s22;
	v7 =	vld [tilespmem:s15+$0xFFFFFF00]  }
0x1be: {  	v11 =	vmov s12;
	v8 =	vand.u32 $0x7C, v6;
	v6 =	vmov s7;
	v10 =	vld [tilespmem:s15+$0xFFFFFF80]  }
0x1bf: {  	v12 =	vadd.s32 v0, v8;
	v15 =	vand.u32 $0x7D, v6;
	v6 =	vld [tilespmem:s15+$0x0];
	v5 =	vmul.f32 $8.000000000e+00, v5  }
0x1c0: {  	v17 =	vand.u32 $0x7E, v11;
	v13 =	vadd.s32 v0, v15  }
0x1c1: {  	v11 =	vadd.s32 v0, v17;
	[tilespmem:v4+s31+$0x0] =	vst.idx.msk $0xffff, v5  }
0x1c2: {  	v4 =	vmul.f32 $8.000000000e+00, v7;
	v5 =	vld [tilespmem:s15+$0x90]  }
0x1c3: {  	v7 =	vmul.f32 $8.000000000e+00, v10  }
0x1c4: {  	[tilespmem:v12+s31+$0x0] =	vst.idx.msk $0xffff, v4;
	v4 =	vmul.f32 $8.000000000e+00, v6;
	v6 =	vadd.s32 v1, v9  }
0x1c5: {  	[tilespmem:v13+s31+$0x0] =	vst.idx.msk $0xffff, v7;
	v10 =	vld [tilespmem:s15+$0xFFFFFF10]  }
0x1c6: {  	v7 =	vld [tilespmem:s15+$0xFFFFFF90];
	[tilespmem:v11+s31+$0x0] =	vst.idx.msk $0xffff, v4  }
0x1c7: {  	v11 =	vld [tilespmem:s15+$0x10];
	v4 =	vmul.f32 $8.000000000e+00, v5  }
0x1c8: {  	s13 =	simm.s32 $0x4;
	s12 =	simm.s32 $0x12700;
	s14 =	simm.s32 $0x7;
	v12 =	vadd.s32 v1, v15  }
0x1c9: {  	v14 =	vld [tilespmem:s12+$0x80];
	v13 =	vadd.s32 v1, v17;
	v5 =	vmov s13;
	[tilespmem:v6+s31+$0x0] =	vst.idx.msk $0xffff, v4;
	v6 =	vmov s14  }
0x1ca: {  	v16 =	vadd.s32 v1, v8;
	v4 =	vand.u32 $0x7C, v5;
	v5 =	vand.u32 $0x7F, v6;
	v18 =	vld [tilespmem:s15+$0xA0]  }
0x1cb: {  	v22 =	vadd.s32 v2, v9;
	s16 =	simm.s32 $0x5;
	v19 =	vld [tilespmem:s12+$0xFFFFFF00];
	v6 =	vmul.f32 $8.000000000e+00, v7;
	v20 =	vadd.s32 v0, v5  }
0x1cc: {  	s17 =	simm.s32 $0x6;
	v21 =	vld [tilespmem:s12+$0xFFFFFF80];
	v10 =	vmul.f32 $8.000000000e+00, v10;
	v7 =	vmul.f32 $8.000000000e+00, v11;
	v11 =	vmov s16  }
0x1cd: {  	v23 =	vadd.s32 v0, v4;
	[tilespmem:v12+s31+$0x0] =	vst.idx.msk $0xffff, v6;
	v12 =	vmov s17;
	v6 =	vand.u32 $0x7D, v11;
	v11 =	vld [tilespmem:s12+$0x0]  }
0x1ce: {  	[tilespmem:v13+s31+$0x0] =	vst.idx.msk $0xffff, v7;
	v13 =	vadd.s32 v0, v6;
	v7 =	vand.u32 $0x7E, v12;
	v12 =	vmul.f32 $8.000000000e+00, v14;
	v14 =	vld [tilespmem:s15+$0xFFFFFFA0]  }
0x1cf: {  	[tilespmem:v16+s31+$0x0] =	vst.idx.msk $0xffff, v10;
	v10 =	vadd.s32 v0, v7;
	v16 =	vld [tilespmem:s15+$0x20];
	v18 =	vmul.f32 $8.000000000e+00, v18  }
0x1d0: {  	v19 =	vmul.f32 $8.000000000e+00, v19;
	[tilespmem:v20+s31+$0x0] =	vst.idx.msk $0xffff, v12;
	v12 =	vld [tilespmem:s15+$0xFFFFFF20];
	v20 =	vadd.s32 v2, v15  }
0x1d1: {  	v25 =	vadd.s32 v2, v17;
	v21 =	vmul.f32 $8.000000000e+00, v21;
	v24 =	vld [tilespmem:s12+$0x90];
	[tilespmem:v22+s31+$0x0] =	vst.idx.msk $0xffff, v18  }
0x1d2: {  	[tilespmem:v23+s31+$0x0] =	vst.idx.msk $0xffff, v19;
	v19 =	vadd.s32 v2, v8;
	v11 =	vmul.f32 $8.000000000e+00, v11;
	v22 =	vld [tilespmem:s15+$0xB0]  }
0x1d3: {  	v23 =	vld [tilespmem:s12+$0xFFFFFF10];
	[tilespmem:v13+s31+$0x0] =	vst.idx.msk $0xffff, v21;
	v21 =	vadd.s32 v1, v5;
	v14 =	vmul.f32 $8.000000000e+00, v14  }
0x1d4: {  	v27 =	vadd.s32 v3, v9;
	v26 =	vld [tilespmem:s12+$0xFFFFFF90];
	[tilespmem:v10+s31+$0x0] =	vst.idx.msk $0xffff, v11;
	v10 =	vmul.f32 $8.000000000e+00, v16  }
0x1d5: {  	v18 =	vadd.s32 v1, v4;
	v13 =	vld [tilespmem:s12+$0x10];
	v9 =	vmul.f32 $8.000000000e+00, v12;
	[tilespmem:v20+s31+$0x0] =	vst.idx.msk $0xffff, v14  }
0x1d6: {  	s14 =	simm.s32 $0x8;
	v16 =	vadd.s32 v1, v6;
	[tilespmem:v25+s31+$0x0] =	vst.idx.msk $0xffff, v10;
	v14 =	vmul.f32 $8.000000000e+00, v24;
	v12 =	vld [tilespmem:s15+$0xFFFFFFB0]  }
0x1d7: {  	v20 =	vmov s14;
	v10 =	vadd.s32 v1, v7;
	v11 =	vld [tilespmem:s15+$0x30];
	[tilespmem:v19+s31+$0x0] =	vst.idx.msk $0xffff, v9;
	v63 =	vmul.f32 $8.000000000e+00, v22  }
0x1d8: {  	s22 =	simm.s32 $0xB;
	s13 =	simm.s32 $0x12900;
	v15 =	vadd.s32 v3, v15;
	v9 =	vand.u32 $0x7C, v20;
	v20 =	vmul.f32 $8.000000000e+00, v23;
	[tilespmem:v21+s31+$0x0] =	vst.idx.msk $0xffff, v14;
	v14 =	vld [tilespmem:s15+$0xFFFFFF30]  }
0x1d9: {  	s7 =	simm.s32 $0xC;
	v17 =	vadd.s32 v3, v17;
	v22 =	vmov s22;
	v19 =	vld [tilespmem:s13+$0x80];
	v21 =	vmul.f32 $8.000000000e+00, v26;
	[tilespmem:v27+s31+$0x0] =	vst.idx.msk $0xffff, v63  }
.LBB2_14:
0x1da: {  	p0 =	slt.u32 s7, $0x7C;
	s2 =	sadd.s32 $0x1, s14;
	v22 =	vand.u32 $0x7F, v22;
	[tilespmem:v18+s31+$0x0] =	vst.idx.msk $0xffff, v20;
	v13 =	vmul.f32 $8.000000000e+00, v13;
	v18 =	vld [tilespmem:s12+$0xA0];
	v20 =	vadd.s32 v3, v8;
	v8 =	vmovc v4  }
0x1db: {  	v4 =	vmovc v9;
	v23 =	vld [tilespmem:s13+$0xFFFFFF00];
	v24 =	vmov s2;
	s2 =	sadd.s32 $0x2, s14;
	v25 =	vadd.s32 v0, v22;
	[tilespmem:v16+s31+$0x0] =	vst.idx.msk $0xffff, v21;
	v12 =	vmul.f32 $8.000000000e+00, v12;
	s14 =	smov.u32 s7  }
0x1dc: {  	v9 =	vld [tilespmem:s13+$0xFFFFFF80];
	v16 =	vmov s2;
	[tilespmem:v10+s31+$0x0] =	vst.idx.msk $0xffff, v13;
	v10 =	vadd.s32 v2, v5;
	v11 =	vmul.f32 $8.000000000e+00, v11  }
0x1dd: {  	v13 =	vadd.s32 v0, v4;
	v21 =	vand.u32 $0x7D, v24;
	v24 =	vld [tilespmem:s13+$0x0];
	v14 =	vmul.f32 $8.000000000e+00, v14;
	[tilespmem:v15+s31+$0x0] =	vst.idx.msk $0xffff, v12  }
0x1de: {  	v12 =	vadd.s32 v0, v21;
	v26 =	vand.u32 $0x7E, v16;
	v15 =	vmul.f32 $8.000000000e+00, v19;
	v16 =	vld [tilespmem:s12+$0xFFFFFFA0];
	[tilespmem:v17+s31+$0x0] =	vst.idx.msk $0xffff, v11  }
0x1df: {  	v11 =	vadd.s32 v0, v26;
	v17 =	vld [tilespmem:s12+$0x20];
	v18 =	vmul.f32 $8.000000000e+00, v18;
	[tilespmem:v20+s31+$0x0] =	vst.idx.msk $0xffff, v14  }
0x1e0: {  	v19 =	vadd.s32 v2, v6;
	v14 =	vmul.f32 $8.000000000e+00, v23;
	[tilespmem:v25+s31+$0x0] =	vst.idx.msk $0xffff, v15;
	v15 =	vld [tilespmem:s12+$0xFFFFFF20]  }
0x1e1: {  	v23 =	vadd.s32 v2, v7;
	v9 =	vmul.f32 $8.000000000e+00, v9;
	v20 =	vld [tilespmem:s13+$0x90];
	[tilespmem:v10+s31+$0x0] =	vst.idx.msk $0xffff, v18  }
0x1e2: {  	[tilespmem:v13+s31+$0x0] =	vst.idx.msk $0xffff, v14;
	v10 =	vmul.f32 $8.000000000e+00, v24;
	v14 =	vadd.s32 v2, v8;
	v24 =	vld [tilespmem:s12+$0xB0]  }
0x1e3: {  	v27 =	vadd.s32 v1, v22;
	v25 =	vld [tilespmem:s13+$0xFFFFFF10];
	[tilespmem:v12+s31+$0x0] =	vst.idx.msk $0xffff, v9;
	v9 =	vmul.f32 $8.000000000e+00, v16  }
0x1e4: {  	v29 =	vadd.s32 v3, v5;
	v5 =	vmov v22;
	v28 =	vld [tilespmem:s13+$0xFFFFFF90];
	[tilespmem:v11+s31+$0x0] =	vst.idx.msk $0xffff, v10;
	v10 =	vmul.f32 $8.000000000e+00, v17  }
.Ltmp6:
0x1e5: {  	v18 =	vadd.s32 v1, v4;
	v13 =	vld [tilespmem:s13+$0x10];
	v11 =	vmul.f32 $8.000000000e+00, v15;
	[tilespmem:v19+s31+$0x0] =	vst.idx.msk $0xffff, v9;
	(pc) =	sbr.rel @p0 .LBB2_14-.Ltmp6, $4  }
0x1e6: {  	v16 =	vadd.s32 v1, v21;
	v15 =	vmul.f32 $8.000000000e+00, v20;
	v12 =	vld [tilespmem:s12+$0xFFFFFFB0];
	[tilespmem:v23+s31+$0x0] =	vst.idx.msk $0xffff, v10  }
0x1e7: {  	v9 =	vmov s7;
	v10 =	vadd.s32 v1, v26;
	[tilespmem:v14+s31+$0x0] =	vst.idx.msk $0xffff, v11;
	v11 =	vld [tilespmem:s12+$0x30];
	v23 =	vmul.f32 $8.000000000e+00, v24  }
0x1e8: {  	s2 =	sadd.s32 $0x3, s7;
	v9 =	vand.u32 $0x7C, v9;
	v20 =	vmul.f32 $8.000000000e+00, v25;
	[tilespmem:v27+s31+$0x0] =	vst.idx.msk $0xffff, v15;
	v14 =	vld [tilespmem:s12+$0xFFFFFF30];
	v15 =	vadd.s32 v3, v6;
	v6 =	vmovc v21;
	s12 =	smov.u32 s13;
	s13 =	sadd.s32 $0x200, s13  }
0x1e9: {  	v22 =	vmov s2;
	v17 =	vadd.s32 v3, v7;
	v7 =	vmovc v26;
	s7 =	sadd.s32 $0x4, s7;
	v19 =	vld [tilespmem:s13+$0x80];
	v21 =	vmul.f32 $8.000000000e+00, v28;
	[tilespmem:v29+s31+$0x0] =	vst.idx.msk $0xffff, v23  }
0x1ea: {  	s2 =	sadd.s32 $0x1, s14;
	v22 =	vand.u32 $0x7F, v22;
	v28 =	vld [tilespmem:s13+$0xFFFFFF00]  }
0x1eb: {  	s7 =	sadd.s32 $0x2, s14;
	v24 =	vld [tilespmem:s13+$0xFFFFFF80];
	v23 =	vmov s2;
	v25 =	vadd.s32 v0, v22  }
0x1ec: {  	v27 =	vld [tilespmem:s13+$0x0];
	v51 =	vadd.s32 v0, v9;
	v26 =	vmov s7;
	v23 =	vand.u32 $0x7D, v23  }
0x1ed: {  	v26 =	vand.u32 $0x7E, v26;
	v29 =	vadd.s32 v0, v23  }
0x1ee: {  	[tilespmem:v18+s31+$0x0] =	vst.idx.msk $0xffff, v20;
	v30 =	vadd.s32 v0, v26;
	v19 =	vmul.f32 $8.000000000e+00, v19  }
0x1ef: {  	[tilespmem:v16+s31+$0x0] =	vst.idx.msk $0xffff, v21;
	v54 =	vmul.f32 $8.000000000e+00, v28  }
0x1f0: {  	v52 =	vmul.f32 $8.000000000e+00, v24;
	[tilespmem:v25+s31+$0x0] =	vst.idx.msk $0xffff, v19  }
0x1f1: {  	v53 =	vmul.f32 $8.000000000e+00, v27;
	v55 =	vld [tilespmem:s13+$0x90];
	[tilespmem:v51+s31+$0x0] =	vst.idx.msk $0xffff, v54  }
0x1f2: {  	v13 =	vmul.f32 $8.000000000e+00, v13;
	v8 =	vadd.s32 v3, v8;
	[tilespmem:v29+s31+$0x0] =	vst.idx.msk $0xffff, v52;
	v59 =	vld [tilespmem:s13+$0xFFFFFF10]  }
0x1f3: {  	v12 =	vmul.f32 $8.000000000e+00, v12;
	v57 =	vadd.s32 v1, v22;
	[tilespmem:v30+s31+$0x0] =	vst.idx.msk $0xffff, v53;
	v56 =	vld [tilespmem:s13+$0xFFFFFF90]  }
0x1f4: {  	[tilespmem:v10+s31+$0x0] =	vst.idx.msk $0xffff, v13;
	v58 =	vmul.f32 $8.000000000e+00, v11;
	v28 =	vadd.s32 v1, v9;
	v19 =	vld [tilespmem:s13+$0x10]  }
0x1f5: {  	v61 =	vld [tilespmem:s12+$0xA0];
	v60 =	vadd.s32 v1, v23;
	v14 =	vmul.f32 $8.000000000e+00, v14;
	[tilespmem:v15+s31+$0x0] =	vst.idx.msk $0xffff, v12  }
0x1f6: {  	v32 =	vld [tilespmem:s12+$0xFFFFFF20];
	v62 =	vadd.s32 v1, v26;
	[tilespmem:v17+s31+$0x0] =	vst.idx.msk $0xffff, v58;
	v16 =	vmul.f32 $8.000000000e+00, v55  }
0x1f7: {  	[tilespmem:v8+s31+$0x0] =	vst.idx.msk $0xffff, v14;
	v29 =	vadd.s32 v2, v5;
	v30 =	vld [tilespmem:s12+$0x20];
	v11 =	vmul.f32 $8.000000000e+00, v59  }
0x1f8: {  	v38 =	vadd.s32 v2, v4;
	v63 =	vld [tilespmem:s12+$0xFFFFFFA0];
	v31 =	vmul.f32 $8.000000000e+00, v56;
	[tilespmem:v57+s31+$0x0] =	vst.idx.msk $0xffff, v16  }
0x1f9: {  	v35 =	vadd.s32 v2, v7;
	v34 =	vmul.f32 $8.000000000e+00, v19;
	v36 =	vld [tilespmem:s13+$0xA0];
	[tilespmem:v28+s31+$0x0] =	vst.idx.msk $0xffff, v11  }
0x1fa: {  	v33 =	vadd.s32 v2, v6;
	v37 =	vmul.f32 $8.000000000e+00, v61;
	[tilespmem:v60+s31+$0x0] =	vst.idx.msk $0xffff, v31;
	v43 =	vld [tilespmem:s13+$0xFFFFFF20]  }
0x1fb: {  	v40 =	vadd.s32 v2, v22;
	v14 =	vmul.f32 $8.000000000e+00, v32;
	[tilespmem:v62+s31+$0x0] =	vst.idx.msk $0xffff, v34;
	v39 =	vld [tilespmem:s13+$0xFFFFFFA0]  }
0x1fc: {  	v48 =	vadd.s32 v2, v9;
	[tilespmem:v29+s31+$0x0] =	vst.idx.msk $0xffff, v37;
	v42 =	vmul.f32 $8.000000000e+00, v30;
	v41 =	vld [tilespmem:s13+$0x20]  }
0x1fd: {  	v44 =	vadd.s32 v2, v23;
	v15 =	vmul.f32 $8.000000000e+00, v63;
	[tilespmem:v38+s31+$0x0] =	vst.idx.msk $0xffff, v14;
	v45 =	vld [tilespmem:s12+$0xB0]  }
0x1fe: {  	v46 =	vadd.s32 v2, v26;
	v14 =	vld [tilespmem:s12+$0xFFFFFF30];
	[tilespmem:v35+s31+$0x0] =	vst.idx.msk $0xffff, v42;
	v47 =	vmul.f32 $8.000000000e+00, v36  }
0x1ff: {  	v5 =	vadd.s32 v3, v5;
	[tilespmem:v33+s31+$0x0] =	vst.idx.msk $0xffff, v15;
	v49 =	vld [tilespmem:s12+$0x30];
	v53 =	vmul.f32 $8.000000000e+00, v43  }
0x200: {  	v4 =	vadd.s32 v3, v4;
	v21 =	vld [tilespmem:s12+$0xFFFFFFB0];
	v12 =	vmul.f32 $8.000000000e+00, v39;
	[tilespmem:v40+s31+$0x0] =	vst.idx.msk $0xffff, v47  }
0x201: {  	v52 =	vadd.s32 v3, v7;
	v51 =	vmul.f32 $8.000000000e+00, v41;
	v10 =	vld [tilespmem:s13+$0xB0];
	[tilespmem:v48+s31+$0x0] =	vst.idx.msk $0xffff, v53  }
0x202: {  	v50 =	vadd.s32 v3, v6;
	v54 =	vmul.f32 $8.000000000e+00, v45;
	[tilespmem:v44+s31+$0x0] =	vst.idx.msk $0xffff, v12;
	v59 =	vld [tilespmem:s13+$0xFFFFFF30]  }
0x203: {  	v57 =	vadd.s32 v3, v22;
	v14 =	vmul.f32 $8.000000000e+00, v14;
	[tilespmem:v46+s31+$0x0] =	vst.idx.msk $0xffff, v51;
	v55 =	vld [tilespmem:s13+$0xFFFFFFB0]  }
0x204: {  	v62 =	vadd.s32 v3, v9;
	[tilespmem:v5+s31+$0x0] =	vst.idx.msk $0xffff, v54;
	v5 =	vmul.f32 $8.000000000e+00, v49;
	v58 =	vld [tilespmem:s13+$0x30]  }
0x205: {  	v56 =	vmul.f32 $8.000000000e+00, v21;
	v60 =	vadd.s32 v3, v23;
	[tilespmem:v4+s31+$0x0] =	vst.idx.msk $0xffff, v14  }
0x206: {  	v61 =	vadd.s32 v3, v26;
	[tilespmem:v52+s31+$0x0] =	vst.idx.msk $0xffff, v5;
	v5 =	vmul.f32 $8.000000000e+00, v10  }
0x207: {  	[tilespmem:v50+s31+$0x0] =	vst.idx.msk $0xffff, v56;
	v63 =	vmul.f32 $8.000000000e+00, v59  }
0x208: {  	v4 =	vmul.f32 $8.000000000e+00, v55;
	[tilespmem:v57+s31+$0x0] =	vst.idx.msk $0xffff, v5  }
0x209: {  	v5 =	vmul.f32 $8.000000000e+00, v58;
	[tilespmem:v62+s31+$0x0] =	vst.idx.msk $0xffff, v63  }
0x20a: {  	[tilespmem:v60+s31+$0x0] =	vst.idx.msk $0xffff, v4  }
0x20b: {  	[tilespmem:v61+s31+$0x0] =	vst.idx.msk $0xffff, v5  }
0x20c: {  	s13 =	simm.s32 $0x1CA00;
	s12 =	rddreg [dreg:$0x7]  }
0x20d: {  	[hbm4b:s12+s3] =	stream.linear.scatter [tilespmem:s13], [sflag:$0x8], $0x80, $0x38;
	[tilespmem:$0x1EC00] =	vst v63  }
0x20e: {  	s14 =	simm.s32 $0x1CA88;
	s7 =	sadd.s32 $0x10, s12  }
0x20f: {  	[hbm4b:s7+s3] =	stream.linear.scatter [tilespmem:s14], [sflag:$0x8], $0x80, $0x38;
	[tilespmem:$0x1EC00] =	vst v63  }
0x210: {  	s15 =	simm.s32 $0x1CB10;
	s17 =	simm.s32 $0x1CB98;
	s16 =	sadd.s32 $0x20, s12  }
0x211: {  	[hbm4b:s16+s3] =	stream.linear.scatter [tilespmem:s15], [sflag:$0x8], $0x80, $0x38;
	[tilespmem:$0x1EC00] =	vst v63  }
0x212: {  	s22 =	sadd.s32 $0x30, s12;
	s13 =	simm.s32 $0x1CC20;
	s14 =	sadd.s32 $0x40, s12  }
0x213: {  	[hbm4b:s22+s3] =	stream.linear.scatter [tilespmem:s17], [sflag:$0x8], $0x80, $0x38;
	[tilespmem:$0x1EC00] =	vst v63  }
0x214: {  	s7 =	simm.s32 $0x440;
	s15 =	simm.s32 $0x1CCA8;
	s16 =	sadd.s32 $0x50, s12  }
0x215: {  	[hbm4b:s14+s3] =	stream.linear.scatter [tilespmem:s13], [sflag:$0x8], $0x80, $0x38;
	[tilespmem:$0x1EC00] =	vst v63  }
0x216: {  	s17 =	simm.s32 $0x1CD30;
	s22 =	sadd.s32 $0x60, s12;
	s13 =	simm.s32 $0x2200  }
0x217: {  	[hbm4b:s16+s3] =	stream.linear.scatter [tilespmem:s15], [sflag:$0x8], $0x80, $0x38;
	[tilespmem:$0x1EC00] =	vst v63  }
0x218: {  	s14 =	simm.s32 $0x1CDB8;
	s15 =	sadd.s32 $0x70, s12;
	s12 =	sadd.s32 $0x1000, s12  }
0x219: {  	[hbm4b:s22+s3] =	stream.linear.scatter [tilespmem:s17], [sflag:$0x8], $0x80, $0x38;
	[tilespmem:$0x1EC00] =	vst v63  }
.LBB2_16:
0x21a: {  	[hbm4b:s15+s3] =	stream.linear.scatter [tilespmem:s14], [sflag:$0x8], $0x80, $0x38;
	[tilespmem:$0x1EC00] =	vst v63  }
0x21b: {  	s2 =	smov.u32 s7;
	s7 =	smov.u32 s13  }
0x21c: {  	s16 =	sadd.s32 $0x1100, s13;
	s7 =	sshra.s32 s7, $0x2;
	s14 =	sadd.s32 $0x1CA00, s2  }
0x21d: {  	[hbm4b:s12+s3] =	stream.linear.scatter [tilespmem:s14], [sflag:$0x8], $0x80, $0x38;
	[tilespmem:$0x1EC00] =	vst v63  }
0x21e: {  	p0 =	sne.s32 s13, $0x7700;
	s13 =	sadd.s32 $0x1CA88, s2;
	s14 =	sadd.s32 $0x10, s12  }
0x21f: {  	[hbm4b:s14+s3] =	stream.linear.scatter [tilespmem:s13], [sflag:$0x8], $0x80, $0x38;
	[tilespmem:$0x1EC00] =	vst v63  }
0x220: {  	s13 =	sadd.s32 $0x1CB10, s2;
	s14 =	sadd.s32 $0x20, s12  }
0x221: {  	[hbm4b:s14+s3] =	stream.linear.scatter [tilespmem:s13], [sflag:$0x8], $0x80, $0x38;
	[tilespmem:$0x1EC00] =	vst v63  }
0x222: {  	s13 =	sadd.s32 $0x1CB98, s2;
	s14 =	sadd.s32 $0x30, s12  }
0x223: {  	[hbm4b:s14+s3] =	stream.linear.scatter [tilespmem:s13], [sflag:$0x8], $0x80, $0x38;
	[tilespmem:$0x1EC00] =	vst v63  }
0x224: {  	s13 =	sadd.s32 $0x1CC20, s2;
	s14 =	sadd.s32 $0x40, s12  }
0x225: {  	[hbm4b:s14+s3] =	stream.linear.scatter [tilespmem:s13], [sflag:$0x8], $0x80, $0x38;
	[tilespmem:$0x1EC00] =	vst v63  }
.Ltmp7:
0x226: {  	s13 =	sadd.s32 $0x1CCA8, s2;
	s14 =	sadd.s32 $0x50, s12;
	(pc) =	sbr.rel @p0 .LBB2_16-.Ltmp7, $4  }
0x227: {  	[hbm4b:s14+s3] =	stream.linear.scatter [tilespmem:s13], [sflag:$0x8], $0x80, $0x38;
	[tilespmem:$0x1EC00] =	vst v63  }
0x228: {  	s15 =	sadd.s32 $0x70, s12;
	s13 =	sadd.s32 $0x1CD30, s2;
	s14 =	sadd.s32 $0x60, s12  }
0x229: {  	[hbm4b:s14+s3] =	stream.linear.scatter [tilespmem:s13], [sflag:$0x8], $0x80, $0x38;
	[tilespmem:$0x1EC00] =	vst v63  }
0x22a: {  	s12 =	sadd.s32 $0x1000, s12;
	s14 =	sadd.s32 $0x1CDB8, s2;
	s13 =	smov.u32 s16  }
0x22b: {  	[hbm4b:s15+s3] =	stream.linear.scatter [tilespmem:s14], [sflag:$0x8], $0x80, $0x38;
	[tilespmem:$0x1EC00] =	vst v63  }
0x22c: {  	s2 =	sadd.s32 $0x1CA00, s7  }
0x22d: {  	[hbm4b:s12+s3] =	stream.linear.scatter [tilespmem:s2], [sflag:$0x8], $0x80, $0x38;
	[tilespmem:$0x1EC00] =	vst v63  }
0x22e: {  	s16 =	sadd.s32 $0x1CA88, s7;
	s13 =	sadd.s32 $0x10, s12  }
0x22f: {  	[hbm4b:s13+s3] =	stream.linear.scatter [tilespmem:s16], [sflag:$0x8], $0x80, $0x38;
	[tilespmem:$0x1EC00] =	vst v63  }
0x230: {  	s17 =	sadd.s32 $0x1CB10, s7;
	s22 =	sadd.s32 $0x20, s12  }
0x231: {  	[hbm4b:s22+s3] =	stream.linear.scatter [tilespmem:s17], [sflag:$0x8], $0x80, $0x38;
	[tilespmem:$0x1EC00] =	vst v63  }
0x232: {  	s14 =	sadd.s32 $0x30, s12;
	s13 =	sadd.s32 $0x1CB98, s7  }
0x233: {  	[hbm4b:s14+s3] =	stream.linear.scatter [tilespmem:s13], [sflag:$0x8], $0x80, $0x38;
	[tilespmem:$0x1EC00] =	vst v63  }
0x234: {  	s15 =	sadd.s32 $0x1CC20, s7;
	s16 =	sadd.s32 $0x40, s12  }
0x235: {  	[hbm4b:s16+s3] =	stream.linear.scatter [tilespmem:s15], [sflag:$0x8], $0x80, $0x38;
	[tilespmem:$0x1EC00] =	vst v63  }
0x236: {  	s17 =	sadd.s32 $0x1CCA8, s7;
	s22 =	sadd.s32 $0x50, s12  }
0x237: {  	[hbm4b:s22+s3] =	stream.linear.scatter [tilespmem:s17], [sflag:$0x8], $0x80, $0x38;
	[tilespmem:$0x1EC00] =	vst v63  }
0x238: {  	s14 =	sadd.s32 $0x1CD30, s7;
	s15 =	sadd.s32 $0x60, s12  }
0x239: {  	[hbm4b:s15+s3] =	stream.linear.scatter [tilespmem:s14], [sflag:$0x8], $0x80, $0x38;
	[tilespmem:$0x1EC00] =	vst v63  }
0x23a: {  	s16 =	sadd.s32 $0x1CDB8, s7;
	s17 =	sadd.s32 $0x70, s12  }
0x23b: {  	[hbm4b:s17+s3] =	stream.linear.scatter [tilespmem:s16], [sflag:$0x8], $0x80, $0x38;
	[tilespmem:$0x1EC00] =	vst v63  }
0x23c: {  	s22 =	simm.s32 $0x380;
	s12 =	simm.s32 $0x1  }
0x23d: {  	[tilespmem:s28], [sflag:$0x4] =	stream.indirect.gather [hbm4b:s4+s19], $0x80, s22, s19, $0xb8;
	[tilespmem:$0x1EC00] =	vst v63  }
.LBB2_18:
0x23e: {  	_ =	swait.ge [sflag:s29], $0x4000  }
0x23f: {  	[sflag:s29] =	ssyncset.done $0x0  }
0x240: {  	[sflag:s29] =	ssyncadd.s32 $0xFFFFC000  }
0x241: {  	_ =	swait.ge [sflag:s6], $0x2000  }
0x242: {  	[sflag:s6] =	ssyncset.done $0x0  }
0x243: {  	s16 =	simm.s32 $0x6500;
	s2 =	simm.s32 $0x3;
	[sflag:s6] =	ssyncadd.s32 $0xFFFFE000  }
0x244: {  	v4 =	vmov s2;
	v5 =	vld [tilespmem:s16+$0x80]  }
0x245: {  	v9 =	vand.u32 $0x7F, v4  }
0x246: {  	s17 =	simm.s32 $0x0;
	v4 =	vadd.s32 v0, v9  }
0x247: {  	s22 =	simm.s32 $0x1;
	s7 =	simm.s32 $0x2;
	v6 =	vmov s17;
	v7 =	vld [tilespmem:s16+$0xFFFFFF00]  }
0x248: {  	v11 =	vmov s7;
	v8 =	vand.u32 $0x7C, v6;
	v6 =	vmov s22;
	v10 =	vld [tilespmem:s16+$0xFFFFFF80]  }
0x249: {  	v12 =	vadd.s32 v0, v8;
	v15 =	vand.u32 $0x7D, v6;
	v6 =	vld [tilespmem:s16+$0x0];
	v5 =	vmul.f32 $8.000000000e+00, v5  }
0x24a: {  	v17 =	vand.u32 $0x7E, v11;
	v13 =	vadd.s32 v0, v15  }
0x24b: {  	v11 =	vadd.s32 v0, v17;
	[tilespmem:v4+s30+$0x0] =	vst.idx.msk $0xffff, v5  }
0x24c: {  	v4 =	vmul.f32 $8.000000000e+00, v7;
	v5 =	vld [tilespmem:s16+$0x90]  }
0x24d: {  	v7 =	vmul.f32 $8.000000000e+00, v10  }
0x24e: {  	[tilespmem:v12+s30+$0x0] =	vst.idx.msk $0xffff, v4;
	v4 =	vmul.f32 $8.000000000e+00, v6;
	v6 =	vadd.s32 v1, v9  }
0x24f: {  	[tilespmem:v13+s30+$0x0] =	vst.idx.msk $0xffff, v7;
	v10 =	vld [tilespmem:s16+$0xFFFFFF10]  }
0x250: {  	v7 =	vld [tilespmem:s16+$0xFFFFFF90];
	[tilespmem:v11+s30+$0x0] =	vst.idx.msk $0xffff, v4  }
0x251: {  	v11 =	vld [tilespmem:s16+$0x10];
	v4 =	vmul.f32 $8.000000000e+00, v5  }
0x252: {  	s14 =	simm.s32 $0x7;
	s13 =	simm.s32 $0x6700;
	s7 =	simm.s32 $0x4;
	v12 =	vadd.s32 v1, v15  }
0x253: {  	v14 =	vld [tilespmem:s13+$0x80];
	v13 =	vadd.s32 v1, v17;
	v5 =	vmov s7;
	[tilespmem:v6+s30+$0x0] =	vst.idx.msk $0xffff, v4;
	v6 =	vmov s14  }
0x254: {  	v16 =	vadd.s32 v1, v8;
	v4 =	vand.u32 $0x7C, v5;
	v5 =	vand.u32 $0x7F, v6;
	v18 =	vld [tilespmem:s16+$0xA0]  }
0x255: {  	s15 =	simm.s32 $0x5;
	v22 =	vadd.s32 v2, v9;
	v19 =	vld [tilespmem:s13+$0xFFFFFF00];
	v6 =	vmul.f32 $8.000000000e+00, v7;
	v20 =	vadd.s32 v0, v5  }
0x256: {  	s17 =	simm.s32 $0x6;
	v21 =	vld [tilespmem:s13+$0xFFFFFF80];
	v10 =	vmul.f32 $8.000000000e+00, v10;
	v7 =	vmul.f32 $8.000000000e+00, v11;
	v11 =	vmov s15  }
0x257: {  	v23 =	vadd.s32 v0, v4;
	[tilespmem:v12+s30+$0x0] =	vst.idx.msk $0xffff, v6;
	v12 =	vmov s17;
	v6 =	vand.u32 $0x7D, v11;
	v11 =	vld [tilespmem:s13+$0x0]  }
0x258: {  	[tilespmem:v13+s30+$0x0] =	vst.idx.msk $0xffff, v7;
	v13 =	vadd.s32 v0, v6;
	v7 =	vand.u32 $0x7E, v12;
	v12 =	vmul.f32 $8.000000000e+00, v14;
	v14 =	vld [tilespmem:s16+$0xFFFFFFA0]  }
0x259: {  	[tilespmem:v16+s30+$0x0] =	vst.idx.msk $0xffff, v10;
	v10 =	vadd.s32 v0, v7;
	v16 =	vld [tilespmem:s16+$0x20];
	v18 =	vmul.f32 $8.000000000e+00, v18  }
0x25a: {  	v19 =	vmul.f32 $8.000000000e+00, v19;
	[tilespmem:v20+s30+$0x0] =	vst.idx.msk $0xffff, v12;
	v12 =	vld [tilespmem:s16+$0xFFFFFF20];
	v20 =	vadd.s32 v2, v15  }
0x25b: {  	v25 =	vadd.s32 v2, v17;
	v21 =	vmul.f32 $8.000000000e+00, v21;
	v24 =	vld [tilespmem:s13+$0x90];
	[tilespmem:v22+s30+$0x0] =	vst.idx.msk $0xffff, v18  }
0x25c: {  	[tilespmem:v23+s30+$0x0] =	vst.idx.msk $0xffff, v19;
	v19 =	vadd.s32 v2, v8;
	v11 =	vmul.f32 $8.000000000e+00, v11;
	v22 =	vld [tilespmem:s16+$0xB0]  }
0x25d: {  	v23 =	vld [tilespmem:s13+$0xFFFFFF10];
	[tilespmem:v13+s30+$0x0] =	vst.idx.msk $0xffff, v21;
	v21 =	vadd.s32 v1, v5;
	v14 =	vmul.f32 $8.000000000e+00, v14  }
0x25e: {  	v27 =	vadd.s32 v3, v9;
	v26 =	vld [tilespmem:s13+$0xFFFFFF90];
	[tilespmem:v10+s30+$0x0] =	vst.idx.msk $0xffff, v11;
	v10 =	vmul.f32 $8.000000000e+00, v16  }
0x25f: {  	v18 =	vadd.s32 v1, v4;
	v13 =	vld [tilespmem:s13+$0x10];
	v9 =	vmul.f32 $8.000000000e+00, v12;
	[tilespmem:v20+s30+$0x0] =	vst.idx.msk $0xffff, v14  }
0x260: {  	s15 =	simm.s32 $0x8;
	v16 =	vadd.s32 v1, v6;
	[tilespmem:v25+s30+$0x0] =	vst.idx.msk $0xffff, v10;
	v14 =	vmul.f32 $8.000000000e+00, v24;
	v12 =	vld [tilespmem:s16+$0xFFFFFFB0]  }
0x261: {  	v20 =	vmov s15;
	v10 =	vadd.s32 v1, v7;
	v11 =	vld [tilespmem:s16+$0x30];
	[tilespmem:v19+s30+$0x0] =	vst.idx.msk $0xffff, v9;
	v63 =	vmul.f32 $8.000000000e+00, v22  }
0x262: {  	s22 =	simm.s32 $0xB;
	s14 =	simm.s32 $0x6900;
	v15 =	vadd.s32 v3, v15;
	v9 =	vand.u32 $0x7C, v20;
	v20 =	vmul.f32 $8.000000000e+00, v23;
	[tilespmem:v21+s30+$0x0] =	vst.idx.msk $0xffff, v14;
	v14 =	vld [tilespmem:s16+$0xFFFFFF30]  }
0x263: {  	v17 =	vadd.s32 v3, v17;
	s7 =	simm.s32 $0xC;
	v22 =	vmov s22;
	v19 =	vld [tilespmem:s14+$0x80];
	v21 =	vmul.f32 $8.000000000e+00, v26;
	[tilespmem:v27+s30+$0x0] =	vst.idx.msk $0xffff, v63  }
.LBB2_19:
0x264: {  	p0 =	slt.u32 s7, $0x7C;
	s2 =	sadd.s32 $0x1, s15;
	v22 =	vand.u32 $0x7F, v22;
	[tilespmem:v18+s30+$0x0] =	vst.idx.msk $0xffff, v20;
	v13 =	vmul.f32 $8.000000000e+00, v13;
	v18 =	vld [tilespmem:s13+$0xA0];
	v20 =	vadd.s32 v3, v8;
	v8 =	vmovc v4  }
0x265: {  	v4 =	vmovc v9;
	v23 =	vld [tilespmem:s14+$0xFFFFFF00];
	v24 =	vmov s2;
	s2 =	sadd.s32 $0x2, s15;
	v25 =	vadd.s32 v0, v22;
	[tilespmem:v16+s30+$0x0] =	vst.idx.msk $0xffff, v21;
	v12 =	vmul.f32 $8.000000000e+00, v12;
	s15 =	smov.u32 s7  }
0x266: {  	v9 =	vld [tilespmem:s14+$0xFFFFFF80];
	v16 =	vmov s2;
	[tilespmem:v10+s30+$0x0] =	vst.idx.msk $0xffff, v13;
	v10 =	vadd.s32 v2, v5;
	v11 =	vmul.f32 $8.000000000e+00, v11  }
0x267: {  	v13 =	vadd.s32 v0, v4;
	v21 =	vand.u32 $0x7D, v24;
	v24 =	vld [tilespmem:s14+$0x0];
	v14 =	vmul.f32 $8.000000000e+00, v14;
	[tilespmem:v15+s30+$0x0] =	vst.idx.msk $0xffff, v12  }
0x268: {  	v12 =	vadd.s32 v0, v21;
	v26 =	vand.u32 $0x7E, v16;
	v15 =	vmul.f32 $8.000000000e+00, v19;
	v16 =	vld [tilespmem:s13+$0xFFFFFFA0];
	[tilespmem:v17+s30+$0x0] =	vst.idx.msk $0xffff, v11  }
0x269: {  	v11 =	vadd.s32 v0, v26;
	v17 =	vld [tilespmem:s13+$0x20];
	v18 =	vmul.f32 $8.000000000e+00, v18;
	[tilespmem:v20+s30+$0x0] =	vst.idx.msk $0xffff, v14  }
0x26a: {  	v19 =	vadd.s32 v2, v6;
	v14 =	vmul.f32 $8.000000000e+00, v23;
	[tilespmem:v25+s30+$0x0] =	vst.idx.msk $0xffff, v15;
	v15 =	vld [tilespmem:s13+$0xFFFFFF20]  }
0x26b: {  	v23 =	vadd.s32 v2, v7;
	v9 =	vmul.f32 $8.000000000e+00, v9;
	v20 =	vld [tilespmem:s14+$0x90];
	[tilespmem:v10+s30+$0x0] =	vst.idx.msk $0xffff, v18  }
0x26c: {  	[tilespmem:v13+s30+$0x0] =	vst.idx.msk $0xffff, v14;
	v10 =	vmul.f32 $8.000000000e+00, v24;
	v14 =	vadd.s32 v2, v8;
	v24 =	vld [tilespmem:s13+$0xB0]  }
0x26d: {  	v27 =	vadd.s32 v1, v22;
	v25 =	vld [tilespmem:s14+$0xFFFFFF10];
	[tilespmem:v12+s30+$0x0] =	vst.idx.msk $0xffff, v9;
	v9 =	vmul.f32 $8.000000000e+00, v16  }
0x26e: {  	v29 =	vadd.s32 v3, v5;
	v5 =	vmov v22;
	v28 =	vld [tilespmem:s14+$0xFFFFFF90];
	[tilespmem:v11+s30+$0x0] =	vst.idx.msk $0xffff, v10;
	v10 =	vmul.f32 $8.000000000e+00, v17  }
.Ltmp8:
0x26f: {  	v18 =	vadd.s32 v1, v4;
	v13 =	vld [tilespmem:s14+$0x10];
	v11 =	vmul.f32 $8.000000000e+00, v15;
	[tilespmem:v19+s30+$0x0] =	vst.idx.msk $0xffff, v9;
	(pc) =	sbr.rel @p0 .LBB2_19-.Ltmp8, $4  }
0x270: {  	v16 =	vadd.s32 v1, v21;
	v15 =	vmul.f32 $8.000000000e+00, v20;
	v12 =	vld [tilespmem:s13+$0xFFFFFFB0];
	[tilespmem:v23+s30+$0x0] =	vst.idx.msk $0xffff, v10  }
0x271: {  	v9 =	vmov s7;
	v10 =	vadd.s32 v1, v26;
	[tilespmem:v14+s30+$0x0] =	vst.idx.msk $0xffff, v11;
	v11 =	vld [tilespmem:s13+$0x30];
	v23 =	vmul.f32 $8.000000000e+00, v24  }
0x272: {  	s2 =	sadd.s32 $0x3, s7;
	v9 =	vand.u32 $0x7C, v9;
	v20 =	vmul.f32 $8.000000000e+00, v25;
	[tilespmem:v27+s30+$0x0] =	vst.idx.msk $0xffff, v15;
	v14 =	vld [tilespmem:s13+$0xFFFFFF30];
	v15 =	vadd.s32 v3, v6;
	v6 =	vmovc v21;
	s13 =	smov.u32 s14;
	s14 =	sadd.s32 $0x200, s14  }
0x273: {  	v22 =	vmov s2;
	v17 =	vadd.s32 v3, v7;
	v7 =	vmovc v26;
	s7 =	sadd.s32 $0x4, s7;
	v19 =	vld [tilespmem:s14+$0x80];
	v21 =	vmul.f32 $8.000000000e+00, v28;
	[tilespmem:v29+s30+$0x0] =	vst.idx.msk $0xffff, v23  }
0x274: {  	s2 =	sadd.s32 $0x1, s15;
	v22 =	vand.u32 $0x7F, v22;
	v28 =	vld [tilespmem:s14+$0xFFFFFF00]  }
0x275: {  	s7 =	sadd.s32 $0x2, s15;
	v24 =	vld [tilespmem:s14+$0xFFFFFF80];
	v23 =	vmov s2;
	v25 =	vadd.s32 v0, v22  }
0x276: {  	v27 =	vld [tilespmem:s14+$0x0];
	v51 =	vadd.s32 v0, v9;
	v26 =	vmov s7;
	v23 =	vand.u32 $0x7D, v23  }
0x277: {  	v26 =	vand.u32 $0x7E, v26;
	v29 =	vadd.s32 v0, v23  }
0x278: {  	[tilespmem:v18+s30+$0x0] =	vst.idx.msk $0xffff, v20;
	v30 =	vadd.s32 v0, v26;
	v19 =	vmul.f32 $8.000000000e+00, v19  }
0x279: {  	[tilespmem:v16+s30+$0x0] =	vst.idx.msk $0xffff, v21;
	v54 =	vmul.f32 $8.000000000e+00, v28  }
0x27a: {  	v52 =	vmul.f32 $8.000000000e+00, v24;
	[tilespmem:v25+s30+$0x0] =	vst.idx.msk $0xffff, v19  }
0x27b: {  	v53 =	vmul.f32 $8.000000000e+00, v27;
	v55 =	vld [tilespmem:s14+$0x90];
	[tilespmem:v51+s30+$0x0] =	vst.idx.msk $0xffff, v54  }
0x27c: {  	v13 =	vmul.f32 $8.000000000e+00, v13;
	v8 =	vadd.s32 v3, v8;
	[tilespmem:v29+s30+$0x0] =	vst.idx.msk $0xffff, v52;
	v59 =	vld [tilespmem:s14+$0xFFFFFF10]  }
0x27d: {  	v12 =	vmul.f32 $8.000000000e+00, v12;
	v57 =	vadd.s32 v1, v22;
	[tilespmem:v30+s30+$0x0] =	vst.idx.msk $0xffff, v53;
	v56 =	vld [tilespmem:s14+$0xFFFFFF90]  }
0x27e: {  	[tilespmem:v10+s30+$0x0] =	vst.idx.msk $0xffff, v13;
	v58 =	vmul.f32 $8.000000000e+00, v11;
	v28 =	vadd.s32 v1, v9;
	v19 =	vld [tilespmem:s14+$0x10]  }
0x27f: {  	v61 =	vld [tilespmem:s13+$0xA0];
	v60 =	vadd.s32 v1, v23;
	v14 =	vmul.f32 $8.000000000e+00, v14;
	[tilespmem:v15+s30+$0x0] =	vst.idx.msk $0xffff, v12  }
0x280: {  	v32 =	vld [tilespmem:s13+$0xFFFFFF20];
	v62 =	vadd.s32 v1, v26;
	[tilespmem:v17+s30+$0x0] =	vst.idx.msk $0xffff, v58;
	v16 =	vmul.f32 $8.000000000e+00, v55  }
0x281: {  	[tilespmem:v8+s30+$0x0] =	vst.idx.msk $0xffff, v14;
	v29 =	vadd.s32 v2, v5;
	v30 =	vld [tilespmem:s13+$0x20];
	v11 =	vmul.f32 $8.000000000e+00, v59  }
0x282: {  	v38 =	vadd.s32 v2, v4;
	v63 =	vld [tilespmem:s13+$0xFFFFFFA0];
	v31 =	vmul.f32 $8.000000000e+00, v56;
	[tilespmem:v57+s30+$0x0] =	vst.idx.msk $0xffff, v16  }
0x283: {  	v35 =	vadd.s32 v2, v7;
	v34 =	vmul.f32 $8.000000000e+00, v19;
	v36 =	vld [tilespmem:s14+$0xA0];
	[tilespmem:v28+s30+$0x0] =	vst.idx.msk $0xffff, v11  }
0x284: {  	v33 =	vadd.s32 v2, v6;
	v37 =	vmul.f32 $8.000000000e+00, v61;
	[tilespmem:v60+s30+$0x0] =	vst.idx.msk $0xffff, v31;
	v43 =	vld [tilespmem:s14+$0xFFFFFF20]  }
0x285: {  	v40 =	vadd.s32 v2, v22;
	v14 =	vmul.f32 $8.000000000e+00, v32;
	[tilespmem:v62+s30+$0x0] =	vst.idx.msk $0xffff, v34;
	v39 =	vld [tilespmem:s14+$0xFFFFFFA0]  }
0x286: {  	v48 =	vadd.s32 v2, v9;
	[tilespmem:v29+s30+$0x0] =	vst.idx.msk $0xffff, v37;
	v42 =	vmul.f32 $8.000000000e+00, v30;
	v41 =	vld [tilespmem:s14+$0x20]  }
0x287: {  	v44 =	vadd.s32 v2, v23;
	v15 =	vmul.f32 $8.000000000e+00, v63;
	[tilespmem:v38+s30+$0x0] =	vst.idx.msk $0xffff, v14;
	v45 =	vld [tilespmem:s13+$0xB0]  }
0x288: {  	v46 =	vadd.s32 v2, v26;
	v14 =	vld [tilespmem:s13+$0xFFFFFF30];
	[tilespmem:v35+s30+$0x0] =	vst.idx.msk $0xffff, v42;
	v47 =	vmul.f32 $8.000000000e+00, v36  }
0x289: {  	v5 =	vadd.s32 v3, v5;
	[tilespmem:v33+s30+$0x0] =	vst.idx.msk $0xffff, v15;
	v49 =	vld [tilespmem:s13+$0x30];
	v53 =	vmul.f32 $8.000000000e+00, v43  }
0x28a: {  	v4 =	vadd.s32 v3, v4;
	v21 =	vld [tilespmem:s13+$0xFFFFFFB0];
	v12 =	vmul.f32 $8.000000000e+00, v39;
	[tilespmem:v40+s30+$0x0] =	vst.idx.msk $0xffff, v47  }
0x28b: {  	v52 =	vadd.s32 v3, v7;
	v51 =	vmul.f32 $8.000000000e+00, v41;
	v10 =	vld [tilespmem:s14+$0xB0];
	[tilespmem:v48+s30+$0x0] =	vst.idx.msk $0xffff, v53  }
0x28c: {  	v50 =	vadd.s32 v3, v6;
	v54 =	vmul.f32 $8.000000000e+00, v45;
	[tilespmem:v44+s30+$0x0] =	vst.idx.msk $0xffff, v12;
	v59 =	vld [tilespmem:s14+$0xFFFFFF30]  }
0x28d: {  	v57 =	vadd.s32 v3, v22;
	v14 =	vmul.f32 $8.000000000e+00, v14;
	[tilespmem:v46+s30+$0x0] =	vst.idx.msk $0xffff, v51;
	v55 =	vld [tilespmem:s14+$0xFFFFFFB0]  }
0x28e: {  	v62 =	vadd.s32 v3, v9;
	[tilespmem:v5+s30+$0x0] =	vst.idx.msk $0xffff, v54;
	v5 =	vmul.f32 $8.000000000e+00, v49;
	v58 =	vld [tilespmem:s14+$0x30]  }
0x28f: {  	v56 =	vmul.f32 $8.000000000e+00, v21;
	v60 =	vadd.s32 v3, v23;
	[tilespmem:v4+s30+$0x0] =	vst.idx.msk $0xffff, v14  }
0x290: {  	v61 =	vadd.s32 v3, v26;
	[tilespmem:v52+s30+$0x0] =	vst.idx.msk $0xffff, v5;
	v5 =	vmul.f32 $8.000000000e+00, v10  }
0x291: {  	[tilespmem:v50+s30+$0x0] =	vst.idx.msk $0xffff, v56;
	v63 =	vmul.f32 $8.000000000e+00, v59  }
0x292: {  	v4 =	vmul.f32 $8.000000000e+00, v55;
	[tilespmem:v57+s30+$0x0] =	vst.idx.msk $0xffff, v5  }
0x293: {  	s13 =	sshll.u32 s12, $0x11;
	v5 =	vmul.f32 $8.000000000e+00, v58;
	[tilespmem:v62+s30+$0x0] =	vst.idx.msk $0xffff, v63  }
0x294: {  	s13 =	sor.u32 s5, s13;
	s14 =	rddreg [dreg:$0x1];
	[tilespmem:v60+s30+$0x0] =	vst.idx.msk $0xffff, v4  }
0x295: {  	s7 =	simm.s32 $0x16400;
	s2 =	sadd.s32 s14, s13;
	[tilespmem:v61+s30+$0x0] =	vst.idx.msk $0xffff, v5  }
0x296: {  	[hbm4b:s2+s3] =	stream.linear.scatter [tilespmem:s7], [sflag:$0x5], $0x80, $0x38;
	[tilespmem:$0x1EC00] =	vst v63  }
0x297: {  	s15 =	simm.s32 $0x16488;
	s16 =	sadd.s32 $0x10, s2  }
0x298: {  	[hbm4b:s16+s3] =	stream.linear.scatter [tilespmem:s15], [sflag:$0x5], $0x80, $0x38;
	[tilespmem:$0x1EC00] =	vst v63  }
0x299: {  	s17 =	simm.s32 $0x16510;
	s22 =	sadd.s32 $0x20, s2  }
0x29a: {  	[hbm4b:s22+s3] =	stream.linear.scatter [tilespmem:s17], [sflag:$0x5], $0x80, $0x38;
	[tilespmem:$0x1EC00] =	vst v63  }
0x29b: {  	s15 =	simm.s32 $0x16598;
	s16 =	sadd.s32 $0x30, s2  }
0x29c: {  	[hbm4b:s16+s3] =	stream.linear.scatter [tilespmem:s15], [sflag:$0x5], $0x80, $0x38;
	[tilespmem:$0x1EC00] =	vst v63  }
0x29d: {  	s17 =	simm.s32 $0x16620;
	s22 =	sadd.s32 $0x40, s2  }
0x29e: {  	[hbm4b:s22+s3] =	stream.linear.scatter [tilespmem:s17], [sflag:$0x5], $0x80, $0x38;
	[tilespmem:$0x1EC00] =	vst v63  }
0x29f: {  	s14 =	sadd.s32 $0x1000, s2;
	s15 =	simm.s32 $0x166A8;
	s16 =	sadd.s32 $0x50, s2  }
0x2a0: {  	[hbm4b:s16+s3] =	stream.linear.scatter [tilespmem:s15], [sflag:$0x5], $0x80, $0x38;
	[tilespmem:$0x1EC00] =	vst v63  }
0x2a1: {  	s7 =	simm.s32 $0x440;
	s17 =	simm.s32 $0x16730;
	s22 =	sadd.s32 $0x60, s2  }
0x2a2: {  	[hbm4b:s22+s3] =	stream.linear.scatter [tilespmem:s17], [sflag:$0x5], $0x80, $0x38;
	[tilespmem:$0x1EC00] =	vst v63  }
0x2a3: {  	s15 =	simm.s32 $0x2200;
	s16 =	simm.s32 $0x167B8;
	s17 =	sadd.s32 $0x70, s2  }
.LBB2_21:
0x2a4: {  	[hbm4b:s17+s3] =	stream.linear.scatter [tilespmem:s16], [sflag:$0x5], $0x80, $0x38;
	[tilespmem:$0x1EC00] =	vst v63  }
0x2a5: {  	s2 =	smov.u32 s7;
	s7 =	smov.u32 s15  }
0x2a6: {  	s22 =	sadd.s32 $0x1100, s15;
	s7 =	sshra.s32 s7, $0x2;
	s16 =	sadd.s32 $0x16400, s2  }
0x2a7: {  	[hbm4b:s14+s3] =	stream.linear.scatter [tilespmem:s16], [sflag:$0x5], $0x80, $0x38;
	[tilespmem:$0x1EC00] =	vst v63  }
0x2a8: {  	p0 =	sne.s32 s15, $0x7700;
	s15 =	sadd.s32 $0x16488, s2;
	s16 =	sadd.s32 $0x10, s14  }
0x2a9: {  	[hbm4b:s16+s3] =	stream.linear.scatter [tilespmem:s15], [sflag:$0x5], $0x80, $0x38;
	[tilespmem:$0x1EC00] =	vst v63  }
0x2aa: {  	s15 =	sadd.s32 $0x16510, s2;
	s16 =	sadd.s32 $0x20, s14  }
0x2ab: {  	[hbm4b:s16+s3] =	stream.linear.scatter [tilespmem:s15], [sflag:$0x5], $0x80, $0x38;
	[tilespmem:$0x1EC00] =	vst v63  }
0x2ac: {  	s15 =	sadd.s32 $0x16598, s2;
	s16 =	sadd.s32 $0x30, s14  }
0x2ad: {  	[hbm4b:s16+s3] =	stream.linear.scatter [tilespmem:s15], [sflag:$0x5], $0x80, $0x38;
	[tilespmem:$0x1EC00] =	vst v63  }
0x2ae: {  	s15 =	sadd.s32 $0x16620, s2;
	s16 =	sadd.s32 $0x40, s14  }
0x2af: {  	[hbm4b:s16+s3] =	stream.linear.scatter [tilespmem:s15], [sflag:$0x5], $0x80, $0x38;
	[tilespmem:$0x1EC00] =	vst v63  }
.Ltmp9:
0x2b0: {  	s15 =	sadd.s32 $0x166A8, s2;
	s16 =	sadd.s32 $0x50, s14;
	(pc) =	sbr.rel @p0 .LBB2_21-.Ltmp9, $4  }
0x2b1: {  	[hbm4b:s16+s3] =	stream.linear.scatter [tilespmem:s15], [sflag:$0x5], $0x80, $0x38;
	[tilespmem:$0x1EC00] =	vst v63  }
0x2b2: {  	s17 =	sadd.s32 $0x70, s14;
	s15 =	sadd.s32 $0x16730, s2;
	s16 =	sadd.s32 $0x60, s14  }
0x2b3: {  	[hbm4b:s16+s3] =	stream.linear.scatter [tilespmem:s15], [sflag:$0x5], $0x80, $0x38;
	[tilespmem:$0x1EC00] =	vst v63  }
0x2b4: {  	s14 =	sadd.s32 $0x1000, s14;
	s16 =	sadd.s32 $0x167B8, s2;
	s15 =	smov.u32 s22  }
0x2b5: {  	[hbm4b:s17+s3] =	stream.linear.scatter [tilespmem:s16], [sflag:$0x5], $0x80, $0x38;
	[tilespmem:$0x1EC00] =	vst v63  }
0x2b6: {  	s2 =	sadd.s32 $0x16400, s7  }
0x2b7: {  	[hbm4b:s14+s3] =	stream.linear.scatter [tilespmem:s2], [sflag:$0x5], $0x80, $0x38;
	[tilespmem:$0x1EC00] =	vst v63  }
0x2b8: {  	s16 =	sadd.s32 $0x16488, s7;
	s15 =	sadd.s32 $0x10, s14  }
0x2b9: {  	[hbm4b:s15+s3] =	stream.linear.scatter [tilespmem:s16], [sflag:$0x5], $0x80, $0x38;
	[tilespmem:$0x1EC00] =	vst v63  }
0x2ba: {  	s17 =	sadd.s32 $0x16510, s7;
	s22 =	sadd.s32 $0x20, s14  }
0x2bb: {  	[hbm4b:s22+s3] =	stream.linear.scatter [tilespmem:s17], [sflag:$0x5], $0x80, $0x38;
	[tilespmem:$0x1EC00] =	vst v63  }
0x2bc: {  	s15 =	sadd.s32 $0x16598, s7;
	s16 =	sadd.s32 $0x30, s14  }
0x2bd: {  	[hbm4b:s16+s3] =	stream.linear.scatter [tilespmem:s15], [sflag:$0x5], $0x80, $0x38;
	[tilespmem:$0x1EC00] =	vst v63  }
0x2be: {  	s17 =	sadd.s32 $0x16620, s7;
	s22 =	sadd.s32 $0x40, s14  }
0x2bf: {  	[hbm4b:s22+s3] =	stream.linear.scatter [tilespmem:s17], [sflag:$0x5], $0x80, $0x38;
	[tilespmem:$0x1EC00] =	vst v63  }
0x2c0: {  	s15 =	sadd.s32 $0x166A8, s7;
	s16 =	sadd.s32 $0x50, s14  }
0x2c1: {  	[hbm4b:s16+s3] =	stream.linear.scatter [tilespmem:s15], [sflag:$0x5], $0x80, $0x38;
	[tilespmem:$0x1EC00] =	vst v63  }
0x2c2: {  	s17 =	sadd.s32 $0x16730, s7;
	s22 =	sadd.s32 $0x60, s14  }
0x2c3: {  	[hbm4b:s22+s3] =	stream.linear.scatter [tilespmem:s17], [sflag:$0x5], $0x80, $0x38;
	[tilespmem:$0x1EC00] =	vst v63  }
0x2c4: {  	s7 =	sadd.s32 $0x167B8, s7;
	s14 =	sadd.s32 $0x70, s14;
	s15 =	sshll.u32 s12, $0x9  }
0x2c5: {  	[hbm4b:s14+s3] =	stream.linear.scatter [tilespmem:s7], [sflag:$0x5], $0x80, $0x38;
	[tilespmem:$0x1EC00] =	vst v63  }
0x2c6: {  	s14 =	sand.u32 $0x3FFFFE00, s15  }
0x2c7: {  	s16 =	simm.s32 $0x6400;
	s2 =	sadd.s32 $0x200, s14  }
0x2c8: {  	[tilespmem:s16], [sflag:$0x1] =	stream.indirect.gather [hbm4b:s4+s19], $0x80, s2, s19, $0xb8;
	[tilespmem:$0x1EC00] =	vst v63  }
0x2c9: {  	_ =	swait.ge [sflag:s0], $0x4000  }
0x2ca: {  	[sflag:s0] =	ssyncset.done $0x0  }
0x2cb: {  	[sflag:s0] =	ssyncadd.s32 $0xFFFFC000  }
0x2cc: {  	_ =	swait.ge [sflag:s18], $0x2000  }
0x2cd: {  	[sflag:s18] =	ssyncset.done $0x0  }
0x2ce: {  	s17 =	simm.s32 $0x3;
	s7 =	simm.s32 $0xA500;
	[sflag:s18] =	ssyncadd.s32 $0xFFFFE000  }
0x2cf: {  	v4 =	vmov s17;
	v5 =	vld [tilespmem:s7+$0x80]  }
0x2d0: {  	s22 =	simm.s32 $0x0;
	v9 =	vand.u32 $0x7F, v4  }
0x2d1: {  	v6 =	vmov s22;
	v4 =	vadd.s32 v0, v9  }
0x2d2: {  	s15 =	simm.s32 $0x1;
	v8 =	vand.u32 $0x7C, v6;
	v7 =	vld [tilespmem:s7+$0xFFFFFF00]  }
0x2d3: {  	v6 =	vmov s15;
	v12 =	vadd.s32 v0, v8;
	s16 =	simm.s32 $0x2;
	v10 =	vld [tilespmem:s7+$0xFFFFFF80]  }
0x2d4: {  	v15 =	vand.u32 $0x7D, v6;
	v11 =	vmov s16;
	v6 =	vld [tilespmem:s7+$0x0];
	v5 =	vmul.f32 $8.000000000e+00, v5  }
0x2d5: {  	v13 =	vadd.s32 v0, v15;
	v17 =	vand.u32 $0x7E, v11  }
0x2d6: {  	v11 =	vadd.s32 v0, v17;
	[tilespmem:v4+s1+$0x0] =	vst.idx.msk $0xffff, v5  }
0x2d7: {  	v4 =	vmul.f32 $8.000000000e+00, v7;
	v5 =	vld [tilespmem:s7+$0x90]  }
0x2d8: {  	v7 =	vmul.f32 $8.000000000e+00, v10  }
0x2d9: {  	[tilespmem:v12+s1+$0x0] =	vst.idx.msk $0xffff, v4;
	v4 =	vmul.f32 $8.000000000e+00, v6;
	v6 =	vadd.s32 v1, v9  }
0x2da: {  	[tilespmem:v13+s1+$0x0] =	vst.idx.msk $0xffff, v7;
	v10 =	vld [tilespmem:s7+$0xFFFFFF10]  }
0x2db: {  	v7 =	vld [tilespmem:s7+$0xFFFFFF90];
	[tilespmem:v11+s1+$0x0] =	vst.idx.msk $0xffff, v4  }
0x2dc: {  	v11 =	vld [tilespmem:s7+$0x10];
	v4 =	vmul.f32 $8.000000000e+00, v5  }
0x2dd: {  	s17 =	simm.s32 $0x4;
	s22 =	simm.s32 $0x7;
	s15 =	simm.s32 $0xA700;
	v12 =	vadd.s32 v1, v15  }
0x2de: {  	v14 =	vld [tilespmem:s15+$0x80];
	v13 =	vadd.s32 v1, v17;
	v5 =	vmov s17;
	[tilespmem:v6+s1+$0x0] =	vst.idx.msk $0xffff, v4;
	v6 =	vmov s22  }
0x2df: {  	v16 =	vadd.s32 v1, v8;
	v4 =	vand.u32 $0x7C, v5;
	v5 =	vand.u32 $0x7F, v6;
	v18 =	vld [tilespmem:s7+$0xA0]  }
0x2e0: {  	v22 =	vadd.s32 v2, v9;
	s16 =	simm.s32 $0x5;
	v19 =	vld [tilespmem:s15+$0xFFFFFF00];
	v6 =	vmul.f32 $8.000000000e+00, v7;
	v20 =	vadd.s32 v0, v5  }
0x2e1: {  	v21 =	vld [tilespmem:s15+$0xFFFFFF80];
	s17 =	simm.s32 $0x6;
	v10 =	vmul.f32 $8.000000000e+00, v10;
	v7 =	vmul.f32 $8.000000000e+00, v11;
	v11 =	vmov s16  }
0x2e2: {  	v23 =	vadd.s32 v0, v4;
	[tilespmem:v12+s1+$0x0] =	vst.idx.msk $0xffff, v6;
	v12 =	vmov s17;
	v6 =	vand.u32 $0x7D, v11;
	v11 =	vld [tilespmem:s15+$0x0]  }
0x2e3: {  	[tilespmem:v13+s1+$0x0] =	vst.idx.msk $0xffff, v7;
	v13 =	vadd.s32 v0, v6;
	v7 =	vand.u32 $0x7E, v12;
	v12 =	vmul.f32 $8.000000000e+00, v14;
	v14 =	vld [tilespmem:s7+$0xFFFFFFA0]  }
0x2e4: {  	[tilespmem:v16+s1+$0x0] =	vst.idx.msk $0xffff, v10;
	v10 =	vadd.s32 v0, v7;
	v16 =	vld [tilespmem:s7+$0x20];
	v18 =	vmul.f32 $8.000000000e+00, v18  }
0x2e5: {  	v19 =	vmul.f32 $8.000000000e+00, v19;
	[tilespmem:v20+s1+$0x0] =	vst.idx.msk $0xffff, v12;
	v12 =	vld [tilespmem:s7+$0xFFFFFF20];
	v20 =	vadd.s32 v2, v15  }
0x2e6: {  	v25 =	vadd.s32 v2, v17;
	v21 =	vmul.f32 $8.000000000e+00, v21;
	v24 =	vld [tilespmem:s15+$0x90];
	[tilespmem:v22+s1+$0x0] =	vst.idx.msk $0xffff, v18  }
0x2e7: {  	[tilespmem:v23+s1+$0x0] =	vst.idx.msk $0xffff, v19;
	v19 =	vadd.s32 v2, v8;
	v11 =	vmul.f32 $8.000000000e+00, v11;
	v22 =	vld [tilespmem:s7+$0xB0]  }
0x2e8: {  	v23 =	vld [tilespmem:s15+$0xFFFFFF10];
	[tilespmem:v13+s1+$0x0] =	vst.idx.msk $0xffff, v21;
	v21 =	vadd.s32 v1, v5;
	v14 =	vmul.f32 $8.000000000e+00, v14  }
0x2e9: {  	v27 =	vadd.s32 v3, v9;
	v26 =	vld [tilespmem:s15+$0xFFFFFF90];
	[tilespmem:v10+s1+$0x0] =	vst.idx.msk $0xffff, v11;
	v10 =	vmul.f32 $8.000000000e+00, v16  }
0x2ea: {  	v18 =	vadd.s32 v1, v4;
	v13 =	vld [tilespmem:s15+$0x10];
	v9 =	vmul.f32 $8.000000000e+00, v12;
	[tilespmem:v20+s1+$0x0] =	vst.idx.msk $0xffff, v14  }
0x2eb: {  	s17 =	simm.s32 $0x8;
	v16 =	vadd.s32 v1, v6;
	[tilespmem:v25+s1+$0x0] =	vst.idx.msk $0xffff, v10;
	v14 =	vmul.f32 $8.000000000e+00, v24;
	v12 =	vld [tilespmem:s7+$0xFFFFFFB0]  }
0x2ec: {  	v20 =	vmov s17;
	v10 =	vadd.s32 v1, v7;
	v11 =	vld [tilespmem:s7+$0x30];
	[tilespmem:v19+s1+$0x0] =	vst.idx.msk $0xffff, v9;
	v63 =	vmul.f32 $8.000000000e+00, v22  }
0x2ed: {  	s22 =	simm.s32 $0xB;
	s16 =	simm.s32 $0xA900;
	v15 =	vadd.s32 v3, v15;
	v9 =	vand.u32 $0x7C, v20;
	v20 =	vmul.f32 $8.000000000e+00, v23;
	[tilespmem:v21+s1+$0x0] =	vst.idx.msk $0xffff, v14;
	v14 =	vld [tilespmem:s7+$0xFFFFFF30]  }
0x2ee: {  	v17 =	vadd.s32 v3, v17;
	v22 =	vmov s22;
	v19 =	vld [tilespmem:s16+$0x80];
	s7 =	simm.s32 $0xC;
	v21 =	vmul.f32 $8.000000000e+00, v26;
	[tilespmem:v27+s1+$0x0] =	vst.idx.msk $0xffff, v63  }
.LBB2_23:
0x2ef: {  	p0 =	slt.u32 s7, $0x7C;
	s2 =	sadd.s32 $0x1, s17;
	v22 =	vand.u32 $0x7F, v22;
	[tilespmem:v18+s1+$0x0] =	vst.idx.msk $0xffff, v20;
	v13 =	vmul.f32 $8.000000000e+00, v13;
	v18 =	vld [tilespmem:s15+$0xA0];
	v20 =	vadd.s32 v3, v8;
	v8 =	vmovc v4  }
0x2f0: {  	v4 =	vmovc v9;
	v23 =	vld [tilespmem:s16+$0xFFFFFF00];
	v24 =	vmov s2;
	s2 =	sadd.s32 $0x2, s17;
	v25 =	vadd.s32 v0, v22;
	[tilespmem:v16+s1+$0x0] =	vst.idx.msk $0xffff, v21;
	v12 =	vmul.f32 $8.000000000e+00, v12;
	s17 =	smov.u32 s7  }
0x2f1: {  	v9 =	vld [tilespmem:s16+$0xFFFFFF80];
	v16 =	vmov s2;
	[tilespmem:v10+s1+$0x0] =	vst.idx.msk $0xffff, v13;
	v10 =	vadd.s32 v2, v5;
	v11 =	vmul.f32 $8.000000000e+00, v11  }
0x2f2: {  	v13 =	vadd.s32 v0, v4;
	v21 =	vand.u32 $0x7D, v24;
	v24 =	vld [tilespmem:s16+$0x0];
	v14 =	vmul.f32 $8.000000000e+00, v14;
	[tilespmem:v15+s1+$0x0] =	vst.idx.msk $0xffff, v12  }
0x2f3: {  	v12 =	vadd.s32 v0, v21;
	v26 =	vand.u32 $0x7E, v16;
	v15 =	vmul.f32 $8.000000000e+00, v19;
	v16 =	vld [tilespmem:s15+$0xFFFFFFA0];
	[tilespmem:v17+s1+$0x0] =	vst.idx.msk $0xffff, v11  }
0x2f4: {  	v11 =	vadd.s32 v0, v26;
	v17 =	vld [tilespmem:s15+$0x20];
	v18 =	vmul.f32 $8.000000000e+00, v18;
	[tilespmem:v20+s1+$0x0] =	vst.idx.msk $0xffff, v14  }
0x2f5: {  	v19 =	vadd.s32 v2, v6;
	v14 =	vmul.f32 $8.000000000e+00, v23;
	[tilespmem:v25+s1+$0x0] =	vst.idx.msk $0xffff, v15;
	v15 =	vld [tilespmem:s15+$0xFFFFFF20]  }
0x2f6: {  	v23 =	vadd.s32 v2, v7;
	v9 =	vmul.f32 $8.000000000e+00, v9;
	v20 =	vld [tilespmem:s16+$0x90];
	[tilespmem:v10+s1+$0x0] =	vst.idx.msk $0xffff, v18  }
0x2f7: {  	[tilespmem:v13+s1+$0x0] =	vst.idx.msk $0xffff, v14;
	v10 =	vmul.f32 $8.000000000e+00, v24;
	v14 =	vadd.s32 v2, v8;
	v24 =	vld [tilespmem:s15+$0xB0]  }
0x2f8: {  	v27 =	vadd.s32 v1, v22;
	v25 =	vld [tilespmem:s16+$0xFFFFFF10];
	[tilespmem:v12+s1+$0x0] =	vst.idx.msk $0xffff, v9;
	v9 =	vmul.f32 $8.000000000e+00, v16  }
0x2f9: {  	v29 =	vadd.s32 v3, v5;
	v5 =	vmov v22;
	v28 =	vld [tilespmem:s16+$0xFFFFFF90];
	[tilespmem:v11+s1+$0x0] =	vst.idx.msk $0xffff, v10;
	v10 =	vmul.f32 $8.000000000e+00, v17  }
.Ltmp10:
0x2fa: {  	v18 =	vadd.s32 v1, v4;
	v13 =	vld [tilespmem:s16+$0x10];
	v11 =	vmul.f32 $8.000000000e+00, v15;
	[tilespmem:v19+s1+$0x0] =	vst.idx.msk $0xffff, v9;
	(pc) =	sbr.rel @p0 .LBB2_23-.Ltmp10, $4  }
0x2fb: {  	v16 =	vadd.s32 v1, v21;
	v15 =	vmul.f32 $8.000000000e+00, v20;
	v12 =	vld [tilespmem:s15+$0xFFFFFFB0];
	[tilespmem:v23+s1+$0x0] =	vst.idx.msk $0xffff, v10  }
0x2fc: {  	v9 =	vmov s7;
	v10 =	vadd.s32 v1, v26;
	[tilespmem:v14+s1+$0x0] =	vst.idx.msk $0xffff, v11;
	v11 =	vld [tilespmem:s15+$0x30];
	v23 =	vmul.f32 $8.000000000e+00, v24  }
0x2fd: {  	s2 =	sadd.s32 $0x3, s7;
	v9 =	vand.u32 $0x7C, v9;
	v20 =	vmul.f32 $8.000000000e+00, v25;
	[tilespmem:v27+s1+$0x0] =	vst.idx.msk $0xffff, v15;
	v14 =	vld [tilespmem:s15+$0xFFFFFF30];
	v15 =	vadd.s32 v3, v6;
	v6 =	vmovc v21;
	s15 =	smov.u32 s16;
	s16 =	sadd.s32 $0x200, s16  }
0x2fe: {  	v22 =	vmov s2;
	v17 =	vadd.s32 v3, v7;
	v7 =	vmovc v26;
	s7 =	sadd.s32 $0x4, s7;
	v19 =	vld [tilespmem:s16+$0x80];
	v21 =	vmul.f32 $8.000000000e+00, v28;
	[tilespmem:v29+s1+$0x0] =	vst.idx.msk $0xffff, v23  }
0x2ff: {  	s2 =	sadd.s32 $0x1, s17;
	v22 =	vand.u32 $0x7F, v22;
	v28 =	vld [tilespmem:s16+$0xFFFFFF00]  }
0x300: {  	s22 =	sadd.s32 $0x2, s17;
	v24 =	vld [tilespmem:s16+$0xFFFFFF80];
	v23 =	vmov s2;
	v25 =	vadd.s32 v0, v22  }
0x301: {  	v27 =	vld [tilespmem:s16+$0x0];
	v51 =	vadd.s32 v0, v9;
	v26 =	vmov s22;
	v23 =	vand.u32 $0x7D, v23  }
0x302: {  	v26 =	vand.u32 $0x7E, v26;
	v29 =	vadd.s32 v0, v23  }
0x303: {  	[tilespmem:v18+s1+$0x0] =	vst.idx.msk $0xffff, v20;
	v30 =	vadd.s32 v0, v26;
	v19 =	vmul.f32 $8.000000000e+00, v19  }
0x304: {  	[tilespmem:v16+s1+$0x0] =	vst.idx.msk $0xffff, v21;
	v54 =	vmul.f32 $8.000000000e+00, v28  }
0x305: {  	v52 =	vmul.f32 $8.000000000e+00, v24;
	[tilespmem:v25+s1+$0x0] =	vst.idx.msk $0xffff, v19  }
0x306: {  	v53 =	vmul.f32 $8.000000000e+00, v27;
	v55 =	vld [tilespmem:s16+$0x90];
	[tilespmem:v51+s1+$0x0] =	vst.idx.msk $0xffff, v54  }
0x307: {  	v13 =	vmul.f32 $8.000000000e+00, v13;
	v8 =	vadd.s32 v3, v8;
	[tilespmem:v29+s1+$0x0] =	vst.idx.msk $0xffff, v52;
	v59 =	vld [tilespmem:s16+$0xFFFFFF10]  }
0x308: {  	v12 =	vmul.f32 $8.000000000e+00, v12;
	v57 =	vadd.s32 v1, v22;
	[tilespmem:v30+s1+$0x0] =	vst.idx.msk $0xffff, v53;
	v56 =	vld [tilespmem:s16+$0xFFFFFF90]  }
0x309: {  	[tilespmem:v10+s1+$0x0] =	vst.idx.msk $0xffff, v13;
	v58 =	vmul.f32 $8.000000000e+00, v11;
	v28 =	vadd.s32 v1, v9;
	v19 =	vld [tilespmem:s16+$0x10]  }
0x30a: {  	v61 =	vld [tilespmem:s15+$0xA0];
	v60 =	vadd.s32 v1, v23;
	v14 =	vmul.f32 $8.000000000e+00, v14;
	[tilespmem:v15+s1+$0x0] =	vst.idx.msk $0xffff, v12  }
0x30b: {  	v32 =	vld [tilespmem:s15+$0xFFFFFF20];
	v62 =	vadd.s32 v1, v26;
	[tilespmem:v17+s1+$0x0] =	vst.idx.msk $0xffff, v58;
	v16 =	vmul.f32 $8.000000000e+00, v55  }
0x30c: {  	[tilespmem:v8+s1+$0x0] =	vst.idx.msk $0xffff, v14;
	v29 =	vadd.s32 v2, v5;
	v30 =	vld [tilespmem:s15+$0x20];
	v11 =	vmul.f32 $8.000000000e+00, v59  }
0x30d: {  	v38 =	vadd.s32 v2, v4;
	v63 =	vld [tilespmem:s15+$0xFFFFFFA0];
	v31 =	vmul.f32 $8.000000000e+00, v56;
	[tilespmem:v57+s1+$0x0] =	vst.idx.msk $0xffff, v16  }
0x30e: {  	v35 =	vadd.s32 v2, v7;
	v34 =	vmul.f32 $8.000000000e+00, v19;
	v36 =	vld [tilespmem:s16+$0xA0];
	[tilespmem:v28+s1+$0x0] =	vst.idx.msk $0xffff, v11  }
0x30f: {  	v33 =	vadd.s32 v2, v6;
	v37 =	vmul.f32 $8.000000000e+00, v61;
	[tilespmem:v60+s1+$0x0] =	vst.idx.msk $0xffff, v31;
	v43 =	vld [tilespmem:s16+$0xFFFFFF20]  }
0x310: {  	v40 =	vadd.s32 v2, v22;
	v14 =	vmul.f32 $8.000000000e+00, v32;
	[tilespmem:v62+s1+$0x0] =	vst.idx.msk $0xffff, v34;
	v39 =	vld [tilespmem:s16+$0xFFFFFFA0]  }
0x311: {  	v48 =	vadd.s32 v2, v9;
	[tilespmem:v29+s1+$0x0] =	vst.idx.msk $0xffff, v37;
	v42 =	vmul.f32 $8.000000000e+00, v30;
	v41 =	vld [tilespmem:s16+$0x20]  }
0x312: {  	v44 =	vadd.s32 v2, v23;
	v15 =	vmul.f32 $8.000000000e+00, v63;
	[tilespmem:v38+s1+$0x0] =	vst.idx.msk $0xffff, v14;
	v45 =	vld [tilespmem:s15+$0xB0]  }
0x313: {  	v46 =	vadd.s32 v2, v26;
	v14 =	vld [tilespmem:s15+$0xFFFFFF30];
	[tilespmem:v35+s1+$0x0] =	vst.idx.msk $0xffff, v42;
	v47 =	vmul.f32 $8.000000000e+00, v36  }
0x314: {  	v5 =	vadd.s32 v3, v5;
	[tilespmem:v33+s1+$0x0] =	vst.idx.msk $0xffff, v15;
	v49 =	vld [tilespmem:s15+$0x30];
	v53 =	vmul.f32 $8.000000000e+00, v43  }
0x315: {  	v4 =	vadd.s32 v3, v4;
	v21 =	vld [tilespmem:s15+$0xFFFFFFB0];
	v12 =	vmul.f32 $8.000000000e+00, v39;
	[tilespmem:v40+s1+$0x0] =	vst.idx.msk $0xffff, v47  }
0x316: {  	v52 =	vadd.s32 v3, v7;
	v51 =	vmul.f32 $8.000000000e+00, v41;
	v10 =	vld [tilespmem:s16+$0xB0];
	[tilespmem:v48+s1+$0x0] =	vst.idx.msk $0xffff, v53  }
0x317: {  	v50 =	vadd.s32 v3, v6;
	v54 =	vmul.f32 $8.000000000e+00, v45;
	[tilespmem:v44+s1+$0x0] =	vst.idx.msk $0xffff, v12;
	v59 =	vld [tilespmem:s16+$0xFFFFFF30]  }
0x318: {  	v57 =	vadd.s32 v3, v22;
	v14 =	vmul.f32 $8.000000000e+00, v14;
	[tilespmem:v46+s1+$0x0] =	vst.idx.msk $0xffff, v51;
	v55 =	vld [tilespmem:s16+$0xFFFFFFB0]  }
0x319: {  	v62 =	vadd.s32 v3, v9;
	[tilespmem:v5+s1+$0x0] =	vst.idx.msk $0xffff, v54;
	v5 =	vmul.f32 $8.000000000e+00, v49;
	v58 =	vld [tilespmem:s16+$0x30]  }
0x31a: {  	v56 =	vmul.f32 $8.000000000e+00, v21;
	v60 =	vadd.s32 v3, v23;
	[tilespmem:v4+s1+$0x0] =	vst.idx.msk $0xffff, v14  }
0x31b: {  	v61 =	vadd.s32 v3, v26;
	[tilespmem:v52+s1+$0x0] =	vst.idx.msk $0xffff, v5;
	v5 =	vmul.f32 $8.000000000e+00, v10  }
0x31c: {  	[tilespmem:v50+s1+$0x0] =	vst.idx.msk $0xffff, v56;
	v63 =	vmul.f32 $8.000000000e+00, v59  }
0x31d: {  	v4 =	vmul.f32 $8.000000000e+00, v55;
	[tilespmem:v57+s1+$0x0] =	vst.idx.msk $0xffff, v5  }
0x31e: {  	v5 =	vmul.f32 $8.000000000e+00, v58;
	[tilespmem:v62+s1+$0x0] =	vst.idx.msk $0xffff, v63  }
0x31f: {  	[tilespmem:v60+s1+$0x0] =	vst.idx.msk $0xffff, v4  }
0x320: {  	s7 =	simm.s32 $0x18600;
	s15 =	sadd.s32 s13, s8;
	[tilespmem:v61+s1+$0x0] =	vst.idx.msk $0xffff, v5  }
0x321: {  	[hbm4b:s15+s3] =	stream.linear.scatter [tilespmem:s7], [sflag:$0x6], $0x80, $0x38;
	[tilespmem:$0x1EC00] =	vst v63  }
0x322: {  	s16 =	simm.s32 $0x18688;
	s7 =	sadd.s32 $0x10, s15  }
0x323: {  	[hbm4b:s7+s3] =	stream.linear.scatter [tilespmem:s16], [sflag:$0x6], $0x80, $0x38;
	[tilespmem:$0x1EC00] =	vst v63  }
0x324: {  	s17 =	simm.s32 $0x18710;
	s22 =	sadd.s32 $0x20, s15  }
0x325: {  	[hbm4b:s22+s3] =	stream.linear.scatter [tilespmem:s17], [sflag:$0x6], $0x80, $0x38;
	[tilespmem:$0x1EC00] =	vst v63  }
0x326: {  	s7 =	simm.s32 $0x18798;
	s16 =	sadd.s32 $0x30, s15  }
0x327: {  	[hbm4b:s16+s3] =	stream.linear.scatter [tilespmem:s7], [sflag:$0x6], $0x80, $0x38;
	[tilespmem:$0x1EC00] =	vst v63  }
0x328: {  	s17 =	simm.s32 $0x18820;
	s22 =	sadd.s32 $0x40, s15  }
0x329: {  	[hbm4b:s22+s3] =	stream.linear.scatter [tilespmem:s17], [sflag:$0x6], $0x80, $0x38;
	[tilespmem:$0x1EC00] =	vst v63  }
0x32a: {  	s2 =	sadd.s32 $0x70, s15;
	s7 =	simm.s32 $0x188A8;
	s16 =	sadd.s32 $0x50, s15  }
0x32b: {  	[hbm4b:s16+s3] =	stream.linear.scatter [tilespmem:s7], [sflag:$0x6], $0x80, $0x38;
	[tilespmem:$0x1EC00] =	vst v63  }
0x32c: {  	s17 =	simm.s32 $0x18930;
	s22 =	sadd.s32 $0x60, s15;
	s15 =	sadd.s32 $0x1000, s15  }
0x32d: {  	[hbm4b:s22+s3] =	stream.linear.scatter [tilespmem:s17], [sflag:$0x6], $0x80, $0x38;
	[tilespmem:$0x1EC00] =	vst v63  }
0x32e: {  	s7 =	simm.s32 $0x440;
	s16 =	simm.s32 $0x2200;
	s17 =	simm.s32 $0x189B8  }
.LBB2_25:
0x32f: {  	[hbm4b:s2+s3] =	stream.linear.scatter [tilespmem:s17], [sflag:$0x6], $0x80, $0x38;
	[tilespmem:$0x1EC00] =	vst v63  }
0x330: {  	s2 =	smov.u32 s7;
	s7 =	smov.u32 s16  }
0x331: {  	s22 =	sadd.s32 $0x1100, s16;
	s7 =	sshra.s32 s7, $0x2;
	s17 =	sadd.s32 $0x18600, s2  }
0x332: {  	[hbm4b:s15+s3] =	stream.linear.scatter [tilespmem:s17], [sflag:$0x6], $0x80, $0x38;
	[tilespmem:$0x1EC00] =	vst v63  }
0x333: {  	p0 =	sne.s32 s16, $0x7700;
	s16 =	sadd.s32 $0x18688, s2;
	s17 =	sadd.s32 $0x10, s15  }
0x334: {  	[hbm4b:s17+s3] =	stream.linear.scatter [tilespmem:s16], [sflag:$0x6], $0x80, $0x38;
	[tilespmem:$0x1EC00] =	vst v63  }
0x335: {  	s16 =	sadd.s32 $0x18710, s2;
	s17 =	sadd.s32 $0x20, s15  }
0x336: {  	[hbm4b:s17+s3] =	stream.linear.scatter [tilespmem:s16], [sflag:$0x6], $0x80, $0x38;
	[tilespmem:$0x1EC00] =	vst v63  }
0x337: {  	s16 =	sadd.s32 $0x18798, s2;
	s17 =	sadd.s32 $0x30, s15  }
0x338: {  	[hbm4b:s17+s3] =	stream.linear.scatter [tilespmem:s16], [sflag:$0x6], $0x80, $0x38;
	[tilespmem:$0x1EC00] =	vst v63  }
0x339: {  	s16 =	sadd.s32 $0x18820, s2;
	s17 =	sadd.s32 $0x40, s15  }
0x33a: {  	[hbm4b:s17+s3] =	stream.linear.scatter [tilespmem:s16], [sflag:$0x6], $0x80, $0x38;
	[tilespmem:$0x1EC00] =	vst v63  }
0x33b: {  	s16 =	sadd.s32 $0x188A8, s2;
	s17 =	sadd.s32 $0x50, s15  }
0x33c: {  	[hbm4b:s17+s3] =	stream.linear.scatter [tilespmem:s16], [sflag:$0x6], $0x80, $0x38;
	[tilespmem:$0x1EC00] =	vst v63  }
.Ltmp11:
0x33d: {  	_ = 	snop;
	(pc) =	sbr.rel @p0 .LBB2_25-.Ltmp11, $4  }
0x33e: {  	s16 =	sadd.s32 $0x18930, s2;
	s17 =	sadd.s32 $0x60, s15  }
0x33f: {  	[hbm4b:s17+s3] =	stream.linear.scatter [tilespmem:s16], [sflag:$0x6], $0x80, $0x38;
	[tilespmem:$0x1EC00] =	vst v63  }
0x340: {  	s17 =	sadd.s32 $0x189B8, s2  }
0x341: {  	s2 =	sadd.s32 $0x70, s15;
	s15 =	sadd.s32 $0x1000, s15;
	s16 =	smov.u32 s22  }
0x342: {  	[hbm4b:s2+s3] =	stream.linear.scatter [tilespmem:s17], [sflag:$0x6], $0x80, $0x38;
	[tilespmem:$0x1EC00] =	vst v63  }
0x343: {  	s17 =	sadd.s32 $0x18600, s7  }
0x344: {  	[hbm4b:s15+s3] =	stream.linear.scatter [tilespmem:s17], [sflag:$0x6], $0x80, $0x38;
	[tilespmem:$0x1EC00] =	vst v63  }
0x345: {  	s22 =	sadd.s32 $0x18688, s7;
	s16 =	sadd.s32 $0x10, s15  }
0x346: {  	[hbm4b:s16+s3] =	stream.linear.scatter [tilespmem:s22], [sflag:$0x6], $0x80, $0x38;
	[tilespmem:$0x1EC00] =	vst v63  }
0x347: {  	s17 =	sadd.s32 $0x18710, s7;
	s22 =	sadd.s32 $0x20, s15  }
0x348: {  	[hbm4b:s22+s3] =	stream.linear.scatter [tilespmem:s17], [sflag:$0x6], $0x80, $0x38;
	[tilespmem:$0x1EC00] =	vst v63  }
0x349: {  	s17 =	sadd.s32 $0x18798, s7;
	s22 =	sadd.s32 $0x30, s15  }
0x34a: {  	[hbm4b:s22+s3] =	stream.linear.scatter [tilespmem:s17], [sflag:$0x6], $0x80, $0x38;
	[tilespmem:$0x1EC00] =	vst v63  }
0x34b: {  	s17 =	sadd.s32 $0x18820, s7;
	s22 =	sadd.s32 $0x40, s15  }
0x34c: {  	[hbm4b:s22+s3] =	stream.linear.scatter [tilespmem:s17], [sflag:$0x6], $0x80, $0x38;
	[tilespmem:$0x1EC00] =	vst v63  }
0x34d: {  	s17 =	sadd.s32 $0x188A8, s7;
	s22 =	sadd.s32 $0x50, s15  }
0x34e: {  	[hbm4b:s22+s3] =	stream.linear.scatter [tilespmem:s17], [sflag:$0x6], $0x80, $0x38;
	[tilespmem:$0x1EC00] =	vst v63  }
0x34f: {  	s17 =	sadd.s32 $0x18930, s7;
	s22 =	sadd.s32 $0x60, s15  }
0x350: {  	[hbm4b:s22+s3] =	stream.linear.scatter [tilespmem:s17], [sflag:$0x6], $0x80, $0x38;
	[tilespmem:$0x1EC00] =	vst v63  }
0x351: {  	s7 =	sadd.s32 $0x189B8, s7;
	s15 =	sadd.s32 $0x70, s15  }
0x352: {  	[hbm4b:s15+s3] =	stream.linear.scatter [tilespmem:s7], [sflag:$0x6], $0x80, $0x38;
	[tilespmem:$0x1EC00] =	vst v63  }
0x353: {  	s16 =	sadd.s32 $0x280, s14  }
0x354: {  	[tilespmem:s23], [sflag:$0x2] =	stream.indirect.gather [hbm4b:s4+s19], $0x80, s16, s19, $0xb8;
	[tilespmem:$0x1EC00] =	vst v63  }
0x355: {  	_ =	swait.ge [sflag:s24], $0x4000  }
0x356: {  	[sflag:s24] =	ssyncset.done $0x0  }
0x357: {  	[sflag:s24] =	ssyncadd.s32 $0xFFFFC000  }
0x358: {  	_ =	swait.ge [sflag:s21], $0x2000  }
0x359: {  	[sflag:s21] =	ssyncset.done $0x0  }
0x35a: {  	s17 =	simm.s32 $0x3;
	s7 =	simm.s32 $0xE500;
	[sflag:s21] =	ssyncadd.s32 $0xFFFFE000  }
0x35b: {  	v4 =	vmov s17;
	v5 =	vld [tilespmem:s7+$0x80]  }
0x35c: {  	s22 =	simm.s32 $0x0;
	v9 =	vand.u32 $0x7F, v4  }
0x35d: {  	v6 =	vmov s22;
	v4 =	vadd.s32 v0, v9  }
0x35e: {  	s15 =	simm.s32 $0x1;
	v8 =	vand.u32 $0x7C, v6;
	v7 =	vld [tilespmem:s7+$0xFFFFFF00]  }
0x35f: {  	v6 =	vmov s15;
	v12 =	vadd.s32 v0, v8;
	s16 =	simm.s32 $0x2;
	v10 =	vld [tilespmem:s7+$0xFFFFFF80]  }
0x360: {  	v15 =	vand.u32 $0x7D, v6;
	v11 =	vmov s16;
	v6 =	vld [tilespmem:s7+$0x0];
	v5 =	vmul.f32 $8.000000000e+00, v5  }
0x361: {  	v13 =	vadd.s32 v0, v15;
	v17 =	vand.u32 $0x7E, v11  }
0x362: {  	v11 =	vadd.s32 v0, v17;
	[tilespmem:v4+s26+$0x0] =	vst.idx.msk $0xffff, v5  }
0x363: {  	v4 =	vmul.f32 $8.000000000e+00, v7;
	v5 =	vld [tilespmem:s7+$0x90]  }
0x364: {  	v7 =	vmul.f32 $8.000000000e+00, v10  }
0x365: {  	[tilespmem:v12+s26+$0x0] =	vst.idx.msk $0xffff, v4;
	v4 =	vmul.f32 $8.000000000e+00, v6;
	v6 =	vadd.s32 v1, v9  }
0x366: {  	[tilespmem:v13+s26+$0x0] =	vst.idx.msk $0xffff, v7;
	v10 =	vld [tilespmem:s7+$0xFFFFFF10]  }
0x367: {  	v7 =	vld [tilespmem:s7+$0xFFFFFF90];
	[tilespmem:v11+s26+$0x0] =	vst.idx.msk $0xffff, v4  }
0x368: {  	v11 =	vld [tilespmem:s7+$0x10];
	v4 =	vmul.f32 $8.000000000e+00, v5  }
0x369: {  	s17 =	simm.s32 $0x4;
	s22 =	simm.s32 $0x7;
	s15 =	simm.s32 $0xE700;
	v12 =	vadd.s32 v1, v15  }
0x36a: {  	v14 =	vld [tilespmem:s15+$0x80];
	v13 =	vadd.s32 v1, v17;
	v5 =	vmov s17;
	[tilespmem:v6+s26+$0x0] =	vst.idx.msk $0xffff, v4;
	v6 =	vmov s22  }
0x36b: {  	v16 =	vadd.s32 v1, v8;
	v4 =	vand.u32 $0x7C, v5;
	v5 =	vand.u32 $0x7F, v6;
	v18 =	vld [tilespmem:s7+$0xA0]  }
0x36c: {  	v22 =	vadd.s32 v2, v9;
	s16 =	simm.s32 $0x5;
	v19 =	vld [tilespmem:s15+$0xFFFFFF00];
	v6 =	vmul.f32 $8.000000000e+00, v7;
	v20 =	vadd.s32 v0, v5  }
0x36d: {  	v21 =	vld [tilespmem:s15+$0xFFFFFF80];
	s17 =	simm.s32 $0x6;
	v10 =	vmul.f32 $8.000000000e+00, v10;
	v7 =	vmul.f32 $8.000000000e+00, v11;
	v11 =	vmov s16  }
0x36e: {  	v23 =	vadd.s32 v0, v4;
	[tilespmem:v12+s26+$0x0] =	vst.idx.msk $0xffff, v6;
	v12 =	vmov s17;
	v6 =	vand.u32 $0x7D, v11;
	v11 =	vld [tilespmem:s15+$0x0]  }
0x36f: {  	[tilespmem:v13+s26+$0x0] =	vst.idx.msk $0xffff, v7;
	v13 =	vadd.s32 v0, v6;
	v7 =	vand.u32 $0x7E, v12;
	v12 =	vmul.f32 $8.000000000e+00, v14;
	v14 =	vld [tilespmem:s7+$0xFFFFFFA0]  }
0x370: {  	[tilespmem:v16+s26+$0x0] =	vst.idx.msk $0xffff, v10;
	v10 =	vadd.s32 v0, v7;
	v16 =	vld [tilespmem:s7+$0x20];
	v18 =	vmul.f32 $8.000000000e+00, v18  }
0x371: {  	v19 =	vmul.f32 $8.000000000e+00, v19;
	[tilespmem:v20+s26+$0x0] =	vst.idx.msk $0xffff, v12;
	v12 =	vld [tilespmem:s7+$0xFFFFFF20];
	v20 =	vadd.s32 v2, v15  }
0x372: {  	v25 =	vadd.s32 v2, v17;
	v21 =	vmul.f32 $8.000000000e+00, v21;
	v24 =	vld [tilespmem:s15+$0x90];
	[tilespmem:v22+s26+$0x0] =	vst.idx.msk $0xffff, v18  }
0x373: {  	[tilespmem:v23+s26+$0x0] =	vst.idx.msk $0xffff, v19;
	v19 =	vadd.s32 v2, v8;
	v11 =	vmul.f32 $8.000000000e+00, v11;
	v22 =	vld [tilespmem:s7+$0xB0]  }
0x374: {  	v23 =	vld [tilespmem:s15+$0xFFFFFF10];
	[tilespmem:v13+s26+$0x0] =	vst.idx.msk $0xffff, v21;
	v21 =	vadd.s32 v1, v5;
	v14 =	vmul.f32 $8.000000000e+00, v14  }
0x375: {  	v27 =	vadd.s32 v3, v9;
	v26 =	vld [tilespmem:s15+$0xFFFFFF90];
	[tilespmem:v10+s26+$0x0] =	vst.idx.msk $0xffff, v11;
	v10 =	vmul.f32 $8.000000000e+00, v16  }
0x376: {  	v18 =	vadd.s32 v1, v4;
	v13 =	vld [tilespmem:s15+$0x10];
	v9 =	vmul.f32 $8.000000000e+00, v12;
	[tilespmem:v20+s26+$0x0] =	vst.idx.msk $0xffff, v14  }
0x377: {  	s17 =	simm.s32 $0x8;
	v16 =	vadd.s32 v1, v6;
	[tilespmem:v25+s26+$0x0] =	vst.idx.msk $0xffff, v10;
	v14 =	vmul.f32 $8.000000000e+00, v24;
	v12 =	vld [tilespmem:s7+$0xFFFFFFB0]  }
0x378: {  	v20 =	vmov s17;
	v10 =	vadd.s32 v1, v7;
	v11 =	vld [tilespmem:s7+$0x30];
	[tilespmem:v19+s26+$0x0] =	vst.idx.msk $0xffff, v9;
	v63 =	vmul.f32 $8.000000000e+00, v22  }
0x379: {  	s22 =	simm.s32 $0xB;
	s16 =	simm.s32 $0xE900;
	v15 =	vadd.s32 v3, v15;
	v9 =	vand.u32 $0x7C, v20;
	v20 =	vmul.f32 $8.000000000e+00, v23;
	[tilespmem:v21+s26+$0x0] =	vst.idx.msk $0xffff, v14;
	v14 =	vld [tilespmem:s7+$0xFFFFFF30]  }
0x37a: {  	v17 =	vadd.s32 v3, v17;
	v22 =	vmov s22;
	v19 =	vld [tilespmem:s16+$0x80];
	s7 =	simm.s32 $0xC;
	v21 =	vmul.f32 $8.000000000e+00, v26;
	[tilespmem:v27+s26+$0x0] =	vst.idx.msk $0xffff, v63  }
.LBB2_27:
0x37b: {  	p0 =	slt.u32 s7, $0x7C;
	s2 =	sadd.s32 $0x1, s17;
	v22 =	vand.u32 $0x7F, v22;
	[tilespmem:v18+s26+$0x0] =	vst.idx.msk $0xffff, v20;
	v13 =	vmul.f32 $8.000000000e+00, v13;
	v18 =	vld [tilespmem:s15+$0xA0];
	v20 =	vadd.s32 v3, v8;
	v8 =	vmovc v4  }
0x37c: {  	v4 =	vmovc v9;
	v23 =	vld [tilespmem:s16+$0xFFFFFF00];
	v24 =	vmov s2;
	s2 =	sadd.s32 $0x2, s17;
	v25 =	vadd.s32 v0, v22;
	[tilespmem:v16+s26+$0x0] =	vst.idx.msk $0xffff, v21;
	v12 =	vmul.f32 $8.000000000e+00, v12;
	s17 =	smov.u32 s7  }
0x37d: {  	v9 =	vld [tilespmem:s16+$0xFFFFFF80];
	v16 =	vmov s2;
	[tilespmem:v10+s26+$0x0] =	vst.idx.msk $0xffff, v13;
	v10 =	vadd.s32 v2, v5;
	v11 =	vmul.f32 $8.000000000e+00, v11  }
0x37e: {  	v13 =	vadd.s32 v0, v4;
	v21 =	vand.u32 $0x7D, v24;
	v24 =	vld [tilespmem:s16+$0x0];
	v14 =	vmul.f32 $8.000000000e+00, v14;
	[tilespmem:v15+s26+$0x0] =	vst.idx.msk $0xffff, v12  }
0x37f: {  	v12 =	vadd.s32 v0, v21;
	v26 =	vand.u32 $0x7E, v16;
	v15 =	vmul.f32 $8.000000000e+00, v19;
	v16 =	vld [tilespmem:s15+$0xFFFFFFA0];
	[tilespmem:v17+s26+$0x0] =	vst.idx.msk $0xffff, v11  }
0x380: {  	v11 =	vadd.s32 v0, v26;
	v17 =	vld [tilespmem:s15+$0x20];
	v18 =	vmul.f32 $8.000000000e+00, v18;
	[tilespmem:v20+s26+$0x0] =	vst.idx.msk $0xffff, v14  }
0x381: {  	v19 =	vadd.s32 v2, v6;
	v14 =	vmul.f32 $8.000000000e+00, v23;
	[tilespmem:v25+s26+$0x0] =	vst.idx.msk $0xffff, v15;
	v15 =	vld [tilespmem:s15+$0xFFFFFF20]  }
0x382: {  	v23 =	vadd.s32 v2, v7;
	v9 =	vmul.f32 $8.000000000e+00, v9;
	v20 =	vld [tilespmem:s16+$0x90];
	[tilespmem:v10+s26+$0x0] =	vst.idx.msk $0xffff, v18  }
0x383: {  	[tilespmem:v13+s26+$0x0] =	vst.idx.msk $0xffff, v14;
	v10 =	vmul.f32 $8.000000000e+00, v24;
	v14 =	vadd.s32 v2, v8;
	v24 =	vld [tilespmem:s15+$0xB0]  }
0x384: {  	v27 =	vadd.s32 v1, v22;
	v25 =	vld [tilespmem:s16+$0xFFFFFF10];
	[tilespmem:v12+s26+$0x0] =	vst.idx.msk $0xffff, v9;
	v9 =	vmul.f32 $8.000000000e+00, v16  }
0x385: {  	v29 =	vadd.s32 v3, v5;
	v5 =	vmov v22;
	v28 =	vld [tilespmem:s16+$0xFFFFFF90];
	[tilespmem:v11+s26+$0x0] =	vst.idx.msk $0xffff, v10;
	v10 =	vmul.f32 $8.000000000e+00, v17  }
.Ltmp12:
0x386: {  	v18 =	vadd.s32 v1, v4;
	v13 =	vld [tilespmem:s16+$0x10];
	v11 =	vmul.f32 $8.000000000e+00, v15;
	[tilespmem:v19+s26+$0x0] =	vst.idx.msk $0xffff, v9;
	(pc) =	sbr.rel @p0 .LBB2_27-.Ltmp12, $4  }
0x387: {  	v16 =	vadd.s32 v1, v21;
	v15 =	vmul.f32 $8.000000000e+00, v20;
	v12 =	vld [tilespmem:s15+$0xFFFFFFB0];
	[tilespmem:v23+s26+$0x0] =	vst.idx.msk $0xffff, v10  }
0x388: {  	v9 =	vmov s7;
	v10 =	vadd.s32 v1, v26;
	[tilespmem:v14+s26+$0x0] =	vst.idx.msk $0xffff, v11;
	v11 =	vld [tilespmem:s15+$0x30];
	v23 =	vmul.f32 $8.000000000e+00, v24  }
0x389: {  	s2 =	sadd.s32 $0x3, s7;
	v9 =	vand.u32 $0x7C, v9;
	v20 =	vmul.f32 $8.000000000e+00, v25;
	[tilespmem:v27+s26+$0x0] =	vst.idx.msk $0xffff, v15;
	v14 =	vld [tilespmem:s15+$0xFFFFFF30];
	v15 =	vadd.s32 v3, v6;
	v6 =	vmovc v21;
	s15 =	smov.u32 s16;
	s16 =	sadd.s32 $0x200, s16  }
0x38a: {  	v22 =	vmov s2;
	v17 =	vadd.s32 v3, v7;
	v7 =	vmovc v26;
	s7 =	sadd.s32 $0x4, s7;
	v19 =	vld [tilespmem:s16+$0x80];
	v21 =	vmul.f32 $8.000000000e+00, v28;
	[tilespmem:v29+s26+$0x0] =	vst.idx.msk $0xffff, v23  }
0x38b: {  	s2 =	sadd.s32 $0x1, s17;
	v22 =	vand.u32 $0x7F, v22;
	v28 =	vld [tilespmem:s16+$0xFFFFFF00]  }
0x38c: {  	s22 =	sadd.s32 $0x2, s17;
	v24 =	vld [tilespmem:s16+$0xFFFFFF80];
	v23 =	vmov s2;
	v25 =	vadd.s32 v0, v22  }
0x38d: {  	v27 =	vld [tilespmem:s16+$0x0];
	v51 =	vadd.s32 v0, v9;
	v26 =	vmov s22;
	v23 =	vand.u32 $0x7D, v23  }
0x38e: {  	v26 =	vand.u32 $0x7E, v26;
	v29 =	vadd.s32 v0, v23  }
0x38f: {  	[tilespmem:v18+s26+$0x0] =	vst.idx.msk $0xffff, v20;
	v30 =	vadd.s32 v0, v26;
	v19 =	vmul.f32 $8.000000000e+00, v19  }
0x390: {  	[tilespmem:v16+s26+$0x0] =	vst.idx.msk $0xffff, v21;
	v54 =	vmul.f32 $8.000000000e+00, v28  }
0x391: {  	v52 =	vmul.f32 $8.000000000e+00, v24;
	[tilespmem:v25+s26+$0x0] =	vst.idx.msk $0xffff, v19  }
0x392: {  	v53 =	vmul.f32 $8.000000000e+00, v27;
	v55 =	vld [tilespmem:s16+$0x90];
	[tilespmem:v51+s26+$0x0] =	vst.idx.msk $0xffff, v54  }
0x393: {  	v13 =	vmul.f32 $8.000000000e+00, v13;
	v8 =	vadd.s32 v3, v8;
	[tilespmem:v29+s26+$0x0] =	vst.idx.msk $0xffff, v52;
	v59 =	vld [tilespmem:s16+$0xFFFFFF10]  }
0x394: {  	v12 =	vmul.f32 $8.000000000e+00, v12;
	v57 =	vadd.s32 v1, v22;
	[tilespmem:v30+s26+$0x0] =	vst.idx.msk $0xffff, v53;
	v56 =	vld [tilespmem:s16+$0xFFFFFF90]  }
0x395: {  	[tilespmem:v10+s26+$0x0] =	vst.idx.msk $0xffff, v13;
	v58 =	vmul.f32 $8.000000000e+00, v11;
	v28 =	vadd.s32 v1, v9;
	v19 =	vld [tilespmem:s16+$0x10]  }
0x396: {  	v61 =	vld [tilespmem:s15+$0xA0];
	v60 =	vadd.s32 v1, v23;
	v14 =	vmul.f32 $8.000000000e+00, v14;
	[tilespmem:v15+s26+$0x0] =	vst.idx.msk $0xffff, v12  }
0x397: {  	v32 =	vld [tilespmem:s15+$0xFFFFFF20];
	v62 =	vadd.s32 v1, v26;
	[tilespmem:v17+s26+$0x0] =	vst.idx.msk $0xffff, v58;
	v16 =	vmul.f32 $8.000000000e+00, v55  }
0x398: {  	[tilespmem:v8+s26+$0x0] =	vst.idx.msk $0xffff, v14;
	v29 =	vadd.s32 v2, v5;
	v30 =	vld [tilespmem:s15+$0x20];
	v11 =	vmul.f32 $8.000000000e+00, v59  }
0x399: {  	v38 =	vadd.s32 v2, v4;
	v63 =	vld [tilespmem:s15+$0xFFFFFFA0];
	v31 =	vmul.f32 $8.000000000e+00, v56;
	[tilespmem:v57+s26+$0x0] =	vst.idx.msk $0xffff, v16  }
0x39a: {  	v35 =	vadd.s32 v2, v7;
	v34 =	vmul.f32 $8.000000000e+00, v19;
	v36 =	vld [tilespmem:s16+$0xA0];
	[tilespmem:v28+s26+$0x0] =	vst.idx.msk $0xffff, v11  }
0x39b: {  	v33 =	vadd.s32 v2, v6;
	v37 =	vmul.f32 $8.000000000e+00, v61;
	[tilespmem:v60+s26+$0x0] =	vst.idx.msk $0xffff, v31;
	v43 =	vld [tilespmem:s16+$0xFFFFFF20]  }
0x39c: {  	v40 =	vadd.s32 v2, v22;
	v14 =	vmul.f32 $8.000000000e+00, v32;
	[tilespmem:v62+s26+$0x0] =	vst.idx.msk $0xffff, v34;
	v39 =	vld [tilespmem:s16+$0xFFFFFFA0]  }
0x39d: {  	v48 =	vadd.s32 v2, v9;
	[tilespmem:v29+s26+$0x0] =	vst.idx.msk $0xffff, v37;
	v42 =	vmul.f32 $8.000000000e+00, v30;
	v41 =	vld [tilespmem:s16+$0x20]  }
0x39e: {  	v44 =	vadd.s32 v2, v23;
	v15 =	vmul.f32 $8.000000000e+00, v63;
	[tilespmem:v38+s26+$0x0] =	vst.idx.msk $0xffff, v14;
	v45 =	vld [tilespmem:s15+$0xB0]  }
0x39f: {  	v46 =	vadd.s32 v2, v26;
	v14 =	vld [tilespmem:s15+$0xFFFFFF30];
	[tilespmem:v35+s26+$0x0] =	vst.idx.msk $0xffff, v42;
	v47 =	vmul.f32 $8.000000000e+00, v36  }
0x3a0: {  	v5 =	vadd.s32 v3, v5;
	[tilespmem:v33+s26+$0x0] =	vst.idx.msk $0xffff, v15;
	v49 =	vld [tilespmem:s15+$0x30];
	v53 =	vmul.f32 $8.000000000e+00, v43  }
0x3a1: {  	v4 =	vadd.s32 v3, v4;
	v21 =	vld [tilespmem:s15+$0xFFFFFFB0];
	v12 =	vmul.f32 $8.000000000e+00, v39;
	[tilespmem:v40+s26+$0x0] =	vst.idx.msk $0xffff, v47  }
0x3a2: {  	v52 =	vadd.s32 v3, v7;
	v51 =	vmul.f32 $8.000000000e+00, v41;
	v10 =	vld [tilespmem:s16+$0xB0];
	[tilespmem:v48+s26+$0x0] =	vst.idx.msk $0xffff, v53  }
0x3a3: {  	v50 =	vadd.s32 v3, v6;
	v54 =	vmul.f32 $8.000000000e+00, v45;
	[tilespmem:v44+s26+$0x0] =	vst.idx.msk $0xffff, v12;
	v59 =	vld [tilespmem:s16+$0xFFFFFF30]  }
0x3a4: {  	v57 =	vadd.s32 v3, v22;
	v14 =	vmul.f32 $8.000000000e+00, v14;
	[tilespmem:v46+s26+$0x0] =	vst.idx.msk $0xffff, v51;
	v55 =	vld [tilespmem:s16+$0xFFFFFFB0]  }
0x3a5: {  	v62 =	vadd.s32 v3, v9;
	[tilespmem:v5+s26+$0x0] =	vst.idx.msk $0xffff, v54;
	v5 =	vmul.f32 $8.000000000e+00, v49;
	v58 =	vld [tilespmem:s16+$0x30]  }
0x3a6: {  	v56 =	vmul.f32 $8.000000000e+00, v21;
	v60 =	vadd.s32 v3, v23;
	[tilespmem:v4+s26+$0x0] =	vst.idx.msk $0xffff, v14  }
0x3a7: {  	v61 =	vadd.s32 v3, v26;
	[tilespmem:v52+s26+$0x0] =	vst.idx.msk $0xffff, v5;
	v5 =	vmul.f32 $8.000000000e+00, v10  }
0x3a8: {  	[tilespmem:v50+s26+$0x0] =	vst.idx.msk $0xffff, v56;
	v63 =	vmul.f32 $8.000000000e+00, v59  }
0x3a9: {  	v4 =	vmul.f32 $8.000000000e+00, v55;
	[tilespmem:v57+s26+$0x0] =	vst.idx.msk $0xffff, v5  }
0x3aa: {  	v5 =	vmul.f32 $8.000000000e+00, v58;
	[tilespmem:v62+s26+$0x0] =	vst.idx.msk $0xffff, v63  }
0x3ab: {  	[tilespmem:v60+s26+$0x0] =	vst.idx.msk $0xffff, v4  }
0x3ac: {  	s7 =	simm.s32 $0x1A800;
	s15 =	sadd.s32 s13, s10;
	[tilespmem:v61+s26+$0x0] =	vst.idx.msk $0xffff, v5  }
0x3ad: {  	[hbm4b:s15+s3] =	stream.linear.scatter [tilespmem:s7], [sflag:$0x7], $0x80, $0x38;
	[tilespmem:$0x1EC00] =	vst v63  }
0x3ae: {  	s16 =	simm.s32 $0x1A888;
	s7 =	sadd.s32 $0x10, s15  }
0x3af: {  	[hbm4b:s7+s3] =	stream.linear.scatter [tilespmem:s16], [sflag:$0x7], $0x80, $0x38;
	[tilespmem:$0x1EC00] =	vst v63  }
0x3b0: {  	s17 =	simm.s32 $0x1A910;
	s22 =	sadd.s32 $0x20, s15  }
0x3b1: {  	[hbm4b:s22+s3] =	stream.linear.scatter [tilespmem:s17], [sflag:$0x7], $0x80, $0x38;
	[tilespmem:$0x1EC00] =	vst v63  }
0x3b2: {  	s7 =	simm.s32 $0x1A998;
	s16 =	sadd.s32 $0x30, s15  }
0x3b3: {  	[hbm4b:s16+s3] =	stream.linear.scatter [tilespmem:s7], [sflag:$0x7], $0x80, $0x38;
	[tilespmem:$0x1EC00] =	vst v63  }
0x3b4: {  	s17 =	simm.s32 $0x1AA20;
	s22 =	sadd.s32 $0x40, s15  }
0x3b5: {  	[hbm4b:s22+s3] =	stream.linear.scatter [tilespmem:s17], [sflag:$0x7], $0x80, $0x38;
	[tilespmem:$0x1EC00] =	vst v63  }
0x3b6: {  	s2 =	sadd.s32 $0x70, s15;
	s7 =	simm.s32 $0x1AAA8;
	s16 =	sadd.s32 $0x50, s15  }
0x3b7: {  	[hbm4b:s16+s3] =	stream.linear.scatter [tilespmem:s7], [sflag:$0x7], $0x80, $0x38;
	[tilespmem:$0x1EC00] =	vst v63  }
0x3b8: {  	s17 =	simm.s32 $0x1AB30;
	s22 =	sadd.s32 $0x60, s15;
	s15 =	sadd.s32 $0x1000, s15  }
0x3b9: {  	[hbm4b:s22+s3] =	stream.linear.scatter [tilespmem:s17], [sflag:$0x7], $0x80, $0x38;
	[tilespmem:$0x1EC00] =	vst v63  }
0x3ba: {  	s7 =	simm.s32 $0x440;
	s16 =	simm.s32 $0x2200;
	s17 =	simm.s32 $0x1ABB8  }
.LBB2_29:
0x3bb: {  	[hbm4b:s2+s3] =	stream.linear.scatter [tilespmem:s17], [sflag:$0x7], $0x80, $0x38;
	[tilespmem:$0x1EC00] =	vst v63  }
0x3bc: {  	s2 =	smov.u32 s7;
	s7 =	smov.u32 s16  }
0x3bd: {  	s22 =	sadd.s32 $0x1100, s16;
	s7 =	sshra.s32 s7, $0x2;
	s17 =	sadd.s32 $0x1A800, s2  }
0x3be: {  	[hbm4b:s15+s3] =	stream.linear.scatter [tilespmem:s17], [sflag:$0x7], $0x80, $0x38;
	[tilespmem:$0x1EC00] =	vst v63  }
0x3bf: {  	p0 =	sne.s32 s16, $0x7700;
	s16 =	sadd.s32 $0x1A888, s2;
	s17 =	sadd.s32 $0x10, s15  }
0x3c0: {  	[hbm4b:s17+s3] =	stream.linear.scatter [tilespmem:s16], [sflag:$0x7], $0x80, $0x38;
	[tilespmem:$0x1EC00] =	vst v63  }
0x3c1: {  	s16 =	sadd.s32 $0x1A910, s2;
	s17 =	sadd.s32 $0x20, s15  }
0x3c2: {  	[hbm4b:s17+s3] =	stream.linear.scatter [tilespmem:s16], [sflag:$0x7], $0x80, $0x38;
	[tilespmem:$0x1EC00] =	vst v63  }
0x3c3: {  	s16 =	sadd.s32 $0x1A998, s2;
	s17 =	sadd.s32 $0x30, s15  }
0x3c4: {  	[hbm4b:s17+s3] =	stream.linear.scatter [tilespmem:s16], [sflag:$0x7], $0x80, $0x38;
	[tilespmem:$0x1EC00] =	vst v63  }
0x3c5: {  	s16 =	sadd.s32 $0x1AA20, s2;
	s17 =	sadd.s32 $0x40, s15  }
0x3c6: {  	[hbm4b:s17+s3] =	stream.linear.scatter [tilespmem:s16], [sflag:$0x7], $0x80, $0x38;
	[tilespmem:$0x1EC00] =	vst v63  }
0x3c7: {  	s16 =	sadd.s32 $0x1AAA8, s2;
	s17 =	sadd.s32 $0x50, s15  }
0x3c8: {  	[hbm4b:s17+s3] =	stream.linear.scatter [tilespmem:s16], [sflag:$0x7], $0x80, $0x38;
	[tilespmem:$0x1EC00] =	vst v63  }
.Ltmp13:
0x3c9: {  	_ = 	snop;
	(pc) =	sbr.rel @p0 .LBB2_29-.Ltmp13, $4  }
0x3ca: {  	s16 =	sadd.s32 $0x1AB30, s2;
	s17 =	sadd.s32 $0x60, s15  }
0x3cb: {  	[hbm4b:s17+s3] =	stream.linear.scatter [tilespmem:s16], [sflag:$0x7], $0x80, $0x38;
	[tilespmem:$0x1EC00] =	vst v63  }
0x3cc: {  	s17 =	sadd.s32 $0x1ABB8, s2  }
0x3cd: {  	s2 =	sadd.s32 $0x70, s15;
	s15 =	sadd.s32 $0x1000, s15;
	s16 =	smov.u32 s22  }
0x3ce: {  	[hbm4b:s2+s3] =	stream.linear.scatter [tilespmem:s17], [sflag:$0x7], $0x80, $0x38;
	[tilespmem:$0x1EC00] =	vst v63  }
0x3cf: {  	s17 =	sadd.s32 $0x1A800, s7  }
0x3d0: {  	[hbm4b:s15+s3] =	stream.linear.scatter [tilespmem:s17], [sflag:$0x7], $0x80, $0x38;
	[tilespmem:$0x1EC00] =	vst v63  }
0x3d1: {  	s22 =	sadd.s32 $0x1A888, s7;
	s16 =	sadd.s32 $0x10, s15  }
0x3d2: {  	[hbm4b:s16+s3] =	stream.linear.scatter [tilespmem:s22], [sflag:$0x7], $0x80, $0x38;
	[tilespmem:$0x1EC00] =	vst v63  }
0x3d3: {  	s17 =	sadd.s32 $0x1A910, s7;
	s22 =	sadd.s32 $0x20, s15  }
0x3d4: {  	[hbm4b:s22+s3] =	stream.linear.scatter [tilespmem:s17], [sflag:$0x7], $0x80, $0x38;
	[tilespmem:$0x1EC00] =	vst v63  }
0x3d5: {  	s17 =	sadd.s32 $0x1A998, s7;
	s22 =	sadd.s32 $0x30, s15  }
0x3d6: {  	[hbm4b:s22+s3] =	stream.linear.scatter [tilespmem:s17], [sflag:$0x7], $0x80, $0x38;
	[tilespmem:$0x1EC00] =	vst v63  }
0x3d7: {  	s17 =	sadd.s32 $0x1AA20, s7;
	s22 =	sadd.s32 $0x40, s15  }
0x3d8: {  	[hbm4b:s22+s3] =	stream.linear.scatter [tilespmem:s17], [sflag:$0x7], $0x80, $0x38;
	[tilespmem:$0x1EC00] =	vst v63  }
0x3d9: {  	s17 =	sadd.s32 $0x1AAA8, s7;
	s22 =	sadd.s32 $0x50, s15  }
0x3da: {  	[hbm4b:s22+s3] =	stream.linear.scatter [tilespmem:s17], [sflag:$0x7], $0x80, $0x38;
	[tilespmem:$0x1EC00] =	vst v63  }
0x3db: {  	s17 =	sadd.s32 $0x1AB30, s7;
	s22 =	sadd.s32 $0x60, s15  }
0x3dc: {  	[hbm4b:s22+s3] =	stream.linear.scatter [tilespmem:s17], [sflag:$0x7], $0x80, $0x38;
	[tilespmem:$0x1EC00] =	vst v63  }
0x3dd: {  	s7 =	sadd.s32 $0x1ABB8, s7;
	s15 =	sadd.s32 $0x70, s15  }
0x3de: {  	[hbm4b:s15+s3] =	stream.linear.scatter [tilespmem:s7], [sflag:$0x7], $0x80, $0x38;
	[tilespmem:$0x1EC00] =	vst v63  }
0x3df: {  	s16 =	sadd.s32 $0x300, s14  }
0x3e0: {  	[tilespmem:s25], [sflag:$0x3] =	stream.indirect.gather [hbm4b:s4+s19], $0x80, s16, s19, $0xb8;
	[tilespmem:$0x1EC00] =	vst v63  }
0x3e1: {  	_ =	swait.ge [sflag:s20], $0x4000  }
0x3e2: {  	[sflag:s20] =	ssyncset.done $0x0  }
0x3e3: {  	[sflag:s20] =	ssyncadd.s32 $0xFFFFC000  }
0x3e4: {  	_ =	swait.ge [sflag:s9], $0x2000  }
0x3e5: {  	[sflag:s9] =	ssyncset.done $0x0  }
0x3e6: {  	s17 =	simm.s32 $0x3;
	s7 =	simm.s32 $0x12500;
	[sflag:s9] =	ssyncadd.s32 $0xFFFFE000  }
0x3e7: {  	v4 =	vmov s17;
	v5 =	vld [tilespmem:s7+$0x80]  }
0x3e8: {  	s22 =	simm.s32 $0x0;
	v9 =	vand.u32 $0x7F, v4  }
0x3e9: {  	v6 =	vmov s22;
	v4 =	vadd.s32 v0, v9  }
0x3ea: {  	s15 =	simm.s32 $0x1;
	v8 =	vand.u32 $0x7C, v6;
	v7 =	vld [tilespmem:s7+$0xFFFFFF00]  }
0x3eb: {  	v6 =	vmov s15;
	v12 =	vadd.s32 v0, v8;
	s16 =	simm.s32 $0x2;
	v10 =	vld [tilespmem:s7+$0xFFFFFF80]  }
0x3ec: {  	v15 =	vand.u32 $0x7D, v6;
	v11 =	vmov s16;
	v6 =	vld [tilespmem:s7+$0x0];
	v5 =	vmul.f32 $8.000000000e+00, v5  }
0x3ed: {  	v13 =	vadd.s32 v0, v15;
	v17 =	vand.u32 $0x7E, v11  }
0x3ee: {  	v11 =	vadd.s32 v0, v17;
	[tilespmem:v4+s31+$0x0] =	vst.idx.msk $0xffff, v5  }
0x3ef: {  	v4 =	vmul.f32 $8.000000000e+00, v7;
	v5 =	vld [tilespmem:s7+$0x90]  }
0x3f0: {  	v7 =	vmul.f32 $8.000000000e+00, v10  }
0x3f1: {  	[tilespmem:v12+s31+$0x0] =	vst.idx.msk $0xffff, v4;
	v4 =	vmul.f32 $8.000000000e+00, v6;
	v6 =	vadd.s32 v1, v9  }
0x3f2: {  	[tilespmem:v13+s31+$0x0] =	vst.idx.msk $0xffff, v7;
	v10 =	vld [tilespmem:s7+$0xFFFFFF10]  }
0x3f3: {  	v7 =	vld [tilespmem:s7+$0xFFFFFF90];
	[tilespmem:v11+s31+$0x0] =	vst.idx.msk $0xffff, v4  }
0x3f4: {  	v11 =	vld [tilespmem:s7+$0x10];
	v4 =	vmul.f32 $8.000000000e+00, v5  }
0x3f5: {  	s17 =	simm.s32 $0x4;
	s22 =	simm.s32 $0x7;
	s15 =	simm.s32 $0x12700;
	v12 =	vadd.s32 v1, v15  }
0x3f6: {  	v14 =	vld [tilespmem:s15+$0x80];
	v13 =	vadd.s32 v1, v17;
	v5 =	vmov s17;
	[tilespmem:v6+s31+$0x0] =	vst.idx.msk $0xffff, v4;
	v6 =	vmov s22  }
0x3f7: {  	v16 =	vadd.s32 v1, v8;
	v4 =	vand.u32 $0x7C, v5;
	v5 =	vand.u32 $0x7F, v6;
	v18 =	vld [tilespmem:s7+$0xA0]  }
0x3f8: {  	v22 =	vadd.s32 v2, v9;
	s16 =	simm.s32 $0x5;
	v19 =	vld [tilespmem:s15+$0xFFFFFF00];
	v6 =	vmul.f32 $8.000000000e+00, v7;
	v20 =	vadd.s32 v0, v5  }
0x3f9: {  	v21 =	vld [tilespmem:s15+$0xFFFFFF80];
	s17 =	simm.s32 $0x6;
	v10 =	vmul.f32 $8.000000000e+00, v10;
	v7 =	vmul.f32 $8.000000000e+00, v11;
	v11 =	vmov s16  }
0x3fa: {  	v23 =	vadd.s32 v0, v4;
	[tilespmem:v12+s31+$0x0] =	vst.idx.msk $0xffff, v6;
	v12 =	vmov s17;
	v6 =	vand.u32 $0x7D, v11;
	v11 =	vld [tilespmem:s15+$0x0]  }
0x3fb: {  	[tilespmem:v13+s31+$0x0] =	vst.idx.msk $0xffff, v7;
	v13 =	vadd.s32 v0, v6;
	v7 =	vand.u32 $0x7E, v12;
	v12 =	vmul.f32 $8.000000000e+00, v14;
	v14 =	vld [tilespmem:s7+$0xFFFFFFA0]  }
0x3fc: {  	[tilespmem:v16+s31+$0x0] =	vst.idx.msk $0xffff, v10;
	v10 =	vadd.s32 v0, v7;
	v16 =	vld [tilespmem:s7+$0x20];
	v18 =	vmul.f32 $8.000000000e+00, v18  }
0x3fd: {  	v19 =	vmul.f32 $8.000000000e+00, v19;
	[tilespmem:v20+s31+$0x0] =	vst.idx.msk $0xffff, v12;
	v12 =	vld [tilespmem:s7+$0xFFFFFF20];
	v20 =	vadd.s32 v2, v15  }
0x3fe: {  	v25 =	vadd.s32 v2, v17;
	v21 =	vmul.f32 $8.000000000e+00, v21;
	v24 =	vld [tilespmem:s15+$0x90];
	[tilespmem:v22+s31+$0x0] =	vst.idx.msk $0xffff, v18  }
0x3ff: {  	[tilespmem:v23+s31+$0x0] =	vst.idx.msk $0xffff, v19;
	v19 =	vadd.s32 v2, v8;
	v11 =	vmul.f32 $8.000000000e+00, v11;
	v22 =	vld [tilespmem:s7+$0xB0]  }
0x400: {  	v23 =	vld [tilespmem:s15+$0xFFFFFF10];
	[tilespmem:v13+s31+$0x0] =	vst.idx.msk $0xffff, v21;
	v21 =	vadd.s32 v1, v5;
	v14 =	vmul.f32 $8.000000000e+00, v14  }
0x401: {  	v27 =	vadd.s32 v3, v9;
	v26 =	vld [tilespmem:s15+$0xFFFFFF90];
	[tilespmem:v10+s31+$0x0] =	vst.idx.msk $0xffff, v11;
	v10 =	vmul.f32 $8.000000000e+00, v16  }
0x402: {  	v18 =	vadd.s32 v1, v4;
	v13 =	vld [tilespmem:s15+$0x10];
	v9 =	vmul.f32 $8.000000000e+00, v12;
	[tilespmem:v20+s31+$0x0] =	vst.idx.msk $0xffff, v14  }
0x403: {  	s17 =	simm.s32 $0x8;
	v16 =	vadd.s32 v1, v6;
	[tilespmem:v25+s31+$0x0] =	vst.idx.msk $0xffff, v10;
	v14 =	vmul.f32 $8.000000000e+00, v24;
	v12 =	vld [tilespmem:s7+$0xFFFFFFB0]  }
0x404: {  	v20 =	vmov s17;
	v10 =	vadd.s32 v1, v7;
	v11 =	vld [tilespmem:s7+$0x30];
	[tilespmem:v19+s31+$0x0] =	vst.idx.msk $0xffff, v9;
	v63 =	vmul.f32 $8.000000000e+00, v22  }
0x405: {  	s22 =	simm.s32 $0xB;
	s16 =	simm.s32 $0x12900;
	v15 =	vadd.s32 v3, v15;
	v9 =	vand.u32 $0x7C, v20;
	v20 =	vmul.f32 $8.000000000e+00, v23;
	[tilespmem:v21+s31+$0x0] =	vst.idx.msk $0xffff, v14;
	v14 =	vld [tilespmem:s7+$0xFFFFFF30]  }
0x406: {  	v17 =	vadd.s32 v3, v17;
	v22 =	vmov s22;
	v19 =	vld [tilespmem:s16+$0x80];
	s7 =	simm.s32 $0xC;
	v21 =	vmul.f32 $8.000000000e+00, v26;
	[tilespmem:v27+s31+$0x0] =	vst.idx.msk $0xffff, v63  }
.LBB2_31:
0x407: {  	p0 =	slt.u32 s7, $0x7C;
	s2 =	sadd.s32 $0x1, s17;
	v22 =	vand.u32 $0x7F, v22;
	[tilespmem:v18+s31+$0x0] =	vst.idx.msk $0xffff, v20;
	v13 =	vmul.f32 $8.000000000e+00, v13;
	v18 =	vld [tilespmem:s15+$0xA0];
	v20 =	vadd.s32 v3, v8;
	v8 =	vmovc v4  }
0x408: {  	v4 =	vmovc v9;
	v23 =	vld [tilespmem:s16+$0xFFFFFF00];
	v24 =	vmov s2;
	s2 =	sadd.s32 $0x2, s17;
	v25 =	vadd.s32 v0, v22;
	[tilespmem:v16+s31+$0x0] =	vst.idx.msk $0xffff, v21;
	v12 =	vmul.f32 $8.000000000e+00, v12;
	s17 =	smov.u32 s7  }
0x409: {  	v9 =	vld [tilespmem:s16+$0xFFFFFF80];
	v16 =	vmov s2;
	[tilespmem:v10+s31+$0x0] =	vst.idx.msk $0xffff, v13;
	v10 =	vadd.s32 v2, v5;
	v11 =	vmul.f32 $8.000000000e+00, v11  }
0x40a: {  	v13 =	vadd.s32 v0, v4;
	v21 =	vand.u32 $0x7D, v24;
	v24 =	vld [tilespmem:s16+$0x0];
	v14 =	vmul.f32 $8.000000000e+00, v14;
	[tilespmem:v15+s31+$0x0] =	vst.idx.msk $0xffff, v12  }
0x40b: {  	v12 =	vadd.s32 v0, v21;
	v26 =	vand.u32 $0x7E, v16;
	v15 =	vmul.f32 $8.000000000e+00, v19;
	v16 =	vld [tilespmem:s15+$0xFFFFFFA0];
	[tilespmem:v17+s31+$0x0] =	vst.idx.msk $0xffff, v11  }
0x40c: {  	v11 =	vadd.s32 v0, v26;
	v17 =	vld [tilespmem:s15+$0x20];
	v18 =	vmul.f32 $8.000000000e+00, v18;
	[tilespmem:v20+s31+$0x0] =	vst.idx.msk $0xffff, v14  }
0x40d: {  	v19 =	vadd.s32 v2, v6;
	v14 =	vmul.f32 $8.000000000e+00, v23;
	[tilespmem:v25+s31+$0x0] =	vst.idx.msk $0xffff, v15;
	v15 =	vld [tilespmem:s15+$0xFFFFFF20]  }
0x40e: {  	v23 =	vadd.s32 v2, v7;
	v9 =	vmul.f32 $8.000000000e+00, v9;
	v20 =	vld [tilespmem:s16+$0x90];
	[tilespmem:v10+s31+$0x0] =	vst.idx.msk $0xffff, v18  }
0x40f: {  	[tilespmem:v13+s31+$0x0] =	vst.idx.msk $0xffff, v14;
	v10 =	vmul.f32 $8.000000000e+00, v24;
	v14 =	vadd.s32 v2, v8;
	v24 =	vld [tilespmem:s15+$0xB0]  }
0x410: {  	v27 =	vadd.s32 v1, v22;
	v25 =	vld [tilespmem:s16+$0xFFFFFF10];
	[tilespmem:v12+s31+$0x0] =	vst.idx.msk $0xffff, v9;
	v9 =	vmul.f32 $8.000000000e+00, v16  }
0x411: {  	v29 =	vadd.s32 v3, v5;
	v5 =	vmov v22;
	v28 =	vld [tilespmem:s16+$0xFFFFFF90];
	[tilespmem:v11+s31+$0x0] =	vst.idx.msk $0xffff, v10;
	v10 =	vmul.f32 $8.000000000e+00, v17  }
.Ltmp14:
0x412: {  	v18 =	vadd.s32 v1, v4;
	v13 =	vld [tilespmem:s16+$0x10];
	v11 =	vmul.f32 $8.000000000e+00, v15;
	[tilespmem:v19+s31+$0x0] =	vst.idx.msk $0xffff, v9;
	(pc) =	sbr.rel @p0 .LBB2_31-.Ltmp14, $4  }
0x413: {  	v16 =	vadd.s32 v1, v21;
	v15 =	vmul.f32 $8.000000000e+00, v20;
	v12 =	vld [tilespmem:s15+$0xFFFFFFB0];
	[tilespmem:v23+s31+$0x0] =	vst.idx.msk $0xffff, v10  }
0x414: {  	v9 =	vmov s7;
	v10 =	vadd.s32 v1, v26;
	[tilespmem:v14+s31+$0x0] =	vst.idx.msk $0xffff, v11;
	v11 =	vld [tilespmem:s15+$0x30];
	v23 =	vmul.f32 $8.000000000e+00, v24  }
0x415: {  	s2 =	sadd.s32 $0x3, s7;
	v9 =	vand.u32 $0x7C, v9;
	v20 =	vmul.f32 $8.000000000e+00, v25;
	[tilespmem:v27+s31+$0x0] =	vst.idx.msk $0xffff, v15;
	v14 =	vld [tilespmem:s15+$0xFFFFFF30];
	v15 =	vadd.s32 v3, v6;
	v6 =	vmovc v21;
	s15 =	smov.u32 s16;
	s16 =	sadd.s32 $0x200, s16  }
0x416: {  	v22 =	vmov s2;
	v17 =	vadd.s32 v3, v7;
	v7 =	vmovc v26;
	s7 =	sadd.s32 $0x4, s7;
	v19 =	vld [tilespmem:s16+$0x80];
	v21 =	vmul.f32 $8.000000000e+00, v28;
	[tilespmem:v29+s31+$0x0] =	vst.idx.msk $0xffff, v23  }
0x417: {  	s2 =	sadd.s32 $0x1, s17;
	v22 =	vand.u32 $0x7F, v22;
	v28 =	vld [tilespmem:s16+$0xFFFFFF00]  }
0x418: {  	s7 =	sadd.s32 $0x2, s17;
	v24 =	vld [tilespmem:s16+$0xFFFFFF80];
	v23 =	vmov s2;
	v25 =	vadd.s32 v0, v22  }
0x419: {  	v27 =	vld [tilespmem:s16+$0x0];
	v51 =	vadd.s32 v0, v9;
	v26 =	vmov s7;
	v23 =	vand.u32 $0x7D, v23  }
0x41a: {  	v26 =	vand.u32 $0x7E, v26;
	v29 =	vadd.s32 v0, v23  }
0x41b: {  	[tilespmem:v18+s31+$0x0] =	vst.idx.msk $0xffff, v20;
	v30 =	vadd.s32 v0, v26;
	v19 =	vmul.f32 $8.000000000e+00, v19  }
0x41c: {  	[tilespmem:v16+s31+$0x0] =	vst.idx.msk $0xffff, v21;
	v54 =	vmul.f32 $8.000000000e+00, v28  }
0x41d: {  	v52 =	vmul.f32 $8.000000000e+00, v24;
	[tilespmem:v25+s31+$0x0] =	vst.idx.msk $0xffff, v19  }
0x41e: {  	v53 =	vmul.f32 $8.000000000e+00, v27;
	v55 =	vld [tilespmem:s16+$0x90];
	[tilespmem:v51+s31+$0x0] =	vst.idx.msk $0xffff, v54  }
0x41f: {  	v13 =	vmul.f32 $8.000000000e+00, v13;
	v8 =	vadd.s32 v3, v8;
	[tilespmem:v29+s31+$0x0] =	vst.idx.msk $0xffff, v52;
	v59 =	vld [tilespmem:s16+$0xFFFFFF10]  }
0x420: {  	v12 =	vmul.f32 $8.000000000e+00, v12;
	v57 =	vadd.s32 v1, v22;
	[tilespmem:v30+s31+$0x0] =	vst.idx.msk $0xffff, v53;
	v56 =	vld [tilespmem:s16+$0xFFFFFF90]  }
0x421: {  	[tilespmem:v10+s31+$0x0] =	vst.idx.msk $0xffff, v13;
	v58 =	vmul.f32 $8.000000000e+00, v11;
	v28 =	vadd.s32 v1, v9;
	v19 =	vld [tilespmem:s16+$0x10]  }
0x422: {  	v61 =	vld [tilespmem:s15+$0xA0];
	v60 =	vadd.s32 v1, v23;
	v14 =	vmul.f32 $8.000000000e+00, v14;
	[tilespmem:v15+s31+$0x0] =	vst.idx.msk $0xffff, v12  }
0x423: {  	v32 =	vld [tilespmem:s15+$0xFFFFFF20];
	v62 =	vadd.s32 v1, v26;
	[tilespmem:v17+s31+$0x0] =	vst.idx.msk $0xffff, v58;
	v16 =	vmul.f32 $8.000000000e+00, v55  }
0x424: {  	[tilespmem:v8+s31+$0x0] =	vst.idx.msk $0xffff, v14;
	v29 =	vadd.s32 v2, v5;
	v30 =	vld [tilespmem:s15+$0x20];
	v11 =	vmul.f32 $8.000000000e+00, v59  }
0x425: {  	v38 =	vadd.s32 v2, v4;
	v63 =	vld [tilespmem:s15+$0xFFFFFFA0];
	v31 =	vmul.f32 $8.000000000e+00, v56;
	[tilespmem:v57+s31+$0x0] =	vst.idx.msk $0xffff, v16  }
0x426: {  	v35 =	vadd.s32 v2, v7;
	v34 =	vmul.f32 $8.000000000e+00, v19;
	v36 =	vld [tilespmem:s16+$0xA0];
	[tilespmem:v28+s31+$0x0] =	vst.idx.msk $0xffff, v11  }
0x427: {  	v33 =	vadd.s32 v2, v6;
	v37 =	vmul.f32 $8.000000000e+00, v61;
	[tilespmem:v60+s31+$0x0] =	vst.idx.msk $0xffff, v31;
	v43 =	vld [tilespmem:s16+$0xFFFFFF20]  }
0x428: {  	v40 =	vadd.s32 v2, v22;
	v14 =	vmul.f32 $8.000000000e+00, v32;
	[tilespmem:v62+s31+$0x0] =	vst.idx.msk $0xffff, v34;
	v39 =	vld [tilespmem:s16+$0xFFFFFFA0]  }
0x429: {  	v48 =	vadd.s32 v2, v9;
	[tilespmem:v29+s31+$0x0] =	vst.idx.msk $0xffff, v37;
	v42 =	vmul.f32 $8.000000000e+00, v30;
	v41 =	vld [tilespmem:s16+$0x20]  }
0x42a: {  	v44 =	vadd.s32 v2, v23;
	v15 =	vmul.f32 $8.000000000e+00, v63;
	[tilespmem:v38+s31+$0x0] =	vst.idx.msk $0xffff, v14;
	v45 =	vld [tilespmem:s15+$0xB0]  }
0x42b: {  	v46 =	vadd.s32 v2, v26;
	v14 =	vld [tilespmem:s15+$0xFFFFFF30];
	[tilespmem:v35+s31+$0x0] =	vst.idx.msk $0xffff, v42;
	v47 =	vmul.f32 $8.000000000e+00, v36  }
0x42c: {  	v5 =	vadd.s32 v3, v5;
	[tilespmem:v33+s31+$0x0] =	vst.idx.msk $0xffff, v15;
	v49 =	vld [tilespmem:s15+$0x30];
	v53 =	vmul.f32 $8.000000000e+00, v43  }
0x42d: {  	v4 =	vadd.s32 v3, v4;
	v21 =	vld [tilespmem:s15+$0xFFFFFFB0];
	v12 =	vmul.f32 $8.000000000e+00, v39;
	[tilespmem:v40+s31+$0x0] =	vst.idx.msk $0xffff, v47  }
0x42e: {  	v52 =	vadd.s32 v3, v7;
	v51 =	vmul.f32 $8.000000000e+00, v41;
	v10 =	vld [tilespmem:s16+$0xB0];
	[tilespmem:v48+s31+$0x0] =	vst.idx.msk $0xffff, v53  }
0x42f: {  	v50 =	vadd.s32 v3, v6;
	v54 =	vmul.f32 $8.000000000e+00, v45;
	[tilespmem:v44+s31+$0x0] =	vst.idx.msk $0xffff, v12;
	v59 =	vld [tilespmem:s16+$0xFFFFFF30]  }
0x430: {  	v57 =	vadd.s32 v3, v22;
	v14 =	vmul.f32 $8.000000000e+00, v14;
	[tilespmem:v46+s31+$0x0] =	vst.idx.msk $0xffff, v51;
	v55 =	vld [tilespmem:s16+$0xFFFFFFB0]  }
0x431: {  	v62 =	vadd.s32 v3, v9;
	[tilespmem:v5+s31+$0x0] =	vst.idx.msk $0xffff, v54;
	v5 =	vmul.f32 $8.000000000e+00, v49;
	v58 =	vld [tilespmem:s16+$0x30]  }
0x432: {  	v56 =	vmul.f32 $8.000000000e+00, v21;
	v60 =	vadd.s32 v3, v23;
	[tilespmem:v4+s31+$0x0] =	vst.idx.msk $0xffff, v14  }
0x433: {  	v61 =	vadd.s32 v3, v26;
	[tilespmem:v52+s31+$0x0] =	vst.idx.msk $0xffff, v5;
	v5 =	vmul.f32 $8.000000000e+00, v10  }
0x434: {  	[tilespmem:v50+s31+$0x0] =	vst.idx.msk $0xffff, v56;
	v63 =	vmul.f32 $8.000000000e+00, v59  }
0x435: {  	v4 =	vmul.f32 $8.000000000e+00, v55;
	[tilespmem:v57+s31+$0x0] =	vst.idx.msk $0xffff, v5  }
0x436: {  	v5 =	vmul.f32 $8.000000000e+00, v58;
	[tilespmem:v62+s31+$0x0] =	vst.idx.msk $0xffff, v63  }
0x437: {  	[tilespmem:v60+s31+$0x0] =	vst.idx.msk $0xffff, v4  }
0x438: {  	s13 =	sadd.s32 s13, s11;
	s15 =	simm.s32 $0x1CA00;
	[tilespmem:v61+s31+$0x0] =	vst.idx.msk $0xffff, v5  }
0x439: {  	[hbm4b:s13+s3] =	stream.linear.scatter [tilespmem:s15], [sflag:$0x8], $0x80, $0x38;
	[tilespmem:$0x1EC00] =	vst v63  }
0x43a: {  	s7 =	sadd.s32 $0x10, s13;
	s16 =	simm.s32 $0x1CA88  }
0x43b: {  	[hbm4b:s7+s3] =	stream.linear.scatter [tilespmem:s16], [sflag:$0x8], $0x80, $0x38;
	[tilespmem:$0x1EC00] =	vst v63  }
0x43c: {  	s17 =	simm.s32 $0x1CB10;
	s22 =	sadd.s32 $0x20, s13;
	s2 =	sadd.s32 $0x70, s13  }
0x43d: {  	[hbm4b:s22+s3] =	stream.linear.scatter [tilespmem:s17], [sflag:$0x8], $0x80, $0x38;
	[tilespmem:$0x1EC00] =	vst v63  }
0x43e: {  	s15 =	simm.s32 $0x1CB98;
	s16 =	sadd.s32 $0x30, s13;
	s7 =	simm.s32 $0x440  }
0x43f: {  	[hbm4b:s16+s3] =	stream.linear.scatter [tilespmem:s15], [sflag:$0x8], $0x80, $0x38;
	[tilespmem:$0x1EC00] =	vst v63  }
0x440: {  	s17 =	simm.s32 $0x1CC20;
	s22 =	sadd.s32 $0x40, s13;
	s15 =	simm.s32 $0x1CCA8  }
0x441: {  	[hbm4b:s22+s3] =	stream.linear.scatter [tilespmem:s17], [sflag:$0x8], $0x80, $0x38;
	[tilespmem:$0x1EC00] =	vst v63  }
0x442: {  	s16 =	sadd.s32 $0x50, s13;
	s17 =	simm.s32 $0x1CD30;
	s22 =	sadd.s32 $0x60, s13  }
0x443: {  	[hbm4b:s16+s3] =	stream.linear.scatter [tilespmem:s15], [sflag:$0x8], $0x80, $0x38;
	[tilespmem:$0x1EC00] =	vst v63  }
0x444: {  	s13 =	sadd.s32 $0x1000, s13;
	s15 =	simm.s32 $0x2200;
	s16 =	simm.s32 $0x1CDB8  }
0x445: {  	[hbm4b:s22+s3] =	stream.linear.scatter [tilespmem:s17], [sflag:$0x8], $0x80, $0x38;
	[tilespmem:$0x1EC00] =	vst v63  }
.LBB2_33:
0x446: {  	[hbm4b:s2+s3] =	stream.linear.scatter [tilespmem:s16], [sflag:$0x8], $0x80, $0x38;
	[tilespmem:$0x1EC00] =	vst v63  }
0x447: {  	s2 =	smov.u32 s7;
	s7 =	smov.u32 s15  }
0x448: {  	s17 =	sadd.s32 $0x1100, s15;
	s7 =	sshra.s32 s7, $0x2;
	s16 =	sadd.s32 $0x1CA00, s2  }
0x449: {  	[hbm4b:s13+s3] =	stream.linear.scatter [tilespmem:s16], [sflag:$0x8], $0x80, $0x38;
	[tilespmem:$0x1EC00] =	vst v63  }
0x44a: {  	p0 =	sne.s32 s15, $0x7700;
	s15 =	sadd.s32 $0x1CA88, s2;
	s16 =	sadd.s32 $0x10, s13  }
0x44b: {  	[hbm4b:s16+s3] =	stream.linear.scatter [tilespmem:s15], [sflag:$0x8], $0x80, $0x38;
	[tilespmem:$0x1EC00] =	vst v63  }
0x44c: {  	s15 =	sadd.s32 $0x1CB10, s2;
	s16 =	sadd.s32 $0x20, s13  }
0x44d: {  	[hbm4b:s16+s3] =	stream.linear.scatter [tilespmem:s15], [sflag:$0x8], $0x80, $0x38;
	[tilespmem:$0x1EC00] =	vst v63  }
0x44e: {  	s15 =	sadd.s32 $0x1CB98, s2;
	s16 =	sadd.s32 $0x30, s13  }
0x44f: {  	[hbm4b:s16+s3] =	stream.linear.scatter [tilespmem:s15], [sflag:$0x8], $0x80, $0x38;
	[tilespmem:$0x1EC00] =	vst v63  }
0x450: {  	s15 =	sadd.s32 $0x1CC20, s2;
	s16 =	sadd.s32 $0x40, s13  }
0x451: {  	[hbm4b:s16+s3] =	stream.linear.scatter [tilespmem:s15], [sflag:$0x8], $0x80, $0x38;
	[tilespmem:$0x1EC00] =	vst v63  }
0x452: {  	s15 =	sadd.s32 $0x1CCA8, s2;
	s16 =	sadd.s32 $0x50, s13  }
0x453: {  	[hbm4b:s16+s3] =	stream.linear.scatter [tilespmem:s15], [sflag:$0x8], $0x80, $0x38;
	[tilespmem:$0x1EC00] =	vst v63  }
.Ltmp15:
0x454: {  	_ = 	snop;
	(pc) =	sbr.rel @p0 .LBB2_33-.Ltmp15, $4  }
0x455: {  	s15 =	sadd.s32 $0x1CD30, s2;
	s16 =	sadd.s32 $0x60, s13  }
0x456: {  	[hbm4b:s16+s3] =	stream.linear.scatter [tilespmem:s15], [sflag:$0x8], $0x80, $0x38;
	[tilespmem:$0x1EC00] =	vst v63  }
0x457: {  	s16 =	sadd.s32 $0x1CDB8, s2  }
0x458: {  	s2 =	sadd.s32 $0x70, s13;
	s13 =	sadd.s32 $0x1000, s13;
	s15 =	smov.u32 s17  }
0x459: {  	[hbm4b:s2+s3] =	stream.linear.scatter [tilespmem:s16], [sflag:$0x8], $0x80, $0x38;
	[tilespmem:$0x1EC00] =	vst v63  }
0x45a: {  	s15 =	sadd.s32 $0x1CA00, s7  }
0x45b: {  	[hbm4b:s13+s3] =	stream.linear.scatter [tilespmem:s15], [sflag:$0x8], $0x80, $0x38;
	[tilespmem:$0x1EC00] =	vst v63  }
0x45c: {  	s16 =	sadd.s32 $0x1CA88, s7;
	s15 =	sadd.s32 $0x10, s13  }
0x45d: {  	[hbm4b:s15+s3] =	stream.linear.scatter [tilespmem:s16], [sflag:$0x8], $0x80, $0x38;
	[tilespmem:$0x1EC00] =	vst v63  }
0x45e: {  	s17 =	sadd.s32 $0x1CB10, s7;
	s22 =	sadd.s32 $0x20, s13  }
0x45f: {  	[hbm4b:s22+s3] =	stream.linear.scatter [tilespmem:s17], [sflag:$0x8], $0x80, $0x38;
	[tilespmem:$0x1EC00] =	vst v63  }
0x460: {  	s15 =	sadd.s32 $0x1CB98, s7;
	s16 =	sadd.s32 $0x30, s13  }
0x461: {  	[hbm4b:s16+s3] =	stream.linear.scatter [tilespmem:s15], [sflag:$0x8], $0x80, $0x38;
	[tilespmem:$0x1EC00] =	vst v63  }
0x462: {  	s17 =	sadd.s32 $0x1CC20, s7;
	s22 =	sadd.s32 $0x40, s13  }
0x463: {  	[hbm4b:s22+s3] =	stream.linear.scatter [tilespmem:s17], [sflag:$0x8], $0x80, $0x38;
	[tilespmem:$0x1EC00] =	vst v63  }
0x464: {  	s12 =	sadd.s32 $0x1, s12;
	s15 =	sadd.s32 $0x1CCA8, s7;
	s16 =	sadd.s32 $0x50, s13  }
0x465: {  	[hbm4b:s16+s3] =	stream.linear.scatter [tilespmem:s15], [sflag:$0x8], $0x80, $0x38;
	[tilespmem:$0x1EC00] =	vst v63  }
0x466: {  	p0 =	sne.s32 s12, $0x31;
	s17 =	sadd.s32 $0x1CD30, s7;
	s22 =	sadd.s32 $0x60, s13  }
0x467: {  	[hbm4b:s22+s3] =	stream.linear.scatter [tilespmem:s17], [sflag:$0x8], $0x80, $0x38;
	[tilespmem:$0x1EC00] =	vst v63  }
.Ltmp16:
0x468: {  	_ = 	snop;
	(pc) =	sbr.rel @p0 .LBB2_18-.Ltmp16, $4  }
0x469: {  	s16 =	sadd.s32 $0x1CDB8, s7;
	s17 =	sadd.s32 $0x70, s13  }
0x46a: {  	[hbm4b:s17+s3] =	stream.linear.scatter [tilespmem:s16], [sflag:$0x8], $0x80, $0x38;
	[tilespmem:$0x1EC00] =	vst v63  }
0x46b: {  	s22 =	sadd.s32 $0x380, s14  }
0x46c: {  	[tilespmem:s28], [sflag:$0x4] =	stream.indirect.gather [hbm4b:s4+s19], $0x80, s22, s19, $0xb8;
	[tilespmem:$0x1EC00] =	vst v63  }
0x46d: {  	_ =	swait.ge [sflag:s29], $0x4000  }
0x46e: {  	[sflag:s29] =	ssyncset.done $0x0  }
0x46f: {  	[sflag:s29] =	ssyncadd.s32 $0xFFFFC000  }
0x470: {  	_ =	swait.ge [sflag:s6], $0x2000  }
0x471: {  	[sflag:s6] =	ssyncset.done $0x0  }
0x472: {  	s7 =	simm.s32 $0x6500;
	s2 =	simm.s32 $0x3;
	[sflag:s6] =	ssyncadd.s32 $0xFFFFE000  }
0x473: {  	v4 =	vmov s2;
	v5 =	vld [tilespmem:s7+$0x80]  }
0x474: {  	v9 =	vand.u32 $0x7F, v4  }
0x475: {  	s13 =	simm.s32 $0x0;
	v4 =	vadd.s32 v0, v9  }
0x476: {  	s14 =	simm.s32 $0x1;
	s12 =	simm.s32 $0x2;
	v6 =	vmov s13;
	v7 =	vld [tilespmem:s7+$0xFFFFFF00]  }
0x477: {  	v11 =	vmov s12;
	v8 =	vand.u32 $0x7C, v6;
	v6 =	vmov s14;
	v10 =	vld [tilespmem:s7+$0xFFFFFF80]  }
0x478: {  	v12 =	vadd.s32 v0, v8;
	v15 =	vand.u32 $0x7D, v6;
	v6 =	vld [tilespmem:s7+$0x0];
	v5 =	vmul.f32 $8.000000000e+00, v5  }
0x479: {  	v17 =	vand.u32 $0x7E, v11;
	v13 =	vadd.s32 v0, v15  }
0x47a: {  	v11 =	vadd.s32 v0, v17;
	[tilespmem:v4+s30+$0x0] =	vst.idx.msk $0xffff, v5  }
0x47b: {  	v4 =	vmul.f32 $8.000000000e+00, v7;
	v5 =	vld [tilespmem:s7+$0x90]  }
0x47c: {  	v7 =	vmul.f32 $8.000000000e+00, v10  }
0x47d: {  	[tilespmem:v12+s30+$0x0] =	vst.idx.msk $0xffff, v4;
	v4 =	vmul.f32 $8.000000000e+00, v6;
	v6 =	vadd.s32 v1, v9  }
0x47e: {  	[tilespmem:v13+s30+$0x0] =	vst.idx.msk $0xffff, v7;
	v10 =	vld [tilespmem:s7+$0xFFFFFF10]  }
0x47f: {  	v7 =	vld [tilespmem:s7+$0xFFFFFF90];
	[tilespmem:v11+s30+$0x0] =	vst.idx.msk $0xffff, v4  }
0x480: {  	v11 =	vld [tilespmem:s7+$0x10];
	v4 =	vmul.f32 $8.000000000e+00, v5  }
0x481: {  	s15 =	simm.s32 $0x4;
	s13 =	simm.s32 $0x7;
	s12 =	simm.s32 $0x6700;
	v12 =	vadd.s32 v1, v15  }
0x482: {  	v14 =	vld [tilespmem:s12+$0x80];
	v13 =	vadd.s32 v1, v17;
	v5 =	vmov s15;
	[tilespmem:v6+s30+$0x0] =	vst.idx.msk $0xffff, v4;
	v6 =	vmov s13  }
0x483: {  	v16 =	vadd.s32 v1, v8;
	v4 =	vand.u32 $0x7C, v5;
	v5 =	vand.u32 $0x7F, v6;
	v18 =	vld [tilespmem:s7+$0xA0]  }
0x484: {  	s16 =	simm.s32 $0x5;
	v22 =	vadd.s32 v2, v9;
	v19 =	vld [tilespmem:s12+$0xFFFFFF00];
	v6 =	vmul.f32 $8.000000000e+00, v7;
	v20 =	vadd.s32 v0, v5  }
0x485: {  	s17 =	simm.s32 $0x6;
	v21 =	vld [tilespmem:s12+$0xFFFFFF80];
	v10 =	vmul.f32 $8.000000000e+00, v10;
	v7 =	vmul.f32 $8.000000000e+00, v11;
	v11 =	vmov s16  }
0x486: {  	v23 =	vadd.s32 v0, v4;
	[tilespmem:v12+s30+$0x0] =	vst.idx.msk $0xffff, v6;
	v12 =	vmov s17;
	v6 =	vand.u32 $0x7D, v11;
	v11 =	vld [tilespmem:s12+$0x0]  }
0x487: {  	[tilespmem:v13+s30+$0x0] =	vst.idx.msk $0xffff, v7;
	v13 =	vadd.s32 v0, v6;
	v7 =	vand.u32 $0x7E, v12;
	v12 =	vmul.f32 $8.000000000e+00, v14;
	v14 =	vld [tilespmem:s7+$0xFFFFFFA0]  }
0x488: {  	[tilespmem:v16+s30+$0x0] =	vst.idx.msk $0xffff, v10;
	v10 =	vadd.s32 v0, v7;
	v16 =	vld [tilespmem:s7+$0x20];
	v18 =	vmul.f32 $8.000000000e+00, v18  }
0x489: {  	v19 =	vmul.f32 $8.000000000e+00, v19;
	[tilespmem:v20+s30+$0x0] =	vst.idx.msk $0xffff, v12;
	v12 =	vld [tilespmem:s7+$0xFFFFFF20];
	v20 =	vadd.s32 v2, v15  }
0x48a: {  	v25 =	vadd.s32 v2, v17;
	v21 =	vmul.f32 $8.000000000e+00, v21;
	v24 =	vld [tilespmem:s12+$0x90];
	[tilespmem:v22+s30+$0x0] =	vst.idx.msk $0xffff, v18  }
0x48b: {  	[tilespmem:v23+s30+$0x0] =	vst.idx.msk $0xffff, v19;
	v19 =	vadd.s32 v2, v8;
	v11 =	vmul.f32 $8.000000000e+00, v11;
	v22 =	vld [tilespmem:s7+$0xB0]  }
0x48c: {  	v23 =	vld [tilespmem:s12+$0xFFFFFF10];
	[tilespmem:v13+s30+$0x0] =	vst.idx.msk $0xffff, v21;
	v21 =	vadd.s32 v1, v5;
	v14 =	vmul.f32 $8.000000000e+00, v14  }
0x48d: {  	v27 =	vadd.s32 v3, v9;
	v26 =	vld [tilespmem:s12+$0xFFFFFF90];
	[tilespmem:v10+s30+$0x0] =	vst.idx.msk $0xffff, v11;
	v10 =	vmul.f32 $8.000000000e+00, v16  }
0x48e: {  	v18 =	vadd.s32 v1, v4;
	v13 =	vld [tilespmem:s12+$0x10];
	v9 =	vmul.f32 $8.000000000e+00, v12;
	[tilespmem:v20+s30+$0x0] =	vst.idx.msk $0xffff, v14  }
0x48f: {  	s14 =	simm.s32 $0x8;
	v16 =	vadd.s32 v1, v6;
	[tilespmem:v25+s30+$0x0] =	vst.idx.msk $0xffff, v10;
	v14 =	vmul.f32 $8.000000000e+00, v24;
	v12 =	vld [tilespmem:s7+$0xFFFFFFB0]  }
0x490: {  	v20 =	vmov s14;
	v10 =	vadd.s32 v1, v7;
	v11 =	vld [tilespmem:s7+$0x30];
	[tilespmem:v19+s30+$0x0] =	vst.idx.msk $0xffff, v9;
	v63 =	vmul.f32 $8.000000000e+00, v22  }
0x491: {  	s22 =	simm.s32 $0xB;
	s13 =	simm.s32 $0x6900;
	v15 =	vadd.s32 v3, v15;
	v9 =	vand.u32 $0x7C, v20;
	v20 =	vmul.f32 $8.000000000e+00, v23;
	[tilespmem:v21+s30+$0x0] =	vst.idx.msk $0xffff, v14;
	v14 =	vld [tilespmem:s7+$0xFFFFFF30]  }
0x492: {  	v17 =	vadd.s32 v3, v17;
	v22 =	vmov s22;
	v19 =	vld [tilespmem:s13+$0x80];
	s7 =	simm.s32 $0xC;
	v21 =	vmul.f32 $8.000000000e+00, v26;
	[tilespmem:v27+s30+$0x0] =	vst.idx.msk $0xffff, v63  }
.LBB2_36:
0x493: {  	p0 =	slt.u32 s7, $0x7C;
	s2 =	sadd.s32 $0x1, s14;
	v22 =	vand.u32 $0x7F, v22;
	[tilespmem:v18+s30+$0x0] =	vst.idx.msk $0xffff, v20;
	v13 =	vmul.f32 $8.000000000e+00, v13;
	v18 =	vld [tilespmem:s12+$0xA0];
	v20 =	vadd.s32 v3, v8;
	v8 =	vmovc v4  }
0x494: {  	v4 =	vmovc v9;
	v23 =	vld [tilespmem:s13+$0xFFFFFF00];
	v24 =	vmov s2;
	s2 =	sadd.s32 $0x2, s14;
	v25 =	vadd.s32 v0, v22;
	[tilespmem:v16+s30+$0x0] =	vst.idx.msk $0xffff, v21;
	v12 =	vmul.f32 $8.000000000e+00, v12;
	s14 =	smov.u32 s7  }
0x495: {  	v9 =	vld [tilespmem:s13+$0xFFFFFF80];
	v16 =	vmov s2;
	[tilespmem:v10+s30+$0x0] =	vst.idx.msk $0xffff, v13;
	v10 =	vadd.s32 v2, v5;
	v11 =	vmul.f32 $8.000000000e+00, v11  }
0x496: {  	v13 =	vadd.s32 v0, v4;
	v21 =	vand.u32 $0x7D, v24;
	v24 =	vld [tilespmem:s13+$0x0];
	v14 =	vmul.f32 $8.000000000e+00, v14;
	[tilespmem:v15+s30+$0x0] =	vst.idx.msk $0xffff, v12  }
0x497: {  	v12 =	vadd.s32 v0, v21;
	v26 =	vand.u32 $0x7E, v16;
	v15 =	vmul.f32 $8.000000000e+00, v19;
	v16 =	vld [tilespmem:s12+$0xFFFFFFA0];
	[tilespmem:v17+s30+$0x0] =	vst.idx.msk $0xffff, v11  }
0x498: {  	v11 =	vadd.s32 v0, v26;
	v17 =	vld [tilespmem:s12+$0x20];
	v18 =	vmul.f32 $8.000000000e+00, v18;
	[tilespmem:v20+s30+$0x0] =	vst.idx.msk $0xffff, v14  }
0x499: {  	v19 =	vadd.s32 v2, v6;
	v14 =	vmul.f32 $8.000000000e+00, v23;
	[tilespmem:v25+s30+$0x0] =	vst.idx.msk $0xffff, v15;
	v15 =	vld [tilespmem:s12+$0xFFFFFF20]  }
0x49a: {  	v23 =	vadd.s32 v2, v7;
	v9 =	vmul.f32 $8.000000000e+00, v9;
	v20 =	vld [tilespmem:s13+$0x90];
	[tilespmem:v10+s30+$0x0] =	vst.idx.msk $0xffff, v18  }
0x49b: {  	[tilespmem:v13+s30+$0x0] =	vst.idx.msk $0xffff, v14;
	v10 =	vmul.f32 $8.000000000e+00, v24;
	v14 =	vadd.s32 v2, v8;
	v24 =	vld [tilespmem:s12+$0xB0]  }
0x49c: {  	v27 =	vadd.s32 v1, v22;
	v25 =	vld [tilespmem:s13+$0xFFFFFF10];
	[tilespmem:v12+s30+$0x0] =	vst.idx.msk $0xffff, v9;
	v9 =	vmul.f32 $8.000000000e+00, v16  }
0x49d: {  	v29 =	vadd.s32 v3, v5;
	v5 =	vmov v22;
	v28 =	vld [tilespmem:s13+$0xFFFFFF90];
	[tilespmem:v11+s30+$0x0] =	vst.idx.msk $0xffff, v10;
	v10 =	vmul.f32 $8.000000000e+00, v17  }
.Ltmp17:
0x49e: {  	v18 =	vadd.s32 v1, v4;
	v13 =	vld [tilespmem:s13+$0x10];
	v11 =	vmul.f32 $8.000000000e+00, v15;
	[tilespmem:v19+s30+$0x0] =	vst.idx.msk $0xffff, v9;
	(pc) =	sbr.rel @p0 .LBB2_36-.Ltmp17, $4  }
0x49f: {  	v16 =	vadd.s32 v1, v21;
	v15 =	vmul.f32 $8.000000000e+00, v20;
	v12 =	vld [tilespmem:s12+$0xFFFFFFB0];
	[tilespmem:v23+s30+$0x0] =	vst.idx.msk $0xffff, v10  }
0x4a0: {  	v9 =	vmov s7;
	v10 =	vadd.s32 v1, v26;
	[tilespmem:v14+s30+$0x0] =	vst.idx.msk $0xffff, v11;
	v11 =	vld [tilespmem:s12+$0x30];
	v23 =	vmul.f32 $8.000000000e+00, v24  }
0x4a1: {  	s2 =	sadd.s32 $0x3, s7;
	v9 =	vand.u32 $0x7C, v9;
	v20 =	vmul.f32 $8.000000000e+00, v25;
	[tilespmem:v27+s30+$0x0] =	vst.idx.msk $0xffff, v15;
	v14 =	vld [tilespmem:s12+$0xFFFFFF30];
	v15 =	vadd.s32 v3, v6;
	v6 =	vmovc v21;
	s12 =	smov.u32 s13;
	s13 =	sadd.s32 $0x200, s13  }
0x4a2: {  	v22 =	vmov s2;
	v17 =	vadd.s32 v3, v7;
	v7 =	vmovc v26;
	s7 =	sadd.s32 $0x4, s7;
	v19 =	vld [tilespmem:s13+$0x80];
	v21 =	vmul.f32 $8.000000000e+00, v28;
	[tilespmem:v29+s30+$0x0] =	vst.idx.msk $0xffff, v23  }
0x4a3: {  	s2 =	sadd.s32 $0x1, s14;
	v22 =	vand.u32 $0x7F, v22;
	v28 =	vld [tilespmem:s13+$0xFFFFFF00]  }
0x4a4: {  	s7 =	sadd.s32 $0x2, s14;
	v24 =	vld [tilespmem:s13+$0xFFFFFF80];
	v23 =	vmov s2;
	v25 =	vadd.s32 v0, v22  }
0x4a5: {  	v27 =	vld [tilespmem:s13+$0x0];
	v51 =	vadd.s32 v0, v9;
	v26 =	vmov s7;
	v23 =	vand.u32 $0x7D, v23  }
0x4a6: {  	v26 =	vand.u32 $0x7E, v26;
	v29 =	vadd.s32 v0, v23  }
0x4a7: {  	[tilespmem:v18+s30+$0x0] =	vst.idx.msk $0xffff, v20;
	v30 =	vadd.s32 v0, v26;
	v19 =	vmul.f32 $8.000000000e+00, v19  }
0x4a8: {  	[tilespmem:v16+s30+$0x0] =	vst.idx.msk $0xffff, v21;
	v54 =	vmul.f32 $8.000000000e+00, v28  }
0x4a9: {  	v52 =	vmul.f32 $8.000000000e+00, v24;
	[tilespmem:v25+s30+$0x0] =	vst.idx.msk $0xffff, v19  }
0x4aa: {  	v53 =	vmul.f32 $8.000000000e+00, v27;
	v55 =	vld [tilespmem:s13+$0x90];
	[tilespmem:v51+s30+$0x0] =	vst.idx.msk $0xffff, v54  }
0x4ab: {  	v13 =	vmul.f32 $8.000000000e+00, v13;
	v8 =	vadd.s32 v3, v8;
	[tilespmem:v29+s30+$0x0] =	vst.idx.msk $0xffff, v52;
	v59 =	vld [tilespmem:s13+$0xFFFFFF10]  }
0x4ac: {  	v12 =	vmul.f32 $8.000000000e+00, v12;
	v57 =	vadd.s32 v1, v22;
	[tilespmem:v30+s30+$0x0] =	vst.idx.msk $0xffff, v53;
	v56 =	vld [tilespmem:s13+$0xFFFFFF90]  }
0x4ad: {  	[tilespmem:v10+s30+$0x0] =	vst.idx.msk $0xffff, v13;
	v58 =	vmul.f32 $8.000000000e+00, v11;
	v28 =	vadd.s32 v1, v9;
	v19 =	vld [tilespmem:s13+$0x10]  }
0x4ae: {  	v61 =	vld [tilespmem:s12+$0xA0];
	v60 =	vadd.s32 v1, v23;
	v14 =	vmul.f32 $8.000000000e+00, v14;
	[tilespmem:v15+s30+$0x0] =	vst.idx.msk $0xffff, v12  }
0x4af: {  	v32 =	vld [tilespmem:s12+$0xFFFFFF20];
	v62 =	vadd.s32 v1, v26;
	[tilespmem:v17+s30+$0x0] =	vst.idx.msk $0xffff, v58;
	v16 =	vmul.f32 $8.000000000e+00, v55  }
0x4b0: {  	[tilespmem:v8+s30+$0x0] =	vst.idx.msk $0xffff, v14;
	v29 =	vadd.s32 v2, v5;
	v30 =	vld [tilespmem:s12+$0x20];
	v11 =	vmul.f32 $8.000000000e+00, v59  }
0x4b1: {  	v38 =	vadd.s32 v2, v4;
	v63 =	vld [tilespmem:s12+$0xFFFFFFA0];
	v31 =	vmul.f32 $8.000000000e+00, v56;
	[tilespmem:v57+s30+$0x0] =	vst.idx.msk $0xffff, v16  }
0x4b2: {  	v35 =	vadd.s32 v2, v7;
	v34 =	vmul.f32 $8.000000000e+00, v19;
	v36 =	vld [tilespmem:s13+$0xA0];
	[tilespmem:v28+s30+$0x0] =	vst.idx.msk $0xffff, v11  }
0x4b3: {  	v33 =	vadd.s32 v2, v6;
	v37 =	vmul.f32 $8.000000000e+00, v61;
	[tilespmem:v60+s30+$0x0] =	vst.idx.msk $0xffff, v31;
	v43 =	vld [tilespmem:s13+$0xFFFFFF20]  }
0x4b4: {  	v40 =	vadd.s32 v2, v22;
	v14 =	vmul.f32 $8.000000000e+00, v32;
	[tilespmem:v62+s30+$0x0] =	vst.idx.msk $0xffff, v34;
	v39 =	vld [tilespmem:s13+$0xFFFFFFA0]  }
0x4b5: {  	v48 =	vadd.s32 v2, v9;
	[tilespmem:v29+s30+$0x0] =	vst.idx.msk $0xffff, v37;
	v42 =	vmul.f32 $8.000000000e+00, v30;
	v41 =	vld [tilespmem:s13+$0x20]  }
0x4b6: {  	v44 =	vadd.s32 v2, v23;
	v15 =	vmul.f32 $8.000000000e+00, v63;
	[tilespmem:v38+s30+$0x0] =	vst.idx.msk $0xffff, v14;
	v45 =	vld [tilespmem:s12+$0xB0]  }
0x4b7: {  	v46 =	vadd.s32 v2, v26;
	v14 =	vld [tilespmem:s12+$0xFFFFFF30];
	[tilespmem:v35+s30+$0x0] =	vst.idx.msk $0xffff, v42;
	v47 =	vmul.f32 $8.000000000e+00, v36  }
0x4b8: {  	v5 =	vadd.s32 v3, v5;
	[tilespmem:v33+s30+$0x0] =	vst.idx.msk $0xffff, v15;
	v49 =	vld [tilespmem:s12+$0x30];
	v53 =	vmul.f32 $8.000000000e+00, v43  }
0x4b9: {  	v4 =	vadd.s32 v3, v4;
	v21 =	vld [tilespmem:s12+$0xFFFFFFB0];
	v12 =	vmul.f32 $8.000000000e+00, v39;
	[tilespmem:v40+s30+$0x0] =	vst.idx.msk $0xffff, v47  }
0x4ba: {  	v52 =	vadd.s32 v3, v7;
	v51 =	vmul.f32 $8.000000000e+00, v41;
	v10 =	vld [tilespmem:s13+$0xB0];
	[tilespmem:v48+s30+$0x0] =	vst.idx.msk $0xffff, v53  }
0x4bb: {  	v50 =	vadd.s32 v3, v6;
	v54 =	vmul.f32 $8.000000000e+00, v45;
	[tilespmem:v44+s30+$0x0] =	vst.idx.msk $0xffff, v12;
	v59 =	vld [tilespmem:s13+$0xFFFFFF30]  }
0x4bc: {  	v57 =	vadd.s32 v3, v22;
	v14 =	vmul.f32 $8.000000000e+00, v14;
	[tilespmem:v46+s30+$0x0] =	vst.idx.msk $0xffff, v51;
	v55 =	vld [tilespmem:s13+$0xFFFFFFB0]  }
0x4bd: {  	v62 =	vadd.s32 v3, v9;
	[tilespmem:v5+s30+$0x0] =	vst.idx.msk $0xffff, v54;
	v5 =	vmul.f32 $8.000000000e+00, v49;
	v58 =	vld [tilespmem:s13+$0x30]  }
0x4be: {  	v56 =	vmul.f32 $8.000000000e+00, v21;
	v60 =	vadd.s32 v3, v23;
	[tilespmem:v4+s30+$0x0] =	vst.idx.msk $0xffff, v14  }
0x4bf: {  	v61 =	vadd.s32 v3, v26;
	[tilespmem:v52+s30+$0x0] =	vst.idx.msk $0xffff, v5;
	v5 =	vmul.f32 $8.000000000e+00, v10  }
0x4c0: {  	[tilespmem:v50+s30+$0x0] =	vst.idx.msk $0xffff, v56;
	v63 =	vmul.f32 $8.000000000e+00, v59  }
0x4c1: {  	v4 =	vmul.f32 $8.000000000e+00, v55;
	[tilespmem:v57+s30+$0x0] =	vst.idx.msk $0xffff, v5  }
0x4c2: {  	v5 =	vmul.f32 $8.000000000e+00, v58;
	[tilespmem:v62+s30+$0x0] =	vst.idx.msk $0xffff, v63  }
0x4c3: {  	[tilespmem:v60+s30+$0x0] =	vst.idx.msk $0xffff, v4  }
0x4c4: {  	[tilespmem:v61+s30+$0x0] =	vst.idx.msk $0xffff, v5  }
0x4c5: {  	s13 =	simm.s32 $0x16400;
	s12 =	rddreg [dreg:$0x8]  }
0x4c6: {  	[hbm4b:s12+s3] =	stream.linear.scatter [tilespmem:s13], [sflag:$0x5], $0x80, $0x38;
	[tilespmem:$0x1EC00] =	vst v63  }
0x4c7: {  	s14 =	simm.s32 $0x16488;
	s7 =	sadd.s32 $0x10, s12  }
0x4c8: {  	[hbm4b:s7+s3] =	stream.linear.scatter [tilespmem:s14], [sflag:$0x5], $0x80, $0x38;
	[tilespmem:$0x1EC00] =	vst v63  }
0x4c9: {  	s15 =	simm.s32 $0x16510;
	s17 =	simm.s32 $0x16598;
	s16 =	sadd.s32 $0x20, s12  }
0x4ca: {  	[hbm4b:s16+s3] =	stream.linear.scatter [tilespmem:s15], [sflag:$0x5], $0x80, $0x38;
	[tilespmem:$0x1EC00] =	vst v63  }
0x4cb: {  	s22 =	sadd.s32 $0x30, s12;
	s13 =	simm.s32 $0x16620;
	s2 =	sadd.s32 $0x70, s12  }
0x4cc: {  	[hbm4b:s22+s3] =	stream.linear.scatter [tilespmem:s17], [sflag:$0x5], $0x80, $0x38;
	[tilespmem:$0x1EC00] =	vst v63  }
0x4cd: {  	s14 =	sadd.s32 $0x40, s12;
	s7 =	simm.s32 $0x440;
	s15 =	simm.s32 $0x166A8  }
0x4ce: {  	[hbm4b:s14+s3] =	stream.linear.scatter [tilespmem:s13], [sflag:$0x5], $0x80, $0x38;
	[tilespmem:$0x1EC00] =	vst v63  }
0x4cf: {  	s16 =	sadd.s32 $0x50, s12;
	s17 =	simm.s32 $0x16730;
	s22 =	sadd.s32 $0x60, s12  }
0x4d0: {  	[hbm4b:s16+s3] =	stream.linear.scatter [tilespmem:s15], [sflag:$0x5], $0x80, $0x38;
	[tilespmem:$0x1EC00] =	vst v63  }
0x4d1: {  	s12 =	sadd.s32 $0x1000, s12;
	s13 =	simm.s32 $0x2200;
	s14 =	simm.s32 $0x167B8  }
0x4d2: {  	[hbm4b:s22+s3] =	stream.linear.scatter [tilespmem:s17], [sflag:$0x5], $0x80, $0x38;
	[tilespmem:$0x1EC00] =	vst v63  }
.LBB2_38:
0x4d3: {  	[hbm4b:s2+s3] =	stream.linear.scatter [tilespmem:s14], [sflag:$0x5], $0x80, $0x38;
	[tilespmem:$0x1EC00] =	vst v63  }
0x4d4: {  	s2 =	smov.u32 s7;
	s7 =	smov.u32 s13  }
0x4d5: {  	s15 =	sadd.s32 $0x1100, s13;
	s7 =	sshra.s32 s7, $0x2;
	s14 =	sadd.s32 $0x16400, s2  }
0x4d6: {  	[hbm4b:s12+s3] =	stream.linear.scatter [tilespmem:s14], [sflag:$0x5], $0x80, $0x38;
	[tilespmem:$0x1EC00] =	vst v63  }
0x4d7: {  	p0 =	sne.s32 s13, $0x7700;
	s13 =	sadd.s32 $0x16488, s2;
	s14 =	sadd.s32 $0x10, s12  }
0x4d8: {  	[hbm4b:s14+s3] =	stream.linear.scatter [tilespmem:s13], [sflag:$0x5], $0x80, $0x38;
	[tilespmem:$0x1EC00] =	vst v63  }
0x4d9: {  	s13 =	sadd.s32 $0x16510, s2;
	s14 =	sadd.s32 $0x20, s12  }
0x4da: {  	[hbm4b:s14+s3] =	stream.linear.scatter [tilespmem:s13], [sflag:$0x5], $0x80, $0x38;
	[tilespmem:$0x1EC00] =	vst v63  }
0x4db: {  	s13 =	sadd.s32 $0x16598, s2;
	s14 =	sadd.s32 $0x30, s12  }
0x4dc: {  	[hbm4b:s14+s3] =	stream.linear.scatter [tilespmem:s13], [sflag:$0x5], $0x80, $0x38;
	[tilespmem:$0x1EC00] =	vst v63  }
0x4dd: {  	s13 =	sadd.s32 $0x16620, s2;
	s14 =	sadd.s32 $0x40, s12  }
0x4de: {  	[hbm4b:s14+s3] =	stream.linear.scatter [tilespmem:s13], [sflag:$0x5], $0x80, $0x38;
	[tilespmem:$0x1EC00] =	vst v63  }
0x4df: {  	s13 =	sadd.s32 $0x166A8, s2;
	s14 =	sadd.s32 $0x50, s12  }
0x4e0: {  	[hbm4b:s14+s3] =	stream.linear.scatter [tilespmem:s13], [sflag:$0x5], $0x80, $0x38;
	[tilespmem:$0x1EC00] =	vst v63  }
.Ltmp18:
0x4e1: {  	_ = 	snop;
	(pc) =	sbr.rel @p0 .LBB2_38-.Ltmp18, $4  }
0x4e2: {  	s13 =	sadd.s32 $0x16730, s2;
	s14 =	sadd.s32 $0x60, s12  }
0x4e3: {  	[hbm4b:s14+s3] =	stream.linear.scatter [tilespmem:s13], [sflag:$0x5], $0x80, $0x38;
	[tilespmem:$0x1EC00] =	vst v63  }
0x4e4: {  	s14 =	sadd.s32 $0x167B8, s2  }
0x4e5: {  	s2 =	sadd.s32 $0x70, s12;
	s12 =	sadd.s32 $0x1000, s12;
	s13 =	smov.u32 s15  }
0x4e6: {  	[hbm4b:s2+s3] =	stream.linear.scatter [tilespmem:s14], [sflag:$0x5], $0x80, $0x38;
	[tilespmem:$0x1EC00] =	vst v63  }
0x4e7: {  	s15 =	sadd.s32 $0x16400, s7  }
0x4e8: {  	[hbm4b:s12+s3] =	stream.linear.scatter [tilespmem:s15], [sflag:$0x5], $0x80, $0x38;
	[tilespmem:$0x1EC00] =	vst v63  }
0x4e9: {  	s16 =	sadd.s32 $0x16488, s7;
	s13 =	sadd.s32 $0x10, s12  }
0x4ea: {  	[hbm4b:s13+s3] =	stream.linear.scatter [tilespmem:s16], [sflag:$0x5], $0x80, $0x38;
	[tilespmem:$0x1EC00] =	vst v63  }
0x4eb: {  	s17 =	sadd.s32 $0x16510, s7;
	s22 =	sadd.s32 $0x20, s12  }
0x4ec: {  	[hbm4b:s22+s3] =	stream.linear.scatter [tilespmem:s17], [sflag:$0x5], $0x80, $0x38;
	[tilespmem:$0x1EC00] =	vst v63  }
0x4ed: {  	s14 =	sadd.s32 $0x30, s12;
	s13 =	sadd.s32 $0x16598, s7  }
0x4ee: {  	[hbm4b:s14+s3] =	stream.linear.scatter [tilespmem:s13], [sflag:$0x5], $0x80, $0x38;
	[tilespmem:$0x1EC00] =	vst v63  }
0x4ef: {  	s15 =	sadd.s32 $0x16620, s7;
	s16 =	sadd.s32 $0x40, s12  }
0x4f0: {  	[hbm4b:s16+s3] =	stream.linear.scatter [tilespmem:s15], [sflag:$0x5], $0x80, $0x38;
	[tilespmem:$0x1EC00] =	vst v63  }
0x4f1: {  	s17 =	sadd.s32 $0x166A8, s7;
	s22 =	sadd.s32 $0x50, s12  }
0x4f2: {  	[hbm4b:s22+s3] =	stream.linear.scatter [tilespmem:s17], [sflag:$0x5], $0x80, $0x38;
	[tilespmem:$0x1EC00] =	vst v63  }
0x4f3: {  	s13 =	sadd.s32 $0x16730, s7;
	s14 =	sadd.s32 $0x60, s12  }
0x4f4: {  	[hbm4b:s14+s3] =	stream.linear.scatter [tilespmem:s13], [sflag:$0x5], $0x80, $0x38;
	[tilespmem:$0x1EC00] =	vst v63  }
0x4f5: {  	s15 =	sadd.s32 $0x167B8, s7;
	s16 =	sadd.s32 $0x70, s12  }
0x4f6: {  	[hbm4b:s16+s3] =	stream.linear.scatter [tilespmem:s15], [sflag:$0x5], $0x80, $0x38;
	[tilespmem:$0x1EC00] =	vst v63  }
0x4f7: {  	_ =	swait.ge [sflag:s0], $0x4000  }
0x4f8: {  	[sflag:s0] =	ssyncset.done $0x0  }
0x4f9: {  	[sflag:s0] =	ssyncadd.s32 $0xFFFFC000  }
0x4fa: {  	_ =	swait.ge [sflag:s18], $0x2000  }
0x4fb: {  	[sflag:s18] =	ssyncset.done $0x0  }
0x4fc: {  	s7 =	simm.s32 $0xA500;
	s17 =	simm.s32 $0x3;
	[sflag:s18] =	ssyncadd.s32 $0xFFFFE000  }
0x4fd: {  	v4 =	vmov s17;
	v5 =	vld [tilespmem:s7+$0x80]  }
0x4fe: {  	v9 =	vand.u32 $0x7F, v4  }
0x4ff: {  	s22 =	simm.s32 $0x0;
	v4 =	vadd.s32 v0, v9  }
0x500: {  	s12 =	simm.s32 $0x1;
	v6 =	vmov s22;
	s13 =	simm.s32 $0x2;
	v7 =	vld [tilespmem:s7+$0xFFFFFF00]  }
0x501: {  	v8 =	vand.u32 $0x7C, v6;
	v6 =	vmov s12;
	v11 =	vmov s13;
	v10 =	vld [tilespmem:s7+$0xFFFFFF80]  }
0x502: {  	v12 =	vadd.s32 v0, v8;
	v15 =	vand.u32 $0x7D, v6;
	v6 =	vld [tilespmem:s7+$0x0];
	v5 =	vmul.f32 $8.000000000e+00, v5  }
0x503: {  	v13 =	vadd.s32 v0, v15;
	v17 =	vand.u32 $0x7E, v11  }
0x504: {  	v11 =	vadd.s32 v0, v17;
	[tilespmem:v4+s1+$0x0] =	vst.idx.msk $0xffff, v5  }
0x505: {  	v4 =	vmul.f32 $8.000000000e+00, v7;
	v5 =	vld [tilespmem:s7+$0x90]  }
0x506: {  	v7 =	vmul.f32 $8.000000000e+00, v10  }
0x507: {  	[tilespmem:v12+s1+$0x0] =	vst.idx.msk $0xffff, v4;
	v4 =	vmul.f32 $8.000000000e+00, v6;
	v6 =	vadd.s32 v1, v9  }
0x508: {  	[tilespmem:v13+s1+$0x0] =	vst.idx.msk $0xffff, v7;
	v10 =	vld [tilespmem:s7+$0xFFFFFF10]  }
0x509: {  	v7 =	vld [tilespmem:s7+$0xFFFFFF90];
	[tilespmem:v11+s1+$0x0] =	vst.idx.msk $0xffff, v4  }
0x50a: {  	v11 =	vld [tilespmem:s7+$0x10];
	v4 =	vmul.f32 $8.000000000e+00, v5  }
0x50b: {  	s14 =	simm.s32 $0x4;
	s12 =	simm.s32 $0xA700;
	s15 =	simm.s32 $0x7;
	v12 =	vadd.s32 v1, v15  }
0x50c: {  	v14 =	vld [tilespmem:s12+$0x80];
	v13 =	vadd.s32 v1, v17;
	v5 =	vmov s14;
	[tilespmem:v6+s1+$0x0] =	vst.idx.msk $0xffff, v4;
	v6 =	vmov s15  }
0x50d: {  	v16 =	vadd.s32 v1, v8;
	v4 =	vand.u32 $0x7C, v5;
	v5 =	vand.u32 $0x7F, v6;
	v18 =	vld [tilespmem:s7+$0xA0]  }
0x50e: {  	v22 =	vadd.s32 v2, v9;
	s16 =	simm.s32 $0x5;
	v19 =	vld [tilespmem:s12+$0xFFFFFF00];
	v6 =	vmul.f32 $8.000000000e+00, v7;
	v20 =	vadd.s32 v0, v5  }
0x50f: {  	s17 =	simm.s32 $0x6;
	v21 =	vld [tilespmem:s12+$0xFFFFFF80];
	v10 =	vmul.f32 $8.000000000e+00, v10;
	v7 =	vmul.f32 $8.000000000e+00, v11;
	v11 =	vmov s16  }
0x510: {  	v23 =	vadd.s32 v0, v4;
	[tilespmem:v12+s1+$0x0] =	vst.idx.msk $0xffff, v6;
	v12 =	vmov s17;
	v6 =	vand.u32 $0x7D, v11;
	v11 =	vld [tilespmem:s12+$0x0]  }
0x511: {  	[tilespmem:v13+s1+$0x0] =	vst.idx.msk $0xffff, v7;
	v13 =	vadd.s32 v0, v6;
	v7 =	vand.u32 $0x7E, v12;
	v12 =	vmul.f32 $8.000000000e+00, v14;
	v14 =	vld [tilespmem:s7+$0xFFFFFFA0]  }
0x512: {  	[tilespmem:v16+s1+$0x0] =	vst.idx.msk $0xffff, v10;
	v10 =	vadd.s32 v0, v7;
	v16 =	vld [tilespmem:s7+$0x20];
	v18 =	vmul.f32 $8.000000000e+00, v18  }
0x513: {  	v19 =	vmul.f32 $8.000000000e+00, v19;
	[tilespmem:v20+s1+$0x0] =	vst.idx.msk $0xffff, v12;
	v12 =	vld [tilespmem:s7+$0xFFFFFF20];
	v20 =	vadd.s32 v2, v15  }
0x514: {  	v25 =	vadd.s32 v2, v17;
	v21 =	vmul.f32 $8.000000000e+00, v21;
	v24 =	vld [tilespmem:s12+$0x90];
	[tilespmem:v22+s1+$0x0] =	vst.idx.msk $0xffff, v18  }
0x515: {  	[tilespmem:v23+s1+$0x0] =	vst.idx.msk $0xffff, v19;
	v19 =	vadd.s32 v2, v8;
	v11 =	vmul.f32 $8.000000000e+00, v11;
	v22 =	vld [tilespmem:s7+$0xB0]  }
0x516: {  	v23 =	vld [tilespmem:s12+$0xFFFFFF10];
	[tilespmem:v13+s1+$0x0] =	vst.idx.msk $0xffff, v21;
	v21 =	vadd.s32 v1, v5;
	v14 =	vmul.f32 $8.000000000e+00, v14  }
0x517: {  	v27 =	vadd.s32 v3, v9;
	v26 =	vld [tilespmem:s12+$0xFFFFFF90];
	[tilespmem:v10+s1+$0x0] =	vst.idx.msk $0xffff, v11;
	v10 =	vmul.f32 $8.000000000e+00, v16  }
0x518: {  	v18 =	vadd.s32 v1, v4;
	v13 =	vld [tilespmem:s12+$0x10];
	v9 =	vmul.f32 $8.000000000e+00, v12;
	[tilespmem:v20+s1+$0x0] =	vst.idx.msk $0xffff, v14  }
0x519: {  	s14 =	simm.s32 $0x8;
	v16 =	vadd.s32 v1, v6;
	[tilespmem:v25+s1+$0x0] =	vst.idx.msk $0xffff, v10;
	v14 =	vmul.f32 $8.000000000e+00, v24;
	v12 =	vld [tilespmem:s7+$0xFFFFFFB0]  }
0x51a: {  	v20 =	vmov s14;
	v10 =	vadd.s32 v1, v7;
	v11 =	vld [tilespmem:s7+$0x30];
	[tilespmem:v19+s1+$0x0] =	vst.idx.msk $0xffff, v9;
	v63 =	vmul.f32 $8.000000000e+00, v22  }
0x51b: {  	s22 =	simm.s32 $0xB;
	s13 =	simm.s32 $0xA900;
	v15 =	vadd.s32 v3, v15;
	v9 =	vand.u32 $0x7C, v20;
	v20 =	vmul.f32 $8.000000000e+00, v23;
	[tilespmem:v21+s1+$0x0] =	vst.idx.msk $0xffff, v14;
	v14 =	vld [tilespmem:s7+$0xFFFFFF30]  }
0x51c: {  	v17 =	vadd.s32 v3, v17;
	v22 =	vmov s22;
	v19 =	vld [tilespmem:s13+$0x80];
	s7 =	simm.s32 $0xC;
	v21 =	vmul.f32 $8.000000000e+00, v26;
	[tilespmem:v27+s1+$0x0] =	vst.idx.msk $0xffff, v63  }
.LBB2_40:
0x51d: {  	p0 =	slt.u32 s7, $0x7C;
	s2 =	sadd.s32 $0x1, s14;
	v22 =	vand.u32 $0x7F, v22;
	[tilespmem:v18+s1+$0x0] =	vst.idx.msk $0xffff, v20;
	v13 =	vmul.f32 $8.000000000e+00, v13;
	v18 =	vld [tilespmem:s12+$0xA0];
	v20 =	vadd.s32 v3, v8;
	v8 =	vmovc v4  }
0x51e: {  	v4 =	vmovc v9;
	v23 =	vld [tilespmem:s13+$0xFFFFFF00];
	v24 =	vmov s2;
	s2 =	sadd.s32 $0x2, s14;
	v25 =	vadd.s32 v0, v22;
	[tilespmem:v16+s1+$0x0] =	vst.idx.msk $0xffff, v21;
	v12 =	vmul.f32 $8.000000000e+00, v12;
	s14 =	smov.u32 s7  }
0x51f: {  	v9 =	vld [tilespmem:s13+$0xFFFFFF80];
	v16 =	vmov s2;
	[tilespmem:v10+s1+$0x0] =	vst.idx.msk $0xffff, v13;
	v10 =	vadd.s32 v2, v5;
	v11 =	vmul.f32 $8.000000000e+00, v11  }
0x520: {  	v13 =	vadd.s32 v0, v4;
	v21 =	vand.u32 $0x7D, v24;
	v24 =	vld [tilespmem:s13+$0x0];
	v14 =	vmul.f32 $8.000000000e+00, v14;
	[tilespmem:v15+s1+$0x0] =	vst.idx.msk $0xffff, v12  }
0x521: {  	v12 =	vadd.s32 v0, v21;
	v26 =	vand.u32 $0x7E, v16;
	v15 =	vmul.f32 $8.000000000e+00, v19;
	v16 =	vld [tilespmem:s12+$0xFFFFFFA0];
	[tilespmem:v17+s1+$0x0] =	vst.idx.msk $0xffff, v11  }
0x522: {  	v11 =	vadd.s32 v0, v26;
	v17 =	vld [tilespmem:s12+$0x20];
	v18 =	vmul.f32 $8.000000000e+00, v18;
	[tilespmem:v20+s1+$0x0] =	vst.idx.msk $0xffff, v14  }
0x523: {  	v19 =	vadd.s32 v2, v6;
	v14 =	vmul.f32 $8.000000000e+00, v23;
	[tilespmem:v25+s1+$0x0] =	vst.idx.msk $0xffff, v15;
	v15 =	vld [tilespmem:s12+$0xFFFFFF20]  }
0x524: {  	v23 =	vadd.s32 v2, v7;
	v9 =	vmul.f32 $8.000000000e+00, v9;
	v20 =	vld [tilespmem:s13+$0x90];
	[tilespmem:v10+s1+$0x0] =	vst.idx.msk $0xffff, v18  }
0x525: {  	[tilespmem:v13+s1+$0x0] =	vst.idx.msk $0xffff, v14;
	v10 =	vmul.f32 $8.000000000e+00, v24;
	v14 =	vadd.s32 v2, v8;
	v24 =	vld [tilespmem:s12+$0xB0]  }
0x526: {  	v27 =	vadd.s32 v1, v22;
	v25 =	vld [tilespmem:s13+$0xFFFFFF10];
	[tilespmem:v12+s1+$0x0] =	vst.idx.msk $0xffff, v9;
	v9 =	vmul.f32 $8.000000000e+00, v16  }
0x527: {  	v29 =	vadd.s32 v3, v5;
	v5 =	vmov v22;
	v28 =	vld [tilespmem:s13+$0xFFFFFF90];
	[tilespmem:v11+s1+$0x0] =	vst.idx.msk $0xffff, v10;
	v10 =	vmul.f32 $8.000000000e+00, v17  }
.Ltmp19:
0x528: {  	v18 =	vadd.s32 v1, v4;
	v13 =	vld [tilespmem:s13+$0x10];
	v11 =	vmul.f32 $8.000000000e+00, v15;
	[tilespmem:v19+s1+$0x0] =	vst.idx.msk $0xffff, v9;
	(pc) =	sbr.rel @p0 .LBB2_40-.Ltmp19, $4  }
0x529: {  	v16 =	vadd.s32 v1, v21;
	v15 =	vmul.f32 $8.000000000e+00, v20;
	v12 =	vld [tilespmem:s12+$0xFFFFFFB0];
	[tilespmem:v23+s1+$0x0] =	vst.idx.msk $0xffff, v10  }
0x52a: {  	v9 =	vmov s7;
	v10 =	vadd.s32 v1, v26;
	[tilespmem:v14+s1+$0x0] =	vst.idx.msk $0xffff, v11;
	v11 =	vld [tilespmem:s12+$0x30];
	v23 =	vmul.f32 $8.000000000e+00, v24  }
0x52b: {  	s2 =	sadd.s32 $0x3, s7;
	v9 =	vand.u32 $0x7C, v9;
	v20 =	vmul.f32 $8.000000000e+00, v25;
	[tilespmem:v27+s1+$0x0] =	vst.idx.msk $0xffff, v15;
	v14 =	vld [tilespmem:s12+$0xFFFFFF30];
	v15 =	vadd.s32 v3, v6;
	v6 =	vmovc v21;
	s12 =	smov.u32 s13;
	s13 =	sadd.s32 $0x200, s13  }
0x52c: {  	v22 =	vmov s2;
	v17 =	vadd.s32 v3, v7;
	v7 =	vmovc v26;
	s7 =	sadd.s32 $0x4, s7;
	v19 =	vld [tilespmem:s13+$0x80];
	v21 =	vmul.f32 $8.000000000e+00, v28;
	[tilespmem:v29+s1+$0x0] =	vst.idx.msk $0xffff, v23  }
0x52d: {  	s2 =	sadd.s32 $0x1, s14;
	v22 =	vand.u32 $0x7F, v22;
	v28 =	vld [tilespmem:s13+$0xFFFFFF00]  }
0x52e: {  	s7 =	sadd.s32 $0x2, s14;
	v24 =	vld [tilespmem:s13+$0xFFFFFF80];
	v23 =	vmov s2;
	v25 =	vadd.s32 v0, v22  }
0x52f: {  	v27 =	vld [tilespmem:s13+$0x0];
	v51 =	vadd.s32 v0, v9;
	v26 =	vmov s7;
	v23 =	vand.u32 $0x7D, v23  }
0x530: {  	v26 =	vand.u32 $0x7E, v26;
	v29 =	vadd.s32 v0, v23  }
0x531: {  	[tilespmem:v18+s1+$0x0] =	vst.idx.msk $0xffff, v20;
	v30 =	vadd.s32 v0, v26;
	v19 =	vmul.f32 $8.000000000e+00, v19  }
0x532: {  	[tilespmem:v16+s1+$0x0] =	vst.idx.msk $0xffff, v21;
	v54 =	vmul.f32 $8.000000000e+00, v28  }
0x533: {  	v52 =	vmul.f32 $8.000000000e+00, v24;
	[tilespmem:v25+s1+$0x0] =	vst.idx.msk $0xffff, v19  }
0x534: {  	v53 =	vmul.f32 $8.000000000e+00, v27;
	v55 =	vld [tilespmem:s13+$0x90];
	[tilespmem:v51+s1+$0x0] =	vst.idx.msk $0xffff, v54  }
0x535: {  	v13 =	vmul.f32 $8.000000000e+00, v13;
	v8 =	vadd.s32 v3, v8;
	[tilespmem:v29+s1+$0x0] =	vst.idx.msk $0xffff, v52;
	v59 =	vld [tilespmem:s13+$0xFFFFFF10]  }
0x536: {  	v12 =	vmul.f32 $8.000000000e+00, v12;
	v57 =	vadd.s32 v1, v22;
	[tilespmem:v30+s1+$0x0] =	vst.idx.msk $0xffff, v53;
	v56 =	vld [tilespmem:s13+$0xFFFFFF90]  }
0x537: {  	[tilespmem:v10+s1+$0x0] =	vst.idx.msk $0xffff, v13;
	v58 =	vmul.f32 $8.000000000e+00, v11;
	v28 =	vadd.s32 v1, v9;
	v19 =	vld [tilespmem:s13+$0x10]  }
0x538: {  	v61 =	vld [tilespmem:s12+$0xA0];
	v60 =	vadd.s32 v1, v23;
	v14 =	vmul.f32 $8.000000000e+00, v14;
	[tilespmem:v15+s1+$0x0] =	vst.idx.msk $0xffff, v12  }
0x539: {  	v32 =	vld [tilespmem:s12+$0xFFFFFF20];
	v62 =	vadd.s32 v1, v26;
	[tilespmem:v17+s1+$0x0] =	vst.idx.msk $0xffff, v58;
	v16 =	vmul.f32 $8.000000000e+00, v55  }
0x53a: {  	[tilespmem:v8+s1+$0x0] =	vst.idx.msk $0xffff, v14;
	v29 =	vadd.s32 v2, v5;
	v30 =	vld [tilespmem:s12+$0x20];
	v11 =	vmul.f32 $8.000000000e+00, v59  }
0x53b: {  	v38 =	vadd.s32 v2, v4;
	v63 =	vld [tilespmem:s12+$0xFFFFFFA0];
	v31 =	vmul.f32 $8.000000000e+00, v56;
	[tilespmem:v57+s1+$0x0] =	vst.idx.msk $0xffff, v16  }
0x53c: {  	v35 =	vadd.s32 v2, v7;
	v34 =	vmul.f32 $8.000000000e+00, v19;
	v36 =	vld [tilespmem:s13+$0xA0];
	[tilespmem:v28+s1+$0x0] =	vst.idx.msk $0xffff, v11  }
0x53d: {  	v33 =	vadd.s32 v2, v6;
	v37 =	vmul.f32 $8.000000000e+00, v61;
	[tilespmem:v60+s1+$0x0] =	vst.idx.msk $0xffff, v31;
	v43 =	vld [tilespmem:s13+$0xFFFFFF20]  }
0x53e: {  	v40 =	vadd.s32 v2, v22;
	v14 =	vmul.f32 $8.000000000e+00, v32;
	[tilespmem:v62+s1+$0x0] =	vst.idx.msk $0xffff, v34;
	v39 =	vld [tilespmem:s13+$0xFFFFFFA0]  }
0x53f: {  	v48 =	vadd.s32 v2, v9;
	[tilespmem:v29+s1+$0x0] =	vst.idx.msk $0xffff, v37;
	v42 =	vmul.f32 $8.000000000e+00, v30;
	v41 =	vld [tilespmem:s13+$0x20]  }
0x540: {  	v44 =	vadd.s32 v2, v23;
	v15 =	vmul.f32 $8.000000000e+00, v63;
	[tilespmem:v38+s1+$0x0] =	vst.idx.msk $0xffff, v14;
	v45 =	vld [tilespmem:s12+$0xB0]  }
0x541: {  	v46 =	vadd.s32 v2, v26;
	v14 =	vld [tilespmem:s12+$0xFFFFFF30];
	[tilespmem:v35+s1+$0x0] =	vst.idx.msk $0xffff, v42;
	v47 =	vmul.f32 $8.000000000e+00, v36  }
0x542: {  	v5 =	vadd.s32 v3, v5;
	[tilespmem:v33+s1+$0x0] =	vst.idx.msk $0xffff, v15;
	v49 =	vld [tilespmem:s12+$0x30];
	v53 =	vmul.f32 $8.000000000e+00, v43  }
0x543: {  	v4 =	vadd.s32 v3, v4;
	v21 =	vld [tilespmem:s12+$0xFFFFFFB0];
	v12 =	vmul.f32 $8.000000000e+00, v39;
	[tilespmem:v40+s1+$0x0] =	vst.idx.msk $0xffff, v47  }
0x544: {  	v52 =	vadd.s32 v3, v7;
	v51 =	vmul.f32 $8.000000000e+00, v41;
	v10 =	vld [tilespmem:s13+$0xB0];
	[tilespmem:v48+s1+$0x0] =	vst.idx.msk $0xffff, v53  }
0x545: {  	v50 =	vadd.s32 v3, v6;
	v54 =	vmul.f32 $8.000000000e+00, v45;
	[tilespmem:v44+s1+$0x0] =	vst.idx.msk $0xffff, v12;
	v59 =	vld [tilespmem:s13+$0xFFFFFF30]  }
0x546: {  	v57 =	vadd.s32 v3, v22;
	v14 =	vmul.f32 $8.000000000e+00, v14;
	[tilespmem:v46+s1+$0x0] =	vst.idx.msk $0xffff, v51;
	v55 =	vld [tilespmem:s13+$0xFFFFFFB0]  }
0x547: {  	v62 =	vadd.s32 v3, v9;
	[tilespmem:v5+s1+$0x0] =	vst.idx.msk $0xffff, v54;
	v5 =	vmul.f32 $8.000000000e+00, v49;
	v58 =	vld [tilespmem:s13+$0x30]  }
0x548: {  	v56 =	vmul.f32 $8.000000000e+00, v21;
	v60 =	vadd.s32 v3, v23;
	[tilespmem:v4+s1+$0x0] =	vst.idx.msk $0xffff, v14  }
0x549: {  	v61 =	vadd.s32 v3, v26;
	[tilespmem:v52+s1+$0x0] =	vst.idx.msk $0xffff, v5;
	v5 =	vmul.f32 $8.000000000e+00, v10  }
0x54a: {  	[tilespmem:v50+s1+$0x0] =	vst.idx.msk $0xffff, v56;
	v63 =	vmul.f32 $8.000000000e+00, v59  }
0x54b: {  	v4 =	vmul.f32 $8.000000000e+00, v55;
	[tilespmem:v57+s1+$0x0] =	vst.idx.msk $0xffff, v5  }
0x54c: {  	v5 =	vmul.f32 $8.000000000e+00, v58;
	[tilespmem:v62+s1+$0x0] =	vst.idx.msk $0xffff, v63  }
0x54d: {  	[tilespmem:v60+s1+$0x0] =	vst.idx.msk $0xffff, v4  }
0x54e: {  	[tilespmem:v61+s1+$0x0] =	vst.idx.msk $0xffff, v5  }
0x54f: {  	s13 =	simm.s32 $0x18600;
	s12 =	rddreg [dreg:$0x9]  }
0x550: {  	[hbm4b:s12+s3] =	stream.linear.scatter [tilespmem:s13], [sflag:$0x6], $0x80, $0x38;
	[tilespmem:$0x1EC00] =	vst v63  }
0x551: {  	s14 =	simm.s32 $0x18688;
	s7 =	sadd.s32 $0x10, s12  }
0x552: {  	[hbm4b:s7+s3] =	stream.linear.scatter [tilespmem:s14], [sflag:$0x6], $0x80, $0x38;
	[tilespmem:$0x1EC00] =	vst v63  }
0x553: {  	s15 =	simm.s32 $0x18710;
	s17 =	simm.s32 $0x18798;
	s16 =	sadd.s32 $0x20, s12  }
0x554: {  	[hbm4b:s16+s3] =	stream.linear.scatter [tilespmem:s15], [sflag:$0x6], $0x80, $0x38;
	[tilespmem:$0x1EC00] =	vst v63  }
0x555: {  	s22 =	sadd.s32 $0x30, s12;
	s13 =	simm.s32 $0x18820;
	s2 =	sadd.s32 $0x70, s12  }
0x556: {  	[hbm4b:s22+s3] =	stream.linear.scatter [tilespmem:s17], [sflag:$0x6], $0x80, $0x38;
	[tilespmem:$0x1EC00] =	vst v63  }
0x557: {  	s14 =	sadd.s32 $0x40, s12;
	s7 =	simm.s32 $0x440;
	s15 =	simm.s32 $0x188A8  }
0x558: {  	[hbm4b:s14+s3] =	stream.linear.scatter [tilespmem:s13], [sflag:$0x6], $0x80, $0x38;
	[tilespmem:$0x1EC00] =	vst v63  }
0x559: {  	s16 =	sadd.s32 $0x50, s12;
	s17 =	simm.s32 $0x18930;
	s22 =	sadd.s32 $0x60, s12  }
0x55a: {  	[hbm4b:s16+s3] =	stream.linear.scatter [tilespmem:s15], [sflag:$0x6], $0x80, $0x38;
	[tilespmem:$0x1EC00] =	vst v63  }
0x55b: {  	s12 =	sadd.s32 $0x1000, s12;
	s13 =	simm.s32 $0x2200;
	s14 =	simm.s32 $0x189B8  }
0x55c: {  	[hbm4b:s22+s3] =	stream.linear.scatter [tilespmem:s17], [sflag:$0x6], $0x80, $0x38;
	[tilespmem:$0x1EC00] =	vst v63  }
.LBB2_42:
0x55d: {  	[hbm4b:s2+s3] =	stream.linear.scatter [tilespmem:s14], [sflag:$0x6], $0x80, $0x38;
	[tilespmem:$0x1EC00] =	vst v63  }
0x55e: {  	s2 =	smov.u32 s7;
	s7 =	smov.u32 s13  }
0x55f: {  	s15 =	sadd.s32 $0x1100, s13;
	s7 =	sshra.s32 s7, $0x2;
	s14 =	sadd.s32 $0x18600, s2  }
0x560: {  	[hbm4b:s12+s3] =	stream.linear.scatter [tilespmem:s14], [sflag:$0x6], $0x80, $0x38;
	[tilespmem:$0x1EC00] =	vst v63  }
0x561: {  	p0 =	sne.s32 s13, $0x7700;
	s13 =	sadd.s32 $0x18688, s2;
	s14 =	sadd.s32 $0x10, s12  }
0x562: {  	[hbm4b:s14+s3] =	stream.linear.scatter [tilespmem:s13], [sflag:$0x6], $0x80, $0x38;
	[tilespmem:$0x1EC00] =	vst v63  }
0x563: {  	s13 =	sadd.s32 $0x18710, s2;
	s14 =	sadd.s32 $0x20, s12  }
0x564: {  	[hbm4b:s14+s3] =	stream.linear.scatter [tilespmem:s13], [sflag:$0x6], $0x80, $0x38;
	[tilespmem:$0x1EC00] =	vst v63  }
0x565: {  	s13 =	sadd.s32 $0x18798, s2;
	s14 =	sadd.s32 $0x30, s12  }
0x566: {  	[hbm4b:s14+s3] =	stream.linear.scatter [tilespmem:s13], [sflag:$0x6], $0x80, $0x38;
	[tilespmem:$0x1EC00] =	vst v63  }
0x567: {  	s13 =	sadd.s32 $0x18820, s2;
	s14 =	sadd.s32 $0x40, s12  }
0x568: {  	[hbm4b:s14+s3] =	stream.linear.scatter [tilespmem:s13], [sflag:$0x6], $0x80, $0x38;
	[tilespmem:$0x1EC00] =	vst v63  }
0x569: {  	s13 =	sadd.s32 $0x188A8, s2;
	s14 =	sadd.s32 $0x50, s12  }
0x56a: {  	[hbm4b:s14+s3] =	stream.linear.scatter [tilespmem:s13], [sflag:$0x6], $0x80, $0x38;
	[tilespmem:$0x1EC00] =	vst v63  }
.Ltmp20:
0x56b: {  	_ = 	snop;
	(pc) =	sbr.rel @p0 .LBB2_42-.Ltmp20, $4  }
0x56c: {  	s13 =	sadd.s32 $0x18930, s2;
	s14 =	sadd.s32 $0x60, s12  }
0x56d: {  	[hbm4b:s14+s3] =	stream.linear.scatter [tilespmem:s13], [sflag:$0x6], $0x80, $0x38;
	[tilespmem:$0x1EC00] =	vst v63  }
0x56e: {  	s14 =	sadd.s32 $0x189B8, s2  }
0x56f: {  	s2 =	sadd.s32 $0x70, s12;
	s12 =	sadd.s32 $0x1000, s12;
	s13 =	smov.u32 s15  }
0x570: {  	[hbm4b:s2+s3] =	stream.linear.scatter [tilespmem:s14], [sflag:$0x6], $0x80, $0x38;
	[tilespmem:$0x1EC00] =	vst v63  }
0x571: {  	s15 =	sadd.s32 $0x18600, s7  }
0x572: {  	[hbm4b:s12+s3] =	stream.linear.scatter [tilespmem:s15], [sflag:$0x6], $0x80, $0x38;
	[tilespmem:$0x1EC00] =	vst v63  }
0x573: {  	s16 =	sadd.s32 $0x18688, s7;
	s13 =	sadd.s32 $0x10, s12  }
0x574: {  	[hbm4b:s13+s3] =	stream.linear.scatter [tilespmem:s16], [sflag:$0x6], $0x80, $0x38;
	[tilespmem:$0x1EC00] =	vst v63  }
0x575: {  	s17 =	sadd.s32 $0x18710, s7;
	s22 =	sadd.s32 $0x20, s12  }
0x576: {  	[hbm4b:s22+s3] =	stream.linear.scatter [tilespmem:s17], [sflag:$0x6], $0x80, $0x38;
	[tilespmem:$0x1EC00] =	vst v63  }
0x577: {  	s14 =	sadd.s32 $0x30, s12;
	s13 =	sadd.s32 $0x18798, s7  }
0x578: {  	[hbm4b:s14+s3] =	stream.linear.scatter [tilespmem:s13], [sflag:$0x6], $0x80, $0x38;
	[tilespmem:$0x1EC00] =	vst v63  }
0x579: {  	s15 =	sadd.s32 $0x18820, s7;
	s16 =	sadd.s32 $0x40, s12  }
0x57a: {  	[hbm4b:s16+s3] =	stream.linear.scatter [tilespmem:s15], [sflag:$0x6], $0x80, $0x38;
	[tilespmem:$0x1EC00] =	vst v63  }
0x57b: {  	s17 =	sadd.s32 $0x188A8, s7;
	s22 =	sadd.s32 $0x50, s12  }
0x57c: {  	[hbm4b:s22+s3] =	stream.linear.scatter [tilespmem:s17], [sflag:$0x6], $0x80, $0x38;
	[tilespmem:$0x1EC00] =	vst v63  }
0x57d: {  	s13 =	sadd.s32 $0x18930, s7;
	s14 =	sadd.s32 $0x60, s12  }
0x57e: {  	[hbm4b:s14+s3] =	stream.linear.scatter [tilespmem:s13], [sflag:$0x6], $0x80, $0x38;
	[tilespmem:$0x1EC00] =	vst v63  }
0x57f: {  	s15 =	sadd.s32 $0x189B8, s7;
	s16 =	sadd.s32 $0x70, s12  }
0x580: {  	[hbm4b:s16+s3] =	stream.linear.scatter [tilespmem:s15], [sflag:$0x6], $0x80, $0x38;
	[tilespmem:$0x1EC00] =	vst v63  }
0x581: {  	_ =	swait.ge [sflag:s24], $0x4000  }
0x582: {  	[sflag:s24] =	ssyncset.done $0x0  }
0x583: {  	[sflag:s24] =	ssyncadd.s32 $0xFFFFC000  }
0x584: {  	_ =	swait.ge [sflag:s21], $0x2000  }
0x585: {  	[sflag:s21] =	ssyncset.done $0x0  }
0x586: {  	s7 =	simm.s32 $0xE500;
	s17 =	simm.s32 $0x3;
	[sflag:s21] =	ssyncadd.s32 $0xFFFFE000  }
0x587: {  	v4 =	vmov s17;
	v5 =	vld [tilespmem:s7+$0x80]  }
0x588: {  	v9 =	vand.u32 $0x7F, v4  }
0x589: {  	s22 =	simm.s32 $0x0;
	v4 =	vadd.s32 v0, v9  }
0x58a: {  	s12 =	simm.s32 $0x1;
	v6 =	vmov s22;
	s13 =	simm.s32 $0x2;
	v7 =	vld [tilespmem:s7+$0xFFFFFF00]  }
0x58b: {  	v8 =	vand.u32 $0x7C, v6;
	v6 =	vmov s12;
	v11 =	vmov s13;
	v10 =	vld [tilespmem:s7+$0xFFFFFF80]  }
0x58c: {  	v12 =	vadd.s32 v0, v8;
	v15 =	vand.u32 $0x7D, v6;
	v6 =	vld [tilespmem:s7+$0x0];
	v5 =	vmul.f32 $8.000000000e+00, v5  }
0x58d: {  	v13 =	vadd.s32 v0, v15;
	v17 =	vand.u32 $0x7E, v11  }
0x58e: {  	v11 =	vadd.s32 v0, v17;
	[tilespmem:v4+s26+$0x0] =	vst.idx.msk $0xffff, v5  }
0x58f: {  	v4 =	vmul.f32 $8.000000000e+00, v7;
	v5 =	vld [tilespmem:s7+$0x90]  }
0x590: {  	v7 =	vmul.f32 $8.000000000e+00, v10  }
0x591: {  	[tilespmem:v12+s26+$0x0] =	vst.idx.msk $0xffff, v4;
	v4 =	vmul.f32 $8.000000000e+00, v6;
	v6 =	vadd.s32 v1, v9  }
0x592: {  	[tilespmem:v13+s26+$0x0] =	vst.idx.msk $0xffff, v7;
	v10 =	vld [tilespmem:s7+$0xFFFFFF10]  }
0x593: {  	v7 =	vld [tilespmem:s7+$0xFFFFFF90];
	[tilespmem:v11+s26+$0x0] =	vst.idx.msk $0xffff, v4  }
0x594: {  	v11 =	vld [tilespmem:s7+$0x10];
	v4 =	vmul.f32 $8.000000000e+00, v5  }
0x595: {  	s14 =	simm.s32 $0x4;
	s12 =	simm.s32 $0xE700;
	s15 =	simm.s32 $0x7;
	v12 =	vadd.s32 v1, v15  }
0x596: {  	v14 =	vld [tilespmem:s12+$0x80];
	v13 =	vadd.s32 v1, v17;
	v5 =	vmov s14;
	[tilespmem:v6+s26+$0x0] =	vst.idx.msk $0xffff, v4;
	v6 =	vmov s15  }
0x597: {  	v16 =	vadd.s32 v1, v8;
	v4 =	vand.u32 $0x7C, v5;
	v5 =	vand.u32 $0x7F, v6;
	v18 =	vld [tilespmem:s7+$0xA0]  }
0x598: {  	v22 =	vadd.s32 v2, v9;
	s16 =	simm.s32 $0x5;
	v19 =	vld [tilespmem:s12+$0xFFFFFF00];
	v6 =	vmul.f32 $8.000000000e+00, v7;
	v20 =	vadd.s32 v0, v5  }
0x599: {  	s17 =	simm.s32 $0x6;
	v21 =	vld [tilespmem:s12+$0xFFFFFF80];
	v10 =	vmul.f32 $8.000000000e+00, v10;
	v7 =	vmul.f32 $8.000000000e+00, v11;
	v11 =	vmov s16  }
0x59a: {  	v23 =	vadd.s32 v0, v4;
	[tilespmem:v12+s26+$0x0] =	vst.idx.msk $0xffff, v6;
	v12 =	vmov s17;
	v6 =	vand.u32 $0x7D, v11;
	v11 =	vld [tilespmem:s12+$0x0]  }
0x59b: {  	[tilespmem:v13+s26+$0x0] =	vst.idx.msk $0xffff, v7;
	v13 =	vadd.s32 v0, v6;
	v7 =	vand.u32 $0x7E, v12;
	v12 =	vmul.f32 $8.000000000e+00, v14;
	v14 =	vld [tilespmem:s7+$0xFFFFFFA0]  }
0x59c: {  	[tilespmem:v16+s26+$0x0] =	vst.idx.msk $0xffff, v10;
	v10 =	vadd.s32 v0, v7;
	v16 =	vld [tilespmem:s7+$0x20];
	v18 =	vmul.f32 $8.000000000e+00, v18  }
0x59d: {  	v19 =	vmul.f32 $8.000000000e+00, v19;
	[tilespmem:v20+s26+$0x0] =	vst.idx.msk $0xffff, v12;
	v12 =	vld [tilespmem:s7+$0xFFFFFF20];
	v20 =	vadd.s32 v2, v15  }
0x59e: {  	v25 =	vadd.s32 v2, v17;
	v21 =	vmul.f32 $8.000000000e+00, v21;
	v24 =	vld [tilespmem:s12+$0x90];
	[tilespmem:v22+s26+$0x0] =	vst.idx.msk $0xffff, v18  }
0x59f: {  	[tilespmem:v23+s26+$0x0] =	vst.idx.msk $0xffff, v19;
	v19 =	vadd.s32 v2, v8;
	v11 =	vmul.f32 $8.000000000e+00, v11;
	v22 =	vld [tilespmem:s7+$0xB0]  }
0x5a0: {  	v23 =	vld [tilespmem:s12+$0xFFFFFF10];
	[tilespmem:v13+s26+$0x0] =	vst.idx.msk $0xffff, v21;
	v21 =	vadd.s32 v1, v5;
	v14 =	vmul.f32 $8.000000000e+00, v14  }
0x5a1: {  	v27 =	vadd.s32 v3, v9;
	v26 =	vld [tilespmem:s12+$0xFFFFFF90];
	[tilespmem:v10+s26+$0x0] =	vst.idx.msk $0xffff, v11;
	v10 =	vmul.f32 $8.000000000e+00, v16  }
0x5a2: {  	v18 =	vadd.s32 v1, v4;
	v13 =	vld [tilespmem:s12+$0x10];
	v9 =	vmul.f32 $8.000000000e+00, v12;
	[tilespmem:v20+s26+$0x0] =	vst.idx.msk $0xffff, v14  }
0x5a3: {  	s14 =	simm.s32 $0x8;
	v16 =	vadd.s32 v1, v6;
	[tilespmem:v25+s26+$0x0] =	vst.idx.msk $0xffff, v10;
	v14 =	vmul.f32 $8.000000000e+00, v24;
	v12 =	vld [tilespmem:s7+$0xFFFFFFB0]  }
0x5a4: {  	v20 =	vmov s14;
	v10 =	vadd.s32 v1, v7;
	v11 =	vld [tilespmem:s7+$0x30];
	[tilespmem:v19+s26+$0x0] =	vst.idx.msk $0xffff, v9;
	v63 =	vmul.f32 $8.000000000e+00, v22  }
0x5a5: {  	s22 =	simm.s32 $0xB;
	s13 =	simm.s32 $0xE900;
	v15 =	vadd.s32 v3, v15;
	v9 =	vand.u32 $0x7C, v20;
	v20 =	vmul.f32 $8.000000000e+00, v23;
	[tilespmem:v21+s26+$0x0] =	vst.idx.msk $0xffff, v14;
	v14 =	vld [tilespmem:s7+$0xFFFFFF30]  }
0x5a6: {  	v17 =	vadd.s32 v3, v17;
	v22 =	vmov s22;
	v19 =	vld [tilespmem:s13+$0x80];
	s7 =	simm.s32 $0xC;
	v21 =	vmul.f32 $8.000000000e+00, v26;
	[tilespmem:v27+s26+$0x0] =	vst.idx.msk $0xffff, v63  }
.LBB2_44:
0x5a7: {  	p0 =	slt.u32 s7, $0x7C;
	s2 =	sadd.s32 $0x1, s14;
	v22 =	vand.u32 $0x7F, v22;
	[tilespmem:v18+s26+$0x0] =	vst.idx.msk $0xffff, v20;
	v13 =	vmul.f32 $8.000000000e+00, v13;
	v18 =	vld [tilespmem:s12+$0xA0];
	v20 =	vadd.s32 v3, v8;
	v8 =	vmovc v4  }
0x5a8: {  	v4 =	vmovc v9;
	v23 =	vld [tilespmem:s13+$0xFFFFFF00];
	v24 =	vmov s2;
	s2 =	sadd.s32 $0x2, s14;
	v25 =	vadd.s32 v0, v22;
	[tilespmem:v16+s26+$0x0] =	vst.idx.msk $0xffff, v21;
	v12 =	vmul.f32 $8.000000000e+00, v12;
	s14 =	smov.u32 s7  }
0x5a9: {  	v9 =	vld [tilespmem:s13+$0xFFFFFF80];
	v16 =	vmov s2;
	[tilespmem:v10+s26+$0x0] =	vst.idx.msk $0xffff, v13;
	v10 =	vadd.s32 v2, v5;
	v11 =	vmul.f32 $8.000000000e+00, v11  }
0x5aa: {  	v13 =	vadd.s32 v0, v4;
	v21 =	vand.u32 $0x7D, v24;
	v24 =	vld [tilespmem:s13+$0x0];
	v14 =	vmul.f32 $8.000000000e+00, v14;
	[tilespmem:v15+s26+$0x0] =	vst.idx.msk $0xffff, v12  }
0x5ab: {  	v12 =	vadd.s32 v0, v21;
	v26 =	vand.u32 $0x7E, v16;
	v15 =	vmul.f32 $8.000000000e+00, v19;
	v16 =	vld [tilespmem:s12+$0xFFFFFFA0];
	[tilespmem:v17+s26+$0x0] =	vst.idx.msk $0xffff, v11  }
0x5ac: {  	v11 =	vadd.s32 v0, v26;
	v17 =	vld [tilespmem:s12+$0x20];
	v18 =	vmul.f32 $8.000000000e+00, v18;
	[tilespmem:v20+s26+$0x0] =	vst.idx.msk $0xffff, v14  }
0x5ad: {  	v19 =	vadd.s32 v2, v6;
	v14 =	vmul.f32 $8.000000000e+00, v23;
	[tilespmem:v25+s26+$0x0] =	vst.idx.msk $0xffff, v15;
	v15 =	vld [tilespmem:s12+$0xFFFFFF20]  }
0x5ae: {  	v23 =	vadd.s32 v2, v7;
	v9 =	vmul.f32 $8.000000000e+00, v9;
	v20 =	vld [tilespmem:s13+$0x90];
	[tilespmem:v10+s26+$0x0] =	vst.idx.msk $0xffff, v18  }
0x5af: {  	[tilespmem:v13+s26+$0x0] =	vst.idx.msk $0xffff, v14;
	v10 =	vmul.f32 $8.000000000e+00, v24;
	v14 =	vadd.s32 v2, v8;
	v24 =	vld [tilespmem:s12+$0xB0]  }
0x5b0: {  	v27 =	vadd.s32 v1, v22;
	v25 =	vld [tilespmem:s13+$0xFFFFFF10];
	[tilespmem:v12+s26+$0x0] =	vst.idx.msk $0xffff, v9;
	v9 =	vmul.f32 $8.000000000e+00, v16  }
0x5b1: {  	v29 =	vadd.s32 v3, v5;
	v5 =	vmov v22;
	v28 =	vld [tilespmem:s13+$0xFFFFFF90];
	[tilespmem:v11+s26+$0x0] =	vst.idx.msk $0xffff, v10;
	v10 =	vmul.f32 $8.000000000e+00, v17  }
.Ltmp21:
0x5b2: {  	v18 =	vadd.s32 v1, v4;
	v13 =	vld [tilespmem:s13+$0x10];
	v11 =	vmul.f32 $8.000000000e+00, v15;
	[tilespmem:v19+s26+$0x0] =	vst.idx.msk $0xffff, v9;
	(pc) =	sbr.rel @p0 .LBB2_44-.Ltmp21, $4  }
0x5b3: {  	v16 =	vadd.s32 v1, v21;
	v15 =	vmul.f32 $8.000000000e+00, v20;
	v12 =	vld [tilespmem:s12+$0xFFFFFFB0];
	[tilespmem:v23+s26+$0x0] =	vst.idx.msk $0xffff, v10  }
0x5b4: {  	v9 =	vmov s7;
	v10 =	vadd.s32 v1, v26;
	[tilespmem:v14+s26+$0x0] =	vst.idx.msk $0xffff, v11;
	v11 =	vld [tilespmem:s12+$0x30];
	v23 =	vmul.f32 $8.000000000e+00, v24  }
0x5b5: {  	s2 =	sadd.s32 $0x3, s7;
	v9 =	vand.u32 $0x7C, v9;
	v20 =	vmul.f32 $8.000000000e+00, v25;
	[tilespmem:v27+s26+$0x0] =	vst.idx.msk $0xffff, v15;
	v14 =	vld [tilespmem:s12+$0xFFFFFF30];
	v15 =	vadd.s32 v3, v6;
	v6 =	vmovc v21;
	s12 =	smov.u32 s13;
	s13 =	sadd.s32 $0x200, s13  }
0x5b6: {  	v22 =	vmov s2;
	v17 =	vadd.s32 v3, v7;
	v7 =	vmovc v26;
	s7 =	sadd.s32 $0x4, s7;
	v19 =	vld [tilespmem:s13+$0x80];
	v21 =	vmul.f32 $8.000000000e+00, v28;
	[tilespmem:v29+s26+$0x0] =	vst.idx.msk $0xffff, v23  }
0x5b7: {  	s2 =	sadd.s32 $0x1, s14;
	v22 =	vand.u32 $0x7F, v22;
	v28 =	vld [tilespmem:s13+$0xFFFFFF00]  }
0x5b8: {  	s7 =	sadd.s32 $0x2, s14;
	v24 =	vld [tilespmem:s13+$0xFFFFFF80];
	v23 =	vmov s2;
	v25 =	vadd.s32 v0, v22  }
0x5b9: {  	v27 =	vld [tilespmem:s13+$0x0];
	v51 =	vadd.s32 v0, v9;
	v26 =	vmov s7;
	v23 =	vand.u32 $0x7D, v23  }
0x5ba: {  	v26 =	vand.u32 $0x7E, v26;
	v29 =	vadd.s32 v0, v23  }
0x5bb: {  	[tilespmem:v18+s26+$0x0] =	vst.idx.msk $0xffff, v20;
	v30 =	vadd.s32 v0, v26;
	v19 =	vmul.f32 $8.000000000e+00, v19  }
0x5bc: {  	[tilespmem:v16+s26+$0x0] =	vst.idx.msk $0xffff, v21;
	v54 =	vmul.f32 $8.000000000e+00, v28  }
0x5bd: {  	v52 =	vmul.f32 $8.000000000e+00, v24;
	[tilespmem:v25+s26+$0x0] =	vst.idx.msk $0xffff, v19  }
0x5be: {  	v53 =	vmul.f32 $8.000000000e+00, v27;
	v55 =	vld [tilespmem:s13+$0x90];
	[tilespmem:v51+s26+$0x0] =	vst.idx.msk $0xffff, v54  }
0x5bf: {  	v13 =	vmul.f32 $8.000000000e+00, v13;
	v8 =	vadd.s32 v3, v8;
	[tilespmem:v29+s26+$0x0] =	vst.idx.msk $0xffff, v52;
	v59 =	vld [tilespmem:s13+$0xFFFFFF10]  }
0x5c0: {  	v12 =	vmul.f32 $8.000000000e+00, v12;
	v57 =	vadd.s32 v1, v22;
	[tilespmem:v30+s26+$0x0] =	vst.idx.msk $0xffff, v53;
	v56 =	vld [tilespmem:s13+$0xFFFFFF90]  }
0x5c1: {  	[tilespmem:v10+s26+$0x0] =	vst.idx.msk $0xffff, v13;
	v58 =	vmul.f32 $8.000000000e+00, v11;
	v28 =	vadd.s32 v1, v9;
	v19 =	vld [tilespmem:s13+$0x10]  }
0x5c2: {  	v61 =	vld [tilespmem:s12+$0xA0];
	v60 =	vadd.s32 v1, v23;
	v14 =	vmul.f32 $8.000000000e+00, v14;
	[tilespmem:v15+s26+$0x0] =	vst.idx.msk $0xffff, v12  }
0x5c3: {  	v32 =	vld [tilespmem:s12+$0xFFFFFF20];
	v62 =	vadd.s32 v1, v26;
	[tilespmem:v17+s26+$0x0] =	vst.idx.msk $0xffff, v58;
	v16 =	vmul.f32 $8.000000000e+00, v55  }
0x5c4: {  	[tilespmem:v8+s26+$0x0] =	vst.idx.msk $0xffff, v14;
	v29 =	vadd.s32 v2, v5;
	v30 =	vld [tilespmem:s12+$0x20];
	v11 =	vmul.f32 $8.000000000e+00, v59  }
0x5c5: {  	v38 =	vadd.s32 v2, v4;
	v63 =	vld [tilespmem:s12+$0xFFFFFFA0];
	v31 =	vmul.f32 $8.000000000e+00, v56;
	[tilespmem:v57+s26+$0x0] =	vst.idx.msk $0xffff, v16  }
0x5c6: {  	v35 =	vadd.s32 v2, v7;
	v34 =	vmul.f32 $8.000000000e+00, v19;
	v36 =	vld [tilespmem:s13+$0xA0];
	[tilespmem:v28+s26+$0x0] =	vst.idx.msk $0xffff, v11  }
0x5c7: {  	v33 =	vadd.s32 v2, v6;
	v37 =	vmul.f32 $8.000000000e+00, v61;
	[tilespmem:v60+s26+$0x0] =	vst.idx.msk $0xffff, v31;
	v43 =	vld [tilespmem:s13+$0xFFFFFF20]  }
0x5c8: {  	v40 =	vadd.s32 v2, v22;
	v14 =	vmul.f32 $8.000000000e+00, v32;
	[tilespmem:v62+s26+$0x0] =	vst.idx.msk $0xffff, v34;
	v39 =	vld [tilespmem:s13+$0xFFFFFFA0]  }
0x5c9: {  	v48 =	vadd.s32 v2, v9;
	[tilespmem:v29+s26+$0x0] =	vst.idx.msk $0xffff, v37;
	v42 =	vmul.f32 $8.000000000e+00, v30;
	v41 =	vld [tilespmem:s13+$0x20]  }
0x5ca: {  	v44 =	vadd.s32 v2, v23;
	v15 =	vmul.f32 $8.000000000e+00, v63;
	[tilespmem:v38+s26+$0x0] =	vst.idx.msk $0xffff, v14;
	v45 =	vld [tilespmem:s12+$0xB0]  }
0x5cb: {  	v46 =	vadd.s32 v2, v26;
	v14 =	vld [tilespmem:s12+$0xFFFFFF30];
	[tilespmem:v35+s26+$0x0] =	vst.idx.msk $0xffff, v42;
	v47 =	vmul.f32 $8.000000000e+00, v36  }
0x5cc: {  	v5 =	vadd.s32 v3, v5;
	[tilespmem:v33+s26+$0x0] =	vst.idx.msk $0xffff, v15;
	v49 =	vld [tilespmem:s12+$0x30];
	v53 =	vmul.f32 $8.000000000e+00, v43  }
0x5cd: {  	v4 =	vadd.s32 v3, v4;
	v21 =	vld [tilespmem:s12+$0xFFFFFFB0];
	v12 =	vmul.f32 $8.000000000e+00, v39;
	[tilespmem:v40+s26+$0x0] =	vst.idx.msk $0xffff, v47  }
0x5ce: {  	v52 =	vadd.s32 v3, v7;
	v51 =	vmul.f32 $8.000000000e+00, v41;
	v10 =	vld [tilespmem:s13+$0xB0];
	[tilespmem:v48+s26+$0x0] =	vst.idx.msk $0xffff, v53  }
0x5cf: {  	v50 =	vadd.s32 v3, v6;
	v54 =	vmul.f32 $8.000000000e+00, v45;
	[tilespmem:v44+s26+$0x0] =	vst.idx.msk $0xffff, v12;
	v59 =	vld [tilespmem:s13+$0xFFFFFF30]  }
0x5d0: {  	v57 =	vadd.s32 v3, v22;
	v14 =	vmul.f32 $8.000000000e+00, v14;
	[tilespmem:v46+s26+$0x0] =	vst.idx.msk $0xffff, v51;
	v55 =	vld [tilespmem:s13+$0xFFFFFFB0]  }
0x5d1: {  	v62 =	vadd.s32 v3, v9;
	[tilespmem:v5+s26+$0x0] =	vst.idx.msk $0xffff, v54;
	v5 =	vmul.f32 $8.000000000e+00, v49;
	v58 =	vld [tilespmem:s13+$0x30]  }
0x5d2: {  	v56 =	vmul.f32 $8.000000000e+00, v21;
	v60 =	vadd.s32 v3, v23;
	[tilespmem:v4+s26+$0x0] =	vst.idx.msk $0xffff, v14  }
0x5d3: {  	v61 =	vadd.s32 v3, v26;
	[tilespmem:v52+s26+$0x0] =	vst.idx.msk $0xffff, v5;
	v5 =	vmul.f32 $8.000000000e+00, v10  }
0x5d4: {  	[tilespmem:v50+s26+$0x0] =	vst.idx.msk $0xffff, v56;
	v63 =	vmul.f32 $8.000000000e+00, v59  }
0x5d5: {  	v4 =	vmul.f32 $8.000000000e+00, v55;
	[tilespmem:v57+s26+$0x0] =	vst.idx.msk $0xffff, v5  }
0x5d6: {  	v5 =	vmul.f32 $8.000000000e+00, v58;
	[tilespmem:v62+s26+$0x0] =	vst.idx.msk $0xffff, v63  }
0x5d7: {  	[tilespmem:v60+s26+$0x0] =	vst.idx.msk $0xffff, v4  }
0x5d8: {  	[tilespmem:v61+s26+$0x0] =	vst.idx.msk $0xffff, v5  }
0x5d9: {  	s13 =	simm.s32 $0x1A800;
	s12 =	rddreg [dreg:$0xa]  }
0x5da: {  	[hbm4b:s12+s3] =	stream.linear.scatter [tilespmem:s13], [sflag:$0x7], $0x80, $0x38;
	[tilespmem:$0x1EC00] =	vst v63  }
0x5db: {  	s14 =	simm.s32 $0x1A888;
	s7 =	sadd.s32 $0x10, s12  }
0x5dc: {  	[hbm4b:s7+s3] =	stream.linear.scatter [tilespmem:s14], [sflag:$0x7], $0x80, $0x38;
	[tilespmem:$0x1EC00] =	vst v63  }
0x5dd: {  	s15 =	simm.s32 $0x1A910;
	s17 =	simm.s32 $0x1A998;
	s16 =	sadd.s32 $0x20, s12  }
0x5de: {  	[hbm4b:s16+s3] =	stream.linear.scatter [tilespmem:s15], [sflag:$0x7], $0x80, $0x38;
	[tilespmem:$0x1EC00] =	vst v63  }
0x5df: {  	s22 =	sadd.s32 $0x30, s12;
	s13 =	simm.s32 $0x1AA20;
	s2 =	sadd.s32 $0x70, s12  }
0x5e0: {  	[hbm4b:s22+s3] =	stream.linear.scatter [tilespmem:s17], [sflag:$0x7], $0x80, $0x38;
	[tilespmem:$0x1EC00] =	vst v63  }
0x5e1: {  	s14 =	sadd.s32 $0x40, s12;
	s7 =	simm.s32 $0x440;
	s15 =	simm.s32 $0x1AAA8  }
0x5e2: {  	[hbm4b:s14+s3] =	stream.linear.scatter [tilespmem:s13], [sflag:$0x7], $0x80, $0x38;
	[tilespmem:$0x1EC00] =	vst v63  }
0x5e3: {  	s16 =	sadd.s32 $0x50, s12;
	s17 =	simm.s32 $0x1AB30;
	s22 =	sadd.s32 $0x60, s12  }
0x5e4: {  	[hbm4b:s16+s3] =	stream.linear.scatter [tilespmem:s15], [sflag:$0x7], $0x80, $0x38;
	[tilespmem:$0x1EC00] =	vst v63  }
0x5e5: {  	s12 =	sadd.s32 $0x1000, s12;
	s13 =	simm.s32 $0x2200;
	s14 =	simm.s32 $0x1ABB8  }
0x5e6: {  	[hbm4b:s22+s3] =	stream.linear.scatter [tilespmem:s17], [sflag:$0x7], $0x80, $0x38;
	[tilespmem:$0x1EC00] =	vst v63  }
.LBB2_46:
0x5e7: {  	[hbm4b:s2+s3] =	stream.linear.scatter [tilespmem:s14], [sflag:$0x7], $0x80, $0x38;
	[tilespmem:$0x1EC00] =	vst v63  }
0x5e8: {  	s2 =	smov.u32 s7;
	s7 =	smov.u32 s13  }
0x5e9: {  	s15 =	sadd.s32 $0x1100, s13;
	s7 =	sshra.s32 s7, $0x2;
	s14 =	sadd.s32 $0x1A800, s2  }
0x5ea: {  	[hbm4b:s12+s3] =	stream.linear.scatter [tilespmem:s14], [sflag:$0x7], $0x80, $0x38;
	[tilespmem:$0x1EC00] =	vst v63  }
0x5eb: {  	p0 =	sne.s32 s13, $0x7700;
	s13 =	sadd.s32 $0x1A888, s2;
	s14 =	sadd.s32 $0x10, s12  }
0x5ec: {  	[hbm4b:s14+s3] =	stream.linear.scatter [tilespmem:s13], [sflag:$0x7], $0x80, $0x38;
	[tilespmem:$0x1EC00] =	vst v63  }
0x5ed: {  	s13 =	sadd.s32 $0x1A910, s2;
	s14 =	sadd.s32 $0x20, s12  }
0x5ee: {  	[hbm4b:s14+s3] =	stream.linear.scatter [tilespmem:s13], [sflag:$0x7], $0x80, $0x38;
	[tilespmem:$0x1EC00] =	vst v63  }
0x5ef: {  	s13 =	sadd.s32 $0x1A998, s2;
	s14 =	sadd.s32 $0x30, s12  }
0x5f0: {  	[hbm4b:s14+s3] =	stream.linear.scatter [tilespmem:s13], [sflag:$0x7], $0x80, $0x38;
	[tilespmem:$0x1EC00] =	vst v63  }
0x5f1: {  	s13 =	sadd.s32 $0x1AA20, s2;
	s14 =	sadd.s32 $0x40, s12  }
0x5f2: {  	[hbm4b:s14+s3] =	stream.linear.scatter [tilespmem:s13], [sflag:$0x7], $0x80, $0x38;
	[tilespmem:$0x1EC00] =	vst v63  }
0x5f3: {  	s13 =	sadd.s32 $0x1AAA8, s2;
	s14 =	sadd.s32 $0x50, s12  }
0x5f4: {  	[hbm4b:s14+s3] =	stream.linear.scatter [tilespmem:s13], [sflag:$0x7], $0x80, $0x38;
	[tilespmem:$0x1EC00] =	vst v63  }
.Ltmp22:
0x5f5: {  	_ = 	snop;
	(pc) =	sbr.rel @p0 .LBB2_46-.Ltmp22, $4  }
0x5f6: {  	s13 =	sadd.s32 $0x1AB30, s2;
	s14 =	sadd.s32 $0x60, s12  }
0x5f7: {  	[hbm4b:s14+s3] =	stream.linear.scatter [tilespmem:s13], [sflag:$0x7], $0x80, $0x38;
	[tilespmem:$0x1EC00] =	vst v63  }
0x5f8: {  	s14 =	sadd.s32 $0x1ABB8, s2  }
0x5f9: {  	s2 =	sadd.s32 $0x70, s12;
	s12 =	sadd.s32 $0x1000, s12;
	s13 =	smov.u32 s15  }
0x5fa: {  	[hbm4b:s2+s3] =	stream.linear.scatter [tilespmem:s14], [sflag:$0x7], $0x80, $0x38;
	[tilespmem:$0x1EC00] =	vst v63  }
0x5fb: {  	s15 =	sadd.s32 $0x1A800, s7  }
0x5fc: {  	[hbm4b:s12+s3] =	stream.linear.scatter [tilespmem:s15], [sflag:$0x7], $0x80, $0x38;
	[tilespmem:$0x1EC00] =	vst v63  }
0x5fd: {  	s16 =	sadd.s32 $0x1A888, s7;
	s13 =	sadd.s32 $0x10, s12  }
0x5fe: {  	[hbm4b:s13+s3] =	stream.linear.scatter [tilespmem:s16], [sflag:$0x7], $0x80, $0x38;
	[tilespmem:$0x1EC00] =	vst v63  }
0x5ff: {  	s17 =	sadd.s32 $0x1A910, s7;
	s22 =	sadd.s32 $0x20, s12  }
0x600: {  	[hbm4b:s22+s3] =	stream.linear.scatter [tilespmem:s17], [sflag:$0x7], $0x80, $0x38;
	[tilespmem:$0x1EC00] =	vst v63  }
0x601: {  	s14 =	sadd.s32 $0x30, s12;
	s13 =	sadd.s32 $0x1A998, s7  }
0x602: {  	[hbm4b:s14+s3] =	stream.linear.scatter [tilespmem:s13], [sflag:$0x7], $0x80, $0x38;
	[tilespmem:$0x1EC00] =	vst v63  }
0x603: {  	s15 =	sadd.s32 $0x1AA20, s7;
	s16 =	sadd.s32 $0x40, s12  }
0x604: {  	[hbm4b:s16+s3] =	stream.linear.scatter [tilespmem:s15], [sflag:$0x7], $0x80, $0x38;
	[tilespmem:$0x1EC00] =	vst v63  }
0x605: {  	s17 =	sadd.s32 $0x1AAA8, s7;
	s22 =	sadd.s32 $0x50, s12  }
0x606: {  	[hbm4b:s22+s3] =	stream.linear.scatter [tilespmem:s17], [sflag:$0x7], $0x80, $0x38;
	[tilespmem:$0x1EC00] =	vst v63  }
0x607: {  	s13 =	sadd.s32 $0x1AB30, s7;
	s14 =	sadd.s32 $0x60, s12  }
0x608: {  	[hbm4b:s14+s3] =	stream.linear.scatter [tilespmem:s13], [sflag:$0x7], $0x80, $0x38;
	[tilespmem:$0x1EC00] =	vst v63  }
0x609: {  	s15 =	sadd.s32 $0x1ABB8, s7;
	s16 =	sadd.s32 $0x70, s12  }
0x60a: {  	[hbm4b:s16+s3] =	stream.linear.scatter [tilespmem:s15], [sflag:$0x7], $0x80, $0x38;
	[tilespmem:$0x1EC00] =	vst v63  }
0x60b: {  	_ =	swait.ge [sflag:s20], $0x4000  }
0x60c: {  	[sflag:s20] =	ssyncset.done $0x0  }
0x60d: {  	[sflag:s20] =	ssyncadd.s32 $0xFFFFC000  }
0x60e: {  	_ =	swait.ge [sflag:s9], $0x2000  }
0x60f: {  	[sflag:s9] =	ssyncset.done $0x0  }
0x610: {  	s7 =	simm.s32 $0x12500;
	s17 =	simm.s32 $0x3;
	[sflag:s9] =	ssyncadd.s32 $0xFFFFE000  }
0x611: {  	v4 =	vmov s17;
	v5 =	vld [tilespmem:s7+$0x80]  }
0x612: {  	v9 =	vand.u32 $0x7F, v4  }
0x613: {  	s22 =	simm.s32 $0x0;
	v4 =	vadd.s32 v0, v9  }
0x614: {  	s12 =	simm.s32 $0x1;
	v6 =	vmov s22;
	s13 =	simm.s32 $0x2;
	v7 =	vld [tilespmem:s7+$0xFFFFFF00]  }
0x615: {  	v8 =	vand.u32 $0x7C, v6;
	v6 =	vmov s12;
	v11 =	vmov s13;
	v10 =	vld [tilespmem:s7+$0xFFFFFF80]  }
0x616: {  	v12 =	vadd.s32 v0, v8;
	v15 =	vand.u32 $0x7D, v6;
	v6 =	vld [tilespmem:s7+$0x0];
	v5 =	vmul.f32 $8.000000000e+00, v5  }
0x617: {  	v13 =	vadd.s32 v0, v15;
	v17 =	vand.u32 $0x7E, v11  }
0x618: {  	v11 =	vadd.s32 v0, v17;
	[tilespmem:v4+s31+$0x0] =	vst.idx.msk $0xffff, v5  }
0x619: {  	v4 =	vmul.f32 $8.000000000e+00, v7;
	v5 =	vld [tilespmem:s7+$0x90]  }
0x61a: {  	v7 =	vmul.f32 $8.000000000e+00, v10  }
0x61b: {  	[tilespmem:v12+s31+$0x0] =	vst.idx.msk $0xffff, v4;
	v4 =	vmul.f32 $8.000000000e+00, v6;
	v6 =	vadd.s32 v1, v9  }
0x61c: {  	[tilespmem:v13+s31+$0x0] =	vst.idx.msk $0xffff, v7;
	v10 =	vld [tilespmem:s7+$0xFFFFFF10]  }
0x61d: {  	v7 =	vld [tilespmem:s7+$0xFFFFFF90];
	[tilespmem:v11+s31+$0x0] =	vst.idx.msk $0xffff, v4  }
0x61e: {  	v11 =	vld [tilespmem:s7+$0x10];
	v4 =	vmul.f32 $8.000000000e+00, v5  }
0x61f: {  	s14 =	simm.s32 $0x4;
	s12 =	simm.s32 $0x12700;
	s15 =	simm.s32 $0x7;
	v12 =	vadd.s32 v1, v15  }
0x620: {  	v14 =	vld [tilespmem:s12+$0x80];
	v13 =	vadd.s32 v1, v17;
	v5 =	vmov s14;
	[tilespmem:v6+s31+$0x0] =	vst.idx.msk $0xffff, v4;
	v6 =	vmov s15  }
0x621: {  	v16 =	vadd.s32 v1, v8;
	v4 =	vand.u32 $0x7C, v5;
	v5 =	vand.u32 $0x7F, v6;
	v18 =	vld [tilespmem:s7+$0xA0]  }
0x622: {  	v22 =	vadd.s32 v2, v9;
	s16 =	simm.s32 $0x5;
	v19 =	vld [tilespmem:s12+$0xFFFFFF00];
	v6 =	vmul.f32 $8.000000000e+00, v7;
	v20 =	vadd.s32 v0, v5  }
0x623: {  	s17 =	simm.s32 $0x6;
	v21 =	vld [tilespmem:s12+$0xFFFFFF80];
	v10 =	vmul.f32 $8.000000000e+00, v10;
	v7 =	vmul.f32 $8.000000000e+00, v11;
	v11 =	vmov s16  }
0x624: {  	v23 =	vadd.s32 v0, v4;
	[tilespmem:v12+s31+$0x0] =	vst.idx.msk $0xffff, v6;
	v12 =	vmov s17;
	v6 =	vand.u32 $0x7D, v11;
	v11 =	vld [tilespmem:s12+$0x0]  }
0x625: {  	[tilespmem:v13+s31+$0x0] =	vst.idx.msk $0xffff, v7;
	v13 =	vadd.s32 v0, v6;
	v7 =	vand.u32 $0x7E, v12;
	v12 =	vmul.f32 $8.000000000e+00, v14;
	v14 =	vld [tilespmem:s7+$0xFFFFFFA0]  }
0x626: {  	[tilespmem:v16+s31+$0x0] =	vst.idx.msk $0xffff, v10;
	v10 =	vadd.s32 v0, v7;
	v16 =	vld [tilespmem:s7+$0x20];
	v18 =	vmul.f32 $8.000000000e+00, v18  }
0x627: {  	v19 =	vmul.f32 $8.000000000e+00, v19;
	[tilespmem:v20+s31+$0x0] =	vst.idx.msk $0xffff, v12;
	v12 =	vld [tilespmem:s7+$0xFFFFFF20];
	v20 =	vadd.s32 v2, v15  }
0x628: {  	v25 =	vadd.s32 v2, v17;
	v21 =	vmul.f32 $8.000000000e+00, v21;
	v24 =	vld [tilespmem:s12+$0x90];
	[tilespmem:v22+s31+$0x0] =	vst.idx.msk $0xffff, v18  }
0x629: {  	[tilespmem:v23+s31+$0x0] =	vst.idx.msk $0xffff, v19;
	v19 =	vadd.s32 v2, v8;
	v11 =	vmul.f32 $8.000000000e+00, v11;
	v22 =	vld [tilespmem:s7+$0xB0]  }
0x62a: {  	v23 =	vld [tilespmem:s12+$0xFFFFFF10];
	[tilespmem:v13+s31+$0x0] =	vst.idx.msk $0xffff, v21;
	v21 =	vadd.s32 v1, v5;
	v14 =	vmul.f32 $8.000000000e+00, v14  }
0x62b: {  	v27 =	vadd.s32 v3, v9;
	v26 =	vld [tilespmem:s12+$0xFFFFFF90];
	[tilespmem:v10+s31+$0x0] =	vst.idx.msk $0xffff, v11;
	v10 =	vmul.f32 $8.000000000e+00, v16  }
0x62c: {  	v18 =	vadd.s32 v1, v4;
	v13 =	vld [tilespmem:s12+$0x10];
	v9 =	vmul.f32 $8.000000000e+00, v12;
	[tilespmem:v20+s31+$0x0] =	vst.idx.msk $0xffff, v14  }
0x62d: {  	s14 =	simm.s32 $0x8;
	v16 =	vadd.s32 v1, v6;
	[tilespmem:v25+s31+$0x0] =	vst.idx.msk $0xffff, v10;
	v14 =	vmul.f32 $8.000000000e+00, v24;
	v12 =	vld [tilespmem:s7+$0xFFFFFFB0]  }
0x62e: {  	v20 =	vmov s14;
	v10 =	vadd.s32 v1, v7;
	v11 =	vld [tilespmem:s7+$0x30];
	[tilespmem:v19+s31+$0x0] =	vst.idx.msk $0xffff, v9;
	v63 =	vmul.f32 $8.000000000e+00, v22  }
0x62f: {  	s22 =	simm.s32 $0xB;
	s13 =	simm.s32 $0x12900;
	v15 =	vadd.s32 v3, v15;
	v9 =	vand.u32 $0x7C, v20;
	v20 =	vmul.f32 $8.000000000e+00, v23;
	[tilespmem:v21+s31+$0x0] =	vst.idx.msk $0xffff, v14;
	v14 =	vld [tilespmem:s7+$0xFFFFFF30]  }
0x630: {  	v17 =	vadd.s32 v3, v17;
	v22 =	vmov s22;
	v19 =	vld [tilespmem:s13+$0x80];
	s7 =	simm.s32 $0xC;
	v21 =	vmul.f32 $8.000000000e+00, v26;
	[tilespmem:v27+s31+$0x0] =	vst.idx.msk $0xffff, v63  }
.LBB2_48:
0x631: {  	p0 =	slt.u32 s7, $0x7C;
	s2 =	sadd.s32 $0x1, s14;
	v22 =	vand.u32 $0x7F, v22;
	[tilespmem:v18+s31+$0x0] =	vst.idx.msk $0xffff, v20;
	v13 =	vmul.f32 $8.000000000e+00, v13;
	v18 =	vld [tilespmem:s12+$0xA0];
	v20 =	vadd.s32 v3, v8;
	v8 =	vmovc v4  }
0x632: {  	v4 =	vmovc v9;
	v23 =	vld [tilespmem:s13+$0xFFFFFF00];
	v24 =	vmov s2;
	s2 =	sadd.s32 $0x2, s14;
	v25 =	vadd.s32 v0, v22;
	[tilespmem:v16+s31+$0x0] =	vst.idx.msk $0xffff, v21;
	v12 =	vmul.f32 $8.000000000e+00, v12;
	s14 =	smov.u32 s7  }
0x633: {  	v9 =	vld [tilespmem:s13+$0xFFFFFF80];
	v16 =	vmov s2;
	[tilespmem:v10+s31+$0x0] =	vst.idx.msk $0xffff, v13;
	v10 =	vadd.s32 v2, v5;
	v11 =	vmul.f32 $8.000000000e+00, v11  }
0x634: {  	v13 =	vadd.s32 v0, v4;
	v21 =	vand.u32 $0x7D, v24;
	v24 =	vld [tilespmem:s13+$0x0];
	v14 =	vmul.f32 $8.000000000e+00, v14;
	[tilespmem:v15+s31+$0x0] =	vst.idx.msk $0xffff, v12  }
0x635: {  	v12 =	vadd.s32 v0, v21;
	v26 =	vand.u32 $0x7E, v16;
	v15 =	vmul.f32 $8.000000000e+00, v19;
	v16 =	vld [tilespmem:s12+$0xFFFFFFA0];
	[tilespmem:v17+s31+$0x0] =	vst.idx.msk $0xffff, v11  }
0x636: {  	v11 =	vadd.s32 v0, v26;
	v17 =	vld [tilespmem:s12+$0x20];
	v18 =	vmul.f32 $8.000000000e+00, v18;
	[tilespmem:v20+s31+$0x0] =	vst.idx.msk $0xffff, v14  }
0x637: {  	v19 =	vadd.s32 v2, v6;
	v14 =	vmul.f32 $8.000000000e+00, v23;
	[tilespmem:v25+s31+$0x0] =	vst.idx.msk $0xffff, v15;
	v15 =	vld [tilespmem:s12+$0xFFFFFF20]  }
0x638: {  	v23 =	vadd.s32 v2, v7;
	v9 =	vmul.f32 $8.000000000e+00, v9;
	v20 =	vld [tilespmem:s13+$0x90];
	[tilespmem:v10+s31+$0x0] =	vst.idx.msk $0xffff, v18  }
0x639: {  	[tilespmem:v13+s31+$0x0] =	vst.idx.msk $0xffff, v14;
	v10 =	vmul.f32 $8.000000000e+00, v24;
	v14 =	vadd.s32 v2, v8;
	v24 =	vld [tilespmem:s12+$0xB0]  }
0x63a: {  	v27 =	vadd.s32 v1, v22;
	v25 =	vld [tilespmem:s13+$0xFFFFFF10];
	[tilespmem:v12+s31+$0x0] =	vst.idx.msk $0xffff, v9;
	v9 =	vmul.f32 $8.000000000e+00, v16  }
0x63b: {  	v29 =	vadd.s32 v3, v5;
	v5 =	vmov v22;
	v28 =	vld [tilespmem:s13+$0xFFFFFF90];
	[tilespmem:v11+s31+$0x0] =	vst.idx.msk $0xffff, v10;
	v10 =	vmul.f32 $8.000000000e+00, v17  }
.Ltmp23:
0x63c: {  	v18 =	vadd.s32 v1, v4;
	v13 =	vld [tilespmem:s13+$0x10];
	v11 =	vmul.f32 $8.000000000e+00, v15;
	[tilespmem:v19+s31+$0x0] =	vst.idx.msk $0xffff, v9;
	(pc) =	sbr.rel @p0 .LBB2_48-.Ltmp23, $4  }
0x63d: {  	v16 =	vadd.s32 v1, v21;
	v15 =	vmul.f32 $8.000000000e+00, v20;
	v12 =	vld [tilespmem:s12+$0xFFFFFFB0];
	[tilespmem:v23+s31+$0x0] =	vst.idx.msk $0xffff, v10  }
0x63e: {  	v9 =	vmov s7;
	v10 =	vadd.s32 v1, v26;
	[tilespmem:v14+s31+$0x0] =	vst.idx.msk $0xffff, v11;
	v11 =	vld [tilespmem:s12+$0x30];
	v23 =	vmul.f32 $8.000000000e+00, v24  }
0x63f: {  	s2 =	sadd.s32 $0x3, s7;
	v9 =	vand.u32 $0x7C, v9;
	v20 =	vmul.f32 $8.000000000e+00, v25;
	[tilespmem:v27+s31+$0x0] =	vst.idx.msk $0xffff, v15;
	v14 =	vld [tilespmem:s12+$0xFFFFFF30];
	v15 =	vadd.s32 v3, v6;
	v6 =	vmovc v21;
	s12 =	smov.u32 s13;
	s13 =	sadd.s32 $0x200, s13  }
0x640: {  	v22 =	vmov s2;
	v17 =	vadd.s32 v3, v7;
	v7 =	vmovc v26;
	s7 =	sadd.s32 $0x4, s7;
	v19 =	vld [tilespmem:s13+$0x80];
	v21 =	vmul.f32 $8.000000000e+00, v28;
	[tilespmem:v29+s31+$0x0] =	vst.idx.msk $0xffff, v23  }
0x641: {  	s2 =	sadd.s32 $0x1, s14;
	v22 =	vand.u32 $0x7F, v22;
	v28 =	vld [tilespmem:s13+$0xFFFFFF00]  }
0x642: {  	s7 =	sadd.s32 $0x2, s14;
	v24 =	vld [tilespmem:s13+$0xFFFFFF80];
	v23 =	vmov s2;
	v25 =	vadd.s32 v0, v22  }
0x643: {  	v27 =	vld [tilespmem:s13+$0x0];
	v51 =	vadd.s32 v0, v9;
	v26 =	vmov s7;
	v23 =	vand.u32 $0x7D, v23  }
0x644: {  	v26 =	vand.u32 $0x7E, v26;
	v29 =	vadd.s32 v0, v23  }
0x645: {  	[tilespmem:v18+s31+$0x0] =	vst.idx.msk $0xffff, v20;
	v30 =	vadd.s32 v0, v26;
	v19 =	vmul.f32 $8.000000000e+00, v19  }
0x646: {  	[tilespmem:v16+s31+$0x0] =	vst.idx.msk $0xffff, v21;
	v54 =	vmul.f32 $8.000000000e+00, v28  }
0x647: {  	v52 =	vmul.f32 $8.000000000e+00, v24;
	[tilespmem:v25+s31+$0x0] =	vst.idx.msk $0xffff, v19  }
0x648: {  	v53 =	vmul.f32 $8.000000000e+00, v27;
	v55 =	vld [tilespmem:s13+$0x90];
	[tilespmem:v51+s31+$0x0] =	vst.idx.msk $0xffff, v54  }
0x649: {  	v13 =	vmul.f32 $8.000000000e+00, v13;
	v8 =	vadd.s32 v3, v8;
	[tilespmem:v29+s31+$0x0] =	vst.idx.msk $0xffff, v52;
	v59 =	vld [tilespmem:s13+$0xFFFFFF10]  }
0x64a: {  	v12 =	vmul.f32 $8.000000000e+00, v12;
	v57 =	vadd.s32 v1, v22;
	[tilespmem:v30+s31+$0x0] =	vst.idx.msk $0xffff, v53;
	v56 =	vld [tilespmem:s13+$0xFFFFFF90]  }
0x64b: {  	[tilespmem:v10+s31+$0x0] =	vst.idx.msk $0xffff, v13;
	v58 =	vmul.f32 $8.000000000e+00, v11;
	v28 =	vadd.s32 v1, v9;
	v19 =	vld [tilespmem:s13+$0x10]  }
0x64c: {  	v61 =	vld [tilespmem:s12+$0xA0];
	v60 =	vadd.s32 v1, v23;
	v14 =	vmul.f32 $8.000000000e+00, v14;
	[tilespmem:v15+s31+$0x0] =	vst.idx.msk $0xffff, v12  }
0x64d: {  	v32 =	vld [tilespmem:s12+$0xFFFFFF20];
	v62 =	vadd.s32 v1, v26;
	[tilespmem:v17+s31+$0x0] =	vst.idx.msk $0xffff, v58;
	v16 =	vmul.f32 $8.000000000e+00, v55  }
0x64e: {  	[tilespmem:v8+s31+$0x0] =	vst.idx.msk $0xffff, v14;
	v29 =	vadd.s32 v2, v5;
	v30 =	vld [tilespmem:s12+$0x20];
	v11 =	vmul.f32 $8.000000000e+00, v59  }
0x64f: {  	v38 =	vadd.s32 v2, v4;
	v63 =	vld [tilespmem:s12+$0xFFFFFFA0];
	v31 =	vmul.f32 $8.000000000e+00, v56;
	[tilespmem:v57+s31+$0x0] =	vst.idx.msk $0xffff, v16  }
0x650: {  	v35 =	vadd.s32 v2, v7;
	v34 =	vmul.f32 $8.000000000e+00, v19;
	v36 =	vld [tilespmem:s13+$0xA0];
	[tilespmem:v28+s31+$0x0] =	vst.idx.msk $0xffff, v11  }
0x651: {  	v33 =	vadd.s32 v2, v6;
	v37 =	vmul.f32 $8.000000000e+00, v61;
	[tilespmem:v60+s31+$0x0] =	vst.idx.msk $0xffff, v31;
	v43 =	vld [tilespmem:s13+$0xFFFFFF20]  }
0x652: {  	v40 =	vadd.s32 v2, v22;
	v14 =	vmul.f32 $8.000000000e+00, v32;
	[tilespmem:v62+s31+$0x0] =	vst.idx.msk $0xffff, v34;
	v39 =	vld [tilespmem:s13+$0xFFFFFFA0]  }
0x653: {  	v48 =	vadd.s32 v2, v9;
	[tilespmem:v29+s31+$0x0] =	vst.idx.msk $0xffff, v37;
	v42 =	vmul.f32 $8.000000000e+00, v30;
	v41 =	vld [tilespmem:s13+$0x20]  }
0x654: {  	v44 =	vadd.s32 v2, v23;
	v15 =	vmul.f32 $8.000000000e+00, v63;
	[tilespmem:v38+s31+$0x0] =	vst.idx.msk $0xffff, v14;
	v45 =	vld [tilespmem:s12+$0xB0]  }
0x655: {  	v46 =	vadd.s32 v2, v26;
	v14 =	vld [tilespmem:s12+$0xFFFFFF30];
	[tilespmem:v35+s31+$0x0] =	vst.idx.msk $0xffff, v42;
	v47 =	vmul.f32 $8.000000000e+00, v36  }
0x656: {  	v5 =	vadd.s32 v3, v5;
	[tilespmem:v33+s31+$0x0] =	vst.idx.msk $0xffff, v15;
	v49 =	vld [tilespmem:s12+$0x30];
	v53 =	vmul.f32 $8.000000000e+00, v43  }
0x657: {  	v4 =	vadd.s32 v3, v4;
	v21 =	vld [tilespmem:s12+$0xFFFFFFB0];
	v12 =	vmul.f32 $8.000000000e+00, v39;
	[tilespmem:v40+s31+$0x0] =	vst.idx.msk $0xffff, v47  }
0x658: {  	v52 =	vadd.s32 v3, v7;
	v51 =	vmul.f32 $8.000000000e+00, v41;
	v10 =	vld [tilespmem:s13+$0xB0];
	[tilespmem:v48+s31+$0x0] =	vst.idx.msk $0xffff, v53  }
0x659: {  	v50 =	vadd.s32 v3, v6;
	v54 =	vmul.f32 $8.000000000e+00, v45;
	[tilespmem:v44+s31+$0x0] =	vst.idx.msk $0xffff, v12;
	v59 =	vld [tilespmem:s13+$0xFFFFFF30]  }
0x65a: {  	v57 =	vadd.s32 v3, v22;
	v14 =	vmul.f32 $8.000000000e+00, v14;
	[tilespmem:v46+s31+$0x0] =	vst.idx.msk $0xffff, v51;
	v55 =	vld [tilespmem:s13+$0xFFFFFFB0]  }
0x65b: {  	v62 =	vadd.s32 v3, v9;
	[tilespmem:v5+s31+$0x0] =	vst.idx.msk $0xffff, v54;
	v5 =	vmul.f32 $8.000000000e+00, v49;
	v58 =	vld [tilespmem:s13+$0x30]  }
0x65c: {  	v56 =	vmul.f32 $8.000000000e+00, v21;
	v60 =	vadd.s32 v3, v23;
	[tilespmem:v4+s31+$0x0] =	vst.idx.msk $0xffff, v14  }
0x65d: {  	v61 =	vadd.s32 v3, v26;
	[tilespmem:v52+s31+$0x0] =	vst.idx.msk $0xffff, v5;
	v5 =	vmul.f32 $8.000000000e+00, v10  }
0x65e: {  	[tilespmem:v50+s31+$0x0] =	vst.idx.msk $0xffff, v56;
	v63 =	vmul.f32 $8.000000000e+00, v59  }
0x65f: {  	v4 =	vmul.f32 $8.000000000e+00, v55;
	[tilespmem:v57+s31+$0x0] =	vst.idx.msk $0xffff, v5  }
0x660: {  	v5 =	vmul.f32 $8.000000000e+00, v58;
	[tilespmem:v62+s31+$0x0] =	vst.idx.msk $0xffff, v63  }
0x661: {  	[tilespmem:v60+s31+$0x0] =	vst.idx.msk $0xffff, v4  }
0x662: {  	[tilespmem:v61+s31+$0x0] =	vst.idx.msk $0xffff, v5  }
0x663: {  	s13 =	simm.s32 $0x1CA00;
	s12 =	rddreg [dreg:$0xb]  }
0x664: {  	[hbm4b:s12+s3] =	stream.linear.scatter [tilespmem:s13], [sflag:$0x8], $0x80, $0x38;
	[tilespmem:$0x1EC00] =	vst v63  }
0x665: {  	s14 =	simm.s32 $0x1CA88;
	s7 =	sadd.s32 $0x10, s12  }
0x666: {  	[hbm4b:s7+s3] =	stream.linear.scatter [tilespmem:s14], [sflag:$0x8], $0x80, $0x38;
	[tilespmem:$0x1EC00] =	vst v63  }
0x667: {  	s15 =	simm.s32 $0x1CB10;
	s17 =	simm.s32 $0x1CB98;
	s16 =	sadd.s32 $0x20, s12  }
0x668: {  	[hbm4b:s16+s3] =	stream.linear.scatter [tilespmem:s15], [sflag:$0x8], $0x80, $0x38;
	[tilespmem:$0x1EC00] =	vst v63  }
0x669: {  	s22 =	sadd.s32 $0x30, s12;
	s13 =	simm.s32 $0x1CC20;
	s2 =	sadd.s32 $0x70, s12  }
0x66a: {  	[hbm4b:s22+s3] =	stream.linear.scatter [tilespmem:s17], [sflag:$0x8], $0x80, $0x38;
	[tilespmem:$0x1EC00] =	vst v63  }
0x66b: {  	s14 =	sadd.s32 $0x40, s12;
	s7 =	simm.s32 $0x440;
	s15 =	simm.s32 $0x1CCA8  }
0x66c: {  	[hbm4b:s14+s3] =	stream.linear.scatter [tilespmem:s13], [sflag:$0x8], $0x80, $0x38;
	[tilespmem:$0x1EC00] =	vst v63  }
0x66d: {  	s16 =	sadd.s32 $0x50, s12;
	s17 =	simm.s32 $0x1CD30;
	s22 =	sadd.s32 $0x60, s12  }
0x66e: {  	[hbm4b:s16+s3] =	stream.linear.scatter [tilespmem:s15], [sflag:$0x8], $0x80, $0x38;
	[tilespmem:$0x1EC00] =	vst v63  }
0x66f: {  	s12 =	sadd.s32 $0x1000, s12;
	s13 =	simm.s32 $0x2200;
	s14 =	simm.s32 $0x1CDB8  }
0x670: {  	[hbm4b:s22+s3] =	stream.linear.scatter [tilespmem:s17], [sflag:$0x8], $0x80, $0x38;
	[tilespmem:$0x1EC00] =	vst v63  }
.LBB2_50:
0x671: {  	[hbm4b:s2+s3] =	stream.linear.scatter [tilespmem:s14], [sflag:$0x8], $0x80, $0x38;
	[tilespmem:$0x1EC00] =	vst v63  }
0x672: {  	s2 =	smov.u32 s7;
	s7 =	smov.u32 s13  }
0x673: {  	s15 =	sadd.s32 $0x1100, s13;
	s7 =	sshra.s32 s7, $0x2;
	s14 =	sadd.s32 $0x1CA00, s2  }
0x674: {  	[hbm4b:s12+s3] =	stream.linear.scatter [tilespmem:s14], [sflag:$0x8], $0x80, $0x38;
	[tilespmem:$0x1EC00] =	vst v63  }
0x675: {  	p0 =	sne.s32 s13, $0x7700;
	s13 =	sadd.s32 $0x1CA88, s2;
	s14 =	sadd.s32 $0x10, s12  }
0x676: {  	[hbm4b:s14+s3] =	stream.linear.scatter [tilespmem:s13], [sflag:$0x8], $0x80, $0x38;
	[tilespmem:$0x1EC00] =	vst v63  }
0x677: {  	s13 =	sadd.s32 $0x1CB10, s2;
	s14 =	sadd.s32 $0x20, s12  }
0x678: {  	[hbm4b:s14+s3] =	stream.linear.scatter [tilespmem:s13], [sflag:$0x8], $0x80, $0x38;
	[tilespmem:$0x1EC00] =	vst v63  }
0x679: {  	s13 =	sadd.s32 $0x1CB98, s2;
	s14 =	sadd.s32 $0x30, s12  }
0x67a: {  	[hbm4b:s14+s3] =	stream.linear.scatter [tilespmem:s13], [sflag:$0x8], $0x80, $0x38;
	[tilespmem:$0x1EC00] =	vst v63  }
0x67b: {  	s13 =	sadd.s32 $0x1CC20, s2;
	s14 =	sadd.s32 $0x40, s12  }
0x67c: {  	[hbm4b:s14+s3] =	stream.linear.scatter [tilespmem:s13], [sflag:$0x8], $0x80, $0x38;
	[tilespmem:$0x1EC00] =	vst v63  }
0x67d: {  	s13 =	sadd.s32 $0x1CCA8, s2;
	s14 =	sadd.s32 $0x50, s12  }
0x67e: {  	[hbm4b:s14+s3] =	stream.linear.scatter [tilespmem:s13], [sflag:$0x8], $0x80, $0x38;
	[tilespmem:$0x1EC00] =	vst v63  }
.Ltmp24:
0x67f: {  	_ = 	snop;
	(pc) =	sbr.rel @p0 .LBB2_50-.Ltmp24, $4  }
0x680: {  	s13 =	sadd.s32 $0x1CD30, s2;
	s14 =	sadd.s32 $0x60, s12  }
0x681: {  	[hbm4b:s14+s3] =	stream.linear.scatter [tilespmem:s13], [sflag:$0x8], $0x80, $0x38;
	[tilespmem:$0x1EC00] =	vst v63  }
0x682: {  	s14 =	sadd.s32 $0x1CDB8, s2  }
0x683: {  	s2 =	sadd.s32 $0x70, s12;
	s12 =	sadd.s32 $0x1000, s12;
	s13 =	smov.u32 s15  }
0x684: {  	[hbm4b:s2+s3] =	stream.linear.scatter [tilespmem:s14], [sflag:$0x8], $0x80, $0x38;
	[tilespmem:$0x1EC00] =	vst v63  }
0x685: {  	s15 =	sadd.s32 $0x1CA00, s7  }
0x686: {  	[hbm4b:s12+s3] =	stream.linear.scatter [tilespmem:s15], [sflag:$0x8], $0x80, $0x38;
	[tilespmem:$0x1EC00] =	vst v63  }
0x687: {  	s16 =	sadd.s32 $0x1CA88, s7;
	s13 =	sadd.s32 $0x10, s12  }
0x688: {  	[hbm4b:s13+s3] =	stream.linear.scatter [tilespmem:s16], [sflag:$0x8], $0x80, $0x38;
	[tilespmem:$0x1EC00] =	vst v63  }
0x689: {  	s17 =	sadd.s32 $0x1CB10, s7;
	s22 =	sadd.s32 $0x20, s12  }
0x68a: {  	[hbm4b:s22+s3] =	stream.linear.scatter [tilespmem:s17], [sflag:$0x8], $0x80, $0x38;
	[tilespmem:$0x1EC00] =	vst v63  }
0x68b: {  	s14 =	sadd.s32 $0x30, s12;
	s13 =	sadd.s32 $0x1CB98, s7  }
0x68c: {  	[hbm4b:s14+s3] =	stream.linear.scatter [tilespmem:s13], [sflag:$0x8], $0x80, $0x38;
	[tilespmem:$0x1EC00] =	vst v63  }
0x68d: {  	s15 =	sadd.s32 $0x1CC20, s7;
	s16 =	sadd.s32 $0x40, s12  }
0x68e: {  	[hbm4b:s16+s3] =	stream.linear.scatter [tilespmem:s15], [sflag:$0x8], $0x80, $0x38;
	[tilespmem:$0x1EC00] =	vst v63  }
0x68f: {  	s17 =	sadd.s32 $0x1CCA8, s7;
	s22 =	sadd.s32 $0x50, s12  }
0x690: {  	[hbm4b:s22+s3] =	stream.linear.scatter [tilespmem:s17], [sflag:$0x8], $0x80, $0x38;
	[tilespmem:$0x1EC00] =	vst v63  }
0x691: {  	s13 =	sadd.s32 $0x1CD30, s7;
	s14 =	sadd.s32 $0x60, s12  }
0x692: {  	[hbm4b:s14+s3] =	stream.linear.scatter [tilespmem:s13], [sflag:$0x8], $0x80, $0x38;
	[tilespmem:$0x1EC00] =	vst v63  }
0x693: {  	s15 =	sadd.s32 $0x1CDB8, s7;
	s16 =	sadd.s32 $0x70, s12  }
0x694: {  	[hbm4b:s16+s3] =	stream.linear.scatter [tilespmem:s15], [sflag:$0x8], $0x80, $0x38;
	[tilespmem:$0x1EC00] =	vst v63  }
0x695: {  	_ =	swait.ge [sflag:s6], $0x2000  }
0x696: {  	[sflag:s6] =	ssyncset.done $0x0  }
0x697: {  	[sflag:s6] =	ssyncadd.s32 $0xFFFFE000  }
0x698: {  	_ =	swait.ge [sflag:s18], $0x2000  }
0x699: {  	[sflag:s18] =	ssyncset.done $0x0  }
0x69a: {  	[sflag:s18] =	ssyncadd.s32 $0xFFFFE000  }
0x69b: {  	_ =	swait.ge [sflag:s21], $0x2000  }
0x69c: {  	[sflag:s21] =	ssyncset.done $0x0  }
0x69d: {  	[sflag:s21] =	ssyncadd.s32 $0xFFFFE000  }
0x69e: {  	_ =	swait.ge [sflag:s9], $0x2000  }
0x69f: {  	s17 =	rddreg [dreg:$0xd]  }
0x6a0: {  	s22 =	rddreg [dreg:$0xc];
	s7 =	sadd.s32 $0x1, s17  }
0x6a1: {  	p0 =	sne.s32 s7, s22  }
.Ltmp25:
0x6a2: {  	_ = 	snop;
	(pc) =	sbr.rel @p0 .LBB2_1-.Ltmp25, $3  }
0x6a3: {  	_ =	sdelay $0x1  }
0x6a4: {  	[sflag:s9] =	ssyncset.done $0x0  }
0x6a5: {  	[sflag:s9] =	ssyncadd.s32 $0xFFFFE000  }
0x6a6: {  	_ =	sfence.sel $0x180000  }
0x6a7: {  	[bflag:$0x0] =	sbarrier.arrive $0xFFFF  }
0x6a8: {  	_ =	strace $0x90000047  }
0x6a9: {  	s0 =	stileid.u32;
	[bflag:$0x2] =	sbarrier.arrive $0xFFFF  }
0x6aa: {  	p0 =	sne.s32 s0, $0x0;
	s0 =	rddreg [dreg:$0x2]  }
0x6ab: {  	s0 =	sadd.s32 @!p0 $0x100000, s0  }
0x6ac: {  	[sflag:s0] =	ssyncadd.tile.s32 @!p0 $0x1;
	_ =	shalt  }
.Lfunc_end2:
_tile_overlayer_lowered:
.L_overlay_start_2:
0x6ad: {  	(tag) =	ssettag $0x2  }
0x6ae: {  	s0 =	rddreg [dreg:$0x0];
	s2 =	stileid.u32  }
0x6af: {  	s1 =	rddreg [dreg:$0x1];
	p0 =	sne.s32 s2, $0x0  }
0x6b0: {  	s3 =	rddreg [dreg:$0x2];
	[bflag:$0x3] =	sbarrier.arrive $0xFFFF;
	s2 =	simm.s32 @!p0 $0x1C09  }
0x6b1: {  	[timem:s3], [sflag:s2] =	dma.local @!p0 [hbm:s0], s1  }
0x6b2: {  	s0 =	simm.s32 @!p0 $0x9  }
0x6b3: {  	_ =	swait.ge @!p0 [sflag:s0], s1  }
0x6b4: {  	s1 =	ssub.s32 @!p0 $0x0, s1;
	[sflag:s0] =	ssyncset.done @!p0 $0x0  }
0x6b5: {  	[sflag:s0] =	ssyncadd.s32 @!p0 s1  }
0x6b6: {  	[bflag:$0x3] =	sbarrier.arrive $0xFFFF  }
0x6b7: {  	_ =	shalt  }

</sc_bundles>
